<compile_context>
chip_gen: v7x
topology: tpu7x:2x2x1
jax: 0.10.2.dev20260603
libtpu: 0.0.44.dev20260713+nightly
codegen_flags: <defaults>
</compile_context>

<pallas_src>
import functools

import jax
import jax.numpy as jnp
from jax import lax
from jax.experimental import pallas as pl
from jax.experimental.pallas import tpu as pltpu
from jax.experimental.pallas import tpu_sc as plsc

_IDX_PER_GATHER = 128


@functools.cache
def _build(B, T, V, D):
    info = plsc.get_sparse_core_info()
    NC = info.num_cores
    nw = NC * info.num_subcores
    b_per_w = B // nw
    SEQ_CHUNK = 64
    C = SEQ_CHUNK * T
    G = C // _IDX_PER_GATHER
    S = b_per_w // C
    seq_per_w = b_per_w // T
    rows_per_w = b_per_w // _IDX_PER_GATHER
    assert b_per_w * nw == B and S * C == b_per_w and G * _IDX_PER_GATHER == C

    mesh = plsc.VectorSubcoreMesh(core_axis_name="c", subcore_axis_name="s")

    @functools.partial(
        pl.kernel,
        mesh=mesh,
        out_type=jax.ShapeDtypeStruct((B // T, T, D), jnp.float32),
        compiler_params=pltpu.CompilerParams(use_tc_tiling_on_sc=False),
        scratch_types=[
            pltpu.VMEM((rows_per_w, _IDX_PER_GATHER), jnp.int32),
            pltpu.VMEM((C, D), jnp.float32),
            pltpu.SemaphoreType.DMA,
            pltpu.SemaphoreType.DMA,
        ],
    )
    def emb(idx_hbm, table_hbm, out_hbm, idx_v, rows_v, gsem, ssem):
        wid = lax.axis_index("s") * NC + lax.axis_index("c")
        pltpu.sync_copy(idx_hbm.at[pl.ds(wid * rows_per_w, rows_per_w)], idx_v)
        sbase = wid * seq_per_w

        def wait_seq_stores(n):
            for _ in range(n):
                pltpu.make_async_copy(
                    rows_v.at[pl.ds(0, T)], out_hbm.at[sbase], ssem
                ).wait()

        def chunk(s, carry):
            @pl.when(s > 0)
            def _():
                wait_seq_stores(SEQ_CHUNK)
            copies = []
            for j in range(G):
                copies.append(
                    pltpu.async_copy(
                        table_hbm.at[idx_v.at[s * G + j]],
                        rows_v.at[pl.ds(j * _IDX_PER_GATHER, _IDX_PER_GATHER)],
                        gsem,
                    )
                )
            q_done = 0
            for j in range(G):
                copies[j].wait()
                q_next = ((j + 1) * _IDX_PER_GATHER) // T
                for q in range(q_done, q_next):
                    pltpu.async_copy(
                        rows_v.at[pl.ds(q * T, T)],
                        out_hbm.at[sbase + s * SEQ_CHUNK + q],
                        ssem,
                    )
                q_done = q_next
            return carry

        lax.fori_loop(0, S, chunk, 0)
        wait_seq_stores(SEQ_CHUNK)

    return emb


@jax.jit
def kernel(token_ids, w):
    B = token_ids.size
    T = token_ids.shape[-1]
    idx2d = token_ids.reshape(B // _IDX_PER_GATHER, _IDX_PER_GATHER)
    return _build(B, T, w.shape[0], w.shape[1])(idx2d.astype(jnp.int32), w)

# --- scband reference (transcript-rebuilt; emitter-appended) ---
"""Pipeline reference for scband-embedding-1821066133891 (READ-ONLY COPY).

The authoritative reference and input builder live on the scoring server;
editing this copy changes nothing except your own understanding.
"""

import jax, jax.numpy as jnp
import numpy as np

NUM_EMBEDDINGS = 1000000
EMBEDDING_DIM = 32

def setup_inputs(seed: int = 0) -> dict:
    key = jax.random.key(seed)
    k1, k2 = jax.random.split(key)
    token_ids = jax.random.randint(k1, (16384, 50), 0, NUM_EMBEDDINGS, dtype=jnp.int64 if jax.config.jax_enable_x64 else jnp.int32)
    # trunc_normal_(std=1, a=-3, b=3)
    w = jax.random.truncated_normal(k2, -3.0, 3.0, (NUM_EMBEDDINGS, EMBEDDING_DIM), dtype=jnp.float32)
    return {"token_ids": token_ids, "w": w}

def reference(token_ids, w):
    return jnp.take(w, token_ids, axis=0)

if __name__ == "__main__":
    import jax
    _d = setup_inputs()
    print(jax.jit(kernel)(*tuple(_d.values())))

</pallas_src>

<mosaic_0001>
#map = affine_map<(d0, d1) -> (0, 0)>
#map1 = affine_map<(d0, d1) -> (0, 0, 0)>
module attributes {stable_mosaic.version = 14 : i64} {
  func.func @emb(%arg0: i32, %arg1: i32, %arg2: memref<6400x128xi32, #tpu.memory_space<hbm>>, %arg3: memref<1000000x32xf32, #tpu.memory_space<hbm>>, %arg4: memref<16384x50x32xf32, #tpu.memory_space<hbm>>, %arg5: memref<200x128xi32, #tpu.memory_space<vmem>>, %arg6: memref<3200x32xf32, #tpu.memory_space<vmem>>, %arg7: memref<!tpu.dma_semaphore, #tpu.memory_space<semaphore_mem>>, %arg8: memref<!tpu.dma_semaphore, #tpu.memory_space<semaphore_mem>>) attributes {dimension_semantics = [#tpu.dimension_semantics<core_parallel>, #tpu.dimension_semantics<subcore_parallel>], iteration_bounds = array<i64: 2, 16>, scalar_prefetch = 0 : i64, scratch_operands = 4 : i64, tpu.core_type = #tpu.core_type<sc_vector_subcore>, window_params = [{transform_indices = #map}, {transform_indices = #map}, {transform_indices = #map1}]} {
    %mul3A = arith.constant 2 : i32
    %mul3A_0 = arith.muli %arg1, %mul3A : i32
    %add3A = arith.addi %mul3A_0, %arg0 : i32
    %mul3A_1 = arith.constant 200 : i32
    %mul3A_2 = arith.muli %add3A, %mul3A_1 : i32
    "tpu.region"() ({
      %run_scoped3A = tpu.sem_alloc : memref<!tpu.dma_semaphore, #tpu.memory_space<semaphore_mem>>
      %dma_start3A = arith.constant 0 : i32
      %dma_start3A_905 = tpu.memref_slice %arg2[%mul3A_2, %dma_start3A] : memref<6400x128xi32, #tpu.memory_space<hbm>> -> memref<200x128xi32, #tpu.memory_space<hbm>>
      %dma_start3A_906 = arith.constant 0 : i32
      %dma_start3A_907 = tpu.memref_slice %arg2[%mul3A_2, %dma_start3A_906] : memref<6400x128xi32, #tpu.memory_space<hbm>> -> memref<200x128xi32, #tpu.memory_space<hbm>>
      tpu.enqueue_dma source(%dma_start3A_907 : memref<200x128xi32, #tpu.memory_space<hbm>>) target(%arg5 : memref<200x128xi32, #tpu.memory_space<vmem>>) target_semaphore(%run_scoped3A : memref<!tpu.dma_semaphore, #tpu.memory_space<semaphore_mem>>)
      %dma_wait3A_908 = arith.constant 0 : i32
      %dma_wait3A_909 = tpu.memref_slice %arg2[%mul3A_2, %dma_wait3A_908] : memref<6400x128xi32, #tpu.memory_space<hbm>> -> memref<200x128xi32, #tpu.memory_space<hbm>>
      %dma_wait3A_910 = arith.constant 0 : i32
      %dma_wait3A_911 = tpu.memref_slice %arg2[%mul3A_2, %dma_wait3A_910] : memref<6400x128xi32, #tpu.memory_space<hbm>> -> memref<200x128xi32, #tpu.memory_space<hbm>>
      tpu.wait_dma2 semaphore(%run_scoped3A : memref<!tpu.dma_semaphore, #tpu.memory_space<semaphore_mem>>) src(%dma_wait3A_911 : memref<200x128xi32, #tpu.memory_space<hbm>>) dst(%arg5 : memref<200x128xi32, #tpu.memory_space<vmem>>)
      tpu.yield
    }) : () -> ()
    %mul3A_3 = arith.constant 512 : i32
    %mul3A_4 = arith.muli %add3A, %mul3A_3 : i32
    %scan3A = arith.constant 0 : i32
    %scan3A_5 = arith.constant 0 : i32
    %scan3A_6 = arith.constant 8 : i32
    %scan3A_7 = arith.addi %scan3A_5, %scan3A_6 : i32
    %scan3A_8 = arith.constant 1 : i32
    scf.for %scan3A_905 = %scan3A_5 to %scan3A_7 step %scan3A_8  : i32 {
      %gt3A = arith.constant 0 : i32
      %gt3A_906 = arith.cmpi sgt, %scan3A_905, %gt3A : i32
      %convert_element_type3A = arith.extui %gt3A_906 : i1 to i32
      %cond3A = arith.constant 0 : i32
      %cond3A_907 = arith.cmpi ne, %convert_element_type3A, %cond3A : i32
      scf.if %cond3A_907 {
        %dma_wait3A_2673 = arith.constant 0 : i32
        %dma_wait3A_2674 = arith.constant 0 : i32
        %dma_wait3A_2675 = tpu.memref_slice %arg6[%dma_wait3A_2673, %dma_wait3A_2674] : memref<3200x32xf32, #tpu.memory_space<vmem>> -> memref<50x32xf32, #tpu.memory_space<vmem>>
        %dma_wait3A_2676 = arith.constant 0 : i32
        %dma_wait3A_2677 = arith.constant 0 : i32
        %dma_wait3A_2678 = tpu.memref_slice %arg4[%mul3A_4, %dma_wait3A_2676, %dma_wait3A_2677] : memref<16384x50x32xf32, #tpu.memory_space<hbm>> -> memref<1x50x32xf32, #tpu.memory_space<hbm>>
        %dma_wait3A_2679 = tpu.memref_squeeze %dma_wait3A_2678 : memref<1x50x32xf32, #tpu.memory_space<hbm>> -> memref<50x32xf32, #tpu.memory_space<hbm>>
        %dma_wait3A_2680 = arith.constant 0 : i32
        %dma_wait3A_2681 = arith.constant 0 : i32
        %dma_wait3A_2682 = tpu.memref_slice %arg4[%mul3A_4, %dma_wait3A_2680, %dma_wait3A_2681] : memref<16384x50x32xf32, #tpu.memory_space<hbm>> -> memref<1x50x32xf32, #tpu.memory_space<hbm>>
        %dma_wait3A_2683 = tpu.memref_squeeze %dma_wait3A_2682 : memref<1x50x32xf32, #tpu.memory_space<hbm>> -> memref<50x32xf32, #tpu.memory_space<hbm>>
        %dma_wait3A_2684 = arith.constant 0 : i32
        %dma_wait3A_2685 = arith.constant 0 : i32
        %dma_wait3A_2686 = tpu.memref_slice %arg6[%dma_wait3A_2684, %dma_wait3A_2685] : memref<3200x32xf32, #tpu.memory_space<vmem>> -> memref<50x32xf32, #tpu.memory_space<vmem>>
        tpu.wait_dma2 semaphore(%arg8 : memref<!tpu.dma_semaphore, #tpu.memory_space<semaphore_mem>>) src(%dma_wait3A_2686 : memref<50x32xf32, #tpu.memory_space<vmem>>) dst(%dma_wait3A_2683 : memref<50x32xf32, #tpu.memory_space<hbm>>)
        %dma_wait3A_2687 = arith.constant 0 : i32
        %dma_wait3A_2688 = arith.constant 0 : i32
        %dma_wait3A_2689 = tpu.memref_slice %arg6[%dma_wait3A_2687, %dma_wait3A_2688] : memref<3200x32xf32, #tpu.memory_space<vmem>> -> memref<50x32xf32, #tpu.memory_space<vmem>>
        %dma_wait3A_2690 = arith.constant 0 : i32
        %dma_wait3A_2691 = arith.constant 0 : i32
        %dma_wait3A_2692 = tpu.memref_slice %arg4[%mul3A_4, %dma_wait3A_2690, %dma_wait3A_2691] : memref<16384x50x32xf32, #tpu.memory_space<hbm>> -> memref<1x50x32xf32, #tpu.memory_space<hbm>>
        %dma_wait3A_2693 = tpu.memref_squeeze %dma_wait3A_2692 : memref<1x50x32xf32, #tpu.memory_space<hbm>> -> memref<50x32xf32, #tpu.memory_space<hbm>>
        %dma_wait3A_2694 = arith.constant 0 : i32
        %dma_wait3A_2695 = arith.constant 0 : i32
        %dma_wait3A_2696 = tpu.memref_slice %arg4[%mul3A_4, %dma_wait3A_2694, %dma_wait3A_2695] : memref<16384x50x32xf32, #tpu.memory_space<hbm>> -> memref<1x50x32xf32, #tpu.memory_space<hbm>>
        %dma_wait3A_2697 = tpu.memref_squeeze %dma_wait3A_2696 : memref<1x50x32xf32, #tpu.memory_space<hbm>> -> memref<50x32xf32, #tpu.memory_space<hbm>>
        %dma_wait3A_2698 = arith.constant 0 : i32
        %dma_wait3A_2699 = arith.constant 0 : i32
        %dma_wait3A_2700 = tpu.memref_slice %arg6[%dma_wait3A_2698, %dma_wait3A_2699] : memref<3200x32xf32, #tpu.memory_space<vmem>> -> memref<50x32xf32, #tpu.memory_space<vmem>>
        tpu.wait_dma2 semaphore(%arg8 : memref<!tpu.dma_semaphore, #tpu.memory_space<semaphore_mem>>) src(%dma_wait3A_2700 : memref<50x32xf32, #tpu.memory_space<vmem>>) dst(%dma_wait3A_2697 : memref<50x32xf32, #tpu.memory_space<hbm>>)
        %dma_wait3A_2701 = arith.constant 0 : i32
        %dma_wait3A_2702 = arith.constant 0 : i32
        %dma_wait3A_2703 = tpu.memref_slice %arg6[%dma_wait3A_2701, %dma_wait3A_2702] : memref<3200x32xf32, #tpu.memory_space<vmem>> -> memref<50x32xf32, #tpu.memory_space<vmem>>
        %dma_wait3A_2704 = arith.constant 0 : i32
        %dma_wait3A_2705 = arith.constant 0 : i32
        %dma_wait3A_2706 = tpu.memref_slice %arg4[%mul3A_4, %dma_wait3A_2704, %dma_wait3A_2705] : memref<16384x50x32xf32, #tpu.memory_space<hbm>> -> memref<1x50x32xf32, #tpu.memory_space<hbm>>
        %dma_wait3A_2707 = tpu.memref_squeeze %dma_wait3A_2706 : memref<1x50x32xf32, #tpu.memory_space<hbm>> -> memref<50x32xf32, #tpu.memory_space<hbm>>
        %dma_wait3A_2708 = arith.constant 0 : i32
        %dma_wait3A_2709 = arith.constant 0 : i32
        %dma_wait3A_2710 = tpu.memref_slice %arg4[%mul3A_4, %dma_wait3A_2708, %dma_wait3A_2709] : memref<16384x50x32xf32, #tpu.memory_space<hbm>> -> memref<1x50x32xf32, #tpu.memory_space<hbm>>
        %dma_wait3A_2711 = tpu.memref_squeeze %dma_wait3A_2710 : memref<1x50x32xf32, #tpu.memory_space<hbm>> -> memref<50x32xf32, #tpu.memory_space<hbm>>
        %dma_wait3A_2712 = arith.constant 0 : i32
        %dma_wait3A_2713 = arith.constant 0 : i32
        %dma_wait3A_2714 = tpu.memref_slice %arg6[%dma_wait3A_2712, %dma_wait3A_2713] : memref<3200x32xf32, #tpu.memory_space<vmem>> -> memref<50x32xf32, #tpu.memory_space<vmem>>
        tpu.wait_dma2 semaphore(%arg8 : memref<!tpu.dma_semaphore, #tpu.memory_space<semaphore_mem>>) src(%dma_wait3A_2714 : memref<50x32xf32, #tpu.memory_space<vmem>>) dst(%dma_wait3A_2711 : memref<50x32xf32, #tpu.memory_space<hbm>>)
        %dma_wait3A_2715 = arith.constant 0 : i32
        %dma_wait3A_2716 = arith.constant 0 : i32
        %dma_wait3A_2717 = tpu.memref_slice %arg6[%dma_wait3A_2715, %dma_wait3A_2716] : memref<3200x32xf32, #tpu.memory_space<vmem>> -> memref<50x32xf32, #tpu.memory_space<vmem>>
        %dma_wait3A_2718 = arith.constant 0 : i32
        %dma_wait3A_2719 = arith.constant 0 : i32
        %dma_wait3A_2720 = tpu.memref_slice %arg4[%mul3A_4, %dma_wait3A_2718, %dma_wait3A_2719] : memref<16384x50x32xf32, #tpu.memory_space<hbm>> -> memref<1x50x32xf32, #tpu.memory_space<hbm>>
        %dma_wait3A_2721 = tpu.memref_squeeze %dma_wait3A_2720 : memref<1x50x32xf32, #tpu.memory_space<hbm>> -> memref<50x32xf32, #tpu.memory_space<hbm>>
        %dma_wait3A_2722 = arith.constant 0 : i32
        %dma_wait3A_2723 = arith.constant 0 : i32
        %dma_wait3A_2724 = tpu.memref_slice %arg4[%mul3A_4, %dma_wait3A_2722, %dma_wait3A_2723] : memref<16384x50x32xf32, #tpu.memory_space<hbm>> -> memref<1x50x32xf32, #tpu.memory_space<hbm>>
        %dma_wait3A_2725 = tpu.memref_squeeze %dma_wait3A_2724 : memref<1x50x32xf32, #tpu.memory_space<hbm>> -> memref<50x32xf32, #tpu.memory_space<hbm>>
        %dma_wait3A_2726 = arith.constant 0 : i32
        %dma_wait3A_2727 = arith.constant 0 : i32
        %dma_wait3A_2728 = tpu.memref_slice %arg6[%dma_wait3A_2726, %dma_wait3A_2727] : memref<3200x32xf32, #tpu.memory_space<vmem>> -> memref<50x32xf32, #tpu.memory_space<vmem>>
        tpu.wait_dma2 semaphore(%arg8 : memref<!tpu.dma_semaphore, #tpu.memory_space<semaphore_mem>>) src(%dma_wait3A_2728 : memref<50x32xf32, #tpu.memory_space<vmem>>) dst(%dma_wait3A_2725 : memref<50x32xf32, #tpu.memory_space<hbm>>)
        %dma_wait3A_2729 = arith.constant 0 : i32
        %dma_wait3A_2730 = arith.constant 0 : i32
        %dma_wait3A_2731 = tpu.memref_slice %arg6[%dma_wait3A_2729, %dma_wait3A_2730] : memref<3200x32xf32, #tpu.memory_space<vmem>> -> memref<50x32xf32, #tpu.memory_space<vmem>>
        %dma_wait3A_2732 = arith.constant 0 : i32
        %dma_wait3A_2733 = arith.constant 0 : i32
        %dma_wait3A_2734 = tpu.memref_slice %arg4[%mul3A_4, %dma_wait3A_2732, %dma_wait3A_2733] : memref<16384x50x32xf32, #tpu.memory_space<hbm>> -> memref<1x50x32xf32, #tpu.memory_space<hbm>>
        %dma_wait3A_2735 = tpu.memref_squeeze %dma_wait3A_2734 : memref<1x50x32xf32, #tpu.memory_space<hbm>> -> memref<50x32xf32, #tpu.memory_space<hbm>>
        %dma_wait3A_2736 = arith.constant 0 : i32
        %dma_wait3A_2737 = arith.constant 0 : i32
        %dma_wait3A_2738 = tpu.memref_slice %arg4[%mul3A_4, %dma_wait3A_2736, %dma_wait3A_2737] : memref<16384x50x32xf32, #tpu.memory_space<hbm>> -> memref<1x50x32xf32, #tpu.memory_space<hbm>>
        %dma_wait3A_2739 = tpu.memref_squeeze %dma_wait3A_2738 : memref<1x50x32xf32, #tpu.memory_space<hbm>> -> memref<50x32xf32, #tpu.memory_space<hbm>>
        %dma_wait3A_2740 = arith.constant 0 : i32
        %dma_wait3A_2741 = arith.constant 0 : i32
        %dma_wait3A_2742 = tpu.memref_slice %arg6[%dma_wait3A_2740, %dma_wait3A_2741] : memref<3200x32xf32, #tpu.memory_space<vmem>> -> memref<50x32xf32, #tpu.memory_space<vmem>>
        tpu.wait_dma2 semaphore(%arg8 : memref<!tpu.dma_semaphore, #tpu.memory_space<semaphore_mem>>) src(%dma_wait3A_2742 : memref<50x32xf32, #tpu.memory_space<vmem>>) dst(%dma_wait3A_2739 : memref<50x32xf32, #tpu.memory_space<hbm>>)
        %dma_wait3A_2743 = arith.constant 0 : i32
        %dma_wait3A_2744 = arith.constant 0 : i32
        %dma_wait3A_2745 = tpu.memref_slice %arg6[%dma_wait3A_2743, %dma_wait3A_2744] : memref<3200x32xf32, #tpu.memory_space<vmem>> -> memref<50x32xf32, #tpu.memory_space<vmem>>
        %dma_wait3A_2746 = arith.constant 0 : i32
        %dma_wait3A_2747 = arith.constant 0 : i32
        %dma_wait3A_2748 = tpu.memref_slice %arg4[%mul3A_4, %dma_wait3A_2746, %dma_wait3A_2747] : memref<16384x50x32xf32, #tpu.memory_space<hbm>> -> memref<1x50x32xf32, #tpu.memory_space<hbm>>
        %dma_wait3A_2749 = tpu.memref_squeeze %dma_wait3A_2748 : memref<1x50x32xf32, #tpu.memory_space<hbm>> -> memref<50x32xf32, #tpu.memory_space<hbm>>
        %dma_wait3A_2750 = arith.constant 0 : i32
        %dma_wait3A_2751 = arith.constant 0 : i32
        %dma_wait3A_2752 = tpu.memref_slice %arg4[%mul3A_4, %dma_wait3A_2750, %dma_wait3A_2751] : memref<16384x50x32xf32, #tpu.memory_space<hbm>> -> memref<1x50x32xf32, #tpu.memory_space<hbm>>
        %dma_wait3A_2753 = tpu.memref_squeeze %dma_wait3A_2752 : memref<1x50x32xf32, #tpu.memory_space<hbm>> -> memref<50x32xf32, #tpu.memory_space<hbm>>
        %dma_wait3A_2754 = arith.constant 0 : i32
        %dma_wait3A_2755 = arith.constant 0 : i32
        %dma_wait3A_2756 = tpu.memref_slice %arg6[%dma_wait3A_2754, %dma_wait3A_2755] : memref<3200x32xf32, #tpu.memory_space<vmem>> -> memref<50x32xf32, #tpu.memory_space<vmem>>
        tpu.wait_dma2 semaphore(%arg8 : memref<!tpu.dma_semaphore, #tpu.memory_space<semaphore_mem>>) src(%dma_wait3A_2756 : memref<50x32xf32, #tpu.memory_space<vmem>>) dst(%dma_wait3A_2753 : memref<50x32xf32, #tpu.memory_space<hbm>>)
        %dma_wait3A_2757 = arith.constant 0 : i32
        %dma_wait3A_2758 = arith.constant 0 : i32
        %dma_wait3A_2759 = tpu.memref_slice %arg6[%dma_wait3A_2757, %dma_wait3A_2758] : memref<3200x32xf32, #tpu.memory_space<vmem>> -> memref<50x32xf32, #tpu.memory_space<vmem>>
        %dma_wait3A_2760 = arith.constant 0 : i32
        %dma_wait3A_2761 = arith.constant 0 : i32
        %dma_wait3A_2762 = tpu.memref_slice %arg4[%mul3A_4, %dma_wait3A_2760, %dma_wait3A_2761] : memref<16384x50x32xf32, #tpu.memory_space<hbm>> -> memref<1x50x32xf32, #tpu.memory_space<hbm>>
        %dma_wait3A_2763 = tpu.memref_squeeze %dma_wait3A_2762 : memref<1x50x32xf32, #tpu.memory_space<hbm>> -> memref<50x32xf32, #tpu.memory_space<hbm>>
        %dma_wait3A_2764 = arith.constant 0 : i32
        %dma_wait3A_2765 = arith.constant 0 : i32
        %dma_wait3A_2766 = tpu.memref_slice %arg4[%mul3A_4, %dma_wait3A_2764, %dma_wait3A_2765] : memref<16384x50x32xf32, #tpu.memory_space<hbm>> -> memref<1x50x32xf32, #tpu.memory_space<hbm>>
        %dma_wait3A_2767 = tpu.memref_squeeze %dma_wait3A_2766 : memref<1x50x32xf32, #tpu.memory_space<hbm>> -> memref<50x32xf32, #tpu.memory_space<hbm>>
        %dma_wait3A_2768 = arith.constant 0 : i32
        %dma_wait3A_2769 = arith.constant 0 : i32
        %dma_wait3A_2770 = tpu.memref_slice %arg6[%dma_wait3A_2768, %dma_wait3A_2769] : memref<3200x32xf32, #tpu.memory_space<vmem>> -> memref<50x32xf32, #tpu.memory_space<vmem>>
        tpu.wait_dma2 semaphore(%arg8 : memref<!tpu.dma_semaphore, #tpu.memory_space<semaphore_mem>>) src(%dma_wait3A_2770 : memref<50x32xf32, #tpu.memory_space<vmem>>) dst(%dma_wait3A_2767 : memref<50x32xf32, #tpu.memory_space<hbm>>)
        %dma_wait3A_2771 = arith.constant 0 : i32
        %dma_wait3A_2772 = arith.constant 0 : i32
        %dma_wait3A_2773 = tpu.memref_slice %arg6[%dma_wait3A_2771, %dma_wait3A_2772] : memref<3200x32xf32, #tpu.memory_space<vmem>> -> memref<50x32xf32, #tpu.memory_space<vmem>>
        %dma_wait3A_2774 = arith.constant 0 : i32
        %dma_wait3A_2775 = arith.constant 0 : i32
        %dma_wait3A_2776 = tpu.memref_slice %arg4[%mul3A_4, %dma_wait3A_2774, %dma_wait3A_2775] : memref<16384x50x32xf32, #tpu.memory_space<hbm>> -> memref<1x50x32xf32, #tpu.memory_space<hbm>>
        %dma_wait3A_2777 = tpu.memref_squeeze %dma_wait3A_2776 : memref<1x50x32xf32, #tpu.memory_space<hbm>> -> memref<50x32xf32, #tpu.memory_space<hbm>>
        %dma_wait3A_2778 = arith.constant 0 : i32
        %dma_wait3A_2779 = arith.constant 0 : i32
        %dma_wait3A_2780 = tpu.memref_slice %arg4[%mul3A_4, %dma_wait3A_2778, %dma_wait3A_2779] : memref<16384x50x32xf32, #tpu.memory_space<hbm>> -> memref<1x50x32xf32, #tpu.memory_space<hbm>>
        %dma_wait3A_2781 = tpu.memref_squeeze %dma_wait3A_2780 : memref<1x50x32xf32, #tpu.memory_space<hbm>> -> memref<50x32xf32, #tpu.memory_space<hbm>>
        %dma_wait3A_2782 = arith.constant 0 : i32
        %dma_wait3A_2783 = arith.constant 0 : i32
        %dma_wait3A_2784 = tpu.memref_slice %arg6[%dma_wait3A_2782, %dma_wait3A_2783] : memref<3200x32xf32, #tpu.memory_space<vmem>> -> memref<50x32xf32, #tpu.memory_space<vmem>>
        tpu.wait_dma2 semaphore(%arg8 : memref<!tpu.dma_semaphore, #tpu.memory_space<semaphore_mem>>) src(%dma_wait3A_2784 : memref<50x32xf32, #tpu.memory_space<vmem>>) dst(%dma_wait3A_2781 : memref<50x32xf32, #tpu.memory_space<hbm>>)
        %dma_wait3A_2785 = arith.constant 0 : i32
        %dma_wait3A_2786 = arith.constant 0 : i32
        %dma_wait3A_2787 = tpu.memref_slice %arg6[%dma_wait3A_2785, %dma_wait3A_2786] : memref<3200x32xf32, #tpu.memory_space<vmem>> -> memref<50x32xf32, #tpu.memory_space<vmem>>
        %dma_wait3A_2788 = arith.constant 0 : i32
        %dma_wait3A_2789 = arith.constant 0 : i32
        %dma_wait3A_2790 = tpu.memref_slice %arg4[%mul3A_4, %dma_wait3A_2788, %dma_wait3A_2789] : memref<16384x50x32xf32, #tpu.memory_space<hbm>> -> memref<1x50x32xf32, #tpu.memory_space<hbm>>
        %dma_wait3A_2791 = tpu.memref_squeeze %dma_wait3A_2790 : memref<1x50x32xf32, #tpu.memory_space<hbm>> -> memref<50x32xf32, #tpu.memory_space<hbm>>
        %dma_wait3A_2792 = arith.constant 0 : i32
        %dma_wait3A_2793 = arith.constant 0 : i32
        %dma_wait3A_2794 = tpu.memref_slice %arg4[%mul3A_4, %dma_wait3A_2792, %dma_wait3A_2793] : memref<16384x50x32xf32, #tpu.memory_space<hbm>> -> memref<1x50x32xf32, #tpu.memory_space<hbm>>
        %dma_wait3A_2795 = tpu.memref_squeeze %dma_wait3A_2794 : memref<1x50x32xf32, #tpu.memory_space<hbm>> -> memref<50x32xf32, #tpu.memory_space<hbm>>
        %dma_wait3A_2796 = arith.constant 0 : i32
        %dma_wait3A_2797 = arith.constant 0 : i32
        %dma_wait3A_2798 = tpu.memref_slice %arg6[%dma_wait3A_2796, %dma_wait3A_2797] : memref<3200x32xf32, #tpu.memory_space<vmem>> -> memref<50x32xf32, #tpu.memory_space<vmem>>
        tpu.wait_dma2 semaphore(%arg8 : memref<!tpu.dma_semaphore, #tpu.memory_space<semaphore_mem>>) src(%dma_wait3A_2798 : memref<50x32xf32, #tpu.memory_space<vmem>>) dst(%dma_wait3A_2795 : memref<50x32xf32, #tpu.memory_space<hbm>>)
        %dma_wait3A_2799 = arith.constant 0 : i32
        %dma_wait3A_2800 = arith.constant 0 : i32
        %dma_wait3A_2801 = tpu.memref_slice %arg6[%dma_wait3A_2799, %dma_wait3A_2800] : memref<3200x32xf32, #tpu.memory_space<vmem>> -> memref<50x32xf32, #tpu.memory_space<vmem>>
        %dma_wait3A_2802 = arith.constant 0 : i32
        %dma_wait3A_2803 = arith.constant 0 : i32
        %dma_wait3A_2804 = tpu.memref_slice %arg4[%mul3A_4, %dma_wait3A_2802, %dma_wait3A_2803] : memref<16384x50x32xf32, #tpu.memory_space<hbm>> -> memref<1x50x32xf32, #tpu.memory_space<hbm>>
        %dma_wait3A_2805 = tpu.memref_squeeze %dma_wait3A_2804 : memref<1x50x32xf32, #tpu.memory_space<hbm>> -> memref<50x32xf32, #tpu.memory_space<hbm>>
        %dma_wait3A_2806 = arith.constant 0 : i32
        %dma_wait3A_2807 = arith.constant 0 : i32
        %dma_wait3A_2808 = tpu.memref_slice %arg4[%mul3A_4, %dma_wait3A_2806, %dma_wait3A_2807] : memref<16384x50x32xf32, #tpu.memory_space<hbm>> -> memref<1x50x32xf32, #tpu.memory_space<hbm>>
        %dma_wait3A_2809 = tpu.memref_squeeze %dma_wait3A_2808 : memref<1x50x32xf32, #tpu.memory_space<hbm>> -> memref<50x32xf32, #tpu.memory_space<hbm>>
        %dma_wait3A_2810 = arith.constant 0 : i32
        %dma_wait3A_2811 = arith.constant 0 : i32
        %dma_wait3A_2812 = tpu.memref_slice %arg6[%dma_wait3A_2810, %dma_wait3A_2811] : memref<3200x32xf32, #tpu.memory_space<vmem>> -> memref<50x32xf32, #tpu.memory_space<vmem>>
        tpu.wait_dma2 semaphore(%arg8 : memref<!tpu.dma_semaphore, #tpu.memory_space<semaphore_mem>>) src(%dma_wait3A_2812 : memref<50x32xf32, #tpu.memory_space<vmem>>) dst(%dma_wait3A_2809 : memref<50x32xf32, #tpu.memory_space<hbm>>)
        %dma_wait3A_2813 = arith.constant 0 : i32
        %dma_wait3A_2814 = arith.constant 0 : i32
        %dma_wait3A_2815 = tpu.memref_slice %arg6[%dma_wait3A_2813, %dma_wait3A_2814] : memref<3200x32xf32, #tpu.memory_space<vmem>> -> memref<50x32xf32, #tpu.memory_space<vmem>>
        %dma_wait3A_2816 = arith.constant 0 : i32
        %dma_wait3A_2817 = arith.constant 0 : i32
        %dma_wait3A_2818 = tpu.memref_slice %arg4[%mul3A_4, %dma_wait3A_2816, %dma_wait3A_2817] : memref<16384x50x32xf32, #tpu.memory_space<hbm>> -> memref<1x50x32xf32, #tpu.memory_space<hbm>>
        %dma_wait3A_2819 = tpu.memref_squeeze %dma_wait3A_2818 : memref<1x50x32xf32, #tpu.memory_space<hbm>> -> memref<50x32xf32, #tpu.memory_space<hbm>>
        %dma_wait3A_2820 = arith.constant 0 : i32
        %dma_wait3A_2821 = arith.constant 0 : i32
        %dma_wait3A_2822 = tpu.memref_slice %arg4[%mul3A_4, %dma_wait3A_2820, %dma_wait3A_2821] : memref<16384x50x32xf32, #tpu.memory_space<hbm>> -> memref<1x50x32xf32, #tpu.memory_space<hbm>>
        %dma_wait3A_2823 = tpu.memref_squeeze %dma_wait3A_2822 : memref<1x50x32xf32, #tpu.memory_space<hbm>> -> memref<50x32xf32, #tpu.memory_space<hbm>>
        %dma_wait3A_2824 = arith.constant 0 : i32
        %dma_wait3A_2825 = arith.constant 0 : i32
        %dma_wait3A_2826 = tpu.memref_slice %arg6[%dma_wait3A_2824, %dma_wait3A_2825] : memref<3200x32xf32, #tpu.memory_space<vmem>> -> memref<50x32xf32, #tpu.memory_space<vmem>>
        tpu.wait_dma2 semaphore(%arg8 : memref<!tpu.dma_semaphore, #tpu.memory_space<semaphore_mem>>) src(%dma_wait3A_2826 : memref<50x32xf32, #tpu.memory_space<vmem>>) dst(%dma_wait3A_2823 : memref<50x32xf32, #tpu.memory_space<hbm>>)
        %dma_wait3A_2827 = arith.constant 0 : i32
        %dma_wait3A_2828 = arith.constant 0 : i32
        %dma_wait3A_2829 = tpu.memref_slice %arg6[%dma_wait3A_2827, %dma_wait3A_2828] : memref<3200x32xf32, #tpu.memory_space<vmem>> -> memref<50x32xf32, #tpu.memory_space<vmem>>
        %dma_wait3A_2830 = arith.constant 0 : i32
        %dma_wait3A_2831 = arith.constant 0 : i32
        %dma_wait3A_2832 = tpu.memref_slice %arg4[%mul3A_4, %dma_wait3A_2830, %dma_wait3A_2831] : memref<16384x50x32xf32, #tpu.memory_space<hbm>> -> memref<1x50x32xf32, #tpu.memory_space<hbm>>
        %dma_wait3A_2833 = tpu.memref_squeeze %dma_wait3A_2832 : memref<1x50x32xf32, #tpu.memory_space<hbm>> -> memref<50x32xf32, #tpu.memory_space<hbm>>
        %dma_wait3A_2834 = arith.constant 0 : i32
        %dma_wait3A_2835 = arith.constant 0 : i32
        %dma_wait3A_2836 = tpu.memref_slice %arg4[%mul3A_4, %dma_wait3A_2834, %dma_wait3A_2835] : memref<16384x50x32xf32, #tpu.memory_space<hbm>> -> memref<1x50x32xf32, #tpu.memory_space<hbm>>
        %dma_wait3A_2837 = tpu.memref_squeeze %dma_wait3A_2836 : memref<1x50x32xf32, #tpu.memory_space<hbm>> -> memref<50x32xf32, #tpu.memory_space<hbm>>
        %dma_wait3A_2838 = arith.constant 0 : i32
        %dma_wait3A_2839 = arith.constant 0 : i32
        %dma_wait3A_2840 = tpu.memref_slice %arg6[%dma_wait3A_2838, %dma_wait3A_2839] : memref<3200x32xf32, #tpu.memory_space<vmem>> -> memref<50x32xf32, #tpu.memory_space<vmem>>
        tpu.wait_dma2 semaphore(%arg8 : memref<!tpu.dma_semaphore, #tpu.memory_space<semaphore_mem>>) src(%dma_wait3A_2840 : memref<50x32xf32, #tpu.memory_space<vmem>>) dst(%dma_wait3A_2837 : memref<50x32xf32, #tpu.memory_space<hbm>>)
        %dma_wait3A_2841 = arith.constant 0 : i32
        %dma_wait3A_2842 = arith.constant 0 : i32
        %dma_wait3A_2843 = tpu.memref_slice %arg6[%dma_wait3A_2841, %dma_wait3A_2842] : memref<3200x32xf32, #tpu.memory_space<vmem>> -> memref<50x32xf32, #tpu.memory_space<vmem>>
        %dma_wait3A_2844 = arith.constant 0 : i32
        %dma_wait3A_2845 = arith.constant 0 : i32
        %dma_wait3A_2846 = tpu.memref_slice %arg4[%mul3A_4, %dma_wait3A_2844, %dma_wait3A_2845] : memref<16384x50x32xf32, #tpu.memory_space<hbm>> -> memref<1x50x32xf32, #tpu.memory_space<hbm>>
        %dma_wait3A_2847 = tpu.memref_squeeze %dma_wait3A_2846 : memref<1x50x32xf32, #tpu.memory_space<hbm>> -> memref<50x32xf32, #tpu.memory_space<hbm>>
        %dma_wait3A_2848 = arith.constant 0 : i32
        %dma_wait3A_2849 = arith.constant 0 : i32
        %dma_wait3A_2850 = tpu.memref_slice %arg4[%mul3A_4, %dma_wait3A_2848, %dma_wait3A_2849] : memref<16384x50x32xf32, #tpu.memory_space<hbm>> -> memref<1x50x32xf32, #tpu.memory_space<hbm>>
        %dma_wait3A_2851 = tpu.memref_squeeze %dma_wait3A_2850 : memref<1x50x32xf32, #tpu.memory_space<hbm>> -> memref<50x32xf32, #tpu.memory_space<hbm>>
        %dma_wait3A_2852 = arith.constant 0 : i32
        %dma_wait3A_2853 = arith.constant 0 : i32
        %dma_wait3A_2854 = tpu.memref_slice %arg6[%dma_wait3A_2852, %dma_wait3A_2853] : memref<3200x32xf32, #tpu.memory_space<vmem>> -> memref<50x32xf32, #tpu.memory_space<vmem>>
        tpu.wait_dma2 semaphore(%arg8 : memref<!tpu.dma_semaphore, #tpu.memory_space<semaphore_mem>>) src(%dma_wait3A_2854 : memref<50x32xf32, #tpu.memory_space<vmem>>) dst(%dma_wait3A_2851 : memref<50x32xf32, #tpu.memory_space<hbm>>)
        %dma_wait3A_2855 = arith.constant 0 : i32
        %dma_wait3A_2856 = arith.constant 0 : i32
        %dma_wait3A_2857 = tpu.memref_slice %arg6[%dma_wait3A_2855, %dma_wait3A_2856] : memref<3200x32xf32, #tpu.memory_space<vmem>> -> memref<50x32xf32, #tpu.memory_space<vmem>>
        %dma_wait3A_2858 = arith.constant 0 : i32
        %dma_wait3A_2859 = arith.constant 0 : i32
        %dma_wait3A_2860 = tpu.memref_slice %arg4[%mul3A_4, %dma_wait3A_2858, %dma_wait3A_2859] : memref<16384x50x32xf32, #tpu.memory_space<hbm>> -> memref<1x50x32xf32, #tpu.memory_space<hbm>>
        %dma_wait3A_2861 = tpu.memref_squeeze %dma_wait3A_2860 : memref<1x50x32xf32, #tpu.memory_space<hbm>> -> memref<50x32xf32, #tpu.memory_space<hbm>>
        %dma_wait3A_2862 = arith.constant 0 : i32
        %dma_wait3A_2863 = arith.constant 0 : i32
        %dma_wait3A_2864 = tpu.memref_slice %arg4[%mul3A_4, %dma_wait3A_2862, %dma_wait3A_2863] : memref<16384x50x32xf32, #tpu.memory_space<hbm>> -> memref<1x50x32xf32, #tpu.memory_space<hbm>>
        %dma_wait3A_2865 = tpu.memref_squeeze %dma_wait3A_2864 : memref<1x50x32xf32, #tpu.memory_space<hbm>> -> memref<50x32xf32, #tpu.memory_space<hbm>>
        %dma_wait3A_2866 = arith.constant 0 : i32
        %dma_wait3A_2867 = arith.constant 0 : i32
        %dma_wait3A_2868 = tpu.memref_slice %arg6[%dma_wait3A_2866, %dma_wait3A_2867] : memref<3200x32xf32, #tpu.memory_space<vmem>> -> memref<50x32xf32, #tpu.memory_space<vmem>>
        tpu.wait_dma2 semaphore(%arg8 : memref<!tpu.dma_semaphore, #tpu.memory_space<semaphore_mem>>) src(%dma_wait3A_2868 : memref<50x32xf32, #tpu.memory_space<vmem>>) dst(%dma_wait3A_2865 : memref<50x32xf32, #tpu.memory_space<hbm>>)
        %dma_wait3A_2869 = arith.constant 0 : i32
        %dma_wait3A_2870 = arith.constant 0 : i32
        %dma_wait3A_2871 = tpu.memref_slice %arg6[%dma_wait3A_2869, %dma_wait3A_2870] : memref<3200x32xf32, #tpu.memory_space<vmem>> -> memref<50x32xf32, #tpu.memory_space<vmem>>
        %dma_wait3A_2872 = arith.constant 0 : i32
        %dma_wait3A_2873 = arith.constant 0 : i32
        %dma_wait3A_2874 = tpu.memref_slice %arg4[%mul3A_4, %dma_wait3A_2872, %dma_wait3A_2873] : memref<16384x50x32xf32, #tpu.memory_space<hbm>> -> memref<1x50x32xf32, #tpu.memory_space<hbm>>
        %dma_wait3A_2875 = tpu.memref_squeeze %dma_wait3A_2874 : memref<1x50x32xf32, #tpu.memory_space<hbm>> -> memref<50x32xf32, #tpu.memory_space<hbm>>
        %dma_wait3A_2876 = arith.constant 0 : i32
        %dma_wait3A_2877 = arith.constant 0 : i32
        %dma_wait3A_2878 = tpu.memref_slice %arg4[%mul3A_4, %dma_wait3A_2876, %dma_wait3A_2877] : memref<16384x50x32xf32, #tpu.memory_space<hbm>> -> memref<1x50x32xf32, #tpu.memory_space<hbm>>
        %dma_wait3A_2879 = tpu.memref_squeeze %dma_wait3A_2878 : memref<1x50x32xf32, #tpu.memory_space<hbm>> -> memref<50x32xf32, #tpu.memory_space<hbm>>
        %dma_wait3A_2880 = arith.constant 0 : i32
        %dma_wait3A_2881 = arith.constant 0 : i32
        %dma_wait3A_2882 = tpu.memref_slice %arg6[%dma_wait3A_2880, %dma_wait3A_2881] : memref<3200x32xf32, #tpu.memory_space<vmem>> -> memref<50x32xf32, #tpu.memory_space<vmem>>
        tpu.wait_dma2 semaphore(%arg8 : memref<!tpu.dma_semaphore, #tpu.memory_space<semaphore_mem>>) src(%dma_wait3A_2882 : memref<50x32xf32, #tpu.memory_space<vmem>>) dst(%dma_wait3A_2879 : memref<50x32xf32, #tpu.memory_space<hbm>>)
        %dma_wait3A_2883 = arith.constant 0 : i32
        %dma_wait3A_2884 = arith.constant 0 : i32
        %dma_wait3A_2885 = tpu.memref_slice %arg6[%dma_wait3A_2883, %dma_wait3A_2884] : memref<3200x32xf32, #tpu.memory_space<vmem>> -> memref<50x32xf32, #tpu.memory_space<vmem>>
        %dma_wait3A_2886 = arith.constant 0 : i32
        %dma_wait3A_2887 = arith.constant 0 : i32
        %dma_wait3A_2888 = tpu.memref_slice %arg4[%mul3A_4, %dma_wait3A_2886, %dma_wait3A_2887] : memref<16384x50x32xf32, #tpu.memory_space<hbm>> -> memref<1x50x32xf32, #tpu.memory_space<hbm>>
        %dma_wait3A_2889 = tpu.memref_squeeze %dma_wait3A_2888 : memref<1x50x32xf32, #tpu.memory_space<hbm>> -> memref<50x32xf32, #tpu.memory_space<hbm>>
        %dma_wait3A_2890 = arith.constant 0 : i32
        %dma_wait3A_2891 = arith.constant 0 : i32
        %dma_wait3A_2892 = tpu.memref_slice %arg4[%mul3A_4, %dma_wait3A_2890, %dma_wait3A_2891] : memref<16384x50x32xf32, #tpu.memory_space<hbm>> -> memref<1x50x32xf32, #tpu.memory_space<hbm>>
        %dma_wait3A_2893 = tpu.memref_squeeze %dma_wait3A_2892 : memref<1x50x32xf32, #tpu.memory_space<hbm>> -> memref<50x32xf32, #tpu.memory_space<hbm>>
        %dma_wait3A_2894 = arith.constant 0 : i32
        %dma_wait3A_2895 = arith.constant 0 : i32
        %dma_wait3A_2896 = tpu.memref_slice %arg6[%dma_wait3A_2894, %dma_wait3A_2895] : memref<3200x32xf32, #tpu.memory_space<vmem>> -> memref<50x32xf32, #tpu.memory_space<vmem>>
        tpu.wait_dma2 semaphore(%arg8 : memref<!tpu.dma_semaphore, #tpu.memory_space<semaphore_mem>>) src(%dma_wait3A_2896 : memref<50x32xf32, #tpu.memory_space<vmem>>) dst(%dma_wait3A_2893 : memref<50x32xf32, #tpu.memory_space<hbm>>)
        %dma_wait3A_2897 = arith.constant 0 : i32
        %dma_wait3A_2898 = arith.constant 0 : i32
        %dma_wait3A_2899 = tpu.memref_slice %arg6[%dma_wait3A_2897, %dma_wait3A_2898] : memref<3200x32xf32, #tpu.memory_space<vmem>> -> memref<50x32xf32, #tpu.memory_space<vmem>>
        %dma_wait3A_2900 = arith.constant 0 : i32
        %dma_wait3A_2901 = arith.constant 0 : i32
        %dma_wait3A_2902 = tpu.memref_slice %arg4[%mul3A_4, %dma_wait3A_2900, %dma_wait3A_2901] : memref<16384x50x32xf32, #tpu.memory_space<hbm>> -> memref<1x50x32xf32, #tpu.memory_space<hbm>>
        %dma_wait3A_2903 = tpu.memref_squeeze %dma_wait3A_2902 : memref<1x50x32xf32, #tpu.memory_space<hbm>> -> memref<50x32xf32, #tpu.memory_space<hbm>>
        %dma_wait3A_2904 = arith.constant 0 : i32
        %dma_wait3A_2905 = arith.constant 0 : i32
        %dma_wait3A_2906 = tpu.memref_slice %arg4[%mul3A_4, %dma_wait3A_2904, %dma_wait3A_2905] : memref<16384x50x32xf32, #tpu.memory_space<hbm>> -> memref<1x50x32xf32, #tpu.memory_space<hbm>>
        %dma_wait3A_2907 = tpu.memref_squeeze %dma_wait3A_2906 : memref<1x50x32xf32, #tpu.memory_space<hbm>> -> memref<50x32xf32, #tpu.memory_space<hbm>>
        %dma_wait3A_2908 = arith.constant 0 : i32
        %dma_wait3A_2909 = arith.constant 0 : i32
        %dma_wait3A_2910 = tpu.memref_slice %arg6[%dma_wait3A_2908, %dma_wait3A_2909] : memref<3200x32xf32, #tpu.memory_space<vmem>> -> memref<50x32xf32, #tpu.memory_space<vmem>>
        tpu.wait_dma2 semaphore(%arg8 : memref<!tpu.dma_semaphore, #tpu.memory_space<semaphore_mem>>) src(%dma_wait3A_2910 : memref<50x32xf32, #tpu.memory_space<vmem>>) dst(%dma_wait3A_2907 : memref<50x32xf32, #tpu.memory_space<hbm>>)
        %dma_wait3A_2911 = arith.constant 0 : i32
        %dma_wait3A_2912 = arith.constant 0 : i32
        %dma_wait3A_2913 = tpu.memref_slice %arg6[%dma_wait3A_2911, %dma_wait3A_2912] : memref<3200x32xf32, #tpu.memory_space<vmem>> -> memref<50x32xf32, #tpu.memory_space<vmem>>
        %dma_wait3A_2914 = arith.constant 0 : i32
        %dma_wait3A_2915 = arith.constant 0 : i32
        %dma_wait3A_2916 = tpu.memref_slice %arg4[%mul3A_4, %dma_wait3A_2914, %dma_wait3A_2915] : memref<16384x50x32xf32, #tpu.memory_space<hbm>> -> memref<1x50x32xf32, #tpu.memory_space<hbm>>
        %dma_wait3A_2917 = tpu.memref_squeeze %dma_wait3A_2916 : memref<1x50x32xf32, #tpu.memory_space<hbm>> -> memref<50x32xf32, #tpu.memory_space<hbm>>
        %dma_wait3A_2918 = arith.constant 0 : i32
        %dma_wait3A_2919 = arith.constant 0 : i32
        %dma_wait3A_2920 = tpu.memref_slice %arg4[%mul3A_4, %dma_wait3A_2918, %dma_wait3A_2919] : memref<16384x50x32xf32, #tpu.memory_space<hbm>> -> memref<1x50x32xf32, #tpu.memory_space<hbm>>
        %dma_wait3A_2921 = tpu.memref_squeeze %dma_wait3A_2920 : memref<1x50x32xf32, #tpu.memory_space<hbm>> -> memref<50x32xf32, #tpu.memory_space<hbm>>
        %dma_wait3A_2922 = arith.constant 0 : i32
        %dma_wait3A_2923 = arith.constant 0 : i32
        %dma_wait3A_2924 = tpu.memref_slice %arg6[%dma_wait3A_2922, %dma_wait3A_2923] : memref<3200x32xf32, #tpu.memory_space<vmem>> -> memref<50x32xf32, #tpu.memory_space<vmem>>
        tpu.wait_dma2 semaphore(%arg8 : memref<!tpu.dma_semaphore, #tpu.memory_space<semaphore_mem>>) src(%dma_wait3A_2924 : memref<50x32xf32, #tpu.memory_space<vmem>>) dst(%dma_wait3A_2921 : memref<50x32xf32, #tpu.memory_space<hbm>>)
        %dma_wait3A_2925 = arith.constant 0 : i32
        %dma_wait3A_2926 = arith.constant 0 : i32
        %dma_wait3A_2927 = tpu.memref_slice %arg6[%dma_wait3A_2925, %dma_wait3A_2926] : memref<3200x32xf32, #tpu.memory_space<vmem>> -> memref<50x32xf32, #tpu.memory_space<vmem>>
        %dma_wait3A_2928 = arith.constant 0 : i32
        %dma_wait3A_2929 = arith.constant 0 : i32
        %dma_wait3A_2930 = tpu.memref_slice %arg4[%mul3A_4, %dma_wait3A_2928, %dma_wait3A_2929] : memref<16384x50x32xf32, #tpu.memory_space<hbm>> -> memref<1x50x32xf32, #tpu.memory_space<hbm>>
        %dma_wait3A_2931 = tpu.memref_squeeze %dma_wait3A_2930 : memref<1x50x32xf32, #tpu.memory_space<hbm>> -> memref<50x32xf32, #tpu.memory_space<hbm>>
        %dma_wait3A_2932 = arith.constant 0 : i32
        %dma_wait3A_2933 = arith.constant 0 : i32
        %dma_wait3A_2934 = tpu.memref_slice %arg4[%mul3A_4, %dma_wait3A_2932, %dma_wait3A_2933] : memref<16384x50x32xf32, #tpu.memory_space<hbm>> -> memref<1x50x32xf32, #tpu.memory_space<hbm>>
        %dma_wait3A_2935 = tpu.memref_squeeze %dma_wait3A_2934 : memref<1x50x32xf32, #tpu.memory_space<hbm>> -> memref<50x32xf32, #tpu.memory_space<hbm>>
        %dma_wait3A_2936 = arith.constant 0 : i32
        %dma_wait3A_2937 = arith.constant 0 : i32
        %dma_wait3A_2938 = tpu.memref_slice %arg6[%dma_wait3A_2936, %dma_wait3A_2937] : memref<3200x32xf32, #tpu.memory_space<vmem>> -> memref<50x32xf32, #tpu.memory_space<vmem>>
        tpu.wait_dma2 semaphore(%arg8 : memref<!tpu.dma_semaphore, #tpu.memory_space<semaphore_mem>>) src(%dma_wait3A_2938 : memref<50x32xf32, #tpu.memory_space<vmem>>) dst(%dma_wait3A_2935 : memref<50x32xf32, #tpu.memory_space<hbm>>)
        %dma_wait3A_2939 = arith.constant 0 : i32
        %dma_wait3A_2940 = arith.constant 0 : i32
        %dma_wait3A_2941 = tpu.memref_slice %arg6[%dma_wait3A_2939, %dma_wait3A_2940] : memref<3200x32xf32, #tpu.memory_space<vmem>> -> memref<50x32xf32, #tpu.memory_space<vmem>>
        %dma_wait3A_2942 = arith.constant 0 : i32
        %dma_wait3A_2943 = arith.constant 0 : i32
        %dma_wait3A_2944 = tpu.memref_slice %arg4[%mul3A_4, %dma_wait3A_2942, %dma_wait3A_2943] : memref<16384x50x32xf32, #tpu.memory_space<hbm>> -> memref<1x50x32xf32, #tpu.memory_space<hbm>>
        %dma_wait3A_2945 = tpu.memref_squeeze %dma_wait3A_2944 : memref<1x50x32xf32, #tpu.memory_space<hbm>> -> memref<50x32xf32, #tpu.memory_space<hbm>>
        %dma_wait3A_2946 = arith.constant 0 : i32
        %dma_wait3A_2947 = arith.constant 0 : i32
        %dma_wait3A_2948 = tpu.memref_slice %arg4[%mul3A_4, %dma_wait3A_2946, %dma_wait3A_2947] : memref<16384x50x32xf32, #tpu.memory_space<hbm>> -> memref<1x50x32xf32, #tpu.memory_space<hbm>>
        %dma_wait3A_2949 = tpu.memref_squeeze %dma_wait3A_2948 : memref<1x50x32xf32, #tpu.memory_space<hbm>> -> memref<50x32xf32, #tpu.memory_space<hbm>>
        %dma_wait3A_2950 = arith.constant 0 : i32
        %dma_wait3A_2951 = arith.constant 0 : i32
        %dma_wait3A_2952 = tpu.memref_slice %arg6[%dma_wait3A_2950, %dma_wait3A_2951] : memref<3200x32xf32, #tpu.memory_space<vmem>> -> memref<50x32xf32, #tpu.memory_space<vmem>>
        tpu.wait_dma2 semaphore(%arg8 : memref<!tpu.dma_semaphore, #tpu.memory_space<semaphore_mem>>) src(%dma_wait3A_2952 : memref<50x32xf32, #tpu.memory_space<vmem>>) dst(%dma_wait3A_2949 : memref<50x32xf32, #tpu.memory_space<hbm>>)
        %dma_wait3A_2953 = arith.constant 0 : i32
        %dma_wait3A_2954 = arith.constant 0 : i32
        %dma_wait3A_2955 = tpu.memref_slice %arg6[%dma_wait3A_2953, %dma_wait3A_2954] : memref<3200x32xf32, #tpu.memory_space<vmem>> -> memref<50x32xf32, #tpu.memory_space<vmem>>
        %dma_wait3A_2956 = arith.constant 0 : i32
        %dma_wait3A_2957 = arith.constant 0 : i32
        %dma_wait3A_2958 = tpu.memref_slice %arg4[%mul3A_4, %dma_wait3A_2956, %dma_wait3A_2957] : memref<16384x50x32xf32, #tpu.memory_space<hbm>> -> memref<1x50x32xf32, #tpu.memory_space<hbm>>
        %dma_wait3A_2959 = tpu.memref_squeeze %dma_wait3A_2958 : memref<1x50x32xf32, #tpu.memory_space<hbm>> -> memref<50x32xf32, #tpu.memory_space<hbm>>
        %dma_wait3A_2960 = arith.constant 0 : i32
        %dma_wait3A_2961 = arith.constant 0 : i32
        %dma_wait3A_2962 = tpu.memref_slice %arg4[%mul3A_4, %dma_wait3A_2960, %dma_wait3A_2961] : memref<16384x50x32xf32, #tpu.memory_space<hbm>> -> memref<1x50x32xf32, #tpu.memory_space<hbm>>
        %dma_wait3A_2963 = tpu.memref_squeeze %dma_wait3A_2962 : memref<1x50x32xf32, #tpu.memory_space<hbm>> -> memref<50x32xf32, #tpu.memory_space<hbm>>
        %dma_wait3A_2964 = arith.constant 0 : i32
        %dma_wait3A_2965 = arith.constant 0 : i32
        %dma_wait3A_2966 = tpu.memref_slice %arg6[%dma_wait3A_2964, %dma_wait3A_2965] : memref<3200x32xf32, #tpu.memory_space<vmem>> -> memref<50x32xf32, #tpu.memory_space<vmem>>
        tpu.wait_dma2 semaphore(%arg8 : memref<!tpu.dma_semaphore, #tpu.memory_space<semaphore_mem>>) src(%dma_wait3A_2966 : memref<50x32xf32, #tpu.memory_space<vmem>>) dst(%dma_wait3A_2963 : memref<50x32xf32, #tpu.memory_space<hbm>>)
        %dma_wait3A_2967 = arith.constant 0 : i32
        %dma_wait3A_2968 = arith.constant 0 : i32
        %dma_wait3A_2969 = tpu.memref_slice %arg6[%dma_wait3A_2967, %dma_wait3A_2968] : memref<3200x32xf32, #tpu.memory_space<vmem>> -> memref<50x32xf32, #tpu.memory_space<vmem>>
        %dma_wait3A_2970 = arith.constant 0 : i32
        %dma_wait3A_2971 = arith.constant 0 : i32
        %dma_wait3A_2972 = tpu.memref_slice %arg4[%mul3A_4, %dma_wait3A_2970, %dma_wait3A_2971] : memref<16384x50x32xf32, #tpu.memory_space<hbm>> -> memref<1x50x32xf32, #tpu.memory_space<hbm>>
        %dma_wait3A_2973 = tpu.memref_squeeze %dma_wait3A_2972 : memref<1x50x32xf32, #tpu.memory_space<hbm>> -> memref<50x32xf32, #tpu.memory_space<hbm>>
        %dma_wait3A_2974 = arith.constant 0 : i32
        %dma_wait3A_2975 = arith.constant 0 : i32
        %dma_wait3A_2976 = tpu.memref_slice %arg4[%mul3A_4, %dma_wait3A_2974, %dma_wait3A_2975] : memref<16384x50x32xf32, #tpu.memory_space<hbm>> -> memref<1x50x32xf32, #tpu.memory_space<hbm>>
        %dma_wait3A_2977 = tpu.memref_squeeze %dma_wait3A_2976 : memref<1x50x32xf32, #tpu.memory_space<hbm>> -> memref<50x32xf32, #tpu.memory_space<hbm>>
        %dma_wait3A_2978 = arith.constant 0 : i32
        %dma_wait3A_2979 = arith.constant 0 : i32
        %dma_wait3A_2980 = tpu.memref_slice %arg6[%dma_wait3A_2978, %dma_wait3A_2979] : memref<3200x32xf32, #tpu.memory_space<vmem>> -> memref<50x32xf32, #tpu.memory_space<vmem>>
        tpu.wait_dma2 semaphore(%arg8 : memref<!tpu.dma_semaphore, #tpu.memory_space<semaphore_mem>>) src(%dma_wait3A_2980 : memref<50x32xf32, #tpu.memory_space<vmem>>) dst(%dma_wait3A_2977 : memref<50x32xf32, #tpu.memory_space<hbm>>)
        %dma_wait3A_2981 = arith.constant 0 : i32
        %dma_wait3A_2982 = arith.constant 0 : i32
        %dma_wait3A_2983 = tpu.memref_slice %arg6[%dma_wait3A_2981, %dma_wait3A_2982] : memref<3200x32xf32, #tpu.memory_space<vmem>> -> memref<50x32xf32, #tpu.memory_space<vmem>>
        %dma_wait3A_2984 = arith.constant 0 : i32
        %dma_wait3A_2985 = arith.constant 0 : i32
        %dma_wait3A_2986 = tpu.memref_slice %arg4[%mul3A_4, %dma_wait3A_2984, %dma_wait3A_2985] : memref<16384x50x32xf32, #tpu.memory_space<hbm>> -> memref<1x50x32xf32, #tpu.memory_space<hbm>>
        %dma_wait3A_2987 = tpu.memref_squeeze %dma_wait3A_2986 : memref<1x50x32xf32, #tpu.memory_space<hbm>> -> memref<50x32xf32, #tpu.memory_space<hbm>>
        %dma_wait3A_2988 = arith.constant 0 : i32
        %dma_wait3A_2989 = arith.constant 0 : i32
        %dma_wait3A_2990 = tpu.memref_slice %arg4[%mul3A_4, %dma_wait3A_2988, %dma_wait3A_2989] : memref<16384x50x32xf32, #tpu.memory_space<hbm>> -> memref<1x50x32xf32, #tpu.memory_space<hbm>>
        %dma_wait3A_2991 = tpu.memref_squeeze %dma_wait3A_2990 : memref<1x50x32xf32, #tpu.memory_space<hbm>> -> memref<50x32xf32, #tpu.memory_space<hbm>>
        %dma_wait3A_2992 = arith.constant 0 : i32
        %dma_wait3A_2993 = arith.constant 0 : i32
        %dma_wait3A_2994 = tpu.memref_slice %arg6[%dma_wait3A_2992, %dma_wait3A_2993] : memref<3200x32xf32, #tpu.memory_space<vmem>> -> memref<50x32xf32, #tpu.memory_space<vmem>>
        tpu.wait_dma2 semaphore(%arg8 : memref<!tpu.dma_semaphore, #tpu.memory_space<semaphore_mem>>) src(%dma_wait3A_2994 : memref<50x32xf32, #tpu.memory_space<vmem>>) dst(%dma_wait3A_2991 : memref<50x32xf32, #tpu.memory_space<hbm>>)
        %dma_wait3A_2995 = arith.constant 0 : i32
        %dma_wait3A_2996 = arith.constant 0 : i32
        %dma_wait3A_2997 = tpu.memref_slice %arg6[%dma_wait3A_2995, %dma_wait3A_2996] : memref<3200x32xf32, #tpu.memory_space<vmem>> -> memref<50x32xf32, #tpu.memory_space<vmem>>
        %dma_wait3A_2998 = arith.constant 0 : i32
        %dma_wait3A_2999 = arith.constant 0 : i32
        %dma_wait3A_3000 = tpu.memref_slice %arg4[%mul3A_4, %dma_wait3A_2998, %dma_wait3A_2999] : memref<16384x50x32xf32, #tpu.memory_space<hbm>> -> memref<1x50x32xf32, #tpu.memory_space<hbm>>
        %dma_wait3A_3001 = tpu.memref_squeeze %dma_wait3A_3000 : memref<1x50x32xf32, #tpu.memory_space<hbm>> -> memref<50x32xf32, #tpu.memory_space<hbm>>
        %dma_wait3A_3002 = arith.constant 0 : i32
        %dma_wait3A_3003 = arith.constant 0 : i32
        %dma_wait3A_3004 = tpu.memref_slice %arg4[%mul3A_4, %dma_wait3A_3002, %dma_wait3A_3003] : memref<16384x50x32xf32, #tpu.memory_space<hbm>> -> memref<1x50x32xf32, #tpu.memory_space<hbm>>
        %dma_wait3A_3005 = tpu.memref_squeeze %dma_wait3A_3004 : memref<1x50x32xf32, #tpu.memory_space<hbm>> -> memref<50x32xf32, #tpu.memory_space<hbm>>
        %dma_wait3A_3006 = arith.constant 0 : i32
        %dma_wait3A_3007 = arith.constant 0 : i32
        %dma_wait3A_3008 = tpu.memref_slice %arg6[%dma_wait3A_3006, %dma_wait3A_3007] : memref<3200x32xf32, #tpu.memory_space<vmem>> -> memref<50x32xf32, #tpu.memory_space<vmem>>
        tpu.wait_dma2 semaphore(%arg8 : memref<!tpu.dma_semaphore, #tpu.memory_space<semaphore_mem>>) src(%dma_wait3A_3008 : memref<50x32xf32, #tpu.memory_space<vmem>>) dst(%dma_wait3A_3005 : memref<50x32xf32, #tpu.memory_space<hbm>>)
        %dma_wait3A_3009 = arith.constant 0 : i32
        %dma_wait3A_3010 = arith.constant 0 : i32
        %dma_wait3A_3011 = tpu.memref_slice %arg6[%dma_wait3A_3009, %dma_wait3A_3010] : memref<3200x32xf32, #tpu.memory_space<vmem>> -> memref<50x32xf32, #tpu.memory_space<vmem>>
        %dma_wait3A_3012 = arith.constant 0 : i32
        %dma_wait3A_3013 = arith.constant 0 : i32
        %dma_wait3A_3014 = tpu.memref_slice %arg4[%mul3A_4, %dma_wait3A_3012, %dma_wait3A_3013] : memref<16384x50x32xf32, #tpu.memory_space<hbm>> -> memref<1x50x32xf32, #tpu.memory_space<hbm>>
        %dma_wait3A_3015 = tpu.memref_squeeze %dma_wait3A_3014 : memref<1x50x32xf32, #tpu.memory_space<hbm>> -> memref<50x32xf32, #tpu.memory_space<hbm>>
        %dma_wait3A_3016 = arith.constant 0 : i32
        %dma_wait3A_3017 = arith.constant 0 : i32
        %dma_wait3A_3018 = tpu.memref_slice %arg4[%mul3A_4, %dma_wait3A_3016, %dma_wait3A_3017] : memref<16384x50x32xf32, #tpu.memory_space<hbm>> -> memref<1x50x32xf32, #tpu.memory_space<hbm>>
        %dma_wait3A_3019 = tpu.memref_squeeze %dma_wait3A_3018 : memref<1x50x32xf32, #tpu.memory_space<hbm>> -> memref<50x32xf32, #tpu.memory_space<hbm>>
        %dma_wait3A_3020 = arith.constant 0 : i32
        %dma_wait3A_3021 = arith.constant 0 : i32
        %dma_wait3A_3022 = tpu.memref_slice %arg6[%dma_wait3A_3020, %dma_wait3A_3021] : memref<3200x32xf32, #tpu.memory_space<vmem>> -> memref<50x32xf32, #tpu.memory_space<vmem>>
        tpu.wait_dma2 semaphore(%arg8 : memref<!tpu.dma_semaphore, #tpu.memory_space<semaphore_mem>>) src(%dma_wait3A_3022 : memref<50x32xf32, #tpu.memory_space<vmem>>) dst(%dma_wait3A_3019 : memref<50x32xf32, #tpu.memory_space<hbm>>)
        %dma_wait3A_3023 = arith.constant 0 : i32
        %dma_wait3A_3024 = arith.constant 0 : i32
        %dma_wait3A_3025 = tpu.memref_slice %arg6[%dma_wait3A_3023, %dma_wait3A_3024] : memref<3200x32xf32, #tpu.memory_space<vmem>> -> memref<50x32xf32, #tpu.memory_space<vmem>>
        %dma_wait3A_3026 = arith.constant 0 : i32
        %dma_wait3A_3027 = arith.constant 0 : i32
        %dma_wait3A_3028 = tpu.memref_slice %arg4[%mul3A_4, %dma_wait3A_3026, %dma_wait3A_3027] : memref<16384x50x32xf32, #tpu.memory_space<hbm>> -> memref<1x50x32xf32, #tpu.memory_space<hbm>>
        %dma_wait3A_3029 = tpu.memref_squeeze %dma_wait3A_3028 : memref<1x50x32xf32, #tpu.memory_space<hbm>> -> memref<50x32xf32, #tpu.memory_space<hbm>>
        %dma_wait3A_3030 = arith.constant 0 : i32
        %dma_wait3A_3031 = arith.constant 0 : i32
        %dma_wait3A_3032 = tpu.memref_slice %arg4[%mul3A_4, %dma_wait3A_3030, %dma_wait3A_3031] : memref<16384x50x32xf32, #tpu.memory_space<hbm>> -> memref<1x50x32xf32, #tpu.memory_space<hbm>>
        %dma_wait3A_3033 = tpu.memref_squeeze %dma_wait3A_3032 : memref<1x50x32xf32, #tpu.memory_space<hbm>> -> memref<50x32xf32, #tpu.memory_space<hbm>>
        %dma_wait3A_3034 = arith.constant 0 : i32
        %dma_wait3A_3035 = arith.constant 0 : i32
        %dma_wait3A_3036 = tpu.memref_slice %arg6[%dma_wait3A_3034, %dma_wait3A_3035] : memref<3200x32xf32, #tpu.memory_space<vmem>> -> memref<50x32xf32, #tpu.memory_space<vmem>>
        tpu.wait_dma2 semaphore(%arg8 : memref<!tpu.dma_semaphore, #tpu.memory_space<semaphore_mem>>) src(%dma_wait3A_3036 : memref<50x32xf32, #tpu.memory_space<vmem>>) dst(%dma_wait3A_3033 : memref<50x32xf32, #tpu.memory_space<hbm>>)
        %dma_wait3A_3037 = arith.constant 0 : i32
        %dma_wait3A_3038 = arith.constant 0 : i32
        %dma_wait3A_3039 = tpu.memref_slice %arg6[%dma_wait3A_3037, %dma_wait3A_3038] : memref<3200x32xf32, #tpu.memory_space<vmem>> -> memref<50x32xf32, #tpu.memory_space<vmem>>
        %dma_wait3A_3040 = arith.constant 0 : i32
        %dma_wait3A_3041 = arith.constant 0 : i32
        %dma_wait3A_3042 = tpu.memref_slice %arg4[%mul3A_4, %dma_wait3A_3040, %dma_wait3A_3041] : memref<16384x50x32xf32, #tpu.memory_space<hbm>> -> memref<1x50x32xf32, #tpu.memory_space<hbm>>
        %dma_wait3A_3043 = tpu.memref_squeeze %dma_wait3A_3042 : memref<1x50x32xf32, #tpu.memory_space<hbm>> -> memref<50x32xf32, #tpu.memory_space<hbm>>
        %dma_wait3A_3044 = arith.constant 0 : i32
        %dma_wait3A_3045 = arith.constant 0 : i32
        %dma_wait3A_3046 = tpu.memref_slice %arg4[%mul3A_4, %dma_wait3A_3044, %dma_wait3A_3045] : memref<16384x50x32xf32, #tpu.memory_space<hbm>> -> memref<1x50x32xf32, #tpu.memory_space<hbm>>
        %dma_wait3A_3047 = tpu.memref_squeeze %dma_wait3A_3046 : memref<1x50x32xf32, #tpu.memory_space<hbm>> -> memref<50x32xf32, #tpu.memory_space<hbm>>
        %dma_wait3A_3048 = arith.constant 0 : i32
        %dma_wait3A_3049 = arith.constant 0 : i32
        %dma_wait3A_3050 = tpu.memref_slice %arg6[%dma_wait3A_3048, %dma_wait3A_3049] : memref<3200x32xf32, #tpu.memory_space<vmem>> -> memref<50x32xf32, #tpu.memory_space<vmem>>
        tpu.wait_dma2 semaphore(%arg8 : memref<!tpu.dma_semaphore, #tpu.memory_space<semaphore_mem>>) src(%dma_wait3A_3050 : memref<50x32xf32, #tpu.memory_space<vmem>>) dst(%dma_wait3A_3047 : memref<50x32xf32, #tpu.memory_space<hbm>>)
        %dma_wait3A_3051 = arith.constant 0 : i32
        %dma_wait3A_3052 = arith.constant 0 : i32
        %dma_wait3A_3053 = tpu.memref_slice %arg6[%dma_wait3A_3051, %dma_wait3A_3052] : memref<3200x32xf32, #tpu.memory_space<vmem>> -> memref<50x32xf32, #tpu.memory_space<vmem>>
        %dma_wait3A_3054 = arith.constant 0 : i32
        %dma_wait3A_3055 = arith.constant 0 : i32
        %dma_wait3A_3056 = tpu.memref_slice %arg4[%mul3A_4, %dma_wait3A_3054, %dma_wait3A_3055] : memref<16384x50x32xf32, #tpu.memory_space<hbm>> -> memref<1x50x32xf32, #tpu.memory_space<hbm>>
        %dma_wait3A_3057 = tpu.memref_squeeze %dma_wait3A_3056 : memref<1x50x32xf32, #tpu.memory_space<hbm>> -> memref<50x32xf32, #tpu.memory_space<hbm>>
        %dma_wait3A_3058 = arith.constant 0 : i32
        %dma_wait3A_3059 = arith.constant 0 : i32
        %dma_wait3A_3060 = tpu.memref_slice %arg4[%mul3A_4, %dma_wait3A_3058, %dma_wait3A_3059] : memref<16384x50x32xf32, #tpu.memory_space<hbm>> -> memref<1x50x32xf32, #tpu.memory_space<hbm>>
        %dma_wait3A_3061 = tpu.memref_squeeze %dma_wait3A_3060 : memref<1x50x32xf32, #tpu.memory_space<hbm>> -> memref<50x32xf32, #tpu.memory_space<hbm>>
        %dma_wait3A_3062 = arith.constant 0 : i32
        %dma_wait3A_3063 = arith.constant 0 : i32
        %dma_wait3A_3064 = tpu.memref_slice %arg6[%dma_wait3A_3062, %dma_wait3A_3063] : memref<3200x32xf32, #tpu.memory_space<vmem>> -> memref<50x32xf32, #tpu.memory_space<vmem>>
        tpu.wait_dma2 semaphore(%arg8 : memref<!tpu.dma_semaphore, #tpu.memory_space<semaphore_mem>>) src(%dma_wait3A_3064 : memref<50x32xf32, #tpu.memory_space<vmem>>) dst(%dma_wait3A_3061 : memref<50x32xf32, #tpu.memory_space<hbm>>)
        %dma_wait3A_3065 = arith.constant 0 : i32
        %dma_wait3A_3066 = arith.constant 0 : i32
        %dma_wait3A_3067 = tpu.memref_slice %arg6[%dma_wait3A_3065, %dma_wait3A_3066] : memref<3200x32xf32, #tpu.memory_space<vmem>> -> memref<50x32xf32, #tpu.memory_space<vmem>>
        %dma_wait3A_3068 = arith.constant 0 : i32
        %dma_wait3A_3069 = arith.constant 0 : i32
        %dma_wait3A_3070 = tpu.memref_slice %arg4[%mul3A_4, %dma_wait3A_3068, %dma_wait3A_3069] : memref<16384x50x32xf32, #tpu.memory_space<hbm>> -> memref<1x50x32xf32, #tpu.memory_space<hbm>>
        %dma_wait3A_3071 = tpu.memref_squeeze %dma_wait3A_3070 : memref<1x50x32xf32, #tpu.memory_space<hbm>> -> memref<50x32xf32, #tpu.memory_space<hbm>>
        %dma_wait3A_3072 = arith.constant 0 : i32
        %dma_wait3A_3073 = arith.constant 0 : i32
        %dma_wait3A_3074 = tpu.memref_slice %arg4[%mul3A_4, %dma_wait3A_3072, %dma_wait3A_3073] : memref<16384x50x32xf32, #tpu.memory_space<hbm>> -> memref<1x50x32xf32, #tpu.memory_space<hbm>>
        %dma_wait3A_3075 = tpu.memref_squeeze %dma_wait3A_3074 : memref<1x50x32xf32, #tpu.memory_space<hbm>> -> memref<50x32xf32, #tpu.memory_space<hbm>>
        %dma_wait3A_3076 = arith.constant 0 : i32
        %dma_wait3A_3077 = arith.constant 0 : i32
        %dma_wait3A_3078 = tpu.memref_slice %arg6[%dma_wait3A_3076, %dma_wait3A_3077] : memref<3200x32xf32, #tpu.memory_space<vmem>> -> memref<50x32xf32, #tpu.memory_space<vmem>>
        tpu.wait_dma2 semaphore(%arg8 : memref<!tpu.dma_semaphore, #tpu.memory_space<semaphore_mem>>) src(%dma_wait3A_3078 : memref<50x32xf32, #tpu.memory_space<vmem>>) dst(%dma_wait3A_3075 : memref<50x32xf32, #tpu.memory_space<hbm>>)
        %dma_wait3A_3079 = arith.constant 0 : i32
        %dma_wait3A_3080 = arith.constant 0 : i32
        %dma_wait3A_3081 = tpu.memref_slice %arg6[%dma_wait3A_3079, %dma_wait3A_3080] : memref<3200x32xf32, #tpu.memory_space<vmem>> -> memref<50x32xf32, #tpu.memory_space<vmem>>
        %dma_wait3A_3082 = arith.constant 0 : i32
        %dma_wait3A_3083 = arith.constant 0 : i32
        %dma_wait3A_3084 = tpu.memref_slice %arg4[%mul3A_4, %dma_wait3A_3082, %dma_wait3A_3083] : memref<16384x50x32xf32, #tpu.memory_space<hbm>> -> memref<1x50x32xf32, #tpu.memory_space<hbm>>
        %dma_wait3A_3085 = tpu.memref_squeeze %dma_wait3A_3084 : memref<1x50x32xf32, #tpu.memory_space<hbm>> -> memref<50x32xf32, #tpu.memory_space<hbm>>
        %dma_wait3A_3086 = arith.constant 0 : i32
        %dma_wait3A_3087 = arith.constant 0 : i32
        %dma_wait3A_3088 = tpu.memref_slice %arg4[%mul3A_4, %dma_wait3A_3086, %dma_wait3A_3087] : memref<16384x50x32xf32, #tpu.memory_space<hbm>> -> memref<1x50x32xf32, #tpu.memory_space<hbm>>
        %dma_wait3A_3089 = tpu.memref_squeeze %dma_wait3A_3088 : memref<1x50x32xf32, #tpu.memory_space<hbm>> -> memref<50x32xf32, #tpu.memory_space<hbm>>
        %dma_wait3A_3090 = arith.constant 0 : i32
        %dma_wait3A_3091 = arith.constant 0 : i32
        %dma_wait3A_3092 = tpu.memref_slice %arg6[%dma_wait3A_3090, %dma_wait3A_3091] : memref<3200x32xf32, #tpu.memory_space<vmem>> -> memref<50x32xf32, #tpu.memory_space<vmem>>
        tpu.wait_dma2 semaphore(%arg8 : memref<!tpu.dma_semaphore, #tpu.memory_space<semaphore_mem>>) src(%dma_wait3A_3092 : memref<50x32xf32, #tpu.memory_space<vmem>>) dst(%dma_wait3A_3089 : memref<50x32xf32, #tpu.memory_space<hbm>>)
        %dma_wait3A_3093 = arith.constant 0 : i32
        %dma_wait3A_3094 = arith.constant 0 : i32
        %dma_wait3A_3095 = tpu.memref_slice %arg6[%dma_wait3A_3093, %dma_wait3A_3094] : memref<3200x32xf32, #tpu.memory_space<vmem>> -> memref<50x32xf32, #tpu.memory_space<vmem>>
        %dma_wait3A_3096 = arith.constant 0 : i32
        %dma_wait3A_3097 = arith.constant 0 : i32
        %dma_wait3A_3098 = tpu.memref_slice %arg4[%mul3A_4, %dma_wait3A_3096, %dma_wait3A_3097] : memref<16384x50x32xf32, #tpu.memory_space<hbm>> -> memref<1x50x32xf32, #tpu.memory_space<hbm>>
        %dma_wait3A_3099 = tpu.memref_squeeze %dma_wait3A_3098 : memref<1x50x32xf32, #tpu.memory_space<hbm>> -> memref<50x32xf32, #tpu.memory_space<hbm>>
        %dma_wait3A_3100 = arith.constant 0 : i32
        %dma_wait3A_3101 = arith.constant 0 : i32
        %dma_wait3A_3102 = tpu.memref_slice %arg4[%mul3A_4, %dma_wait3A_3100, %dma_wait3A_3101] : memref<16384x50x32xf32, #tpu.memory_space<hbm>> -> memref<1x50x32xf32, #tpu.memory_space<hbm>>
        %dma_wait3A_3103 = tpu.memref_squeeze %dma_wait3A_3102 : memref<1x50x32xf32, #tpu.memory_space<hbm>> -> memref<50x32xf32, #tpu.memory_space<hbm>>
        %dma_wait3A_3104 = arith.constant 0 : i32
        %dma_wait3A_3105 = arith.constant 0 : i32
        %dma_wait3A_3106 = tpu.memref_slice %arg6[%dma_wait3A_3104, %dma_wait3A_3105] : memref<3200x32xf32, #tpu.memory_space<vmem>> -> memref<50x32xf32, #tpu.memory_space<vmem>>
        tpu.wait_dma2 semaphore(%arg8 : memref<!tpu.dma_semaphore, #tpu.memory_space<semaphore_mem>>) src(%dma_wait3A_3106 : memref<50x32xf32, #tpu.memory_space<vmem>>) dst(%dma_wait3A_3103 : memref<50x32xf32, #tpu.memory_space<hbm>>)
        %dma_wait3A_3107 = arith.constant 0 : i32
        %dma_wait3A_3108 = arith.constant 0 : i32
        %dma_wait3A_3109 = tpu.memref_slice %arg6[%dma_wait3A_3107, %dma_wait3A_3108] : memref<3200x32xf32, #tpu.memory_space<vmem>> -> memref<50x32xf32, #tpu.memory_space<vmem>>
        %dma_wait3A_3110 = arith.constant 0 : i32
        %dma_wait3A_3111 = arith.constant 0 : i32
        %dma_wait3A_3112 = tpu.memref_slice %arg4[%mul3A_4, %dma_wait3A_3110, %dma_wait3A_3111] : memref<16384x50x32xf32, #tpu.memory_space<hbm>> -> memref<1x50x32xf32, #tpu.memory_space<hbm>>
        %dma_wait3A_3113 = tpu.memref_squeeze %dma_wait3A_3112 : memref<1x50x32xf32, #tpu.memory_space<hbm>> -> memref<50x32xf32, #tpu.memory_space<hbm>>
        %dma_wait3A_3114 = arith.constant 0 : i32
        %dma_wait3A_3115 = arith.constant 0 : i32
        %dma_wait3A_3116 = tpu.memref_slice %arg4[%mul3A_4, %dma_wait3A_3114, %dma_wait3A_3115] : memref<16384x50x32xf32, #tpu.memory_space<hbm>> -> memref<1x50x32xf32, #tpu.memory_space<hbm>>
        %dma_wait3A_3117 = tpu.memref_squeeze %dma_wait3A_3116 : memref<1x50x32xf32, #tpu.memory_space<hbm>> -> memref<50x32xf32, #tpu.memory_space<hbm>>
        %dma_wait3A_3118 = arith.constant 0 : i32
        %dma_wait3A_3119 = arith.constant 0 : i32
        %dma_wait3A_3120 = tpu.memref_slice %arg6[%dma_wait3A_3118, %dma_wait3A_3119] : memref<3200x32xf32, #tpu.memory_space<vmem>> -> memref<50x32xf32, #tpu.memory_space<vmem>>
        tpu.wait_dma2 semaphore(%arg8 : memref<!tpu.dma_semaphore, #tpu.memory_space<semaphore_mem>>) src(%dma_wait3A_3120 : memref<50x32xf32, #tpu.memory_space<vmem>>) dst(%dma_wait3A_3117 : memref<50x32xf32, #tpu.memory_space<hbm>>)
        %dma_wait3A_3121 = arith.constant 0 : i32
        %dma_wait3A_3122 = arith.constant 0 : i32
        %dma_wait3A_3123 = tpu.memref_slice %arg6[%dma_wait3A_3121, %dma_wait3A_3122] : memref<3200x32xf32, #tpu.memory_space<vmem>> -> memref<50x32xf32, #tpu.memory_space<vmem>>
        %dma_wait3A_3124 = arith.constant 0 : i32
        %dma_wait3A_3125 = arith.constant 0 : i32
        %dma_wait3A_3126 = tpu.memref_slice %arg4[%mul3A_4, %dma_wait3A_3124, %dma_wait3A_3125] : memref<16384x50x32xf32, #tpu.memory_space<hbm>> -> memref<1x50x32xf32, #tpu.memory_space<hbm>>
        %dma_wait3A_3127 = tpu.memref_squeeze %dma_wait3A_3126 : memref<1x50x32xf32, #tpu.memory_space<hbm>> -> memref<50x32xf32, #tpu.memory_space<hbm>>
        %dma_wait3A_3128 = arith.constant 0 : i32
        %dma_wait3A_3129 = arith.constant 0 : i32
        %dma_wait3A_3130 = tpu.memref_slice %arg4[%mul3A_4, %dma_wait3A_3128, %dma_wait3A_3129] : memref<16384x50x32xf32, #tpu.memory_space<hbm>> -> memref<1x50x32xf32, #tpu.memory_space<hbm>>
        %dma_wait3A_3131 = tpu.memref_squeeze %dma_wait3A_3130 : memref<1x50x32xf32, #tpu.memory_space<hbm>> -> memref<50x32xf32, #tpu.memory_space<hbm>>
        %dma_wait3A_3132 = arith.constant 0 : i32
        %dma_wait3A_3133 = arith.constant 0 : i32
        %dma_wait3A_3134 = tpu.memref_slice %arg6[%dma_wait3A_3132, %dma_wait3A_3133] : memref<3200x32xf32, #tpu.memory_space<vmem>> -> memref<50x32xf32, #tpu.memory_space<vmem>>
        tpu.wait_dma2 semaphore(%arg8 : memref<!tpu.dma_semaphore, #tpu.memory_space<semaphore_mem>>) src(%dma_wait3A_3134 : memref<50x32xf32, #tpu.memory_space<vmem>>) dst(%dma_wait3A_3131 : memref<50x32xf32, #tpu.memory_space<hbm>>)
        %dma_wait3A_3135 = arith.constant 0 : i32
        %dma_wait3A_3136 = arith.constant 0 : i32
        %dma_wait3A_3137 = tpu.memref_slice %arg6[%dma_wait3A_3135, %dma_wait3A_3136] : memref<3200x32xf32, #tpu.memory_space<vmem>> -> memref<50x32xf32, #tpu.memory_space<vmem>>
        %dma_wait3A_3138 = arith.constant 0 : i32
        %dma_wait3A_3139 = arith.constant 0 : i32
        %dma_wait3A_3140 = tpu.memref_slice %arg4[%mul3A_4, %dma_wait3A_3138, %dma_wait3A_3139] : memref<16384x50x32xf32, #tpu.memory_space<hbm>> -> memref<1x50x32xf32, #tpu.memory_space<hbm>>
        %dma_wait3A_3141 = tpu.memref_squeeze %dma_wait3A_3140 : memref<1x50x32xf32, #tpu.memory_space<hbm>> -> memref<50x32xf32, #tpu.memory_space<hbm>>
        %dma_wait3A_3142 = arith.constant 0 : i32
        %dma_wait3A_3143 = arith.constant 0 : i32
        %dma_wait3A_3144 = tpu.memref_slice %arg4[%mul3A_4, %dma_wait3A_3142, %dma_wait3A_3143] : memref<16384x50x32xf32, #tpu.memory_space<hbm>> -> memref<1x50x32xf32, #tpu.memory_space<hbm>>
        %dma_wait3A_3145 = tpu.memref_squeeze %dma_wait3A_3144 : memref<1x50x32xf32, #tpu.memory_space<hbm>> -> memref<50x32xf32, #tpu.memory_space<hbm>>
        %dma_wait3A_3146 = arith.constant 0 : i32
        %dma_wait3A_3147 = arith.constant 0 : i32
        %dma_wait3A_3148 = tpu.memref_slice %arg6[%dma_wait3A_3146, %dma_wait3A_3147] : memref<3200x32xf32, #tpu.memory_space<vmem>> -> memref<50x32xf32, #tpu.memory_space<vmem>>
        tpu.wait_dma2 semaphore(%arg8 : memref<!tpu.dma_semaphore, #tpu.memory_space<semaphore_mem>>) src(%dma_wait3A_3148 : memref<50x32xf32, #tpu.memory_space<vmem>>) dst(%dma_wait3A_3145 : memref<50x32xf32, #tpu.memory_space<hbm>>)
        %dma_wait3A_3149 = arith.constant 0 : i32
        %dma_wait3A_3150 = arith.constant 0 : i32
        %dma_wait3A_3151 = tpu.memref_slice %arg6[%dma_wait3A_3149, %dma_wait3A_3150] : memref<3200x32xf32, #tpu.memory_space<vmem>> -> memref<50x32xf32, #tpu.memory_space<vmem>>
        %dma_wait3A_3152 = arith.constant 0 : i32
        %dma_wait3A_3153 = arith.constant 0 : i32
        %dma_wait3A_3154 = tpu.memref_slice %arg4[%mul3A_4, %dma_wait3A_3152, %dma_wait3A_3153] : memref<16384x50x32xf32, #tpu.memory_space<hbm>> -> memref<1x50x32xf32, #tpu.memory_space<hbm>>
        %dma_wait3A_3155 = tpu.memref_squeeze %dma_wait3A_3154 : memref<1x50x32xf32, #tpu.memory_space<hbm>> -> memref<50x32xf32, #tpu.memory_space<hbm>>
        %dma_wait3A_3156 = arith.constant 0 : i32
        %dma_wait3A_3157 = arith.constant 0 : i32
        %dma_wait3A_3158 = tpu.memref_slice %arg4[%mul3A_4, %dma_wait3A_3156, %dma_wait3A_3157] : memref<16384x50x32xf32, #tpu.memory_space<hbm>> -> memref<1x50x32xf32, #tpu.memory_space<hbm>>
        %dma_wait3A_3159 = tpu.memref_squeeze %dma_wait3A_3158 : memref<1x50x32xf32, #tpu.memory_space<hbm>> -> memref<50x32xf32, #tpu.memory_space<hbm>>
        %dma_wait3A_3160 = arith.constant 0 : i32
        %dma_wait3A_3161 = arith.constant 0 : i32
        %dma_wait3A_3162 = tpu.memref_slice %arg6[%dma_wait3A_3160, %dma_wait3A_3161] : memref<3200x32xf32, #tpu.memory_space<vmem>> -> memref<50x32xf32, #tpu.memory_space<vmem>>
        tpu.wait_dma2 semaphore(%arg8 : memref<!tpu.dma_semaphore, #tpu.memory_space<semaphore_mem>>) src(%dma_wait3A_3162 : memref<50x32xf32, #tpu.memory_space<vmem>>) dst(%dma_wait3A_3159 : memref<50x32xf32, #tpu.memory_space<hbm>>)
        %dma_wait3A_3163 = arith.constant 0 : i32
        %dma_wait3A_3164 = arith.constant 0 : i32
        %dma_wait3A_3165 = tpu.memref_slice %arg6[%dma_wait3A_3163, %dma_wait3A_3164] : memref<3200x32xf32, #tpu.memory_space<vmem>> -> memref<50x32xf32, #tpu.memory_space<vmem>>
        %dma_wait3A_3166 = arith.constant 0 : i32
        %dma_wait3A_3167 = arith.constant 0 : i32
        %dma_wait3A_3168 = tpu.memref_slice %arg4[%mul3A_4, %dma_wait3A_3166, %dma_wait3A_3167] : memref<16384x50x32xf32, #tpu.memory_space<hbm>> -> memref<1x50x32xf32, #tpu.memory_space<hbm>>
        %dma_wait3A_3169 = tpu.memref_squeeze %dma_wait3A_3168 : memref<1x50x32xf32, #tpu.memory_space<hbm>> -> memref<50x32xf32, #tpu.memory_space<hbm>>
        %dma_wait3A_3170 = arith.constant 0 : i32
        %dma_wait3A_3171 = arith.constant 0 : i32
        %dma_wait3A_3172 = tpu.memref_slice %arg4[%mul3A_4, %dma_wait3A_3170, %dma_wait3A_3171] : memref<16384x50x32xf32, #tpu.memory_space<hbm>> -> memref<1x50x32xf32, #tpu.memory_space<hbm>>
        %dma_wait3A_3173 = tpu.memref_squeeze %dma_wait3A_3172 : memref<1x50x32xf32, #tpu.memory_space<hbm>> -> memref<50x32xf32, #tpu.memory_space<hbm>>
        %dma_wait3A_3174 = arith.constant 0 : i32
        %dma_wait3A_3175 = arith.constant 0 : i32
        %dma_wait3A_3176 = tpu.memref_slice %arg6[%dma_wait3A_3174, %dma_wait3A_3175] : memref<3200x32xf32, #tpu.memory_space<vmem>> -> memref<50x32xf32, #tpu.memory_space<vmem>>
        tpu.wait_dma2 semaphore(%arg8 : memref<!tpu.dma_semaphore, #tpu.memory_space<semaphore_mem>>) src(%dma_wait3A_3176 : memref<50x32xf32, #tpu.memory_space<vmem>>) dst(%dma_wait3A_3173 : memref<50x32xf32, #tpu.memory_space<hbm>>)
        %dma_wait3A_3177 = arith.constant 0 : i32
        %dma_wait3A_3178 = arith.constant 0 : i32
        %dma_wait3A_3179 = tpu.memref_slice %arg6[%dma_wait3A_3177, %dma_wait3A_3178] : memref<3200x32xf32, #tpu.memory_space<vmem>> -> memref<50x32xf32, #tpu.memory_space<vmem>>
        %dma_wait3A_3180 = arith.constant 0 : i32
        %dma_wait3A_3181 = arith.constant 0 : i32
        %dma_wait3A_3182 = tpu.memref_slice %arg4[%mul3A_4, %dma_wait3A_3180, %dma_wait3A_3181] : memref<16384x50x32xf32, #tpu.memory_space<hbm>> -> memref<1x50x32xf32, #tpu.memory_space<hbm>>
        %dma_wait3A_3183 = tpu.memref_squeeze %dma_wait3A_3182 : memref<1x50x32xf32, #tpu.memory_space<hbm>> -> memref<50x32xf32, #tpu.memory_space<hbm>>
        %dma_wait3A_3184 = arith.constant 0 : i32
        %dma_wait3A_3185 = arith.constant 0 : i32
        %dma_wait3A_3186 = tpu.memref_slice %arg4[%mul3A_4, %dma_wait3A_3184, %dma_wait3A_3185] : memref<16384x50x32xf32, #tpu.memory_space<hbm>> -> memref<1x50x32xf32, #tpu.memory_space<hbm>>
        %dma_wait3A_3187 = tpu.memref_squeeze %dma_wait3A_3186 : memref<1x50x32xf32, #tpu.memory_space<hbm>> -> memref<50x32xf32, #tpu.memory_space<hbm>>
        %dma_wait3A_3188 = arith.constant 0 : i32
        %dma_wait3A_3189 = arith.constant 0 : i32
        %dma_wait3A_3190 = tpu.memref_slice %arg6[%dma_wait3A_3188, %dma_wait3A_3189] : memref<3200x32xf32, #tpu.memory_space<vmem>> -> memref<50x32xf32, #tpu.memory_space<vmem>>
        tpu.wait_dma2 semaphore(%arg8 : memref<!tpu.dma_semaphore, #tpu.memory_space<semaphore_mem>>) src(%dma_wait3A_3190 : memref<50x32xf32, #tpu.memory_space<vmem>>) dst(%dma_wait3A_3187 : memref<50x32xf32, #tpu.memory_space<hbm>>)
        %dma_wait3A_3191 = arith.constant 0 : i32
        %dma_wait3A_3192 = arith.constant 0 : i32
        %dma_wait3A_3193 = tpu.memref_slice %arg6[%dma_wait3A_3191, %dma_wait3A_3192] : memref<3200x32xf32, #tpu.memory_space<vmem>> -> memref<50x32xf32, #tpu.memory_space<vmem>>
        %dma_wait3A_3194 = arith.constant 0 : i32
        %dma_wait3A_3195 = arith.constant 0 : i32
        %dma_wait3A_3196 = tpu.memref_slice %arg4[%mul3A_4, %dma_wait3A_3194, %dma_wait3A_3195] : memref<16384x50x32xf32, #tpu.memory_space<hbm>> -> memref<1x50x32xf32, #tpu.memory_space<hbm>>
        %dma_wait3A_3197 = tpu.memref_squeeze %dma_wait3A_3196 : memref<1x50x32xf32, #tpu.memory_space<hbm>> -> memref<50x32xf32, #tpu.memory_space<hbm>>
        %dma_wait3A_3198 = arith.constant 0 : i32
        %dma_wait3A_3199 = arith.constant 0 : i32
        %dma_wait3A_3200 = tpu.memref_slice %arg4[%mul3A_4, %dma_wait3A_3198, %dma_wait3A_3199] : memref<16384x50x32xf32, #tpu.memory_space<hbm>> -> memref<1x50x32xf32, #tpu.memory_space<hbm>>
        %dma_wait3A_3201 = tpu.memref_squeeze %dma_wait3A_3200 : memref<1x50x32xf32, #tpu.memory_space<hbm>> -> memref<50x32xf32, #tpu.memory_space<hbm>>
        %dma_wait3A_3202 = arith.constant 0 : i32
        %dma_wait3A_3203 = arith.constant 0 : i32
        %dma_wait3A_3204 = tpu.memref_slice %arg6[%dma_wait3A_3202, %dma_wait3A_3203] : memref<3200x32xf32, #tpu.memory_space<vmem>> -> memref<50x32xf32, #tpu.memory_space<vmem>>
        tpu.wait_dma2 semaphore(%arg8 : memref<!tpu.dma_semaphore, #tpu.memory_space<semaphore_mem>>) src(%dma_wait3A_3204 : memref<50x32xf32, #tpu.memory_space<vmem>>) dst(%dma_wait3A_3201 : memref<50x32xf32, #tpu.memory_space<hbm>>)
        %dma_wait3A_3205 = arith.constant 0 : i32
        %dma_wait3A_3206 = arith.constant 0 : i32
        %dma_wait3A_3207 = tpu.memref_slice %arg6[%dma_wait3A_3205, %dma_wait3A_3206] : memref<3200x32xf32, #tpu.memory_space<vmem>> -> memref<50x32xf32, #tpu.memory_space<vmem>>
        %dma_wait3A_3208 = arith.constant 0 : i32
        %dma_wait3A_3209 = arith.constant 0 : i32
        %dma_wait3A_3210 = tpu.memref_slice %arg4[%mul3A_4, %dma_wait3A_3208, %dma_wait3A_3209] : memref<16384x50x32xf32, #tpu.memory_space<hbm>> -> memref<1x50x32xf32, #tpu.memory_space<hbm>>
        %dma_wait3A_3211 = tpu.memref_squeeze %dma_wait3A_3210 : memref<1x50x32xf32, #tpu.memory_space<hbm>> -> memref<50x32xf32, #tpu.memory_space<hbm>>
        %dma_wait3A_3212 = arith.constant 0 : i32
        %dma_wait3A_3213 = arith.constant 0 : i32
        %dma_wait3A_3214 = tpu.memref_slice %arg4[%mul3A_4, %dma_wait3A_3212, %dma_wait3A_3213] : memref<16384x50x32xf32, #tpu.memory_space<hbm>> -> memref<1x50x32xf32, #tpu.memory_space<hbm>>
        %dma_wait3A_3215 = tpu.memref_squeeze %dma_wait3A_3214 : memref<1x50x32xf32, #tpu.memory_space<hbm>> -> memref<50x32xf32, #tpu.memory_space<hbm>>
        %dma_wait3A_3216 = arith.constant 0 : i32
        %dma_wait3A_3217 = arith.constant 0 : i32
        %dma_wait3A_3218 = tpu.memref_slice %arg6[%dma_wait3A_3216, %dma_wait3A_3217] : memref<3200x32xf32, #tpu.memory_space<vmem>> -> memref<50x32xf32, #tpu.memory_space<vmem>>
        tpu.wait_dma2 semaphore(%arg8 : memref<!tpu.dma_semaphore, #tpu.memory_space<semaphore_mem>>) src(%dma_wait3A_3218 : memref<50x32xf32, #tpu.memory_space<vmem>>) dst(%dma_wait3A_3215 : memref<50x32xf32, #tpu.memory_space<hbm>>)
        %dma_wait3A_3219 = arith.constant 0 : i32
        %dma_wait3A_3220 = arith.constant 0 : i32
        %dma_wait3A_3221 = tpu.memref_slice %arg6[%dma_wait3A_3219, %dma_wait3A_3220] : memref<3200x32xf32, #tpu.memory_space<vmem>> -> memref<50x32xf32, #tpu.memory_space<vmem>>
        %dma_wait3A_3222 = arith.constant 0 : i32
        %dma_wait3A_3223 = arith.constant 0 : i32
        %dma_wait3A_3224 = tpu.memref_slice %arg4[%mul3A_4, %dma_wait3A_3222, %dma_wait3A_3223] : memref<16384x50x32xf32, #tpu.memory_space<hbm>> -> memref<1x50x32xf32, #tpu.memory_space<hbm>>
        %dma_wait3A_3225 = tpu.memref_squeeze %dma_wait3A_3224 : memref<1x50x32xf32, #tpu.memory_space<hbm>> -> memref<50x32xf32, #tpu.memory_space<hbm>>
        %dma_wait3A_3226 = arith.constant 0 : i32
        %dma_wait3A_3227 = arith.constant 0 : i32
        %dma_wait3A_3228 = tpu.memref_slice %arg4[%mul3A_4, %dma_wait3A_3226, %dma_wait3A_3227] : memref<16384x50x32xf32, #tpu.memory_space<hbm>> -> memref<1x50x32xf32, #tpu.memory_space<hbm>>
        %dma_wait3A_3229 = tpu.memref_squeeze %dma_wait3A_3228 : memref<1x50x32xf32, #tpu.memory_space<hbm>> -> memref<50x32xf32, #tpu.memory_space<hbm>>
        %dma_wait3A_3230 = arith.constant 0 : i32
        %dma_wait3A_3231 = arith.constant 0 : i32
        %dma_wait3A_3232 = tpu.memref_slice %arg6[%dma_wait3A_3230, %dma_wait3A_3231] : memref<3200x32xf32, #tpu.memory_space<vmem>> -> memref<50x32xf32, #tpu.memory_space<vmem>>
        tpu.wait_dma2 semaphore(%arg8 : memref<!tpu.dma_semaphore, #tpu.memory_space<semaphore_mem>>) src(%dma_wait3A_3232 : memref<50x32xf32, #tpu.memory_space<vmem>>) dst(%dma_wait3A_3229 : memref<50x32xf32, #tpu.memory_space<hbm>>)
        %dma_wait3A_3233 = arith.constant 0 : i32
        %dma_wait3A_3234 = arith.constant 0 : i32
        %dma_wait3A_3235 = tpu.memref_slice %arg6[%dma_wait3A_3233, %dma_wait3A_3234] : memref<3200x32xf32, #tpu.memory_space<vmem>> -> memref<50x32xf32, #tpu.memory_space<vmem>>
        %dma_wait3A_3236 = arith.constant 0 : i32
        %dma_wait3A_3237 = arith.constant 0 : i32
        %dma_wait3A_3238 = tpu.memref_slice %arg4[%mul3A_4, %dma_wait3A_3236, %dma_wait3A_3237] : memref<16384x50x32xf32, #tpu.memory_space<hbm>> -> memref<1x50x32xf32, #tpu.memory_space<hbm>>
        %dma_wait3A_3239 = tpu.memref_squeeze %dma_wait3A_3238 : memref<1x50x32xf32, #tpu.memory_space<hbm>> -> memref<50x32xf32, #tpu.memory_space<hbm>>
        %dma_wait3A_3240 = arith.constant 0 : i32
        %dma_wait3A_3241 = arith.constant 0 : i32
        %dma_wait3A_3242 = tpu.memref_slice %arg4[%mul3A_4, %dma_wait3A_3240, %dma_wait3A_3241] : memref<16384x50x32xf32, #tpu.memory_space<hbm>> -> memref<1x50x32xf32, #tpu.memory_space<hbm>>
        %dma_wait3A_3243 = tpu.memref_squeeze %dma_wait3A_3242 : memref<1x50x32xf32, #tpu.memory_space<hbm>> -> memref<50x32xf32, #tpu.memory_space<hbm>>
        %dma_wait3A_3244 = arith.constant 0 : i32
        %dma_wait3A_3245 = arith.constant 0 : i32
        %dma_wait3A_3246 = tpu.memref_slice %arg6[%dma_wait3A_3244, %dma_wait3A_3245] : memref<3200x32xf32, #tpu.memory_space<vmem>> -> memref<50x32xf32, #tpu.memory_space<vmem>>
        tpu.wait_dma2 semaphore(%arg8 : memref<!tpu.dma_semaphore, #tpu.memory_space<semaphore_mem>>) src(%dma_wait3A_3246 : memref<50x32xf32, #tpu.memory_space<vmem>>) dst(%dma_wait3A_3243 : memref<50x32xf32, #tpu.memory_space<hbm>>)
        %dma_wait3A_3247 = arith.constant 0 : i32
        %dma_wait3A_3248 = arith.constant 0 : i32
        %dma_wait3A_3249 = tpu.memref_slice %arg6[%dma_wait3A_3247, %dma_wait3A_3248] : memref<3200x32xf32, #tpu.memory_space<vmem>> -> memref<50x32xf32, #tpu.memory_space<vmem>>
        %dma_wait3A_3250 = arith.constant 0 : i32
        %dma_wait3A_3251 = arith.constant 0 : i32
        %dma_wait3A_3252 = tpu.memref_slice %arg4[%mul3A_4, %dma_wait3A_3250, %dma_wait3A_3251] : memref<16384x50x32xf32, #tpu.memory_space<hbm>> -> memref<1x50x32xf32, #tpu.memory_space<hbm>>
        %dma_wait3A_3253 = tpu.memref_squeeze %dma_wait3A_3252 : memref<1x50x32xf32, #tpu.memory_space<hbm>> -> memref<50x32xf32, #tpu.memory_space<hbm>>
        %dma_wait3A_3254 = arith.constant 0 : i32
        %dma_wait3A_3255 = arith.constant 0 : i32
        %dma_wait3A_3256 = tpu.memref_slice %arg4[%mul3A_4, %dma_wait3A_3254, %dma_wait3A_3255] : memref<16384x50x32xf32, #tpu.memory_space<hbm>> -> memref<1x50x32xf32, #tpu.memory_space<hbm>>
        %dma_wait3A_3257 = tpu.memref_squeeze %dma_wait3A_3256 : memref<1x50x32xf32, #tpu.memory_space<hbm>> -> memref<50x32xf32, #tpu.memory_space<hbm>>
        %dma_wait3A_3258 = arith.constant 0 : i32
        %dma_wait3A_3259 = arith.constant 0 : i32
        %dma_wait3A_3260 = tpu.memref_slice %arg6[%dma_wait3A_3258, %dma_wait3A_3259] : memref<3200x32xf32, #tpu.memory_space<vmem>> -> memref<50x32xf32, #tpu.memory_space<vmem>>
        tpu.wait_dma2 semaphore(%arg8 : memref<!tpu.dma_semaphore, #tpu.memory_space<semaphore_mem>>) src(%dma_wait3A_3260 : memref<50x32xf32, #tpu.memory_space<vmem>>) dst(%dma_wait3A_3257 : memref<50x32xf32, #tpu.memory_space<hbm>>)
        %dma_wait3A_3261 = arith.constant 0 : i32
        %dma_wait3A_3262 = arith.constant 0 : i32
        %dma_wait3A_3263 = tpu.memref_slice %arg6[%dma_wait3A_3261, %dma_wait3A_3262] : memref<3200x32xf32, #tpu.memory_space<vmem>> -> memref<50x32xf32, #tpu.memory_space<vmem>>
        %dma_wait3A_3264 = arith.constant 0 : i32
        %dma_wait3A_3265 = arith.constant 0 : i32
        %dma_wait3A_3266 = tpu.memref_slice %arg4[%mul3A_4, %dma_wait3A_3264, %dma_wait3A_3265] : memref<16384x50x32xf32, #tpu.memory_space<hbm>> -> memref<1x50x32xf32, #tpu.memory_space<hbm>>
        %dma_wait3A_3267 = tpu.memref_squeeze %dma_wait3A_3266 : memref<1x50x32xf32, #tpu.memory_space<hbm>> -> memref<50x32xf32, #tpu.memory_space<hbm>>
        %dma_wait3A_3268 = arith.constant 0 : i32
        %dma_wait3A_3269 = arith.constant 0 : i32
        %dma_wait3A_3270 = tpu.memref_slice %arg4[%mul3A_4, %dma_wait3A_3268, %dma_wait3A_3269] : memref<16384x50x32xf32, #tpu.memory_space<hbm>> -> memref<1x50x32xf32, #tpu.memory_space<hbm>>
        %dma_wait3A_3271 = tpu.memref_squeeze %dma_wait3A_3270 : memref<1x50x32xf32, #tpu.memory_space<hbm>> -> memref<50x32xf32, #tpu.memory_space<hbm>>
        %dma_wait3A_3272 = arith.constant 0 : i32
        %dma_wait3A_3273 = arith.constant 0 : i32
        %dma_wait3A_3274 = tpu.memref_slice %arg6[%dma_wait3A_3272, %dma_wait3A_3273] : memref<3200x32xf32, #tpu.memory_space<vmem>> -> memref<50x32xf32, #tpu.memory_space<vmem>>
        tpu.wait_dma2 semaphore(%arg8 : memref<!tpu.dma_semaphore, #tpu.memory_space<semaphore_mem>>) src(%dma_wait3A_3274 : memref<50x32xf32, #tpu.memory_space<vmem>>) dst(%dma_wait3A_3271 : memref<50x32xf32, #tpu.memory_space<hbm>>)
        %dma_wait3A_3275 = arith.constant 0 : i32
        %dma_wait3A_3276 = arith.constant 0 : i32
        %dma_wait3A_3277 = tpu.memref_slice %arg6[%dma_wait3A_3275, %dma_wait3A_3276] : memref<3200x32xf32, #tpu.memory_space<vmem>> -> memref<50x32xf32, #tpu.memory_space<vmem>>
        %dma_wait3A_3278 = arith.constant 0 : i32
        %dma_wait3A_3279 = arith.constant 0 : i32
        %dma_wait3A_3280 = tpu.memref_slice %arg4[%mul3A_4, %dma_wait3A_3278, %dma_wait3A_3279] : memref<16384x50x32xf32, #tpu.memory_space<hbm>> -> memref<1x50x32xf32, #tpu.memory_space<hbm>>
        %dma_wait3A_3281 = tpu.memref_squeeze %dma_wait3A_3280 : memref<1x50x32xf32, #tpu.memory_space<hbm>> -> memref<50x32xf32, #tpu.memory_space<hbm>>
        %dma_wait3A_3282 = arith.constant 0 : i32
        %dma_wait3A_3283 = arith.constant 0 : i32
        %dma_wait3A_3284 = tpu.memref_slice %arg4[%mul3A_4, %dma_wait3A_3282, %dma_wait3A_3283] : memref<16384x50x32xf32, #tpu.memory_space<hbm>> -> memref<1x50x32xf32, #tpu.memory_space<hbm>>
        %dma_wait3A_3285 = tpu.memref_squeeze %dma_wait3A_3284 : memref<1x50x32xf32, #tpu.memory_space<hbm>> -> memref<50x32xf32, #tpu.memory_space<hbm>>
        %dma_wait3A_3286 = arith.constant 0 : i32
        %dma_wait3A_3287 = arith.constant 0 : i32
        %dma_wait3A_3288 = tpu.memref_slice %arg6[%dma_wait3A_3286, %dma_wait3A_3287] : memref<3200x32xf32, #tpu.memory_space<vmem>> -> memref<50x32xf32, #tpu.memory_space<vmem>>
        tpu.wait_dma2 semaphore(%arg8 : memref<!tpu.dma_semaphore, #tpu.memory_space<semaphore_mem>>) src(%dma_wait3A_3288 : memref<50x32xf32, #tpu.memory_space<vmem>>) dst(%dma_wait3A_3285 : memref<50x32xf32, #tpu.memory_space<hbm>>)
        %dma_wait3A_3289 = arith.constant 0 : i32
        %dma_wait3A_3290 = arith.constant 0 : i32
        %dma_wait3A_3291 = tpu.memref_slice %arg6[%dma_wait3A_3289, %dma_wait3A_3290] : memref<3200x32xf32, #tpu.memory_space<vmem>> -> memref<50x32xf32, #tpu.memory_space<vmem>>
        %dma_wait3A_3292 = arith.constant 0 : i32
        %dma_wait3A_3293 = arith.constant 0 : i32
        %dma_wait3A_3294 = tpu.memref_slice %arg4[%mul3A_4, %dma_wait3A_3292, %dma_wait3A_3293] : memref<16384x50x32xf32, #tpu.memory_space<hbm>> -> memref<1x50x32xf32, #tpu.memory_space<hbm>>
        %dma_wait3A_3295 = tpu.memref_squeeze %dma_wait3A_3294 : memref<1x50x32xf32, #tpu.memory_space<hbm>> -> memref<50x32xf32, #tpu.memory_space<hbm>>
        %dma_wait3A_3296 = arith.constant 0 : i32
        %dma_wait3A_3297 = arith.constant 0 : i32
        %dma_wait3A_3298 = tpu.memref_slice %arg4[%mul3A_4, %dma_wait3A_3296, %dma_wait3A_3297] : memref<16384x50x32xf32, #tpu.memory_space<hbm>> -> memref<1x50x32xf32, #tpu.memory_space<hbm>>
        %dma_wait3A_3299 = tpu.memref_squeeze %dma_wait3A_3298 : memref<1x50x32xf32, #tpu.memory_space<hbm>> -> memref<50x32xf32, #tpu.memory_space<hbm>>
        %dma_wait3A_3300 = arith.constant 0 : i32
        %dma_wait3A_3301 = arith.constant 0 : i32
        %dma_wait3A_3302 = tpu.memref_slice %arg6[%dma_wait3A_3300, %dma_wait3A_3301] : memref<3200x32xf32, #tpu.memory_space<vmem>> -> memref<50x32xf32, #tpu.memory_space<vmem>>
        tpu.wait_dma2 semaphore(%arg8 : memref<!tpu.dma_semaphore, #tpu.memory_space<semaphore_mem>>) src(%dma_wait3A_3302 : memref<50x32xf32, #tpu.memory_space<vmem>>) dst(%dma_wait3A_3299 : memref<50x32xf32, #tpu.memory_space<hbm>>)
        %dma_wait3A_3303 = arith.constant 0 : i32
        %dma_wait3A_3304 = arith.constant 0 : i32
        %dma_wait3A_3305 = tpu.memref_slice %arg6[%dma_wait3A_3303, %dma_wait3A_3304] : memref<3200x32xf32, #tpu.memory_space<vmem>> -> memref<50x32xf32, #tpu.memory_space<vmem>>
        %dma_wait3A_3306 = arith.constant 0 : i32
        %dma_wait3A_3307 = arith.constant 0 : i32
        %dma_wait3A_3308 = tpu.memref_slice %arg4[%mul3A_4, %dma_wait3A_3306, %dma_wait3A_3307] : memref<16384x50x32xf32, #tpu.memory_space<hbm>> -> memref<1x50x32xf32, #tpu.memory_space<hbm>>
        %dma_wait3A_3309 = tpu.memref_squeeze %dma_wait3A_3308 : memref<1x50x32xf32, #tpu.memory_space<hbm>> -> memref<50x32xf32, #tpu.memory_space<hbm>>
        %dma_wait3A_3310 = arith.constant 0 : i32
        %dma_wait3A_3311 = arith.constant 0 : i32
        %dma_wait3A_3312 = tpu.memref_slice %arg4[%mul3A_4, %dma_wait3A_3310, %dma_wait3A_3311] : memref<16384x50x32xf32, #tpu.memory_space<hbm>> -> memref<1x50x32xf32, #tpu.memory_space<hbm>>
        %dma_wait3A_3313 = tpu.memref_squeeze %dma_wait3A_3312 : memref<1x50x32xf32, #tpu.memory_space<hbm>> -> memref<50x32xf32, #tpu.memory_space<hbm>>
        %dma_wait3A_3314 = arith.constant 0 : i32
        %dma_wait3A_3315 = arith.constant 0 : i32
        %dma_wait3A_3316 = tpu.memref_slice %arg6[%dma_wait3A_3314, %dma_wait3A_3315] : memref<3200x32xf32, #tpu.memory_space<vmem>> -> memref<50x32xf32, #tpu.memory_space<vmem>>
        tpu.wait_dma2 semaphore(%arg8 : memref<!tpu.dma_semaphore, #tpu.memory_space<semaphore_mem>>) src(%dma_wait3A_3316 : memref<50x32xf32, #tpu.memory_space<vmem>>) dst(%dma_wait3A_3313 : memref<50x32xf32, #tpu.memory_space<hbm>>)
        %dma_wait3A_3317 = arith.constant 0 : i32
        %dma_wait3A_3318 = arith.constant 0 : i32
        %dma_wait3A_3319 = tpu.memref_slice %arg6[%dma_wait3A_3317, %dma_wait3A_3318] : memref<3200x32xf32, #tpu.memory_space<vmem>> -> memref<50x32xf32, #tpu.memory_space<vmem>>
        %dma_wait3A_3320 = arith.constant 0 : i32
        %dma_wait3A_3321 = arith.constant 0 : i32
        %dma_wait3A_3322 = tpu.memref_slice %arg4[%mul3A_4, %dma_wait3A_3320, %dma_wait3A_3321] : memref<16384x50x32xf32, #tpu.memory_space<hbm>> -> memref<1x50x32xf32, #tpu.memory_space<hbm>>
        %dma_wait3A_3323 = tpu.memref_squeeze %dma_wait3A_3322 : memref<1x50x32xf32, #tpu.memory_space<hbm>> -> memref<50x32xf32, #tpu.memory_space<hbm>>
        %dma_wait3A_3324 = arith.constant 0 : i32
        %dma_wait3A_3325 = arith.constant 0 : i32
        %dma_wait3A_3326 = tpu.memref_slice %arg4[%mul3A_4, %dma_wait3A_3324, %dma_wait3A_3325] : memref<16384x50x32xf32, #tpu.memory_space<hbm>> -> memref<1x50x32xf32, #tpu.memory_space<hbm>>
        %dma_wait3A_3327 = tpu.memref_squeeze %dma_wait3A_3326 : memref<1x50x32xf32, #tpu.memory_space<hbm>> -> memref<50x32xf32, #tpu.memory_space<hbm>>
        %dma_wait3A_3328 = arith.constant 0 : i32
        %dma_wait3A_3329 = arith.constant 0 : i32
        %dma_wait3A_3330 = tpu.memref_slice %arg6[%dma_wait3A_3328, %dma_wait3A_3329] : memref<3200x32xf32, #tpu.memory_space<vmem>> -> memref<50x32xf32, #tpu.memory_space<vmem>>
        tpu.wait_dma2 semaphore(%arg8 : memref<!tpu.dma_semaphore, #tpu.memory_space<semaphore_mem>>) src(%dma_wait3A_3330 : memref<50x32xf32, #tpu.memory_space<vmem>>) dst(%dma_wait3A_3327 : memref<50x32xf32, #tpu.memory_space<hbm>>)
        %dma_wait3A_3331 = arith.constant 0 : i32
        %dma_wait3A_3332 = arith.constant 0 : i32
        %dma_wait3A_3333 = tpu.memref_slice %arg6[%dma_wait3A_3331, %dma_wait3A_3332] : memref<3200x32xf32, #tpu.memory_space<vmem>> -> memref<50x32xf32, #tpu.memory_space<vmem>>
        %dma_wait3A_3334 = arith.constant 0 : i32
        %dma_wait3A_3335 = arith.constant 0 : i32
        %dma_wait3A_3336 = tpu.memref_slice %arg4[%mul3A_4, %dma_wait3A_3334, %dma_wait3A_3335] : memref<16384x50x32xf32, #tpu.memory_space<hbm>> -> memref<1x50x32xf32, #tpu.memory_space<hbm>>
        %dma_wait3A_3337 = tpu.memref_squeeze %dma_wait3A_3336 : memref<1x50x32xf32, #tpu.memory_space<hbm>> -> memref<50x32xf32, #tpu.memory_space<hbm>>
        %dma_wait3A_3338 = arith.constant 0 : i32
        %dma_wait3A_3339 = arith.constant 0 : i32
        %dma_wait3A_3340 = tpu.memref_slice %arg4[%mul3A_4, %dma_wait3A_3338, %dma_wait3A_3339] : memref<16384x50x32xf32, #tpu.memory_space<hbm>> -> memref<1x50x32xf32, #tpu.memory_space<hbm>>
        %dma_wait3A_3341 = tpu.memref_squeeze %dma_wait3A_3340 : memref<1x50x32xf32, #tpu.memory_space<hbm>> -> memref<50x32xf32, #tpu.memory_space<hbm>>
        %dma_wait3A_3342 = arith.constant 0 : i32
        %dma_wait3A_3343 = arith.constant 0 : i32
        %dma_wait3A_3344 = tpu.memref_slice %arg6[%dma_wait3A_3342, %dma_wait3A_3343] : memref<3200x32xf32, #tpu.memory_space<vmem>> -> memref<50x32xf32, #tpu.memory_space<vmem>>
        tpu.wait_dma2 semaphore(%arg8 : memref<!tpu.dma_semaphore, #tpu.memory_space<semaphore_mem>>) src(%dma_wait3A_3344 : memref<50x32xf32, #tpu.memory_space<vmem>>) dst(%dma_wait3A_3341 : memref<50x32xf32, #tpu.memory_space<hbm>>)
        %dma_wait3A_3345 = arith.constant 0 : i32
        %dma_wait3A_3346 = arith.constant 0 : i32
        %dma_wait3A_3347 = tpu.memref_slice %arg6[%dma_wait3A_3345, %dma_wait3A_3346] : memref<3200x32xf32, #tpu.memory_space<vmem>> -> memref<50x32xf32, #tpu.memory_space<vmem>>
        %dma_wait3A_3348 = arith.constant 0 : i32
        %dma_wait3A_3349 = arith.constant 0 : i32
        %dma_wait3A_3350 = tpu.memref_slice %arg4[%mul3A_4, %dma_wait3A_3348, %dma_wait3A_3349] : memref<16384x50x32xf32, #tpu.memory_space<hbm>> -> memref<1x50x32xf32, #tpu.memory_space<hbm>>
        %dma_wait3A_3351 = tpu.memref_squeeze %dma_wait3A_3350 : memref<1x50x32xf32, #tpu.memory_space<hbm>> -> memref<50x32xf32, #tpu.memory_space<hbm>>
        %dma_wait3A_3352 = arith.constant 0 : i32
        %dma_wait3A_3353 = arith.constant 0 : i32
        %dma_wait3A_3354 = tpu.memref_slice %arg4[%mul3A_4, %dma_wait3A_3352, %dma_wait3A_3353] : memref<16384x50x32xf32, #tpu.memory_space<hbm>> -> memref<1x50x32xf32, #tpu.memory_space<hbm>>
        %dma_wait3A_3355 = tpu.memref_squeeze %dma_wait3A_3354 : memref<1x50x32xf32, #tpu.memory_space<hbm>> -> memref<50x32xf32, #tpu.memory_space<hbm>>
        %dma_wait3A_3356 = arith.constant 0 : i32
        %dma_wait3A_3357 = arith.constant 0 : i32
        %dma_wait3A_3358 = tpu.memref_slice %arg6[%dma_wait3A_3356, %dma_wait3A_3357] : memref<3200x32xf32, #tpu.memory_space<vmem>> -> memref<50x32xf32, #tpu.memory_space<vmem>>
        tpu.wait_dma2 semaphore(%arg8 : memref<!tpu.dma_semaphore, #tpu.memory_space<semaphore_mem>>) src(%dma_wait3A_3358 : memref<50x32xf32, #tpu.memory_space<vmem>>) dst(%dma_wait3A_3355 : memref<50x32xf32, #tpu.memory_space<hbm>>)
        %dma_wait3A_3359 = arith.constant 0 : i32
        %dma_wait3A_3360 = arith.constant 0 : i32
        %dma_wait3A_3361 = tpu.memref_slice %arg6[%dma_wait3A_3359, %dma_wait3A_3360] : memref<3200x32xf32, #tpu.memory_space<vmem>> -> memref<50x32xf32, #tpu.memory_space<vmem>>
        %dma_wait3A_3362 = arith.constant 0 : i32
        %dma_wait3A_3363 = arith.constant 0 : i32
        %dma_wait3A_3364 = tpu.memref_slice %arg4[%mul3A_4, %dma_wait3A_3362, %dma_wait3A_3363] : memref<16384x50x32xf32, #tpu.memory_space<hbm>> -> memref<1x50x32xf32, #tpu.memory_space<hbm>>
        %dma_wait3A_3365 = tpu.memref_squeeze %dma_wait3A_3364 : memref<1x50x32xf32, #tpu.memory_space<hbm>> -> memref<50x32xf32, #tpu.memory_space<hbm>>
        %dma_wait3A_3366 = arith.constant 0 : i32
        %dma_wait3A_3367 = arith.constant 0 : i32
        %dma_wait3A_3368 = tpu.memref_slice %arg4[%mul3A_4, %dma_wait3A_3366, %dma_wait3A_3367] : memref<16384x50x32xf32, #tpu.memory_space<hbm>> -> memref<1x50x32xf32, #tpu.memory_space<hbm>>
        %dma_wait3A_3369 = tpu.memref_squeeze %dma_wait3A_3368 : memref<1x50x32xf32, #tpu.memory_space<hbm>> -> memref<50x32xf32, #tpu.memory_space<hbm>>
        %dma_wait3A_3370 = arith.constant 0 : i32
        %dma_wait3A_3371 = arith.constant 0 : i32
        %dma_wait3A_3372 = tpu.memref_slice %arg6[%dma_wait3A_3370, %dma_wait3A_3371] : memref<3200x32xf32, #tpu.memory_space<vmem>> -> memref<50x32xf32, #tpu.memory_space<vmem>>
        tpu.wait_dma2 semaphore(%arg8 : memref<!tpu.dma_semaphore, #tpu.memory_space<semaphore_mem>>) src(%dma_wait3A_3372 : memref<50x32xf32, #tpu.memory_space<vmem>>) dst(%dma_wait3A_3369 : memref<50x32xf32, #tpu.memory_space<hbm>>)
        %dma_wait3A_3373 = arith.constant 0 : i32
        %dma_wait3A_3374 = arith.constant 0 : i32
        %dma_wait3A_3375 = tpu.memref_slice %arg6[%dma_wait3A_3373, %dma_wait3A_3374] : memref<3200x32xf32, #tpu.memory_space<vmem>> -> memref<50x32xf32, #tpu.memory_space<vmem>>
        %dma_wait3A_3376 = arith.constant 0 : i32
        %dma_wait3A_3377 = arith.constant 0 : i32
        %dma_wait3A_3378 = tpu.memref_slice %arg4[%mul3A_4, %dma_wait3A_3376, %dma_wait3A_3377] : memref<16384x50x32xf32, #tpu.memory_space<hbm>> -> memref<1x50x32xf32, #tpu.memory_space<hbm>>
        %dma_wait3A_3379 = tpu.memref_squeeze %dma_wait3A_3378 : memref<1x50x32xf32, #tpu.memory_space<hbm>> -> memref<50x32xf32, #tpu.memory_space<hbm>>
        %dma_wait3A_3380 = arith.constant 0 : i32
        %dma_wait3A_3381 = arith.constant 0 : i32
        %dma_wait3A_3382 = tpu.memref_slice %arg4[%mul3A_4, %dma_wait3A_3380, %dma_wait3A_3381] : memref<16384x50x32xf32, #tpu.memory_space<hbm>> -> memref<1x50x32xf32, #tpu.memory_space<hbm>>
        %dma_wait3A_3383 = tpu.memref_squeeze %dma_wait3A_3382 : memref<1x50x32xf32, #tpu.memory_space<hbm>> -> memref<50x32xf32, #tpu.memory_space<hbm>>
        %dma_wait3A_3384 = arith.constant 0 : i32
        %dma_wait3A_3385 = arith.constant 0 : i32
        %dma_wait3A_3386 = tpu.memref_slice %arg6[%dma_wait3A_3384, %dma_wait3A_3385] : memref<3200x32xf32, #tpu.memory_space<vmem>> -> memref<50x32xf32, #tpu.memory_space<vmem>>
        tpu.wait_dma2 semaphore(%arg8 : memref<!tpu.dma_semaphore, #tpu.memory_space<semaphore_mem>>) src(%dma_wait3A_3386 : memref<50x32xf32, #tpu.memory_space<vmem>>) dst(%dma_wait3A_3383 : memref<50x32xf32, #tpu.memory_space<hbm>>)
        %dma_wait3A_3387 = arith.constant 0 : i32
        %dma_wait3A_3388 = arith.constant 0 : i32
        %dma_wait3A_3389 = tpu.memref_slice %arg6[%dma_wait3A_3387, %dma_wait3A_3388] : memref<3200x32xf32, #tpu.memory_space<vmem>> -> memref<50x32xf32, #tpu.memory_space<vmem>>
        %dma_wait3A_3390 = arith.constant 0 : i32
        %dma_wait3A_3391 = arith.constant 0 : i32
        %dma_wait3A_3392 = tpu.memref_slice %arg4[%mul3A_4, %dma_wait3A_3390, %dma_wait3A_3391] : memref<16384x50x32xf32, #tpu.memory_space<hbm>> -> memref<1x50x32xf32, #tpu.memory_space<hbm>>
        %dma_wait3A_3393 = tpu.memref_squeeze %dma_wait3A_3392 : memref<1x50x32xf32, #tpu.memory_space<hbm>> -> memref<50x32xf32, #tpu.memory_space<hbm>>
        %dma_wait3A_3394 = arith.constant 0 : i32
        %dma_wait3A_3395 = arith.constant 0 : i32
        %dma_wait3A_3396 = tpu.memref_slice %arg4[%mul3A_4, %dma_wait3A_3394, %dma_wait3A_3395] : memref<16384x50x32xf32, #tpu.memory_space<hbm>> -> memref<1x50x32xf32, #tpu.memory_space<hbm>>
        %dma_wait3A_3397 = tpu.memref_squeeze %dma_wait3A_3396 : memref<1x50x32xf32, #tpu.memory_space<hbm>> -> memref<50x32xf32, #tpu.memory_space<hbm>>
        %dma_wait3A_3398 = arith.constant 0 : i32
        %dma_wait3A_3399 = arith.constant 0 : i32
        %dma_wait3A_3400 = tpu.memref_slice %arg6[%dma_wait3A_3398, %dma_wait3A_3399] : memref<3200x32xf32, #tpu.memory_space<vmem>> -> memref<50x32xf32, #tpu.memory_space<vmem>>
        tpu.wait_dma2 semaphore(%arg8 : memref<!tpu.dma_semaphore, #tpu.memory_space<semaphore_mem>>) src(%dma_wait3A_3400 : memref<50x32xf32, #tpu.memory_space<vmem>>) dst(%dma_wait3A_3397 : memref<50x32xf32, #tpu.memory_space<hbm>>)
        %dma_wait3A_3401 = arith.constant 0 : i32
        %dma_wait3A_3402 = arith.constant 0 : i32
        %dma_wait3A_3403 = tpu.memref_slice %arg6[%dma_wait3A_3401, %dma_wait3A_3402] : memref<3200x32xf32, #tpu.memory_space<vmem>> -> memref<50x32xf32, #tpu.memory_space<vmem>>
        %dma_wait3A_3404 = arith.constant 0 : i32
        %dma_wait3A_3405 = arith.constant 0 : i32
        %dma_wait3A_3406 = tpu.memref_slice %arg4[%mul3A_4, %dma_wait3A_3404, %dma_wait3A_3405] : memref<16384x50x32xf32, #tpu.memory_space<hbm>> -> memref<1x50x32xf32, #tpu.memory_space<hbm>>
        %dma_wait3A_3407 = tpu.memref_squeeze %dma_wait3A_3406 : memref<1x50x32xf32, #tpu.memory_space<hbm>> -> memref<50x32xf32, #tpu.memory_space<hbm>>
        %dma_wait3A_3408 = arith.constant 0 : i32
        %dma_wait3A_3409 = arith.constant 0 : i32
        %dma_wait3A_3410 = tpu.memref_slice %arg4[%mul3A_4, %dma_wait3A_3408, %dma_wait3A_3409] : memref<16384x50x32xf32, #tpu.memory_space<hbm>> -> memref<1x50x32xf32, #tpu.memory_space<hbm>>
        %dma_wait3A_3411 = tpu.memref_squeeze %dma_wait3A_3410 : memref<1x50x32xf32, #tpu.memory_space<hbm>> -> memref<50x32xf32, #tpu.memory_space<hbm>>
        %dma_wait3A_3412 = arith.constant 0 : i32
        %dma_wait3A_3413 = arith.constant 0 : i32
        %dma_wait3A_3414 = tpu.memref_slice %arg6[%dma_wait3A_3412, %dma_wait3A_3413] : memref<3200x32xf32, #tpu.memory_space<vmem>> -> memref<50x32xf32, #tpu.memory_space<vmem>>
        tpu.wait_dma2 semaphore(%arg8 : memref<!tpu.dma_semaphore, #tpu.memory_space<semaphore_mem>>) src(%dma_wait3A_3414 : memref<50x32xf32, #tpu.memory_space<vmem>>) dst(%dma_wait3A_3411 : memref<50x32xf32, #tpu.memory_space<hbm>>)
        %dma_wait3A_3415 = arith.constant 0 : i32
        %dma_wait3A_3416 = arith.constant 0 : i32
        %dma_wait3A_3417 = tpu.memref_slice %arg6[%dma_wait3A_3415, %dma_wait3A_3416] : memref<3200x32xf32, #tpu.memory_space<vmem>> -> memref<50x32xf32, #tpu.memory_space<vmem>>
        %dma_wait3A_3418 = arith.constant 0 : i32
        %dma_wait3A_3419 = arith.constant 0 : i32
        %dma_wait3A_3420 = tpu.memref_slice %arg4[%mul3A_4, %dma_wait3A_3418, %dma_wait3A_3419] : memref<16384x50x32xf32, #tpu.memory_space<hbm>> -> memref<1x50x32xf32, #tpu.memory_space<hbm>>
        %dma_wait3A_3421 = tpu.memref_squeeze %dma_wait3A_3420 : memref<1x50x32xf32, #tpu.memory_space<hbm>> -> memref<50x32xf32, #tpu.memory_space<hbm>>
        %dma_wait3A_3422 = arith.constant 0 : i32
        %dma_wait3A_3423 = arith.constant 0 : i32
        %dma_wait3A_3424 = tpu.memref_slice %arg4[%mul3A_4, %dma_wait3A_3422, %dma_wait3A_3423] : memref<16384x50x32xf32, #tpu.memory_space<hbm>> -> memref<1x50x32xf32, #tpu.memory_space<hbm>>
        %dma_wait3A_3425 = tpu.memref_squeeze %dma_wait3A_3424 : memref<1x50x32xf32, #tpu.memory_space<hbm>> -> memref<50x32xf32, #tpu.memory_space<hbm>>
        %dma_wait3A_3426 = arith.constant 0 : i32
        %dma_wait3A_3427 = arith.constant 0 : i32
        %dma_wait3A_3428 = tpu.memref_slice %arg6[%dma_wait3A_3426, %dma_wait3A_3427] : memref<3200x32xf32, #tpu.memory_space<vmem>> -> memref<50x32xf32, #tpu.memory_space<vmem>>
        tpu.wait_dma2 semaphore(%arg8 : memref<!tpu.dma_semaphore, #tpu.memory_space<semaphore_mem>>) src(%dma_wait3A_3428 : memref<50x32xf32, #tpu.memory_space<vmem>>) dst(%dma_wait3A_3425 : memref<50x32xf32, #tpu.memory_space<hbm>>)
        %dma_wait3A_3429 = arith.constant 0 : i32
        %dma_wait3A_3430 = arith.constant 0 : i32
        %dma_wait3A_3431 = tpu.memref_slice %arg6[%dma_wait3A_3429, %dma_wait3A_3430] : memref<3200x32xf32, #tpu.memory_space<vmem>> -> memref<50x32xf32, #tpu.memory_space<vmem>>
        %dma_wait3A_3432 = arith.constant 0 : i32
        %dma_wait3A_3433 = arith.constant 0 : i32
        %dma_wait3A_3434 = tpu.memref_slice %arg4[%mul3A_4, %dma_wait3A_3432, %dma_wait3A_3433] : memref<16384x50x32xf32, #tpu.memory_space<hbm>> -> memref<1x50x32xf32, #tpu.memory_space<hbm>>
        %dma_wait3A_3435 = tpu.memref_squeeze %dma_wait3A_3434 : memref<1x50x32xf32, #tpu.memory_space<hbm>> -> memref<50x32xf32, #tpu.memory_space<hbm>>
        %dma_wait3A_3436 = arith.constant 0 : i32
        %dma_wait3A_3437 = arith.constant 0 : i32
        %dma_wait3A_3438 = tpu.memref_slice %arg4[%mul3A_4, %dma_wait3A_3436, %dma_wait3A_3437] : memref<16384x50x32xf32, #tpu.memory_space<hbm>> -> memref<1x50x32xf32, #tpu.memory_space<hbm>>
        %dma_wait3A_3439 = tpu.memref_squeeze %dma_wait3A_3438 : memref<1x50x32xf32, #tpu.memory_space<hbm>> -> memref<50x32xf32, #tpu.memory_space<hbm>>
        %dma_wait3A_3440 = arith.constant 0 : i32
        %dma_wait3A_3441 = arith.constant 0 : i32
        %dma_wait3A_3442 = tpu.memref_slice %arg6[%dma_wait3A_3440, %dma_wait3A_3441] : memref<3200x32xf32, #tpu.memory_space<vmem>> -> memref<50x32xf32, #tpu.memory_space<vmem>>
        tpu.wait_dma2 semaphore(%arg8 : memref<!tpu.dma_semaphore, #tpu.memory_space<semaphore_mem>>) src(%dma_wait3A_3442 : memref<50x32xf32, #tpu.memory_space<vmem>>) dst(%dma_wait3A_3439 : memref<50x32xf32, #tpu.memory_space<hbm>>)
        %dma_wait3A_3443 = arith.constant 0 : i32
        %dma_wait3A_3444 = arith.constant 0 : i32
        %dma_wait3A_3445 = tpu.memref_slice %arg6[%dma_wait3A_3443, %dma_wait3A_3444] : memref<3200x32xf32, #tpu.memory_space<vmem>> -> memref<50x32xf32, #tpu.memory_space<vmem>>
        %dma_wait3A_3446 = arith.constant 0 : i32
        %dma_wait3A_3447 = arith.constant 0 : i32
        %dma_wait3A_3448 = tpu.memref_slice %arg4[%mul3A_4, %dma_wait3A_3446, %dma_wait3A_3447] : memref<16384x50x32xf32, #tpu.memory_space<hbm>> -> memref<1x50x32xf32, #tpu.memory_space<hbm>>
        %dma_wait3A_3449 = tpu.memref_squeeze %dma_wait3A_3448 : memref<1x50x32xf32, #tpu.memory_space<hbm>> -> memref<50x32xf32, #tpu.memory_space<hbm>>
        %dma_wait3A_3450 = arith.constant 0 : i32
        %dma_wait3A_3451 = arith.constant 0 : i32
        %dma_wait3A_3452 = tpu.memref_slice %arg4[%mul3A_4, %dma_wait3A_3450, %dma_wait3A_3451] : memref<16384x50x32xf32, #tpu.memory_space<hbm>> -> memref<1x50x32xf32, #tpu.memory_space<hbm>>
        %dma_wait3A_3453 = tpu.memref_squeeze %dma_wait3A_3452 : memref<1x50x32xf32, #tpu.memory_space<hbm>> -> memref<50x32xf32, #tpu.memory_space<hbm>>
        %dma_wait3A_3454 = arith.constant 0 : i32
        %dma_wait3A_3455 = arith.constant 0 : i32
        %dma_wait3A_3456 = tpu.memref_slice %arg6[%dma_wait3A_3454, %dma_wait3A_3455] : memref<3200x32xf32, #tpu.memory_space<vmem>> -> memref<50x32xf32, #tpu.memory_space<vmem>>
        tpu.wait_dma2 semaphore(%arg8 : memref<!tpu.dma_semaphore, #tpu.memory_space<semaphore_mem>>) src(%dma_wait3A_3456 : memref<50x32xf32, #tpu.memory_space<vmem>>) dst(%dma_wait3A_3453 : memref<50x32xf32, #tpu.memory_space<hbm>>)
        %dma_wait3A_3457 = arith.constant 0 : i32
        %dma_wait3A_3458 = arith.constant 0 : i32
        %dma_wait3A_3459 = tpu.memref_slice %arg6[%dma_wait3A_3457, %dma_wait3A_3458] : memref<3200x32xf32, #tpu.memory_space<vmem>> -> memref<50x32xf32, #tpu.memory_space<vmem>>
        %dma_wait3A_3460 = arith.constant 0 : i32
        %dma_wait3A_3461 = arith.constant 0 : i32
        %dma_wait3A_3462 = tpu.memref_slice %arg4[%mul3A_4, %dma_wait3A_3460, %dma_wait3A_3461] : memref<16384x50x32xf32, #tpu.memory_space<hbm>> -> memref<1x50x32xf32, #tpu.memory_space<hbm>>
        %dma_wait3A_3463 = tpu.memref_squeeze %dma_wait3A_3462 : memref<1x50x32xf32, #tpu.memory_space<hbm>> -> memref<50x32xf32, #tpu.memory_space<hbm>>
        %dma_wait3A_3464 = arith.constant 0 : i32
        %dma_wait3A_3465 = arith.constant 0 : i32
        %dma_wait3A_3466 = tpu.memref_slice %arg4[%mul3A_4, %dma_wait3A_3464, %dma_wait3A_3465] : memref<16384x50x32xf32, #tpu.memory_space<hbm>> -> memref<1x50x32xf32, #tpu.memory_space<hbm>>
        %dma_wait3A_3467 = tpu.memref_squeeze %dma_wait3A_3466 : memref<1x50x32xf32, #tpu.memory_space<hbm>> -> memref<50x32xf32, #tpu.memory_space<hbm>>
        %dma_wait3A_3468 = arith.constant 0 : i32
        %dma_wait3A_3469 = arith.constant 0 : i32
        %dma_wait3A_3470 = tpu.memref_slice %arg6[%dma_wait3A_3468, %dma_wait3A_3469] : memref<3200x32xf32, #tpu.memory_space<vmem>> -> memref<50x32xf32, #tpu.memory_space<vmem>>
        tpu.wait_dma2 semaphore(%arg8 : memref<!tpu.dma_semaphore, #tpu.memory_space<semaphore_mem>>) src(%dma_wait3A_3470 : memref<50x32xf32, #tpu.memory_space<vmem>>) dst(%dma_wait3A_3467 : memref<50x32xf32, #tpu.memory_space<hbm>>)
        %dma_wait3A_3471 = arith.constant 0 : i32
        %dma_wait3A_3472 = arith.constant 0 : i32
        %dma_wait3A_3473 = tpu.memref_slice %arg6[%dma_wait3A_3471, %dma_wait3A_3472] : memref<3200x32xf32, #tpu.memory_space<vmem>> -> memref<50x32xf32, #tpu.memory_space<vmem>>
        %dma_wait3A_3474 = arith.constant 0 : i32
        %dma_wait3A_3475 = arith.constant 0 : i32
        %dma_wait3A_3476 = tpu.memref_slice %arg4[%mul3A_4, %dma_wait3A_3474, %dma_wait3A_3475] : memref<16384x50x32xf32, #tpu.memory_space<hbm>> -> memref<1x50x32xf32, #tpu.memory_space<hbm>>
        %dma_wait3A_3477 = tpu.memref_squeeze %dma_wait3A_3476 : memref<1x50x32xf32, #tpu.memory_space<hbm>> -> memref<50x32xf32, #tpu.memory_space<hbm>>
        %dma_wait3A_3478 = arith.constant 0 : i32
        %dma_wait3A_3479 = arith.constant 0 : i32
        %dma_wait3A_3480 = tpu.memref_slice %arg4[%mul3A_4, %dma_wait3A_3478, %dma_wait3A_3479] : memref<16384x50x32xf32, #tpu.memory_space<hbm>> -> memref<1x50x32xf32, #tpu.memory_space<hbm>>
        %dma_wait3A_3481 = tpu.memref_squeeze %dma_wait3A_3480 : memref<1x50x32xf32, #tpu.memory_space<hbm>> -> memref<50x32xf32, #tpu.memory_space<hbm>>
        %dma_wait3A_3482 = arith.constant 0 : i32
        %dma_wait3A_3483 = arith.constant 0 : i32
        %dma_wait3A_3484 = tpu.memref_slice %arg6[%dma_wait3A_3482, %dma_wait3A_3483] : memref<3200x32xf32, #tpu.memory_space<vmem>> -> memref<50x32xf32, #tpu.memory_space<vmem>>
        tpu.wait_dma2 semaphore(%arg8 : memref<!tpu.dma_semaphore, #tpu.memory_space<semaphore_mem>>) src(%dma_wait3A_3484 : memref<50x32xf32, #tpu.memory_space<vmem>>) dst(%dma_wait3A_3481 : memref<50x32xf32, #tpu.memory_space<hbm>>)
        %dma_wait3A_3485 = arith.constant 0 : i32
        %dma_wait3A_3486 = arith.constant 0 : i32
        %dma_wait3A_3487 = tpu.memref_slice %arg6[%dma_wait3A_3485, %dma_wait3A_3486] : memref<3200x32xf32, #tpu.memory_space<vmem>> -> memref<50x32xf32, #tpu.memory_space<vmem>>
        %dma_wait3A_3488 = arith.constant 0 : i32
        %dma_wait3A_3489 = arith.constant 0 : i32
        %dma_wait3A_3490 = tpu.memref_slice %arg4[%mul3A_4, %dma_wait3A_3488, %dma_wait3A_3489] : memref<16384x50x32xf32, #tpu.memory_space<hbm>> -> memref<1x50x32xf32, #tpu.memory_space<hbm>>
        %dma_wait3A_3491 = tpu.memref_squeeze %dma_wait3A_3490 : memref<1x50x32xf32, #tpu.memory_space<hbm>> -> memref<50x32xf32, #tpu.memory_space<hbm>>
        %dma_wait3A_3492 = arith.constant 0 : i32
        %dma_wait3A_3493 = arith.constant 0 : i32
        %dma_wait3A_3494 = tpu.memref_slice %arg4[%mul3A_4, %dma_wait3A_3492, %dma_wait3A_3493] : memref<16384x50x32xf32, #tpu.memory_space<hbm>> -> memref<1x50x32xf32, #tpu.memory_space<hbm>>
        %dma_wait3A_3495 = tpu.memref_squeeze %dma_wait3A_3494 : memref<1x50x32xf32, #tpu.memory_space<hbm>> -> memref<50x32xf32, #tpu.memory_space<hbm>>
        %dma_wait3A_3496 = arith.constant 0 : i32
        %dma_wait3A_3497 = arith.constant 0 : i32
        %dma_wait3A_3498 = tpu.memref_slice %arg6[%dma_wait3A_3496, %dma_wait3A_3497] : memref<3200x32xf32, #tpu.memory_space<vmem>> -> memref<50x32xf32, #tpu.memory_space<vmem>>
        tpu.wait_dma2 semaphore(%arg8 : memref<!tpu.dma_semaphore, #tpu.memory_space<semaphore_mem>>) src(%dma_wait3A_3498 : memref<50x32xf32, #tpu.memory_space<vmem>>) dst(%dma_wait3A_3495 : memref<50x32xf32, #tpu.memory_space<hbm>>)
        %dma_wait3A_3499 = arith.constant 0 : i32
        %dma_wait3A_3500 = arith.constant 0 : i32
        %dma_wait3A_3501 = tpu.memref_slice %arg6[%dma_wait3A_3499, %dma_wait3A_3500] : memref<3200x32xf32, #tpu.memory_space<vmem>> -> memref<50x32xf32, #tpu.memory_space<vmem>>
        %dma_wait3A_3502 = arith.constant 0 : i32
        %dma_wait3A_3503 = arith.constant 0 : i32
        %dma_wait3A_3504 = tpu.memref_slice %arg4[%mul3A_4, %dma_wait3A_3502, %dma_wait3A_3503] : memref<16384x50x32xf32, #tpu.memory_space<hbm>> -> memref<1x50x32xf32, #tpu.memory_space<hbm>>
        %dma_wait3A_3505 = tpu.memref_squeeze %dma_wait3A_3504 : memref<1x50x32xf32, #tpu.memory_space<hbm>> -> memref<50x32xf32, #tpu.memory_space<hbm>>
        %dma_wait3A_3506 = arith.constant 0 : i32
        %dma_wait3A_3507 = arith.constant 0 : i32
        %dma_wait3A_3508 = tpu.memref_slice %arg4[%mul3A_4, %dma_wait3A_3506, %dma_wait3A_3507] : memref<16384x50x32xf32, #tpu.memory_space<hbm>> -> memref<1x50x32xf32, #tpu.memory_space<hbm>>
        %dma_wait3A_3509 = tpu.memref_squeeze %dma_wait3A_3508 : memref<1x50x32xf32, #tpu.memory_space<hbm>> -> memref<50x32xf32, #tpu.memory_space<hbm>>
        %dma_wait3A_3510 = arith.constant 0 : i32
        %dma_wait3A_3511 = arith.constant 0 : i32
        %dma_wait3A_3512 = tpu.memref_slice %arg6[%dma_wait3A_3510, %dma_wait3A_3511] : memref<3200x32xf32, #tpu.memory_space<vmem>> -> memref<50x32xf32, #tpu.memory_space<vmem>>
        tpu.wait_dma2 semaphore(%arg8 : memref<!tpu.dma_semaphore, #tpu.memory_space<semaphore_mem>>) src(%dma_wait3A_3512 : memref<50x32xf32, #tpu.memory_space<vmem>>) dst(%dma_wait3A_3509 : memref<50x32xf32, #tpu.memory_space<hbm>>)
        %dma_wait3A_3513 = arith.constant 0 : i32
        %dma_wait3A_3514 = arith.constant 0 : i32
        %dma_wait3A_3515 = tpu.memref_slice %arg6[%dma_wait3A_3513, %dma_wait3A_3514] : memref<3200x32xf32, #tpu.memory_space<vmem>> -> memref<50x32xf32, #tpu.memory_space<vmem>>
        %dma_wait3A_3516 = arith.constant 0 : i32
        %dma_wait3A_3517 = arith.constant 0 : i32
        %dma_wait3A_3518 = tpu.memref_slice %arg4[%mul3A_4, %dma_wait3A_3516, %dma_wait3A_3517] : memref<16384x50x32xf32, #tpu.memory_space<hbm>> -> memref<1x50x32xf32, #tpu.memory_space<hbm>>
        %dma_wait3A_3519 = tpu.memref_squeeze %dma_wait3A_3518 : memref<1x50x32xf32, #tpu.memory_space<hbm>> -> memref<50x32xf32, #tpu.memory_space<hbm>>
        %dma_wait3A_3520 = arith.constant 0 : i32
        %dma_wait3A_3521 = arith.constant 0 : i32
        %dma_wait3A_3522 = tpu.memref_slice %arg4[%mul3A_4, %dma_wait3A_3520, %dma_wait3A_3521] : memref<16384x50x32xf32, #tpu.memory_space<hbm>> -> memref<1x50x32xf32, #tpu.memory_space<hbm>>
        %dma_wait3A_3523 = tpu.memref_squeeze %dma_wait3A_3522 : memref<1x50x32xf32, #tpu.memory_space<hbm>> -> memref<50x32xf32, #tpu.memory_space<hbm>>
        %dma_wait3A_3524 = arith.constant 0 : i32
        %dma_wait3A_3525 = arith.constant 0 : i32
        %dma_wait3A_3526 = tpu.memref_slice %arg6[%dma_wait3A_3524, %dma_wait3A_3525] : memref<3200x32xf32, #tpu.memory_space<vmem>> -> memref<50x32xf32, #tpu.memory_space<vmem>>
        tpu.wait_dma2 semaphore(%arg8 : memref<!tpu.dma_semaphore, #tpu.memory_space<semaphore_mem>>) src(%dma_wait3A_3526 : memref<50x32xf32, #tpu.memory_space<vmem>>) dst(%dma_wait3A_3523 : memref<50x32xf32, #tpu.memory_space<hbm>>)
        %dma_wait3A_3527 = arith.constant 0 : i32
        %dma_wait3A_3528 = arith.constant 0 : i32
        %dma_wait3A_3529 = tpu.memref_slice %arg6[%dma_wait3A_3527, %dma_wait3A_3528] : memref<3200x32xf32, #tpu.memory_space<vmem>> -> memref<50x32xf32, #tpu.memory_space<vmem>>
        %dma_wait3A_3530 = arith.constant 0 : i32
        %dma_wait3A_3531 = arith.constant 0 : i32
        %dma_wait3A_3532 = tpu.memref_slice %arg4[%mul3A_4, %dma_wait3A_3530, %dma_wait3A_3531] : memref<16384x50x32xf32, #tpu.memory_space<hbm>> -> memref<1x50x32xf32, #tpu.memory_space<hbm>>
        %dma_wait3A_3533 = tpu.memref_squeeze %dma_wait3A_3532 : memref<1x50x32xf32, #tpu.memory_space<hbm>> -> memref<50x32xf32, #tpu.memory_space<hbm>>
        %dma_wait3A_3534 = arith.constant 0 : i32
        %dma_wait3A_3535 = arith.constant 0 : i32
        %dma_wait3A_3536 = tpu.memref_slice %arg4[%mul3A_4, %dma_wait3A_3534, %dma_wait3A_3535] : memref<16384x50x32xf32, #tpu.memory_space<hbm>> -> memref<1x50x32xf32, #tpu.memory_space<hbm>>
        %dma_wait3A_3537 = tpu.memref_squeeze %dma_wait3A_3536 : memref<1x50x32xf32, #tpu.memory_space<hbm>> -> memref<50x32xf32, #tpu.memory_space<hbm>>
        %dma_wait3A_3538 = arith.constant 0 : i32
        %dma_wait3A_3539 = arith.constant 0 : i32
        %dma_wait3A_3540 = tpu.memref_slice %arg6[%dma_wait3A_3538, %dma_wait3A_3539] : memref<3200x32xf32, #tpu.memory_space<vmem>> -> memref<50x32xf32, #tpu.memory_space<vmem>>
        tpu.wait_dma2 semaphore(%arg8 : memref<!tpu.dma_semaphore, #tpu.memory_space<semaphore_mem>>) src(%dma_wait3A_3540 : memref<50x32xf32, #tpu.memory_space<vmem>>) dst(%dma_wait3A_3537 : memref<50x32xf32, #tpu.memory_space<hbm>>)
        %dma_wait3A_3541 = arith.constant 0 : i32
        %dma_wait3A_3542 = arith.constant 0 : i32
        %dma_wait3A_3543 = tpu.memref_slice %arg6[%dma_wait3A_3541, %dma_wait3A_3542] : memref<3200x32xf32, #tpu.memory_space<vmem>> -> memref<50x32xf32, #tpu.memory_space<vmem>>
        %dma_wait3A_3544 = arith.constant 0 : i32
        %dma_wait3A_3545 = arith.constant 0 : i32
        %dma_wait3A_3546 = tpu.memref_slice %arg4[%mul3A_4, %dma_wait3A_3544, %dma_wait3A_3545] : memref<16384x50x32xf32, #tpu.memory_space<hbm>> -> memref<1x50x32xf32, #tpu.memory_space<hbm>>
        %dma_wait3A_3547 = tpu.memref_squeeze %dma_wait3A_3546 : memref<1x50x32xf32, #tpu.memory_space<hbm>> -> memref<50x32xf32, #tpu.memory_space<hbm>>
        %dma_wait3A_3548 = arith.constant 0 : i32
        %dma_wait3A_3549 = arith.constant 0 : i32
        %dma_wait3A_3550 = tpu.memref_slice %arg4[%mul3A_4, %dma_wait3A_3548, %dma_wait3A_3549] : memref<16384x50x32xf32, #tpu.memory_space<hbm>> -> memref<1x50x32xf32, #tpu.memory_space<hbm>>
        %dma_wait3A_3551 = tpu.memref_squeeze %dma_wait3A_3550 : memref<1x50x32xf32, #tpu.memory_space<hbm>> -> memref<50x32xf32, #tpu.memory_space<hbm>>
        %dma_wait3A_3552 = arith.constant 0 : i32
        %dma_wait3A_3553 = arith.constant 0 : i32
        %dma_wait3A_3554 = tpu.memref_slice %arg6[%dma_wait3A_3552, %dma_wait3A_3553] : memref<3200x32xf32, #tpu.memory_space<vmem>> -> memref<50x32xf32, #tpu.memory_space<vmem>>
        tpu.wait_dma2 semaphore(%arg8 : memref<!tpu.dma_semaphore, #tpu.memory_space<semaphore_mem>>) src(%dma_wait3A_3554 : memref<50x32xf32, #tpu.memory_space<vmem>>) dst(%dma_wait3A_3551 : memref<50x32xf32, #tpu.memory_space<hbm>>)
        %dma_wait3A_3555 = arith.constant 0 : i32
        %dma_wait3A_3556 = arith.constant 0 : i32
        %dma_wait3A_3557 = tpu.memref_slice %arg6[%dma_wait3A_3555, %dma_wait3A_3556] : memref<3200x32xf32, #tpu.memory_space<vmem>> -> memref<50x32xf32, #tpu.memory_space<vmem>>
        %dma_wait3A_3558 = arith.constant 0 : i32
        %dma_wait3A_3559 = arith.constant 0 : i32
        %dma_wait3A_3560 = tpu.memref_slice %arg4[%mul3A_4, %dma_wait3A_3558, %dma_wait3A_3559] : memref<16384x50x32xf32, #tpu.memory_space<hbm>> -> memref<1x50x32xf32, #tpu.memory_space<hbm>>
        %dma_wait3A_3561 = tpu.memref_squeeze %dma_wait3A_3560 : memref<1x50x32xf32, #tpu.memory_space<hbm>> -> memref<50x32xf32, #tpu.memory_space<hbm>>
        %dma_wait3A_3562 = arith.constant 0 : i32
        %dma_wait3A_3563 = arith.constant 0 : i32
        %dma_wait3A_3564 = tpu.memref_slice %arg4[%mul3A_4, %dma_wait3A_3562, %dma_wait3A_3563] : memref<16384x50x32xf32, #tpu.memory_space<hbm>> -> memref<1x50x32xf32, #tpu.memory_space<hbm>>
        %dma_wait3A_3565 = tpu.memref_squeeze %dma_wait3A_3564 : memref<1x50x32xf32, #tpu.memory_space<hbm>> -> memref<50x32xf32, #tpu.memory_space<hbm>>
        %dma_wait3A_3566 = arith.constant 0 : i32
        %dma_wait3A_3567 = arith.constant 0 : i32
        %dma_wait3A_3568 = tpu.memref_slice %arg6[%dma_wait3A_3566, %dma_wait3A_3567] : memref<3200x32xf32, #tpu.memory_space<vmem>> -> memref<50x32xf32, #tpu.memory_space<vmem>>
        tpu.wait_dma2 semaphore(%arg8 : memref<!tpu.dma_semaphore, #tpu.memory_space<semaphore_mem>>) src(%dma_wait3A_3568 : memref<50x32xf32, #tpu.memory_space<vmem>>) dst(%dma_wait3A_3565 : memref<50x32xf32, #tpu.memory_space<hbm>>)
      } else {
      }
      %mul3A_908 = arith.constant 25 : i32
      %mul3A_909 = arith.muli %scan3A_905, %mul3A_908 : i32
      %add3A_910 = arith.constant 0 : i32
      %add3A_911 = arith.addi %mul3A_909, %add3A_910 : i32
      %dma_start3A = arith.constant 0 : i32
      %dma_start3A_912 = arith.constant 0 : i32
      %dma_start3A_913 = tpu.memref_slice %arg6[%dma_start3A, %dma_start3A_912] : memref<3200x32xf32, #tpu.memory_space<vmem>> -> memref<128x32xf32, #tpu.memory_space<vmem>>
      %dma_start3A_914 = arith.constant 0 : i32
      %dma_start3A_915 = tpu.memref_slice %arg5[%add3A_911, %dma_start3A_914] : memref<200x128xi32, #tpu.memory_space<vmem>> -> memref<1x128xi32, #tpu.memory_space<vmem>>
      %dma_start3A_916 = tpu.memref_squeeze %dma_start3A_915 : memref<1x128xi32, #tpu.memory_space<vmem>> -> memref<128xi32, #tpu.memory_space<vmem>>
      %dma_start3A_917 = arith.constant 0 : i32
      %dma_start3A_918 = arith.constant 0 : i32
      %dma_start3A_919 = tpu.memref_slice %arg3[%dma_start3A_917, %dma_start3A_918] : memref<1000000x32xf32, #tpu.memory_space<hbm>> -> memref<1000000x32xf32, #tpu.memory_space<hbm>>
      tpu.enqueue_indirect_dma source(%dma_start3A_919 : memref<1000000x32xf32, #tpu.memory_space<hbm>>) target(%dma_start3A_913 : memref<128x32xf32, #tpu.memory_space<vmem>>) offsets(%dma_start3A_916 : memref<128xi32, #tpu.memory_space<vmem>>) semaphore(%arg7 : memref<!tpu.dma_semaphore, #tpu.memory_space<semaphore_mem>>)
      %mul3A_920 = arith.constant 25 : i32
      %mul3A_921 = arith.muli %scan3A_905, %mul3A_920 : i32
      %add3A_922 = arith.constant 1 : i32
      %add3A_923 = arith.addi %mul3A_921, %add3A_922 : i32
      %dma_start3A_924 = arith.constant 128 : i32
      %dma_start3A_925 = arith.constant 0 : i32
      %dma_start3A_926 = tpu.memref_slice %arg6[%dma_start3A_924, %dma_start3A_925] : memref<3200x32xf32, #tpu.memory_space<vmem>> -> memref<128x32xf32, #tpu.memory_space<vmem>>
      %dma_start3A_927 = arith.constant 0 : i32
      %dma_start3A_928 = tpu.memref_slice %arg5[%add3A_923, %dma_start3A_927] : memref<200x128xi32, #tpu.memory_space<vmem>> -> memref<1x128xi32, #tpu.memory_space<vmem>>
      %dma_start3A_929 = tpu.memref_squeeze %dma_start3A_928 : memref<1x128xi32, #tpu.memory_space<vmem>> -> memref<128xi32, #tpu.memory_space<vmem>>
      %dma_start3A_930 = arith.constant 0 : i32
      %dma_start3A_931 = arith.constant 0 : i32
      %dma_start3A_932 = tpu.memref_slice %arg3[%dma_start3A_930, %dma_start3A_931] : memref<1000000x32xf32, #tpu.memory_space<hbm>> -> memref<1000000x32xf32, #tpu.memory_space<hbm>>
      tpu.enqueue_indirect_dma source(%dma_start3A_932 : memref<1000000x32xf32, #tpu.memory_space<hbm>>) target(%dma_start3A_926 : memref<128x32xf32, #tpu.memory_space<vmem>>) offsets(%dma_start3A_929 : memref<128xi32, #tpu.memory_space<vmem>>) semaphore(%arg7 : memref<!tpu.dma_semaphore, #tpu.memory_space<semaphore_mem>>)
      %mul3A_933 = arith.constant 25 : i32
      %mul3A_934 = arith.muli %scan3A_905, %mul3A_933 : i32
      %add3A_935 = arith.constant 2 : i32
      %add3A_936 = arith.addi %mul3A_934, %add3A_935 : i32
      %dma_start3A_937 = arith.constant 256 : i32
      %dma_start3A_938 = arith.constant 0 : i32
      %dma_start3A_939 = tpu.memref_slice %arg6[%dma_start3A_937, %dma_start3A_938] : memref<3200x32xf32, #tpu.memory_space<vmem>> -> memref<128x32xf32, #tpu.memory_space<vmem>>
      %dma_start3A_940 = arith.constant 0 : i32
      %dma_start3A_941 = tpu.memref_slice %arg5[%add3A_936, %dma_start3A_940] : memref<200x128xi32, #tpu.memory_space<vmem>> -> memref<1x128xi32, #tpu.memory_space<vmem>>
      %dma_start3A_942 = tpu.memref_squeeze %dma_start3A_941 : memref<1x128xi32, #tpu.memory_space<vmem>> -> memref<128xi32, #tpu.memory_space<vmem>>
      %dma_start3A_943 = arith.constant 0 : i32
      %dma_start3A_944 = arith.constant 0 : i32
      %dma_start3A_945 = tpu.memref_slice %arg3[%dma_start3A_943, %dma_start3A_944] : memref<1000000x32xf32, #tpu.memory_space<hbm>> -> memref<1000000x32xf32, #tpu.memory_space<hbm>>
      tpu.enqueue_indirect_dma source(%dma_start3A_945 : memref<1000000x32xf32, #tpu.memory_space<hbm>>) target(%dma_start3A_939 : memref<128x32xf32, #tpu.memory_space<vmem>>) offsets(%dma_start3A_942 : memref<128xi32, #tpu.memory_space<vmem>>) semaphore(%arg7 : memref<!tpu.dma_semaphore, #tpu.memory_space<semaphore_mem>>)
      %mul3A_946 = arith.constant 25 : i32
      %mul3A_947 = arith.muli %scan3A_905, %mul3A_946 : i32
      %add3A_948 = arith.constant 3 : i32
      %add3A_949 = arith.addi %mul3A_947, %add3A_948 : i32
      %dma_start3A_950 = arith.constant 384 : i32
      %dma_start3A_951 = arith.constant 0 : i32
      %dma_start3A_952 = tpu.memref_slice %arg6[%dma_start3A_950, %dma_start3A_951] : memref<3200x32xf32, #tpu.memory_space<vmem>> -> memref<128x32xf32, #tpu.memory_space<vmem>>
      %dma_start3A_953 = arith.constant 0 : i32
      %dma_start3A_954 = tpu.memref_slice %arg5[%add3A_949, %dma_start3A_953] : memref<200x128xi32, #tpu.memory_space<vmem>> -> memref<1x128xi32, #tpu.memory_space<vmem>>
      %dma_start3A_955 = tpu.memref_squeeze %dma_start3A_954 : memref<1x128xi32, #tpu.memory_space<vmem>> -> memref<128xi32, #tpu.memory_space<vmem>>
      %dma_start3A_956 = arith.constant 0 : i32
      %dma_start3A_957 = arith.constant 0 : i32
      %dma_start3A_958 = tpu.memref_slice %arg3[%dma_start3A_956, %dma_start3A_957] : memref<1000000x32xf32, #tpu.memory_space<hbm>> -> memref<1000000x32xf32, #tpu.memory_space<hbm>>
      tpu.enqueue_indirect_dma source(%dma_start3A_958 : memref<1000000x32xf32, #tpu.memory_space<hbm>>) target(%dma_start3A_952 : memref<128x32xf32, #tpu.memory_space<vmem>>) offsets(%dma_start3A_955 : memref<128xi32, #tpu.memory_space<vmem>>) semaphore(%arg7 : memref<!tpu.dma_semaphore, #tpu.memory_space<semaphore_mem>>)
      %mul3A_959 = arith.constant 25 : i32
      %mul3A_960 = arith.muli %scan3A_905, %mul3A_959 : i32
      %add3A_961 = arith.constant 4 : i32
      %add3A_962 = arith.addi %mul3A_960, %add3A_961 : i32
      %dma_start3A_963 = arith.constant 512 : i32
      %dma_start3A_964 = arith.constant 0 : i32
      %dma_start3A_965 = tpu.memref_slice %arg6[%dma_start3A_963, %dma_start3A_964] : memref<3200x32xf32, #tpu.memory_space<vmem>> -> memref<128x32xf32, #tpu.memory_space<vmem>>
      %dma_start3A_966 = arith.constant 0 : i32
      %dma_start3A_967 = tpu.memref_slice %arg5[%add3A_962, %dma_start3A_966] : memref<200x128xi32, #tpu.memory_space<vmem>> -> memref<1x128xi32, #tpu.memory_space<vmem>>
      %dma_start3A_968 = tpu.memref_squeeze %dma_start3A_967 : memref<1x128xi32, #tpu.memory_space<vmem>> -> memref<128xi32, #tpu.memory_space<vmem>>
      %dma_start3A_969 = arith.constant 0 : i32
      %dma_start3A_970 = arith.constant 0 : i32
      %dma_start3A_971 = tpu.memref_slice %arg3[%dma_start3A_969, %dma_start3A_970] : memref<1000000x32xf32, #tpu.memory_space<hbm>> -> memref<1000000x32xf32, #tpu.memory_space<hbm>>
      tpu.enqueue_indirect_dma source(%dma_start3A_971 : memref<1000000x32xf32, #tpu.memory_space<hbm>>) target(%dma_start3A_965 : memref<128x32xf32, #tpu.memory_space<vmem>>) offsets(%dma_start3A_968 : memref<128xi32, #tpu.memory_space<vmem>>) semaphore(%arg7 : memref<!tpu.dma_semaphore, #tpu.memory_space<semaphore_mem>>)
      %mul3A_972 = arith.constant 25 : i32
      %mul3A_973 = arith.muli %scan3A_905, %mul3A_972 : i32
      %add3A_974 = arith.constant 5 : i32
      %add3A_975 = arith.addi %mul3A_973, %add3A_974 : i32
      %dma_start3A_976 = arith.constant 640 : i32
      %dma_start3A_977 = arith.constant 0 : i32
      %dma_start3A_978 = tpu.memref_slice %arg6[%dma_start3A_976, %dma_start3A_977] : memref<3200x32xf32, #tpu.memory_space<vmem>> -> memref<128x32xf32, #tpu.memory_space<vmem>>
      %dma_start3A_979 = arith.constant 0 : i32
      %dma_start3A_980 = tpu.memref_slice %arg5[%add3A_975, %dma_start3A_979] : memref<200x128xi32, #tpu.memory_space<vmem>> -> memref<1x128xi32, #tpu.memory_space<vmem>>
      %dma_start3A_981 = tpu.memref_squeeze %dma_start3A_980 : memref<1x128xi32, #tpu.memory_space<vmem>> -> memref<128xi32, #tpu.memory_space<vmem>>
      %dma_start3A_982 = arith.constant 0 : i32
      %dma_start3A_983 = arith.constant 0 : i32
      %dma_start3A_984 = tpu.memref_slice %arg3[%dma_start3A_982, %dma_start3A_983] : memref<1000000x32xf32, #tpu.memory_space<hbm>> -> memref<1000000x32xf32, #tpu.memory_space<hbm>>
      tpu.enqueue_indirect_dma source(%dma_start3A_984 : memref<1000000x32xf32, #tpu.memory_space<hbm>>) target(%dma_start3A_978 : memref<128x32xf32, #tpu.memory_space<vmem>>) offsets(%dma_start3A_981 : memref<128xi32, #tpu.memory_space<vmem>>) semaphore(%arg7 : memref<!tpu.dma_semaphore, #tpu.memory_space<semaphore_mem>>)
      %mul3A_985 = arith.constant 25 : i32
      %mul3A_986 = arith.muli %scan3A_905, %mul3A_985 : i32
      %add3A_987 = arith.constant 6 : i32
      %add3A_988 = arith.addi %mul3A_986, %add3A_987 : i32
      %dma_start3A_989 = arith.constant 768 : i32
      %dma_start3A_990 = arith.constant 0 : i32
      %dma_start3A_991 = tpu.memref_slice %arg6[%dma_start3A_989, %dma_start3A_990] : memref<3200x32xf32, #tpu.memory_space<vmem>> -> memref<128x32xf32, #tpu.memory_space<vmem>>
      %dma_start3A_992 = arith.constant 0 : i32
      %dma_start3A_993 = tpu.memref_slice %arg5[%add3A_988, %dma_start3A_992] : memref<200x128xi32, #tpu.memory_space<vmem>> -> memref<1x128xi32, #tpu.memory_space<vmem>>
      %dma_start3A_994 = tpu.memref_squeeze %dma_start3A_993 : memref<1x128xi32, #tpu.memory_space<vmem>> -> memref<128xi32, #tpu.memory_space<vmem>>
      %dma_start3A_995 = arith.constant 0 : i32
      %dma_start3A_996 = arith.constant 0 : i32
      %dma_start3A_997 = tpu.memref_slice %arg3[%dma_start3A_995, %dma_start3A_996] : memref<1000000x32xf32, #tpu.memory_space<hbm>> -> memref<1000000x32xf32, #tpu.memory_space<hbm>>
      tpu.enqueue_indirect_dma source(%dma_start3A_997 : memref<1000000x32xf32, #tpu.memory_space<hbm>>) target(%dma_start3A_991 : memref<128x32xf32, #tpu.memory_space<vmem>>) offsets(%dma_start3A_994 : memref<128xi32, #tpu.memory_space<vmem>>) semaphore(%arg7 : memref<!tpu.dma_semaphore, #tpu.memory_space<semaphore_mem>>)
      %mul3A_998 = arith.constant 25 : i32
      %mul3A_999 = arith.muli %scan3A_905, %mul3A_998 : i32
      %add3A_1000 = arith.constant 7 : i32
      %add3A_1001 = arith.addi %mul3A_999, %add3A_1000 : i32
      %dma_start3A_1002 = arith.constant 896 : i32
      %dma_start3A_1003 = arith.constant 0 : i32
      %dma_start3A_1004 = tpu.memref_slice %arg6[%dma_start3A_1002, %dma_start3A_1003] : memref<3200x32xf32, #tpu.memory_space<vmem>> -> memref<128x32xf32, #tpu.memory_space<vmem>>
      %dma_start3A_1005 = arith.constant 0 : i32
      %dma_start3A_1006 = tpu.memref_slice %arg5[%add3A_1001, %dma_start3A_1005] : memref<200x128xi32, #tpu.memory_space<vmem>> -> memref<1x128xi32, #tpu.memory_space<vmem>>
      %dma_start3A_1007 = tpu.memref_squeeze %dma_start3A_1006 : memref<1x128xi32, #tpu.memory_space<vmem>> -> memref<128xi32, #tpu.memory_space<vmem>>
      %dma_start3A_1008 = arith.constant 0 : i32
      %dma_start3A_1009 = arith.constant 0 : i32
      %dma_start3A_1010 = tpu.memref_slice %arg3[%dma_start3A_1008, %dma_start3A_1009] : memref<1000000x32xf32, #tpu.memory_space<hbm>> -> memref<1000000x32xf32, #tpu.memory_space<hbm>>
      tpu.enqueue_indirect_dma source(%dma_start3A_1010 : memref<1000000x32xf32, #tpu.memory_space<hbm>>) target(%dma_start3A_1004 : memref<128x32xf32, #tpu.memory_space<vmem>>) offsets(%dma_start3A_1007 : memref<128xi32, #tpu.memory_space<vmem>>) semaphore(%arg7 : memref<!tpu.dma_semaphore, #tpu.memory_space<semaphore_mem>>)
      %mul3A_1011 = arith.constant 25 : i32
      %mul3A_1012 = arith.muli %scan3A_905, %mul3A_1011 : i32
      %add3A_1013 = arith.constant 8 : i32
      %add3A_1014 = arith.addi %mul3A_1012, %add3A_1013 : i32
      %dma_start3A_1015 = arith.constant 1024 : i32
      %dma_start3A_1016 = arith.constant 0 : i32
      %dma_start3A_1017 = tpu.memref_slice %arg6[%dma_start3A_1015, %dma_start3A_1016] : memref<3200x32xf32, #tpu.memory_space<vmem>> -> memref<128x32xf32, #tpu.memory_space<vmem>>
      %dma_start3A_1018 = arith.constant 0 : i32
      %dma_start3A_1019 = tpu.memref_slice %arg5[%add3A_1014, %dma_start3A_1018] : memref<200x128xi32, #tpu.memory_space<vmem>> -> memref<1x128xi32, #tpu.memory_space<vmem>>
      %dma_start3A_1020 = tpu.memref_squeeze %dma_start3A_1019 : memref<1x128xi32, #tpu.memory_space<vmem>> -> memref<128xi32, #tpu.memory_space<vmem>>
      %dma_start3A_1021 = arith.constant 0 : i32
      %dma_start3A_1022 = arith.constant 0 : i32
      %dma_start3A_1023 = tpu.memref_slice %arg3[%dma_start3A_1021, %dma_start3A_1022] : memref<1000000x32xf32, #tpu.memory_space<hbm>> -> memref<1000000x32xf32, #tpu.memory_space<hbm>>
      tpu.enqueue_indirect_dma source(%dma_start3A_1023 : memref<1000000x32xf32, #tpu.memory_space<hbm>>) target(%dma_start3A_1017 : memref<128x32xf32, #tpu.memory_space<vmem>>) offsets(%dma_start3A_1020 : memref<128xi32, #tpu.memory_space<vmem>>) semaphore(%arg7 : memref<!tpu.dma_semaphore, #tpu.memory_space<semaphore_mem>>)
      %mul3A_1024 = arith.constant 25 : i32
      %mul3A_1025 = arith.muli %scan3A_905, %mul3A_1024 : i32
      %add3A_1026 = arith.constant 9 : i32
      %add3A_1027 = arith.addi %mul3A_1025, %add3A_1026 : i32
      %dma_start3A_1028 = arith.constant 1152 : i32
      %dma_start3A_1029 = arith.constant 0 : i32
      %dma_start3A_1030 = tpu.memref_slice %arg6[%dma_start3A_1028, %dma_start3A_1029] : memref<3200x32xf32, #tpu.memory_space<vmem>> -> memref<128x32xf32, #tpu.memory_space<vmem>>
      %dma_start3A_1031 = arith.constant 0 : i32
      %dma_start3A_1032 = tpu.memref_slice %arg5[%add3A_1027, %dma_start3A_1031] : memref<200x128xi32, #tpu.memory_space<vmem>> -> memref<1x128xi32, #tpu.memory_space<vmem>>
      %dma_start3A_1033 = tpu.memref_squeeze %dma_start3A_1032 : memref<1x128xi32, #tpu.memory_space<vmem>> -> memref<128xi32, #tpu.memory_space<vmem>>
      %dma_start3A_1034 = arith.constant 0 : i32
      %dma_start3A_1035 = arith.constant 0 : i32
      %dma_start3A_1036 = tpu.memref_slice %arg3[%dma_start3A_1034, %dma_start3A_1035] : memref<1000000x32xf32, #tpu.memory_space<hbm>> -> memref<1000000x32xf32, #tpu.memory_space<hbm>>
      tpu.enqueue_indirect_dma source(%dma_start3A_1036 : memref<1000000x32xf32, #tpu.memory_space<hbm>>) target(%dma_start3A_1030 : memref<128x32xf32, #tpu.memory_space<vmem>>) offsets(%dma_start3A_1033 : memref<128xi32, #tpu.memory_space<vmem>>) semaphore(%arg7 : memref<!tpu.dma_semaphore, #tpu.memory_space<semaphore_mem>>)
      %mul3A_1037 = arith.constant 25 : i32
      %mul3A_1038 = arith.muli %scan3A_905, %mul3A_1037 : i32
      %add3A_1039 = arith.constant 10 : i32
      %add3A_1040 = arith.addi %mul3A_1038, %add3A_1039 : i32
      %dma_start3A_1041 = arith.constant 1280 : i32
      %dma_start3A_1042 = arith.constant 0 : i32
      %dma_start3A_1043 = tpu.memref_slice %arg6[%dma_start3A_1041, %dma_start3A_1042] : memref<3200x32xf32, #tpu.memory_space<vmem>> -> memref<128x32xf32, #tpu.memory_space<vmem>>
      %dma_start3A_1044 = arith.constant 0 : i32
      %dma_start3A_1045 = tpu.memref_slice %arg5[%add3A_1040, %dma_start3A_1044] : memref<200x128xi32, #tpu.memory_space<vmem>> -> memref<1x128xi32, #tpu.memory_space<vmem>>
      %dma_start3A_1046 = tpu.memref_squeeze %dma_start3A_1045 : memref<1x128xi32, #tpu.memory_space<vmem>> -> memref<128xi32, #tpu.memory_space<vmem>>
      %dma_start3A_1047 = arith.constant 0 : i32
      %dma_start3A_1048 = arith.constant 0 : i32
      %dma_start3A_1049 = tpu.memref_slice %arg3[%dma_start3A_1047, %dma_start3A_1048] : memref<1000000x32xf32, #tpu.memory_space<hbm>> -> memref<1000000x32xf32, #tpu.memory_space<hbm>>
      tpu.enqueue_indirect_dma source(%dma_start3A_1049 : memref<1000000x32xf32, #tpu.memory_space<hbm>>) target(%dma_start3A_1043 : memref<128x32xf32, #tpu.memory_space<vmem>>) offsets(%dma_start3A_1046 : memref<128xi32, #tpu.memory_space<vmem>>) semaphore(%arg7 : memref<!tpu.dma_semaphore, #tpu.memory_space<semaphore_mem>>)
      %mul3A_1050 = arith.constant 25 : i32
      %mul3A_1051 = arith.muli %scan3A_905, %mul3A_1050 : i32
      %add3A_1052 = arith.constant 11 : i32
      %add3A_1053 = arith.addi %mul3A_1051, %add3A_1052 : i32
      %dma_start3A_1054 = arith.constant 1408 : i32
      %dma_start3A_1055 = arith.constant 0 : i32
      %dma_start3A_1056 = tpu.memref_slice %arg6[%dma_start3A_1054, %dma_start3A_1055] : memref<3200x32xf32, #tpu.memory_space<vmem>> -> memref<128x32xf32, #tpu.memory_space<vmem>>
      %dma_start3A_1057 = arith.constant 0 : i32
      %dma_start3A_1058 = tpu.memref_slice %arg5[%add3A_1053, %dma_start3A_1057] : memref<200x128xi32, #tpu.memory_space<vmem>> -> memref<1x128xi32, #tpu.memory_space<vmem>>
      %dma_start3A_1059 = tpu.memref_squeeze %dma_start3A_1058 : memref<1x128xi32, #tpu.memory_space<vmem>> -> memref<128xi32, #tpu.memory_space<vmem>>
      %dma_start3A_1060 = arith.constant 0 : i32
      %dma_start3A_1061 = arith.constant 0 : i32
      %dma_start3A_1062 = tpu.memref_slice %arg3[%dma_start3A_1060, %dma_start3A_1061] : memref<1000000x32xf32, #tpu.memory_space<hbm>> -> memref<1000000x32xf32, #tpu.memory_space<hbm>>
      tpu.enqueue_indirect_dma source(%dma_start3A_1062 : memref<1000000x32xf32, #tpu.memory_space<hbm>>) target(%dma_start3A_1056 : memref<128x32xf32, #tpu.memory_space<vmem>>) offsets(%dma_start3A_1059 : memref<128xi32, #tpu.memory_space<vmem>>) semaphore(%arg7 : memref<!tpu.dma_semaphore, #tpu.memory_space<semaphore_mem>>)
      %mul3A_1063 = arith.constant 25 : i32
      %mul3A_1064 = arith.muli %scan3A_905, %mul3A_1063 : i32
      %add3A_1065 = arith.constant 12 : i32
      %add3A_1066 = arith.addi %mul3A_1064, %add3A_1065 : i32
      %dma_start3A_1067 = arith.constant 1536 : i32
      %dma_start3A_1068 = arith.constant 0 : i32
      %dma_start3A_1069 = tpu.memref_slice %arg6[%dma_start3A_1067, %dma_start3A_1068] : memref<3200x32xf32, #tpu.memory_space<vmem>> -> memref<128x32xf32, #tpu.memory_space<vmem>>
      %dma_start3A_1070 = arith.constant 0 : i32
      %dma_start3A_1071 = tpu.memref_slice %arg5[%add3A_1066, %dma_start3A_1070] : memref<200x128xi32, #tpu.memory_space<vmem>> -> memref<1x128xi32, #tpu.memory_space<vmem>>
      %dma_start3A_1072 = tpu.memref_squeeze %dma_start3A_1071 : memref<1x128xi32, #tpu.memory_space<vmem>> -> memref<128xi32, #tpu.memory_space<vmem>>
      %dma_start3A_1073 = arith.constant 0 : i32
      %dma_start3A_1074 = arith.constant 0 : i32
      %dma_start3A_1075 = tpu.memref_slice %arg3[%dma_start3A_1073, %dma_start3A_1074] : memref<1000000x32xf32, #tpu.memory_space<hbm>> -> memref<1000000x32xf32, #tpu.memory_space<hbm>>
      tpu.enqueue_indirect_dma source(%dma_start3A_1075 : memref<1000000x32xf32, #tpu.memory_space<hbm>>) target(%dma_start3A_1069 : memref<128x32xf32, #tpu.memory_space<vmem>>) offsets(%dma_start3A_1072 : memref<128xi32, #tpu.memory_space<vmem>>) semaphore(%arg7 : memref<!tpu.dma_semaphore, #tpu.memory_space<semaphore_mem>>)
      %mul3A_1076 = arith.constant 25 : i32
      %mul3A_1077 = arith.muli %scan3A_905, %mul3A_1076 : i32
      %add3A_1078 = arith.constant 13 : i32
      %add3A_1079 = arith.addi %mul3A_1077, %add3A_1078 : i32
      %dma_start3A_1080 = arith.constant 1664 : i32
      %dma_start3A_1081 = arith.constant 0 : i32
      %dma_start3A_1082 = tpu.memref_slice %arg6[%dma_start3A_1080, %dma_start3A_1081] : memref<3200x32xf32, #tpu.memory_space<vmem>> -> memref<128x32xf32, #tpu.memory_space<vmem>>
      %dma_start3A_1083 = arith.constant 0 : i32
      %dma_start3A_1084 = tpu.memref_slice %arg5[%add3A_1079, %dma_start3A_1083] : memref<200x128xi32, #tpu.memory_space<vmem>> -> memref<1x128xi32, #tpu.memory_space<vmem>>
      %dma_start3A_1085 = tpu.memref_squeeze %dma_start3A_1084 : memref<1x128xi32, #tpu.memory_space<vmem>> -> memref<128xi32, #tpu.memory_space<vmem>>
      %dma_start3A_1086 = arith.constant 0 : i32
      %dma_start3A_1087 = arith.constant 0 : i32
      %dma_start3A_1088 = tpu.memref_slice %arg3[%dma_start3A_1086, %dma_start3A_1087] : memref<1000000x32xf32, #tpu.memory_space<hbm>> -> memref<1000000x32xf32, #tpu.memory_space<hbm>>
      tpu.enqueue_indirect_dma source(%dma_start3A_1088 : memref<1000000x32xf32, #tpu.memory_space<hbm>>) target(%dma_start3A_1082 : memref<128x32xf32, #tpu.memory_space<vmem>>) offsets(%dma_start3A_1085 : memref<128xi32, #tpu.memory_space<vmem>>) semaphore(%arg7 : memref<!tpu.dma_semaphore, #tpu.memory_space<semaphore_mem>>)
      %mul3A_1089 = arith.constant 25 : i32
      %mul3A_1090 = arith.muli %scan3A_905, %mul3A_1089 : i32
      %add3A_1091 = arith.constant 14 : i32
      %add3A_1092 = arith.addi %mul3A_1090, %add3A_1091 : i32
      %dma_start3A_1093 = arith.constant 1792 : i32
      %dma_start3A_1094 = arith.constant 0 : i32
      %dma_start3A_1095 = tpu.memref_slice %arg6[%dma_start3A_1093, %dma_start3A_1094] : memref<3200x32xf32, #tpu.memory_space<vmem>> -> memref<128x32xf32, #tpu.memory_space<vmem>>
      %dma_start3A_1096 = arith.constant 0 : i32
      %dma_start3A_1097 = tpu.memref_slice %arg5[%add3A_1092, %dma_start3A_1096] : memref<200x128xi32, #tpu.memory_space<vmem>> -> memref<1x128xi32, #tpu.memory_space<vmem>>
      %dma_start3A_1098 = tpu.memref_squeeze %dma_start3A_1097 : memref<1x128xi32, #tpu.memory_space<vmem>> -> memref<128xi32, #tpu.memory_space<vmem>>
      %dma_start3A_1099 = arith.constant 0 : i32
      %dma_start3A_1100 = arith.constant 0 : i32
      %dma_start3A_1101 = tpu.memref_slice %arg3[%dma_start3A_1099, %dma_start3A_1100] : memref<1000000x32xf32, #tpu.memory_space<hbm>> -> memref<1000000x32xf32, #tpu.memory_space<hbm>>
      tpu.enqueue_indirect_dma source(%dma_start3A_1101 : memref<1000000x32xf32, #tpu.memory_space<hbm>>) target(%dma_start3A_1095 : memref<128x32xf32, #tpu.memory_space<vmem>>) offsets(%dma_start3A_1098 : memref<128xi32, #tpu.memory_space<vmem>>) semaphore(%arg7 : memref<!tpu.dma_semaphore, #tpu.memory_space<semaphore_mem>>)
      %mul3A_1102 = arith.constant 25 : i32
      %mul3A_1103 = arith.muli %scan3A_905, %mul3A_1102 : i32
      %add3A_1104 = arith.constant 15 : i32
      %add3A_1105 = arith.addi %mul3A_1103, %add3A_1104 : i32
      %dma_start3A_1106 = arith.constant 1920 : i32
      %dma_start3A_1107 = arith.constant 0 : i32
      %dma_start3A_1108 = tpu.memref_slice %arg6[%dma_start3A_1106, %dma_start3A_1107] : memref<3200x32xf32, #tpu.memory_space<vmem>> -> memref<128x32xf32, #tpu.memory_space<vmem>>
      %dma_start3A_1109 = arith.constant 0 : i32
      %dma_start3A_1110 = tpu.memref_slice %arg5[%add3A_1105, %dma_start3A_1109] : memref<200x128xi32, #tpu.memory_space<vmem>> -> memref<1x128xi32, #tpu.memory_space<vmem>>
      %dma_start3A_1111 = tpu.memref_squeeze %dma_start3A_1110 : memref<1x128xi32, #tpu.memory_space<vmem>> -> memref<128xi32, #tpu.memory_space<vmem>>
      %dma_start3A_1112 = arith.constant 0 : i32
      %dma_start3A_1113 = arith.constant 0 : i32
      %dma_start3A_1114 = tpu.memref_slice %arg3[%dma_start3A_1112, %dma_start3A_1113] : memref<1000000x32xf32, #tpu.memory_space<hbm>> -> memref<1000000x32xf32, #tpu.memory_space<hbm>>
      tpu.enqueue_indirect_dma source(%dma_start3A_1114 : memref<1000000x32xf32, #tpu.memory_space<hbm>>) target(%dma_start3A_1108 : memref<128x32xf32, #tpu.memory_space<vmem>>) offsets(%dma_start3A_1111 : memref<128xi32, #tpu.memory_space<vmem>>) semaphore(%arg7 : memref<!tpu.dma_semaphore, #tpu.memory_space<semaphore_mem>>)
      %mul3A_1115 = arith.constant 25 : i32
      %mul3A_1116 = arith.muli %scan3A_905, %mul3A_1115 : i32
      %add3A_1117 = arith.constant 16 : i32
      %add3A_1118 = arith.addi %mul3A_1116, %add3A_1117 : i32
      %dma_start3A_1119 = arith.constant 2048 : i32
      %dma_start3A_1120 = arith.constant 0 : i32
      %dma_start3A_1121 = tpu.memref_slice %arg6[%dma_start3A_1119, %dma_start3A_1120] : memref<3200x32xf32, #tpu.memory_space<vmem>> -> memref<128x32xf32, #tpu.memory_space<vmem>>
      %dma_start3A_1122 = arith.constant 0 : i32
      %dma_start3A_1123 = tpu.memref_slice %arg5[%add3A_1118, %dma_start3A_1122] : memref<200x128xi32, #tpu.memory_space<vmem>> -> memref<1x128xi32, #tpu.memory_space<vmem>>
      %dma_start3A_1124 = tpu.memref_squeeze %dma_start3A_1123 : memref<1x128xi32, #tpu.memory_space<vmem>> -> memref<128xi32, #tpu.memory_space<vmem>>
      %dma_start3A_1125 = arith.constant 0 : i32
      %dma_start3A_1126 = arith.constant 0 : i32
      %dma_start3A_1127 = tpu.memref_slice %arg3[%dma_start3A_1125, %dma_start3A_1126] : memref<1000000x32xf32, #tpu.memory_space<hbm>> -> memref<1000000x32xf32, #tpu.memory_space<hbm>>
      tpu.enqueue_indirect_dma source(%dma_start3A_1127 : memref<1000000x32xf32, #tpu.memory_space<hbm>>) target(%dma_start3A_1121 : memref<128x32xf32, #tpu.memory_space<vmem>>) offsets(%dma_start3A_1124 : memref<128xi32, #tpu.memory_space<vmem>>) semaphore(%arg7 : memref<!tpu.dma_semaphore, #tpu.memory_space<semaphore_mem>>)
      %mul3A_1128 = arith.constant 25 : i32
      %mul3A_1129 = arith.muli %scan3A_905, %mul3A_1128 : i32
      %add3A_1130 = arith.constant 17 : i32
      %add3A_1131 = arith.addi %mul3A_1129, %add3A_1130 : i32
      %dma_start3A_1132 = arith.constant 2176 : i32
      %dma_start3A_1133 = arith.constant 0 : i32
      %dma_start3A_1134 = tpu.memref_slice %arg6[%dma_start3A_1132, %dma_start3A_1133] : memref<3200x32xf32, #tpu.memory_space<vmem>> -> memref<128x32xf32, #tpu.memory_space<vmem>>
      %dma_start3A_1135 = arith.constant 0 : i32
      %dma_start3A_1136 = tpu.memref_slice %arg5[%add3A_1131, %dma_start3A_1135] : memref<200x128xi32, #tpu.memory_space<vmem>> -> memref<1x128xi32, #tpu.memory_space<vmem>>
      %dma_start3A_1137 = tpu.memref_squeeze %dma_start3A_1136 : memref<1x128xi32, #tpu.memory_space<vmem>> -> memref<128xi32, #tpu.memory_space<vmem>>
      %dma_start3A_1138 = arith.constant 0 : i32
      %dma_start3A_1139 = arith.constant 0 : i32
      %dma_start3A_1140 = tpu.memref_slice %arg3[%dma_start3A_1138, %dma_start3A_1139] : memref<1000000x32xf32, #tpu.memory_space<hbm>> -> memref<1000000x32xf32, #tpu.memory_space<hbm>>
      tpu.enqueue_indirect_dma source(%dma_start3A_1140 : memref<1000000x32xf32, #tpu.memory_space<hbm>>) target(%dma_start3A_1134 : memref<128x32xf32, #tpu.memory_space<vmem>>) offsets(%dma_start3A_1137 : memref<128xi32, #tpu.memory_space<vmem>>) semaphore(%arg7 : memref<!tpu.dma_semaphore, #tpu.memory_space<semaphore_mem>>)
      %mul3A_1141 = arith.constant 25 : i32
      %mul3A_1142 = arith.muli %scan3A_905, %mul3A_1141 : i32
      %add3A_1143 = arith.constant 18 : i32
      %add3A_1144 = arith.addi %mul3A_1142, %add3A_1143 : i32
      %dma_start3A_1145 = arith.constant 2304 : i32
      %dma_start3A_1146 = arith.constant 0 : i32
      %dma_start3A_1147 = tpu.memref_slice %arg6[%dma_start3A_1145, %dma_start3A_1146] : memref<3200x32xf32, #tpu.memory_space<vmem>> -> memref<128x32xf32, #tpu.memory_space<vmem>>
      %dma_start3A_1148 = arith.constant 0 : i32
      %dma_start3A_1149 = tpu.memref_slice %arg5[%add3A_1144, %dma_start3A_1148] : memref<200x128xi32, #tpu.memory_space<vmem>> -> memref<1x128xi32, #tpu.memory_space<vmem>>
      %dma_start3A_1150 = tpu.memref_squeeze %dma_start3A_1149 : memref<1x128xi32, #tpu.memory_space<vmem>> -> memref<128xi32, #tpu.memory_space<vmem>>
      %dma_start3A_1151 = arith.constant 0 : i32
      %dma_start3A_1152 = arith.constant 0 : i32
      %dma_start3A_1153 = tpu.memref_slice %arg3[%dma_start3A_1151, %dma_start3A_1152] : memref<1000000x32xf32, #tpu.memory_space<hbm>> -> memref<1000000x32xf32, #tpu.memory_space<hbm>>
      tpu.enqueue_indirect_dma source(%dma_start3A_1153 : memref<1000000x32xf32, #tpu.memory_space<hbm>>) target(%dma_start3A_1147 : memref<128x32xf32, #tpu.memory_space<vmem>>) offsets(%dma_start3A_1150 : memref<128xi32, #tpu.memory_space<vmem>>) semaphore(%arg7 : memref<!tpu.dma_semaphore, #tpu.memory_space<semaphore_mem>>)
      %mul3A_1154 = arith.constant 25 : i32
      %mul3A_1155 = arith.muli %scan3A_905, %mul3A_1154 : i32
      %add3A_1156 = arith.constant 19 : i32
      %add3A_1157 = arith.addi %mul3A_1155, %add3A_1156 : i32
      %dma_start3A_1158 = arith.constant 2432 : i32
      %dma_start3A_1159 = arith.constant 0 : i32
      %dma_start3A_1160 = tpu.memref_slice %arg6[%dma_start3A_1158, %dma_start3A_1159] : memref<3200x32xf32, #tpu.memory_space<vmem>> -> memref<128x32xf32, #tpu.memory_space<vmem>>
      %dma_start3A_1161 = arith.constant 0 : i32
      %dma_start3A_1162 = tpu.memref_slice %arg5[%add3A_1157, %dma_start3A_1161] : memref<200x128xi32, #tpu.memory_space<vmem>> -> memref<1x128xi32, #tpu.memory_space<vmem>>
      %dma_start3A_1163 = tpu.memref_squeeze %dma_start3A_1162 : memref<1x128xi32, #tpu.memory_space<vmem>> -> memref<128xi32, #tpu.memory_space<vmem>>
      %dma_start3A_1164 = arith.constant 0 : i32
      %dma_start3A_1165 = arith.constant 0 : i32
      %dma_start3A_1166 = tpu.memref_slice %arg3[%dma_start3A_1164, %dma_start3A_1165] : memref<1000000x32xf32, #tpu.memory_space<hbm>> -> memref<1000000x32xf32, #tpu.memory_space<hbm>>
      tpu.enqueue_indirect_dma source(%dma_start3A_1166 : memref<1000000x32xf32, #tpu.memory_space<hbm>>) target(%dma_start3A_1160 : memref<128x32xf32, #tpu.memory_space<vmem>>) offsets(%dma_start3A_1163 : memref<128xi32, #tpu.memory_space<vmem>>) semaphore(%arg7 : memref<!tpu.dma_semaphore, #tpu.memory_space<semaphore_mem>>)
      %mul3A_1167 = arith.constant 25 : i32
      %mul3A_1168 = arith.muli %scan3A_905, %mul3A_1167 : i32
      %add3A_1169 = arith.constant 20 : i32
      %add3A_1170 = arith.addi %mul3A_1168, %add3A_1169 : i32
      %dma_start3A_1171 = arith.constant 2560 : i32
      %dma_start3A_1172 = arith.constant 0 : i32
      %dma_start3A_1173 = tpu.memref_slice %arg6[%dma_start3A_1171, %dma_start3A_1172] : memref<3200x32xf32, #tpu.memory_space<vmem>> -> memref<128x32xf32, #tpu.memory_space<vmem>>
      %dma_start3A_1174 = arith.constant 0 : i32
      %dma_start3A_1175 = tpu.memref_slice %arg5[%add3A_1170, %dma_start3A_1174] : memref<200x128xi32, #tpu.memory_space<vmem>> -> memref<1x128xi32, #tpu.memory_space<vmem>>
      %dma_start3A_1176 = tpu.memref_squeeze %dma_start3A_1175 : memref<1x128xi32, #tpu.memory_space<vmem>> -> memref<128xi32, #tpu.memory_space<vmem>>
      %dma_start3A_1177 = arith.constant 0 : i32
      %dma_start3A_1178 = arith.constant 0 : i32
      %dma_start3A_1179 = tpu.memref_slice %arg3[%dma_start3A_1177, %dma_start3A_1178] : memref<1000000x32xf32, #tpu.memory_space<hbm>> -> memref<1000000x32xf32, #tpu.memory_space<hbm>>
      tpu.enqueue_indirect_dma source(%dma_start3A_1179 : memref<1000000x32xf32, #tpu.memory_space<hbm>>) target(%dma_start3A_1173 : memref<128x32xf32, #tpu.memory_space<vmem>>) offsets(%dma_start3A_1176 : memref<128xi32, #tpu.memory_space<vmem>>) semaphore(%arg7 : memref<!tpu.dma_semaphore, #tpu.memory_space<semaphore_mem>>)
      %mul3A_1180 = arith.constant 25 : i32
      %mul3A_1181 = arith.muli %scan3A_905, %mul3A_1180 : i32
      %add3A_1182 = arith.constant 21 : i32
      %add3A_1183 = arith.addi %mul3A_1181, %add3A_1182 : i32
      %dma_start3A_1184 = arith.constant 2688 : i32
      %dma_start3A_1185 = arith.constant 0 : i32
      %dma_start3A_1186 = tpu.memref_slice %arg6[%dma_start3A_1184, %dma_start3A_1185] : memref<3200x32xf32, #tpu.memory_space<vmem>> -> memref<128x32xf32, #tpu.memory_space<vmem>>
      %dma_start3A_1187 = arith.constant 0 : i32
      %dma_start3A_1188 = tpu.memref_slice %arg5[%add3A_1183, %dma_start3A_1187] : memref<200x128xi32, #tpu.memory_space<vmem>> -> memref<1x128xi32, #tpu.memory_space<vmem>>
      %dma_start3A_1189 = tpu.memref_squeeze %dma_start3A_1188 : memref<1x128xi32, #tpu.memory_space<vmem>> -> memref<128xi32, #tpu.memory_space<vmem>>
      %dma_start3A_1190 = arith.constant 0 : i32
      %dma_start3A_1191 = arith.constant 0 : i32
      %dma_start3A_1192 = tpu.memref_slice %arg3[%dma_start3A_1190, %dma_start3A_1191] : memref<1000000x32xf32, #tpu.memory_space<hbm>> -> memref<1000000x32xf32, #tpu.memory_space<hbm>>
      tpu.enqueue_indirect_dma source(%dma_start3A_1192 : memref<1000000x32xf32, #tpu.memory_space<hbm>>) target(%dma_start3A_1186 : memref<128x32xf32, #tpu.memory_space<vmem>>) offsets(%dma_start3A_1189 : memref<128xi32, #tpu.memory_space<vmem>>) semaphore(%arg7 : memref<!tpu.dma_semaphore, #tpu.memory_space<semaphore_mem>>)
      %mul3A_1193 = arith.constant 25 : i32
      %mul3A_1194 = arith.muli %scan3A_905, %mul3A_1193 : i32
      %add3A_1195 = arith.constant 22 : i32
      %add3A_1196 = arith.addi %mul3A_1194, %add3A_1195 : i32
      %dma_start3A_1197 = arith.constant 2816 : i32
      %dma_start3A_1198 = arith.constant 0 : i32
      %dma_start3A_1199 = tpu.memref_slice %arg6[%dma_start3A_1197, %dma_start3A_1198] : memref<3200x32xf32, #tpu.memory_space<vmem>> -> memref<128x32xf32, #tpu.memory_space<vmem>>
      %dma_start3A_1200 = arith.constant 0 : i32
      %dma_start3A_1201 = tpu.memref_slice %arg5[%add3A_1196, %dma_start3A_1200] : memref<200x128xi32, #tpu.memory_space<vmem>> -> memref<1x128xi32, #tpu.memory_space<vmem>>
      %dma_start3A_1202 = tpu.memref_squeeze %dma_start3A_1201 : memref<1x128xi32, #tpu.memory_space<vmem>> -> memref<128xi32, #tpu.memory_space<vmem>>
      %dma_start3A_1203 = arith.constant 0 : i32
      %dma_start3A_1204 = arith.constant 0 : i32
      %dma_start3A_1205 = tpu.memref_slice %arg3[%dma_start3A_1203, %dma_start3A_1204] : memref<1000000x32xf32, #tpu.memory_space<hbm>> -> memref<1000000x32xf32, #tpu.memory_space<hbm>>
      tpu.enqueue_indirect_dma source(%dma_start3A_1205 : memref<1000000x32xf32, #tpu.memory_space<hbm>>) target(%dma_start3A_1199 : memref<128x32xf32, #tpu.memory_space<vmem>>) offsets(%dma_start3A_1202 : memref<128xi32, #tpu.memory_space<vmem>>) semaphore(%arg7 : memref<!tpu.dma_semaphore, #tpu.memory_space<semaphore_mem>>)
      %mul3A_1206 = arith.constant 25 : i32
      %mul3A_1207 = arith.muli %scan3A_905, %mul3A_1206 : i32
      %add3A_1208 = arith.constant 23 : i32
      %add3A_1209 = arith.addi %mul3A_1207, %add3A_1208 : i32
      %dma_start3A_1210 = arith.constant 2944 : i32
      %dma_start3A_1211 = arith.constant 0 : i32
      %dma_start3A_1212 = tpu.memref_slice %arg6[%dma_start3A_1210, %dma_start3A_1211] : memref<3200x32xf32, #tpu.memory_space<vmem>> -> memref<128x32xf32, #tpu.memory_space<vmem>>
      %dma_start3A_1213 = arith.constant 0 : i32
      %dma_start3A_1214 = tpu.memref_slice %arg5[%add3A_1209, %dma_start3A_1213] : memref<200x128xi32, #tpu.memory_space<vmem>> -> memref<1x128xi32, #tpu.memory_space<vmem>>
      %dma_start3A_1215 = tpu.memref_squeeze %dma_start3A_1214 : memref<1x128xi32, #tpu.memory_space<vmem>> -> memref<128xi32, #tpu.memory_space<vmem>>
      %dma_start3A_1216 = arith.constant 0 : i32
      %dma_start3A_1217 = arith.constant 0 : i32
      %dma_start3A_1218 = tpu.memref_slice %arg3[%dma_start3A_1216, %dma_start3A_1217] : memref<1000000x32xf32, #tpu.memory_space<hbm>> -> memref<1000000x32xf32, #tpu.memory_space<hbm>>
      tpu.enqueue_indirect_dma source(%dma_start3A_1218 : memref<1000000x32xf32, #tpu.memory_space<hbm>>) target(%dma_start3A_1212 : memref<128x32xf32, #tpu.memory_space<vmem>>) offsets(%dma_start3A_1215 : memref<128xi32, #tpu.memory_space<vmem>>) semaphore(%arg7 : memref<!tpu.dma_semaphore, #tpu.memory_space<semaphore_mem>>)
      %mul3A_1219 = arith.constant 25 : i32
      %mul3A_1220 = arith.muli %scan3A_905, %mul3A_1219 : i32
      %add3A_1221 = arith.constant 24 : i32
      %add3A_1222 = arith.addi %mul3A_1220, %add3A_1221 : i32
      %dma_start3A_1223 = arith.constant 3072 : i32
      %dma_start3A_1224 = arith.constant 0 : i32
      %dma_start3A_1225 = tpu.memref_slice %arg6[%dma_start3A_1223, %dma_start3A_1224] : memref<3200x32xf32, #tpu.memory_space<vmem>> -> memref<128x32xf32, #tpu.memory_space<vmem>>
      %dma_start3A_1226 = arith.constant 0 : i32
      %dma_start3A_1227 = tpu.memref_slice %arg5[%add3A_1222, %dma_start3A_1226] : memref<200x128xi32, #tpu.memory_space<vmem>> -> memref<1x128xi32, #tpu.memory_space<vmem>>
      %dma_start3A_1228 = tpu.memref_squeeze %dma_start3A_1227 : memref<1x128xi32, #tpu.memory_space<vmem>> -> memref<128xi32, #tpu.memory_space<vmem>>
      %dma_start3A_1229 = arith.constant 0 : i32
      %dma_start3A_1230 = arith.constant 0 : i32
      %dma_start3A_1231 = tpu.memref_slice %arg3[%dma_start3A_1229, %dma_start3A_1230] : memref<1000000x32xf32, #tpu.memory_space<hbm>> -> memref<1000000x32xf32, #tpu.memory_space<hbm>>
      tpu.enqueue_indirect_dma source(%dma_start3A_1231 : memref<1000000x32xf32, #tpu.memory_space<hbm>>) target(%dma_start3A_1225 : memref<128x32xf32, #tpu.memory_space<vmem>>) offsets(%dma_start3A_1228 : memref<128xi32, #tpu.memory_space<vmem>>) semaphore(%arg7 : memref<!tpu.dma_semaphore, #tpu.memory_space<semaphore_mem>>)
      %dma_wait3A_1232 = arith.constant 0 : i32
      %dma_wait3A_1233 = arith.constant 0 : i32
      %dma_wait3A_1234 = tpu.memref_slice %arg6[%dma_wait3A_1232, %dma_wait3A_1233] : memref<3200x32xf32, #tpu.memory_space<vmem>> -> memref<128x32xf32, #tpu.memory_space<vmem>>
      %dma_wait3A_1235 = arith.constant 0 : i32
      %dma_wait3A_1236 = tpu.memref_slice %arg5[%add3A_911, %dma_wait3A_1235] : memref<200x128xi32, #tpu.memory_space<vmem>> -> memref<1x128xi32, #tpu.memory_space<vmem>>
      %dma_wait3A_1237 = tpu.memref_squeeze %dma_wait3A_1236 : memref<1x128xi32, #tpu.memory_space<vmem>> -> memref<128xi32, #tpu.memory_space<vmem>>
      %dma_wait3A_1238 = arith.constant 0 : i32
      %dma_wait3A_1239 = arith.constant 0 : i32
      %dma_wait3A_1240 = tpu.memref_slice %arg3[%dma_wait3A_1238, %dma_wait3A_1239] : memref<1000000x32xf32, #tpu.memory_space<hbm>> -> memref<1000000x32xf32, #tpu.memory_space<hbm>>
      tpu.wait_indirect_dma semaphore(%arg7 : memref<!tpu.dma_semaphore, #tpu.memory_space<semaphore_mem>>) src(%dma_wait3A_1240 : memref<1000000x32xf32, #tpu.memory_space<hbm>>) dst(%dma_wait3A_1234 : memref<128x32xf32, #tpu.memory_space<vmem>>)
      %mul3A_1241 = arith.constant 64 : i32
      %mul3A_1242 = arith.muli %scan3A_905, %mul3A_1241 : i32
      %add3A_1243 = arith.addi %mul3A_4, %mul3A_1242 : i32
      %add3A_1244 = arith.constant 0 : i32
      %add3A_1245 = arith.addi %add3A_1243, %add3A_1244 : i32
      %dma_start3A_1246 = arith.constant 0 : i32
      %dma_start3A_1247 = arith.constant 0 : i32
      %dma_start3A_1248 = tpu.memref_slice %arg6[%dma_start3A_1246, %dma_start3A_1247] : memref<3200x32xf32, #tpu.memory_space<vmem>> -> memref<50x32xf32, #tpu.memory_space<vmem>>
      %dma_start3A_1249 = arith.constant 0 : i32
      %dma_start3A_1250 = arith.constant 0 : i32
      %dma_start3A_1251 = tpu.memref_slice %arg4[%add3A_1245, %dma_start3A_1249, %dma_start3A_1250] : memref<16384x50x32xf32, #tpu.memory_space<hbm>> -> memref<1x50x32xf32, #tpu.memory_space<hbm>>
      %dma_start3A_1252 = tpu.memref_squeeze %dma_start3A_1251 : memref<1x50x32xf32, #tpu.memory_space<hbm>> -> memref<50x32xf32, #tpu.memory_space<hbm>>
      %dma_start3A_1253 = arith.constant 0 : i32
      %dma_start3A_1254 = arith.constant 0 : i32
      %dma_start3A_1255 = tpu.memref_slice %arg4[%add3A_1245, %dma_start3A_1253, %dma_start3A_1254] : memref<16384x50x32xf32, #tpu.memory_space<hbm>> -> memref<1x50x32xf32, #tpu.memory_space<hbm>>
      %dma_start3A_1256 = tpu.memref_squeeze %dma_start3A_1255 : memref<1x50x32xf32, #tpu.memory_space<hbm>> -> memref<50x32xf32, #tpu.memory_space<hbm>>
      %dma_start3A_1257 = arith.constant 0 : i32
      %dma_start3A_1258 = arith.constant 0 : i32
      %dma_start3A_1259 = tpu.memref_slice %arg6[%dma_start3A_1257, %dma_start3A_1258] : memref<3200x32xf32, #tpu.memory_space<vmem>> -> memref<50x32xf32, #tpu.memory_space<vmem>>
      tpu.enqueue_dma source(%dma_start3A_1259 : memref<50x32xf32, #tpu.memory_space<vmem>>) target(%dma_start3A_1256 : memref<50x32xf32, #tpu.memory_space<hbm>>) target_semaphore(%arg8 : memref<!tpu.dma_semaphore, #tpu.memory_space<semaphore_mem>>)
      %mul3A_1260 = arith.constant 64 : i32
      %mul3A_1261 = arith.muli %scan3A_905, %mul3A_1260 : i32
      %add3A_1262 = arith.addi %mul3A_4, %mul3A_1261 : i32
      %add3A_1263 = arith.constant 1 : i32
      %add3A_1264 = arith.addi %add3A_1262, %add3A_1263 : i32
      %dma_start3A_1265 = arith.constant 50 : i32
      %dma_start3A_1266 = arith.constant 0 : i32
      %dma_start3A_1267 = tpu.memref_slice %arg6[%dma_start3A_1265, %dma_start3A_1266] : memref<3200x32xf32, #tpu.memory_space<vmem>> -> memref<50x32xf32, #tpu.memory_space<vmem>>
      %dma_start3A_1268 = arith.constant 0 : i32
      %dma_start3A_1269 = arith.constant 0 : i32
      %dma_start3A_1270 = tpu.memref_slice %arg4[%add3A_1264, %dma_start3A_1268, %dma_start3A_1269] : memref<16384x50x32xf32, #tpu.memory_space<hbm>> -> memref<1x50x32xf32, #tpu.memory_space<hbm>>
      %dma_start3A_1271 = tpu.memref_squeeze %dma_start3A_1270 : memref<1x50x32xf32, #tpu.memory_space<hbm>> -> memref<50x32xf32, #tpu.memory_space<hbm>>
      %dma_start3A_1272 = arith.constant 0 : i32
      %dma_start3A_1273 = arith.constant 0 : i32
      %dma_start3A_1274 = tpu.memref_slice %arg4[%add3A_1264, %dma_start3A_1272, %dma_start3A_1273] : memref<16384x50x32xf32, #tpu.memory_space<hbm>> -> memref<1x50x32xf32, #tpu.memory_space<hbm>>
      %dma_start3A_1275 = tpu.memref_squeeze %dma_start3A_1274 : memref<1x50x32xf32, #tpu.memory_space<hbm>> -> memref<50x32xf32, #tpu.memory_space<hbm>>
      %dma_start3A_1276 = arith.constant 50 : i32
      %dma_start3A_1277 = arith.constant 0 : i32
      %dma_start3A_1278 = tpu.memref_slice %arg6[%dma_start3A_1276, %dma_start3A_1277] : memref<3200x32xf32, #tpu.memory_space<vmem>> -> memref<50x32xf32, #tpu.memory_space<vmem>>
      tpu.enqueue_dma source(%dma_start3A_1278 : memref<50x32xf32, #tpu.memory_space<vmem>>) target(%dma_start3A_1275 : memref<50x32xf32, #tpu.memory_space<hbm>>) target_semaphore(%arg8 : memref<!tpu.dma_semaphore, #tpu.memory_space<semaphore_mem>>)
      %dma_wait3A_1279 = arith.constant 128 : i32
      %dma_wait3A_1280 = arith.constant 0 : i32
      %dma_wait3A_1281 = tpu.memref_slice %arg6[%dma_wait3A_1279, %dma_wait3A_1280] : memref<3200x32xf32, #tpu.memory_space<vmem>> -> memref<128x32xf32, #tpu.memory_space<vmem>>
      %dma_wait3A_1282 = arith.constant 0 : i32
      %dma_wait3A_1283 = tpu.memref_slice %arg5[%add3A_923, %dma_wait3A_1282] : memref<200x128xi32, #tpu.memory_space<vmem>> -> memref<1x128xi32, #tpu.memory_space<vmem>>
      %dma_wait3A_1284 = tpu.memref_squeeze %dma_wait3A_1283 : memref<1x128xi32, #tpu.memory_space<vmem>> -> memref<128xi32, #tpu.memory_space<vmem>>
      %dma_wait3A_1285 = arith.constant 0 : i32
      %dma_wait3A_1286 = arith.constant 0 : i32
      %dma_wait3A_1287 = tpu.memref_slice %arg3[%dma_wait3A_1285, %dma_wait3A_1286] : memref<1000000x32xf32, #tpu.memory_space<hbm>> -> memref<1000000x32xf32, #tpu.memory_space<hbm>>
      tpu.wait_indirect_dma semaphore(%arg7 : memref<!tpu.dma_semaphore, #tpu.memory_space<semaphore_mem>>) src(%dma_wait3A_1287 : memref<1000000x32xf32, #tpu.memory_space<hbm>>) dst(%dma_wait3A_1281 : memref<128x32xf32, #tpu.memory_space<vmem>>)
      %mul3A_1288 = arith.constant 64 : i32
      %mul3A_1289 = arith.muli %scan3A_905, %mul3A_1288 : i32
      %add3A_1290 = arith.addi %mul3A_4, %mul3A_1289 : i32
      %add3A_1291 = arith.constant 2 : i32
      %add3A_1292 = arith.addi %add3A_1290, %add3A_1291 : i32
      %dma_start3A_1293 = arith.constant 100 : i32
      %dma_start3A_1294 = arith.constant 0 : i32
      %dma_start3A_1295 = tpu.memref_slice %arg6[%dma_start3A_1293, %dma_start3A_1294] : memref<3200x32xf32, #tpu.memory_space<vmem>> -> memref<50x32xf32, #tpu.memory_space<vmem>>
      %dma_start3A_1296 = arith.constant 0 : i32
      %dma_start3A_1297 = arith.constant 0 : i32
      %dma_start3A_1298 = tpu.memref_slice %arg4[%add3A_1292, %dma_start3A_1296, %dma_start3A_1297] : memref<16384x50x32xf32, #tpu.memory_space<hbm>> -> memref<1x50x32xf32, #tpu.memory_space<hbm>>
      %dma_start3A_1299 = tpu.memref_squeeze %dma_start3A_1298 : memref<1x50x32xf32, #tpu.memory_space<hbm>> -> memref<50x32xf32, #tpu.memory_space<hbm>>
      %dma_start3A_1300 = arith.constant 0 : i32
      %dma_start3A_1301 = arith.constant 0 : i32
      %dma_start3A_1302 = tpu.memref_slice %arg4[%add3A_1292, %dma_start3A_1300, %dma_start3A_1301] : memref<16384x50x32xf32, #tpu.memory_space<hbm>> -> memref<1x50x32xf32, #tpu.memory_space<hbm>>
      %dma_start3A_1303 = tpu.memref_squeeze %dma_start3A_1302 : memref<1x50x32xf32, #tpu.memory_space<hbm>> -> memref<50x32xf32, #tpu.memory_space<hbm>>
      %dma_start3A_1304 = arith.constant 100 : i32
      %dma_start3A_1305 = arith.constant 0 : i32
      %dma_start3A_1306 = tpu.memref_slice %arg6[%dma_start3A_1304, %dma_start3A_1305] : memref<3200x32xf32, #tpu.memory_space<vmem>> -> memref<50x32xf32, #tpu.memory_space<vmem>>
      tpu.enqueue_dma source(%dma_start3A_1306 : memref<50x32xf32, #tpu.memory_space<vmem>>) target(%dma_start3A_1303 : memref<50x32xf32, #tpu.memory_space<hbm>>) target_semaphore(%arg8 : memref<!tpu.dma_semaphore, #tpu.memory_space<semaphore_mem>>)
      %mul3A_1307 = arith.constant 64 : i32
      %mul3A_1308 = arith.muli %scan3A_905, %mul3A_1307 : i32
      %add3A_1309 = arith.addi %mul3A_4, %mul3A_1308 : i32
      %add3A_1310 = arith.constant 3 : i32
      %add3A_1311 = arith.addi %add3A_1309, %add3A_1310 : i32
      %dma_start3A_1312 = arith.constant 150 : i32
      %dma_start3A_1313 = arith.constant 0 : i32
      %dma_start3A_1314 = tpu.memref_slice %arg6[%dma_start3A_1312, %dma_start3A_1313] : memref<3200x32xf32, #tpu.memory_space<vmem>> -> memref<50x32xf32, #tpu.memory_space<vmem>>
      %dma_start3A_1315 = arith.constant 0 : i32
      %dma_start3A_1316 = arith.constant 0 : i32
      %dma_start3A_1317 = tpu.memref_slice %arg4[%add3A_1311, %dma_start3A_1315, %dma_start3A_1316] : memref<16384x50x32xf32, #tpu.memory_space<hbm>> -> memref<1x50x32xf32, #tpu.memory_space<hbm>>
      %dma_start3A_1318 = tpu.memref_squeeze %dma_start3A_1317 : memref<1x50x32xf32, #tpu.memory_space<hbm>> -> memref<50x32xf32, #tpu.memory_space<hbm>>
      %dma_start3A_1319 = arith.constant 0 : i32
      %dma_start3A_1320 = arith.constant 0 : i32
      %dma_start3A_1321 = tpu.memref_slice %arg4[%add3A_1311, %dma_start3A_1319, %dma_start3A_1320] : memref<16384x50x32xf32, #tpu.memory_space<hbm>> -> memref<1x50x32xf32, #tpu.memory_space<hbm>>
      %dma_start3A_1322 = tpu.memref_squeeze %dma_start3A_1321 : memref<1x50x32xf32, #tpu.memory_space<hbm>> -> memref<50x32xf32, #tpu.memory_space<hbm>>
      %dma_start3A_1323 = arith.constant 150 : i32
      %dma_start3A_1324 = arith.constant 0 : i32
      %dma_start3A_1325 = tpu.memref_slice %arg6[%dma_start3A_1323, %dma_start3A_1324] : memref<3200x32xf32, #tpu.memory_space<vmem>> -> memref<50x32xf32, #tpu.memory_space<vmem>>
      tpu.enqueue_dma source(%dma_start3A_1325 : memref<50x32xf32, #tpu.memory_space<vmem>>) target(%dma_start3A_1322 : memref<50x32xf32, #tpu.memory_space<hbm>>) target_semaphore(%arg8 : memref<!tpu.dma_semaphore, #tpu.memory_space<semaphore_mem>>)
      %mul3A_1326 = arith.constant 64 : i32
      %mul3A_1327 = arith.muli %scan3A_905, %mul3A_1326 : i32
      %add3A_1328 = arith.addi %mul3A_4, %mul3A_1327 : i32
      %add3A_1329 = arith.constant 4 : i32
      %add3A_1330 = arith.addi %add3A_1328, %add3A_1329 : i32
      %dma_start3A_1331 = arith.constant 200 : i32
      %dma_start3A_1332 = arith.constant 0 : i32
      %dma_start3A_1333 = tpu.memref_slice %arg6[%dma_start3A_1331, %dma_start3A_1332] : memref<3200x32xf32, #tpu.memory_space<vmem>> -> memref<50x32xf32, #tpu.memory_space<vmem>>
      %dma_start3A_1334 = arith.constant 0 : i32
      %dma_start3A_1335 = arith.constant 0 : i32
      %dma_start3A_1336 = tpu.memref_slice %arg4[%add3A_1330, %dma_start3A_1334, %dma_start3A_1335] : memref<16384x50x32xf32, #tpu.memory_space<hbm>> -> memref<1x50x32xf32, #tpu.memory_space<hbm>>
      %dma_start3A_1337 = tpu.memref_squeeze %dma_start3A_1336 : memref<1x50x32xf32, #tpu.memory_space<hbm>> -> memref<50x32xf32, #tpu.memory_space<hbm>>
      %dma_start3A_1338 = arith.constant 0 : i32
      %dma_start3A_1339 = arith.constant 0 : i32
      %dma_start3A_1340 = tpu.memref_slice %arg4[%add3A_1330, %dma_start3A_1338, %dma_start3A_1339] : memref<16384x50x32xf32, #tpu.memory_space<hbm>> -> memref<1x50x32xf32, #tpu.memory_space<hbm>>
      %dma_start3A_1341 = tpu.memref_squeeze %dma_start3A_1340 : memref<1x50x32xf32, #tpu.memory_space<hbm>> -> memref<50x32xf32, #tpu.memory_space<hbm>>
      %dma_start3A_1342 = arith.constant 200 : i32
      %dma_start3A_1343 = arith.constant 0 : i32
      %dma_start3A_1344 = tpu.memref_slice %arg6[%dma_start3A_1342, %dma_start3A_1343] : memref<3200x32xf32, #tpu.memory_space<vmem>> -> memref<50x32xf32, #tpu.memory_space<vmem>>
      tpu.enqueue_dma source(%dma_start3A_1344 : memref<50x32xf32, #tpu.memory_space<vmem>>) target(%dma_start3A_1341 : memref<50x32xf32, #tpu.memory_space<hbm>>) target_semaphore(%arg8 : memref<!tpu.dma_semaphore, #tpu.memory_space<semaphore_mem>>)
      %dma_wait3A_1345 = arith.constant 256 : i32
      %dma_wait3A_1346 = arith.constant 0 : i32
      %dma_wait3A_1347 = tpu.memref_slice %arg6[%dma_wait3A_1345, %dma_wait3A_1346] : memref<3200x32xf32, #tpu.memory_space<vmem>> -> memref<128x32xf32, #tpu.memory_space<vmem>>
      %dma_wait3A_1348 = arith.constant 0 : i32
      %dma_wait3A_1349 = tpu.memref_slice %arg5[%add3A_936, %dma_wait3A_1348] : memref<200x128xi32, #tpu.memory_space<vmem>> -> memref<1x128xi32, #tpu.memory_space<vmem>>
      %dma_wait3A_1350 = tpu.memref_squeeze %dma_wait3A_1349 : memref<1x128xi32, #tpu.memory_space<vmem>> -> memref<128xi32, #tpu.memory_space<vmem>>
      %dma_wait3A_1351 = arith.constant 0 : i32
      %dma_wait3A_1352 = arith.constant 0 : i32
      %dma_wait3A_1353 = tpu.memref_slice %arg3[%dma_wait3A_1351, %dma_wait3A_1352] : memref<1000000x32xf32, #tpu.memory_space<hbm>> -> memref<1000000x32xf32, #tpu.memory_space<hbm>>
      tpu.wait_indirect_dma semaphore(%arg7 : memref<!tpu.dma_semaphore, #tpu.memory_space<semaphore_mem>>) src(%dma_wait3A_1353 : memref<1000000x32xf32, #tpu.memory_space<hbm>>) dst(%dma_wait3A_1347 : memref<128x32xf32, #tpu.memory_space<vmem>>)
      %mul3A_1354 = arith.constant 64 : i32
      %mul3A_1355 = arith.muli %scan3A_905, %mul3A_1354 : i32
      %add3A_1356 = arith.addi %mul3A_4, %mul3A_1355 : i32
      %add3A_1357 = arith.constant 5 : i32
      %add3A_1358 = arith.addi %add3A_1356, %add3A_1357 : i32
      %dma_start3A_1359 = arith.constant 250 : i32
      %dma_start3A_1360 = arith.constant 0 : i32
      %dma_start3A_1361 = tpu.memref_slice %arg6[%dma_start3A_1359, %dma_start3A_1360] : memref<3200x32xf32, #tpu.memory_space<vmem>> -> memref<50x32xf32, #tpu.memory_space<vmem>>
      %dma_start3A_1362 = arith.constant 0 : i32
      %dma_start3A_1363 = arith.constant 0 : i32
      %dma_start3A_1364 = tpu.memref_slice %arg4[%add3A_1358, %dma_start3A_1362, %dma_start3A_1363] : memref<16384x50x32xf32, #tpu.memory_space<hbm>> -> memref<1x50x32xf32, #tpu.memory_space<hbm>>
      %dma_start3A_1365 = tpu.memref_squeeze %dma_start3A_1364 : memref<1x50x32xf32, #tpu.memory_space<hbm>> -> memref<50x32xf32, #tpu.memory_space<hbm>>
      %dma_start3A_1366 = arith.constant 0 : i32
      %dma_start3A_1367 = arith.constant 0 : i32
      %dma_start3A_1368 = tpu.memref_slice %arg4[%add3A_1358, %dma_start3A_1366, %dma_start3A_1367] : memref<16384x50x32xf32, #tpu.memory_space<hbm>> -> memref<1x50x32xf32, #tpu.memory_space<hbm>>
      %dma_start3A_1369 = tpu.memref_squeeze %dma_start3A_1368 : memref<1x50x32xf32, #tpu.memory_space<hbm>> -> memref<50x32xf32, #tpu.memory_space<hbm>>
      %dma_start3A_1370 = arith.constant 250 : i32
      %dma_start3A_1371 = arith.constant 0 : i32
      %dma_start3A_1372 = tpu.memref_slice %arg6[%dma_start3A_1370, %dma_start3A_1371] : memref<3200x32xf32, #tpu.memory_space<vmem>> -> memref<50x32xf32, #tpu.memory_space<vmem>>
      tpu.enqueue_dma source(%dma_start3A_1372 : memref<50x32xf32, #tpu.memory_space<vmem>>) target(%dma_start3A_1369 : memref<50x32xf32, #tpu.memory_space<hbm>>) target_semaphore(%arg8 : memref<!tpu.dma_semaphore, #tpu.memory_space<semaphore_mem>>)
      %mul3A_1373 = arith.constant 64 : i32
      %mul3A_1374 = arith.muli %scan3A_905, %mul3A_1373 : i32
      %add3A_1375 = arith.addi %mul3A_4, %mul3A_1374 : i32
      %add3A_1376 = arith.constant 6 : i32
      %add3A_1377 = arith.addi %add3A_1375, %add3A_1376 : i32
      %dma_start3A_1378 = arith.constant 300 : i32
      %dma_start3A_1379 = arith.constant 0 : i32
      %dma_start3A_1380 = tpu.memref_slice %arg6[%dma_start3A_1378, %dma_start3A_1379] : memref<3200x32xf32, #tpu.memory_space<vmem>> -> memref<50x32xf32, #tpu.memory_space<vmem>>
      %dma_start3A_1381 = arith.constant 0 : i32
      %dma_start3A_1382 = arith.constant 0 : i32
      %dma_start3A_1383 = tpu.memref_slice %arg4[%add3A_1377, %dma_start3A_1381, %dma_start3A_1382] : memref<16384x50x32xf32, #tpu.memory_space<hbm>> -> memref<1x50x32xf32, #tpu.memory_space<hbm>>
      %dma_start3A_1384 = tpu.memref_squeeze %dma_start3A_1383 : memref<1x50x32xf32, #tpu.memory_space<hbm>> -> memref<50x32xf32, #tpu.memory_space<hbm>>
      %dma_start3A_1385 = arith.constant 0 : i32
      %dma_start3A_1386 = arith.constant 0 : i32
      %dma_start3A_1387 = tpu.memref_slice %arg4[%add3A_1377, %dma_start3A_1385, %dma_start3A_1386] : memref<16384x50x32xf32, #tpu.memory_space<hbm>> -> memref<1x50x32xf32, #tpu.memory_space<hbm>>
      %dma_start3A_1388 = tpu.memref_squeeze %dma_start3A_1387 : memref<1x50x32xf32, #tpu.memory_space<hbm>> -> memref<50x32xf32, #tpu.memory_space<hbm>>
      %dma_start3A_1389 = arith.constant 300 : i32
      %dma_start3A_1390 = arith.constant 0 : i32
      %dma_start3A_1391 = tpu.memref_slice %arg6[%dma_start3A_1389, %dma_start3A_1390] : memref<3200x32xf32, #tpu.memory_space<vmem>> -> memref<50x32xf32, #tpu.memory_space<vmem>>
      tpu.enqueue_dma source(%dma_start3A_1391 : memref<50x32xf32, #tpu.memory_space<vmem>>) target(%dma_start3A_1388 : memref<50x32xf32, #tpu.memory_space<hbm>>) target_semaphore(%arg8 : memref<!tpu.dma_semaphore, #tpu.memory_space<semaphore_mem>>)
      %dma_wait3A_1392 = arith.constant 384 : i32
      %dma_wait3A_1393 = arith.constant 0 : i32
      %dma_wait3A_1394 = tpu.memref_slice %arg6[%dma_wait3A_1392, %dma_wait3A_1393] : memref<3200x32xf32, #tpu.memory_space<vmem>> -> memref<128x32xf32, #tpu.memory_space<vmem>>
      %dma_wait3A_1395 = arith.constant 0 : i32
      %dma_wait3A_1396 = tpu.memref_slice %arg5[%add3A_949, %dma_wait3A_1395] : memref<200x128xi32, #tpu.memory_space<vmem>> -> memref<1x128xi32, #tpu.memory_space<vmem>>
      %dma_wait3A_1397 = tpu.memref_squeeze %dma_wait3A_1396 : memref<1x128xi32, #tpu.memory_space<vmem>> -> memref<128xi32, #tpu.memory_space<vmem>>
      %dma_wait3A_1398 = arith.constant 0 : i32
      %dma_wait3A_1399 = arith.constant 0 : i32
      %dma_wait3A_1400 = tpu.memref_slice %arg3[%dma_wait3A_1398, %dma_wait3A_1399] : memref<1000000x32xf32, #tpu.memory_space<hbm>> -> memref<1000000x32xf32, #tpu.memory_space<hbm>>
      tpu.wait_indirect_dma semaphore(%arg7 : memref<!tpu.dma_semaphore, #tpu.memory_space<semaphore_mem>>) src(%dma_wait3A_1400 : memref<1000000x32xf32, #tpu.memory_space<hbm>>) dst(%dma_wait3A_1394 : memref<128x32xf32, #tpu.memory_space<vmem>>)
      %mul3A_1401 = arith.constant 64 : i32
      %mul3A_1402 = arith.muli %scan3A_905, %mul3A_1401 : i32
      %add3A_1403 = arith.addi %mul3A_4, %mul3A_1402 : i32
      %add3A_1404 = arith.constant 7 : i32
      %add3A_1405 = arith.addi %add3A_1403, %add3A_1404 : i32
      %dma_start3A_1406 = arith.constant 350 : i32
      %dma_start3A_1407 = arith.constant 0 : i32
      %dma_start3A_1408 = tpu.memref_slice %arg6[%dma_start3A_1406, %dma_start3A_1407] : memref<3200x32xf32, #tpu.memory_space<vmem>> -> memref<50x32xf32, #tpu.memory_space<vmem>>
      %dma_start3A_1409 = arith.constant 0 : i32
      %dma_start3A_1410 = arith.constant 0 : i32
      %dma_start3A_1411 = tpu.memref_slice %arg4[%add3A_1405, %dma_start3A_1409, %dma_start3A_1410] : memref<16384x50x32xf32, #tpu.memory_space<hbm>> -> memref<1x50x32xf32, #tpu.memory_space<hbm>>
      %dma_start3A_1412 = tpu.memref_squeeze %dma_start3A_1411 : memref<1x50x32xf32, #tpu.memory_space<hbm>> -> memref<50x32xf32, #tpu.memory_space<hbm>>
      %dma_start3A_1413 = arith.constant 0 : i32
      %dma_start3A_1414 = arith.constant 0 : i32
      %dma_start3A_1415 = tpu.memref_slice %arg4[%add3A_1405, %dma_start3A_1413, %dma_start3A_1414] : memref<16384x50x32xf32, #tpu.memory_space<hbm>> -> memref<1x50x32xf32, #tpu.memory_space<hbm>>
      %dma_start3A_1416 = tpu.memref_squeeze %dma_start3A_1415 : memref<1x50x32xf32, #tpu.memory_space<hbm>> -> memref<50x32xf32, #tpu.memory_space<hbm>>
      %dma_start3A_1417 = arith.constant 350 : i32
      %dma_start3A_1418 = arith.constant 0 : i32
      %dma_start3A_1419 = tpu.memref_slice %arg6[%dma_start3A_1417, %dma_start3A_1418] : memref<3200x32xf32, #tpu.memory_space<vmem>> -> memref<50x32xf32, #tpu.memory_space<vmem>>
      tpu.enqueue_dma source(%dma_start3A_1419 : memref<50x32xf32, #tpu.memory_space<vmem>>) target(%dma_start3A_1416 : memref<50x32xf32, #tpu.memory_space<hbm>>) target_semaphore(%arg8 : memref<!tpu.dma_semaphore, #tpu.memory_space<semaphore_mem>>)
      %mul3A_1420 = arith.constant 64 : i32
      %mul3A_1421 = arith.muli %scan3A_905, %mul3A_1420 : i32
      %add3A_1422 = arith.addi %mul3A_4, %mul3A_1421 : i32
      %add3A_1423 = arith.constant 8 : i32
      %add3A_1424 = arith.addi %add3A_1422, %add3A_1423 : i32
      %dma_start3A_1425 = arith.constant 400 : i32
      %dma_start3A_1426 = arith.constant 0 : i32
      %dma_start3A_1427 = tpu.memref_slice %arg6[%dma_start3A_1425, %dma_start3A_1426] : memref<3200x32xf32, #tpu.memory_space<vmem>> -> memref<50x32xf32, #tpu.memory_space<vmem>>
      %dma_start3A_1428 = arith.constant 0 : i32
      %dma_start3A_1429 = arith.constant 0 : i32
      %dma_start3A_1430 = tpu.memref_slice %arg4[%add3A_1424, %dma_start3A_1428, %dma_start3A_1429] : memref<16384x50x32xf32, #tpu.memory_space<hbm>> -> memref<1x50x32xf32, #tpu.memory_space<hbm>>
      %dma_start3A_1431 = tpu.memref_squeeze %dma_start3A_1430 : memref<1x50x32xf32, #tpu.memory_space<hbm>> -> memref<50x32xf32, #tpu.memory_space<hbm>>
      %dma_start3A_1432 = arith.constant 0 : i32
      %dma_start3A_1433 = arith.constant 0 : i32
      %dma_start3A_1434 = tpu.memref_slice %arg4[%add3A_1424, %dma_start3A_1432, %dma_start3A_1433] : memref<16384x50x32xf32, #tpu.memory_space<hbm>> -> memref<1x50x32xf32, #tpu.memory_space<hbm>>
      %dma_start3A_1435 = tpu.memref_squeeze %dma_start3A_1434 : memref<1x50x32xf32, #tpu.memory_space<hbm>> -> memref<50x32xf32, #tpu.memory_space<hbm>>
      %dma_start3A_1436 = arith.constant 400 : i32
      %dma_start3A_1437 = arith.constant 0 : i32
      %dma_start3A_1438 = tpu.memref_slice %arg6[%dma_start3A_1436, %dma_start3A_1437] : memref<3200x32xf32, #tpu.memory_space<vmem>> -> memref<50x32xf32, #tpu.memory_space<vmem>>
      tpu.enqueue_dma source(%dma_start3A_1438 : memref<50x32xf32, #tpu.memory_space<vmem>>) target(%dma_start3A_1435 : memref<50x32xf32, #tpu.memory_space<hbm>>) target_semaphore(%arg8 : memref<!tpu.dma_semaphore, #tpu.memory_space<semaphore_mem>>)
      %mul3A_1439 = arith.constant 64 : i32
      %mul3A_1440 = arith.muli %scan3A_905, %mul3A_1439 : i32
      %add3A_1441 = arith.addi %mul3A_4, %mul3A_1440 : i32
      %add3A_1442 = arith.constant 9 : i32
      %add3A_1443 = arith.addi %add3A_1441, %add3A_1442 : i32
      %dma_start3A_1444 = arith.constant 450 : i32
      %dma_start3A_1445 = arith.constant 0 : i32
      %dma_start3A_1446 = tpu.memref_slice %arg6[%dma_start3A_1444, %dma_start3A_1445] : memref<3200x32xf32, #tpu.memory_space<vmem>> -> memref<50x32xf32, #tpu.memory_space<vmem>>
      %dma_start3A_1447 = arith.constant 0 : i32
      %dma_start3A_1448 = arith.constant 0 : i32
      %dma_start3A_1449 = tpu.memref_slice %arg4[%add3A_1443, %dma_start3A_1447, %dma_start3A_1448] : memref<16384x50x32xf32, #tpu.memory_space<hbm>> -> memref<1x50x32xf32, #tpu.memory_space<hbm>>
      %dma_start3A_1450 = tpu.memref_squeeze %dma_start3A_1449 : memref<1x50x32xf32, #tpu.memory_space<hbm>> -> memref<50x32xf32, #tpu.memory_space<hbm>>
      %dma_start3A_1451 = arith.constant 0 : i32
      %dma_start3A_1452 = arith.constant 0 : i32
      %dma_start3A_1453 = tpu.memref_slice %arg4[%add3A_1443, %dma_start3A_1451, %dma_start3A_1452] : memref<16384x50x32xf32, #tpu.memory_space<hbm>> -> memref<1x50x32xf32, #tpu.memory_space<hbm>>
      %dma_start3A_1454 = tpu.memref_squeeze %dma_start3A_1453 : memref<1x50x32xf32, #tpu.memory_space<hbm>> -> memref<50x32xf32, #tpu.memory_space<hbm>>
      %dma_start3A_1455 = arith.constant 450 : i32
      %dma_start3A_1456 = arith.constant 0 : i32
      %dma_start3A_1457 = tpu.memref_slice %arg6[%dma_start3A_1455, %dma_start3A_1456] : memref<3200x32xf32, #tpu.memory_space<vmem>> -> memref<50x32xf32, #tpu.memory_space<vmem>>
      tpu.enqueue_dma source(%dma_start3A_1457 : memref<50x32xf32, #tpu.memory_space<vmem>>) target(%dma_start3A_1454 : memref<50x32xf32, #tpu.memory_space<hbm>>) target_semaphore(%arg8 : memref<!tpu.dma_semaphore, #tpu.memory_space<semaphore_mem>>)
      %dma_wait3A_1458 = arith.constant 512 : i32
      %dma_wait3A_1459 = arith.constant 0 : i32
      %dma_wait3A_1460 = tpu.memref_slice %arg6[%dma_wait3A_1458, %dma_wait3A_1459] : memref<3200x32xf32, #tpu.memory_space<vmem>> -> memref<128x32xf32, #tpu.memory_space<vmem>>
      %dma_wait3A_1461 = arith.constant 0 : i32
      %dma_wait3A_1462 = tpu.memref_slice %arg5[%add3A_962, %dma_wait3A_1461] : memref<200x128xi32, #tpu.memory_space<vmem>> -> memref<1x128xi32, #tpu.memory_space<vmem>>
      %dma_wait3A_1463 = tpu.memref_squeeze %dma_wait3A_1462 : memref<1x128xi32, #tpu.memory_space<vmem>> -> memref<128xi32, #tpu.memory_space<vmem>>
      %dma_wait3A_1464 = arith.constant 0 : i32
      %dma_wait3A_1465 = arith.constant 0 : i32
      %dma_wait3A_1466 = tpu.memref_slice %arg3[%dma_wait3A_1464, %dma_wait3A_1465] : memref<1000000x32xf32, #tpu.memory_space<hbm>> -> memref<1000000x32xf32, #tpu.memory_space<hbm>>
      tpu.wait_indirect_dma semaphore(%arg7 : memref<!tpu.dma_semaphore, #tpu.memory_space<semaphore_mem>>) src(%dma_wait3A_1466 : memref<1000000x32xf32, #tpu.memory_space<hbm>>) dst(%dma_wait3A_1460 : memref<128x32xf32, #tpu.memory_space<vmem>>)
      %mul3A_1467 = arith.constant 64 : i32
      %mul3A_1468 = arith.muli %scan3A_905, %mul3A_1467 : i32
      %add3A_1469 = arith.addi %mul3A_4, %mul3A_1468 : i32
      %add3A_1470 = arith.constant 10 : i32
      %add3A_1471 = arith.addi %add3A_1469, %add3A_1470 : i32
      %dma_start3A_1472 = arith.constant 500 : i32
      %dma_start3A_1473 = arith.constant 0 : i32
      %dma_start3A_1474 = tpu.memref_slice %arg6[%dma_start3A_1472, %dma_start3A_1473] : memref<3200x32xf32, #tpu.memory_space<vmem>> -> memref<50x32xf32, #tpu.memory_space<vmem>>
      %dma_start3A_1475 = arith.constant 0 : i32
      %dma_start3A_1476 = arith.constant 0 : i32
      %dma_start3A_1477 = tpu.memref_slice %arg4[%add3A_1471, %dma_start3A_1475, %dma_start3A_1476] : memref<16384x50x32xf32, #tpu.memory_space<hbm>> -> memref<1x50x32xf32, #tpu.memory_space<hbm>>
      %dma_start3A_1478 = tpu.memref_squeeze %dma_start3A_1477 : memref<1x50x32xf32, #tpu.memory_space<hbm>> -> memref<50x32xf32, #tpu.memory_space<hbm>>
      %dma_start3A_1479 = arith.constant 0 : i32
      %dma_start3A_1480 = arith.constant 0 : i32
      %dma_start3A_1481 = tpu.memref_slice %arg4[%add3A_1471, %dma_start3A_1479, %dma_start3A_1480] : memref<16384x50x32xf32, #tpu.memory_space<hbm>> -> memref<1x50x32xf32, #tpu.memory_space<hbm>>
      %dma_start3A_1482 = tpu.memref_squeeze %dma_start3A_1481 : memref<1x50x32xf32, #tpu.memory_space<hbm>> -> memref<50x32xf32, #tpu.memory_space<hbm>>
      %dma_start3A_1483 = arith.constant 500 : i32
      %dma_start3A_1484 = arith.constant 0 : i32
      %dma_start3A_1485 = tpu.memref_slice %arg6[%dma_start3A_1483, %dma_start3A_1484] : memref<3200x32xf32, #tpu.memory_space<vmem>> -> memref<50x32xf32, #tpu.memory_space<vmem>>
      tpu.enqueue_dma source(%dma_start3A_1485 : memref<50x32xf32, #tpu.memory_space<vmem>>) target(%dma_start3A_1482 : memref<50x32xf32, #tpu.memory_space<hbm>>) target_semaphore(%arg8 : memref<!tpu.dma_semaphore, #tpu.memory_space<semaphore_mem>>)
      %mul3A_1486 = arith.constant 64 : i32
      %mul3A_1487 = arith.muli %scan3A_905, %mul3A_1486 : i32
      %add3A_1488 = arith.addi %mul3A_4, %mul3A_1487 : i32
      %add3A_1489 = arith.constant 11 : i32
      %add3A_1490 = arith.addi %add3A_1488, %add3A_1489 : i32
      %dma_start3A_1491 = arith.constant 550 : i32
      %dma_start3A_1492 = arith.constant 0 : i32
      %dma_start3A_1493 = tpu.memref_slice %arg6[%dma_start3A_1491, %dma_start3A_1492] : memref<3200x32xf32, #tpu.memory_space<vmem>> -> memref<50x32xf32, #tpu.memory_space<vmem>>
      %dma_start3A_1494 = arith.constant 0 : i32
      %dma_start3A_1495 = arith.constant 0 : i32
      %dma_start3A_1496 = tpu.memref_slice %arg4[%add3A_1490, %dma_start3A_1494, %dma_start3A_1495] : memref<16384x50x32xf32, #tpu.memory_space<hbm>> -> memref<1x50x32xf32, #tpu.memory_space<hbm>>
      %dma_start3A_1497 = tpu.memref_squeeze %dma_start3A_1496 : memref<1x50x32xf32, #tpu.memory_space<hbm>> -> memref<50x32xf32, #tpu.memory_space<hbm>>
      %dma_start3A_1498 = arith.constant 0 : i32
      %dma_start3A_1499 = arith.constant 0 : i32
      %dma_start3A_1500 = tpu.memref_slice %arg4[%add3A_1490, %dma_start3A_1498, %dma_start3A_1499] : memref<16384x50x32xf32, #tpu.memory_space<hbm>> -> memref<1x50x32xf32, #tpu.memory_space<hbm>>
      %dma_start3A_1501 = tpu.memref_squeeze %dma_start3A_1500 : memref<1x50x32xf32, #tpu.memory_space<hbm>> -> memref<50x32xf32, #tpu.memory_space<hbm>>
      %dma_start3A_1502 = arith.constant 550 : i32
      %dma_start3A_1503 = arith.constant 0 : i32
      %dma_start3A_1504 = tpu.memref_slice %arg6[%dma_start3A_1502, %dma_start3A_1503] : memref<3200x32xf32, #tpu.memory_space<vmem>> -> memref<50x32xf32, #tpu.memory_space<vmem>>
      tpu.enqueue_dma source(%dma_start3A_1504 : memref<50x32xf32, #tpu.memory_space<vmem>>) target(%dma_start3A_1501 : memref<50x32xf32, #tpu.memory_space<hbm>>) target_semaphore(%arg8 : memref<!tpu.dma_semaphore, #tpu.memory_space<semaphore_mem>>)
      %dma_wait3A_1505 = arith.constant 640 : i32
      %dma_wait3A_1506 = arith.constant 0 : i32
      %dma_wait3A_1507 = tpu.memref_slice %arg6[%dma_wait3A_1505, %dma_wait3A_1506] : memref<3200x32xf32, #tpu.memory_space<vmem>> -> memref<128x32xf32, #tpu.memory_space<vmem>>
      %dma_wait3A_1508 = arith.constant 0 : i32
      %dma_wait3A_1509 = tpu.memref_slice %arg5[%add3A_975, %dma_wait3A_1508] : memref<200x128xi32, #tpu.memory_space<vmem>> -> memref<1x128xi32, #tpu.memory_space<vmem>>
      %dma_wait3A_1510 = tpu.memref_squeeze %dma_wait3A_1509 : memref<1x128xi32, #tpu.memory_space<vmem>> -> memref<128xi32, #tpu.memory_space<vmem>>
      %dma_wait3A_1511 = arith.constant 0 : i32
      %dma_wait3A_1512 = arith.constant 0 : i32
      %dma_wait3A_1513 = tpu.memref_slice %arg3[%dma_wait3A_1511, %dma_wait3A_1512] : memref<1000000x32xf32, #tpu.memory_space<hbm>> -> memref<1000000x32xf32, #tpu.memory_space<hbm>>
      tpu.wait_indirect_dma semaphore(%arg7 : memref<!tpu.dma_semaphore, #tpu.memory_space<semaphore_mem>>) src(%dma_wait3A_1513 : memref<1000000x32xf32, #tpu.memory_space<hbm>>) dst(%dma_wait3A_1507 : memref<128x32xf32, #tpu.memory_space<vmem>>)
      %mul3A_1514 = arith.constant 64 : i32
      %mul3A_1515 = arith.muli %scan3A_905, %mul3A_1514 : i32
      %add3A_1516 = arith.addi %mul3A_4, %mul3A_1515 : i32
      %add3A_1517 = arith.constant 12 : i32
      %add3A_1518 = arith.addi %add3A_1516, %add3A_1517 : i32
      %dma_start3A_1519 = arith.constant 600 : i32
      %dma_start3A_1520 = arith.constant 0 : i32
      %dma_start3A_1521 = tpu.memref_slice %arg6[%dma_start3A_1519, %dma_start3A_1520] : memref<3200x32xf32, #tpu.memory_space<vmem>> -> memref<50x32xf32, #tpu.memory_space<vmem>>
      %dma_start3A_1522 = arith.constant 0 : i32
      %dma_start3A_1523 = arith.constant 0 : i32
      %dma_start3A_1524 = tpu.memref_slice %arg4[%add3A_1518, %dma_start3A_1522, %dma_start3A_1523] : memref<16384x50x32xf32, #tpu.memory_space<hbm>> -> memref<1x50x32xf32, #tpu.memory_space<hbm>>
      %dma_start3A_1525 = tpu.memref_squeeze %dma_start3A_1524 : memref<1x50x32xf32, #tpu.memory_space<hbm>> -> memref<50x32xf32, #tpu.memory_space<hbm>>
      %dma_start3A_1526 = arith.constant 0 : i32
      %dma_start3A_1527 = arith.constant 0 : i32
      %dma_start3A_1528 = tpu.memref_slice %arg4[%add3A_1518, %dma_start3A_1526, %dma_start3A_1527] : memref<16384x50x32xf32, #tpu.memory_space<hbm>> -> memref<1x50x32xf32, #tpu.memory_space<hbm>>
      %dma_start3A_1529 = tpu.memref_squeeze %dma_start3A_1528 : memref<1x50x32xf32, #tpu.memory_space<hbm>> -> memref<50x32xf32, #tpu.memory_space<hbm>>
      %dma_start3A_1530 = arith.constant 600 : i32
      %dma_start3A_1531 = arith.constant 0 : i32
      %dma_start3A_1532 = tpu.memref_slice %arg6[%dma_start3A_1530, %dma_start3A_1531] : memref<3200x32xf32, #tpu.memory_space<vmem>> -> memref<50x32xf32, #tpu.memory_space<vmem>>
      tpu.enqueue_dma source(%dma_start3A_1532 : memref<50x32xf32, #tpu.memory_space<vmem>>) target(%dma_start3A_1529 : memref<50x32xf32, #tpu.memory_space<hbm>>) target_semaphore(%arg8 : memref<!tpu.dma_semaphore, #tpu.memory_space<semaphore_mem>>)
      %mul3A_1533 = arith.constant 64 : i32
      %mul3A_1534 = arith.muli %scan3A_905, %mul3A_1533 : i32
      %add3A_1535 = arith.addi %mul3A_4, %mul3A_1534 : i32
      %add3A_1536 = arith.constant 13 : i32
      %add3A_1537 = arith.addi %add3A_1535, %add3A_1536 : i32
      %dma_start3A_1538 = arith.constant 650 : i32
      %dma_start3A_1539 = arith.constant 0 : i32
      %dma_start3A_1540 = tpu.memref_slice %arg6[%dma_start3A_1538, %dma_start3A_1539] : memref<3200x32xf32, #tpu.memory_space<vmem>> -> memref<50x32xf32, #tpu.memory_space<vmem>>
      %dma_start3A_1541 = arith.constant 0 : i32
      %dma_start3A_1542 = arith.constant 0 : i32
      %dma_start3A_1543 = tpu.memref_slice %arg4[%add3A_1537, %dma_start3A_1541, %dma_start3A_1542] : memref<16384x50x32xf32, #tpu.memory_space<hbm>> -> memref<1x50x32xf32, #tpu.memory_space<hbm>>
      %dma_start3A_1544 = tpu.memref_squeeze %dma_start3A_1543 : memref<1x50x32xf32, #tpu.memory_space<hbm>> -> memref<50x32xf32, #tpu.memory_space<hbm>>
      %dma_start3A_1545 = arith.constant 0 : i32
      %dma_start3A_1546 = arith.constant 0 : i32
      %dma_start3A_1547 = tpu.memref_slice %arg4[%add3A_1537, %dma_start3A_1545, %dma_start3A_1546] : memref<16384x50x32xf32, #tpu.memory_space<hbm>> -> memref<1x50x32xf32, #tpu.memory_space<hbm>>
      %dma_start3A_1548 = tpu.memref_squeeze %dma_start3A_1547 : memref<1x50x32xf32, #tpu.memory_space<hbm>> -> memref<50x32xf32, #tpu.memory_space<hbm>>
      %dma_start3A_1549 = arith.constant 650 : i32
      %dma_start3A_1550 = arith.constant 0 : i32
      %dma_start3A_1551 = tpu.memref_slice %arg6[%dma_start3A_1549, %dma_start3A_1550] : memref<3200x32xf32, #tpu.memory_space<vmem>> -> memref<50x32xf32, #tpu.memory_space<vmem>>
      tpu.enqueue_dma source(%dma_start3A_1551 : memref<50x32xf32, #tpu.memory_space<vmem>>) target(%dma_start3A_1548 : memref<50x32xf32, #tpu.memory_space<hbm>>) target_semaphore(%arg8 : memref<!tpu.dma_semaphore, #tpu.memory_space<semaphore_mem>>)
      %mul3A_1552 = arith.constant 64 : i32
      %mul3A_1553 = arith.muli %scan3A_905, %mul3A_1552 : i32
      %add3A_1554 = arith.addi %mul3A_4, %mul3A_1553 : i32
      %add3A_1555 = arith.constant 14 : i32
      %add3A_1556 = arith.addi %add3A_1554, %add3A_1555 : i32
      %dma_start3A_1557 = arith.constant 700 : i32
      %dma_start3A_1558 = arith.constant 0 : i32
      %dma_start3A_1559 = tpu.memref_slice %arg6[%dma_start3A_1557, %dma_start3A_1558] : memref<3200x32xf32, #tpu.memory_space<vmem>> -> memref<50x32xf32, #tpu.memory_space<vmem>>
      %dma_start3A_1560 = arith.constant 0 : i32
      %dma_start3A_1561 = arith.constant 0 : i32
      %dma_start3A_1562 = tpu.memref_slice %arg4[%add3A_1556, %dma_start3A_1560, %dma_start3A_1561] : memref<16384x50x32xf32, #tpu.memory_space<hbm>> -> memref<1x50x32xf32, #tpu.memory_space<hbm>>
      %dma_start3A_1563 = tpu.memref_squeeze %dma_start3A_1562 : memref<1x50x32xf32, #tpu.memory_space<hbm>> -> memref<50x32xf32, #tpu.memory_space<hbm>>
      %dma_start3A_1564 = arith.constant 0 : i32
      %dma_start3A_1565 = arith.constant 0 : i32
      %dma_start3A_1566 = tpu.memref_slice %arg4[%add3A_1556, %dma_start3A_1564, %dma_start3A_1565] : memref<16384x50x32xf32, #tpu.memory_space<hbm>> -> memref<1x50x32xf32, #tpu.memory_space<hbm>>
      %dma_start3A_1567 = tpu.memref_squeeze %dma_start3A_1566 : memref<1x50x32xf32, #tpu.memory_space<hbm>> -> memref<50x32xf32, #tpu.memory_space<hbm>>
      %dma_start3A_1568 = arith.constant 700 : i32
      %dma_start3A_1569 = arith.constant 0 : i32
      %dma_start3A_1570 = tpu.memref_slice %arg6[%dma_start3A_1568, %dma_start3A_1569] : memref<3200x32xf32, #tpu.memory_space<vmem>> -> memref<50x32xf32, #tpu.memory_space<vmem>>
      tpu.enqueue_dma source(%dma_start3A_1570 : memref<50x32xf32, #tpu.memory_space<vmem>>) target(%dma_start3A_1567 : memref<50x32xf32, #tpu.memory_space<hbm>>) target_semaphore(%arg8 : memref<!tpu.dma_semaphore, #tpu.memory_space<semaphore_mem>>)
      %dma_wait3A_1571 = arith.constant 768 : i32
      %dma_wait3A_1572 = arith.constant 0 : i32
      %dma_wait3A_1573 = tpu.memref_slice %arg6[%dma_wait3A_1571, %dma_wait3A_1572] : memref<3200x32xf32, #tpu.memory_space<vmem>> -> memref<128x32xf32, #tpu.memory_space<vmem>>
      %dma_wait3A_1574 = arith.constant 0 : i32
      %dma_wait3A_1575 = tpu.memref_slice %arg5[%add3A_988, %dma_wait3A_1574] : memref<200x128xi32, #tpu.memory_space<vmem>> -> memref<1x128xi32, #tpu.memory_space<vmem>>
      %dma_wait3A_1576 = tpu.memref_squeeze %dma_wait3A_1575 : memref<1x128xi32, #tpu.memory_space<vmem>> -> memref<128xi32, #tpu.memory_space<vmem>>
      %dma_wait3A_1577 = arith.constant 0 : i32
      %dma_wait3A_1578 = arith.constant 0 : i32
      %dma_wait3A_1579 = tpu.memref_slice %arg3[%dma_wait3A_1577, %dma_wait3A_1578] : memref<1000000x32xf32, #tpu.memory_space<hbm>> -> memref<1000000x32xf32, #tpu.memory_space<hbm>>
      tpu.wait_indirect_dma semaphore(%arg7 : memref<!tpu.dma_semaphore, #tpu.memory_space<semaphore_mem>>) src(%dma_wait3A_1579 : memref<1000000x32xf32, #tpu.memory_space<hbm>>) dst(%dma_wait3A_1573 : memref<128x32xf32, #tpu.memory_space<vmem>>)
      %mul3A_1580 = arith.constant 64 : i32
      %mul3A_1581 = arith.muli %scan3A_905, %mul3A_1580 : i32
      %add3A_1582 = arith.addi %mul3A_4, %mul3A_1581 : i32
      %add3A_1583 = arith.constant 15 : i32
      %add3A_1584 = arith.addi %add3A_1582, %add3A_1583 : i32
      %dma_start3A_1585 = arith.constant 750 : i32
      %dma_start3A_1586 = arith.constant 0 : i32
      %dma_start3A_1587 = tpu.memref_slice %arg6[%dma_start3A_1585, %dma_start3A_1586] : memref<3200x32xf32, #tpu.memory_space<vmem>> -> memref<50x32xf32, #tpu.memory_space<vmem>>
      %dma_start3A_1588 = arith.constant 0 : i32
      %dma_start3A_1589 = arith.constant 0 : i32
      %dma_start3A_1590 = tpu.memref_slice %arg4[%add3A_1584, %dma_start3A_1588, %dma_start3A_1589] : memref<16384x50x32xf32, #tpu.memory_space<hbm>> -> memref<1x50x32xf32, #tpu.memory_space<hbm>>
      %dma_start3A_1591 = tpu.memref_squeeze %dma_start3A_1590 : memref<1x50x32xf32, #tpu.memory_space<hbm>> -> memref<50x32xf32, #tpu.memory_space<hbm>>
      %dma_start3A_1592 = arith.constant 0 : i32
      %dma_start3A_1593 = arith.constant 0 : i32
      %dma_start3A_1594 = tpu.memref_slice %arg4[%add3A_1584, %dma_start3A_1592, %dma_start3A_1593] : memref<16384x50x32xf32, #tpu.memory_space<hbm>> -> memref<1x50x32xf32, #tpu.memory_space<hbm>>
      %dma_start3A_1595 = tpu.memref_squeeze %dma_start3A_1594 : memref<1x50x32xf32, #tpu.memory_space<hbm>> -> memref<50x32xf32, #tpu.memory_space<hbm>>
      %dma_start3A_1596 = arith.constant 750 : i32
      %dma_start3A_1597 = arith.constant 0 : i32
      %dma_start3A_1598 = tpu.memref_slice %arg6[%dma_start3A_1596, %dma_start3A_1597] : memref<3200x32xf32, #tpu.memory_space<vmem>> -> memref<50x32xf32, #tpu.memory_space<vmem>>
      tpu.enqueue_dma source(%dma_start3A_1598 : memref<50x32xf32, #tpu.memory_space<vmem>>) target(%dma_start3A_1595 : memref<50x32xf32, #tpu.memory_space<hbm>>) target_semaphore(%arg8 : memref<!tpu.dma_semaphore, #tpu.memory_space<semaphore_mem>>)
      %mul3A_1599 = arith.constant 64 : i32
      %mul3A_1600 = arith.muli %scan3A_905, %mul3A_1599 : i32
      %add3A_1601 = arith.addi %mul3A_4, %mul3A_1600 : i32
      %add3A_1602 = arith.constant 16 : i32
      %add3A_1603 = arith.addi %add3A_1601, %add3A_1602 : i32
      %dma_start3A_1604 = arith.constant 800 : i32
      %dma_start3A_1605 = arith.constant 0 : i32
      %dma_start3A_1606 = tpu.memref_slice %arg6[%dma_start3A_1604, %dma_start3A_1605] : memref<3200x32xf32, #tpu.memory_space<vmem>> -> memref<50x32xf32, #tpu.memory_space<vmem>>
      %dma_start3A_1607 = arith.constant 0 : i32
      %dma_start3A_1608 = arith.constant 0 : i32
      %dma_start3A_1609 = tpu.memref_slice %arg4[%add3A_1603, %dma_start3A_1607, %dma_start3A_1608] : memref<16384x50x32xf32, #tpu.memory_space<hbm>> -> memref<1x50x32xf32, #tpu.memory_space<hbm>>
      %dma_start3A_1610 = tpu.memref_squeeze %dma_start3A_1609 : memref<1x50x32xf32, #tpu.memory_space<hbm>> -> memref<50x32xf32, #tpu.memory_space<hbm>>
      %dma_start3A_1611 = arith.constant 0 : i32
      %dma_start3A_1612 = arith.constant 0 : i32
      %dma_start3A_1613 = tpu.memref_slice %arg4[%add3A_1603, %dma_start3A_1611, %dma_start3A_1612] : memref<16384x50x32xf32, #tpu.memory_space<hbm>> -> memref<1x50x32xf32, #tpu.memory_space<hbm>>
      %dma_start3A_1614 = tpu.memref_squeeze %dma_start3A_1613 : memref<1x50x32xf32, #tpu.memory_space<hbm>> -> memref<50x32xf32, #tpu.memory_space<hbm>>
      %dma_start3A_1615 = arith.constant 800 : i32
      %dma_start3A_1616 = arith.constant 0 : i32
      %dma_start3A_1617 = tpu.memref_slice %arg6[%dma_start3A_1615, %dma_start3A_1616] : memref<3200x32xf32, #tpu.memory_space<vmem>> -> memref<50x32xf32, #tpu.memory_space<vmem>>
      tpu.enqueue_dma source(%dma_start3A_1617 : memref<50x32xf32, #tpu.memory_space<vmem>>) target(%dma_start3A_1614 : memref<50x32xf32, #tpu.memory_space<hbm>>) target_semaphore(%arg8 : memref<!tpu.dma_semaphore, #tpu.memory_space<semaphore_mem>>)
      %dma_wait3A_1618 = arith.constant 896 : i32
      %dma_wait3A_1619 = arith.constant 0 : i32
      %dma_wait3A_1620 = tpu.memref_slice %arg6[%dma_wait3A_1618, %dma_wait3A_1619] : memref<3200x32xf32, #tpu.memory_space<vmem>> -> memref<128x32xf32, #tpu.memory_space<vmem>>
      %dma_wait3A_1621 = arith.constant 0 : i32
      %dma_wait3A_1622 = tpu.memref_slice %arg5[%add3A_1001, %dma_wait3A_1621] : memref<200x128xi32, #tpu.memory_space<vmem>> -> memref<1x128xi32, #tpu.memory_space<vmem>>
      %dma_wait3A_1623 = tpu.memref_squeeze %dma_wait3A_1622 : memref<1x128xi32, #tpu.memory_space<vmem>> -> memref<128xi32, #tpu.memory_space<vmem>>
      %dma_wait3A_1624 = arith.constant 0 : i32
      %dma_wait3A_1625 = arith.constant 0 : i32
      %dma_wait3A_1626 = tpu.memref_slice %arg3[%dma_wait3A_1624, %dma_wait3A_1625] : memref<1000000x32xf32, #tpu.memory_space<hbm>> -> memref<1000000x32xf32, #tpu.memory_space<hbm>>
      tpu.wait_indirect_dma semaphore(%arg7 : memref<!tpu.dma_semaphore, #tpu.memory_space<semaphore_mem>>) src(%dma_wait3A_1626 : memref<1000000x32xf32, #tpu.memory_space<hbm>>) dst(%dma_wait3A_1620 : memref<128x32xf32, #tpu.memory_space<vmem>>)
      %mul3A_1627 = arith.constant 64 : i32
      %mul3A_1628 = arith.muli %scan3A_905, %mul3A_1627 : i32
      %add3A_1629 = arith.addi %mul3A_4, %mul3A_1628 : i32
      %add3A_1630 = arith.constant 17 : i32
      %add3A_1631 = arith.addi %add3A_1629, %add3A_1630 : i32
      %dma_start3A_1632 = arith.constant 850 : i32
      %dma_start3A_1633 = arith.constant 0 : i32
      %dma_start3A_1634 = tpu.memref_slice %arg6[%dma_start3A_1632, %dma_start3A_1633] : memref<3200x32xf32, #tpu.memory_space<vmem>> -> memref<50x32xf32, #tpu.memory_space<vmem>>
      %dma_start3A_1635 = arith.constant 0 : i32
      %dma_start3A_1636 = arith.constant 0 : i32
      %dma_start3A_1637 = tpu.memref_slice %arg4[%add3A_1631, %dma_start3A_1635, %dma_start3A_1636] : memref<16384x50x32xf32, #tpu.memory_space<hbm>> -> memref<1x50x32xf32, #tpu.memory_space<hbm>>
      %dma_start3A_1638 = tpu.memref_squeeze %dma_start3A_1637 : memref<1x50x32xf32, #tpu.memory_space<hbm>> -> memref<50x32xf32, #tpu.memory_space<hbm>>
      %dma_start3A_1639 = arith.constant 0 : i32
      %dma_start3A_1640 = arith.constant 0 : i32
      %dma_start3A_1641 = tpu.memref_slice %arg4[%add3A_1631, %dma_start3A_1639, %dma_start3A_1640] : memref<16384x50x32xf32, #tpu.memory_space<hbm>> -> memref<1x50x32xf32, #tpu.memory_space<hbm>>
      %dma_start3A_1642 = tpu.memref_squeeze %dma_start3A_1641 : memref<1x50x32xf32, #tpu.memory_space<hbm>> -> memref<50x32xf32, #tpu.memory_space<hbm>>
      %dma_start3A_1643 = arith.constant 850 : i32
      %dma_start3A_1644 = arith.constant 0 : i32
      %dma_start3A_1645 = tpu.memref_slice %arg6[%dma_start3A_1643, %dma_start3A_1644] : memref<3200x32xf32, #tpu.memory_space<vmem>> -> memref<50x32xf32, #tpu.memory_space<vmem>>
      tpu.enqueue_dma source(%dma_start3A_1645 : memref<50x32xf32, #tpu.memory_space<vmem>>) target(%dma_start3A_1642 : memref<50x32xf32, #tpu.memory_space<hbm>>) target_semaphore(%arg8 : memref<!tpu.dma_semaphore, #tpu.memory_space<semaphore_mem>>)
      %mul3A_1646 = arith.constant 64 : i32
      %mul3A_1647 = arith.muli %scan3A_905, %mul3A_1646 : i32
      %add3A_1648 = arith.addi %mul3A_4, %mul3A_1647 : i32
      %add3A_1649 = arith.constant 18 : i32
      %add3A_1650 = arith.addi %add3A_1648, %add3A_1649 : i32
      %dma_start3A_1651 = arith.constant 900 : i32
      %dma_start3A_1652 = arith.constant 0 : i32
      %dma_start3A_1653 = tpu.memref_slice %arg6[%dma_start3A_1651, %dma_start3A_1652] : memref<3200x32xf32, #tpu.memory_space<vmem>> -> memref<50x32xf32, #tpu.memory_space<vmem>>
      %dma_start3A_1654 = arith.constant 0 : i32
      %dma_start3A_1655 = arith.constant 0 : i32
      %dma_start3A_1656 = tpu.memref_slice %arg4[%add3A_1650, %dma_start3A_1654, %dma_start3A_1655] : memref<16384x50x32xf32, #tpu.memory_space<hbm>> -> memref<1x50x32xf32, #tpu.memory_space<hbm>>
      %dma_start3A_1657 = tpu.memref_squeeze %dma_start3A_1656 : memref<1x50x32xf32, #tpu.memory_space<hbm>> -> memref<50x32xf32, #tpu.memory_space<hbm>>
      %dma_start3A_1658 = arith.constant 0 : i32
      %dma_start3A_1659 = arith.constant 0 : i32
      %dma_start3A_1660 = tpu.memref_slice %arg4[%add3A_1650, %dma_start3A_1658, %dma_start3A_1659] : memref<16384x50x32xf32, #tpu.memory_space<hbm>> -> memref<1x50x32xf32, #tpu.memory_space<hbm>>
      %dma_start3A_1661 = tpu.memref_squeeze %dma_start3A_1660 : memref<1x50x32xf32, #tpu.memory_space<hbm>> -> memref<50x32xf32, #tpu.memory_space<hbm>>
      %dma_start3A_1662 = arith.constant 900 : i32
      %dma_start3A_1663 = arith.constant 0 : i32
      %dma_start3A_1664 = tpu.memref_slice %arg6[%dma_start3A_1662, %dma_start3A_1663] : memref<3200x32xf32, #tpu.memory_space<vmem>> -> memref<50x32xf32, #tpu.memory_space<vmem>>
      tpu.enqueue_dma source(%dma_start3A_1664 : memref<50x32xf32, #tpu.memory_space<vmem>>) target(%dma_start3A_1661 : memref<50x32xf32, #tpu.memory_space<hbm>>) target_semaphore(%arg8 : memref<!tpu.dma_semaphore, #tpu.memory_space<semaphore_mem>>)
      %mul3A_1665 = arith.constant 64 : i32
      %mul3A_1666 = arith.muli %scan3A_905, %mul3A_1665 : i32
      %add3A_1667 = arith.addi %mul3A_4, %mul3A_1666 : i32
      %add3A_1668 = arith.constant 19 : i32
      %add3A_1669 = arith.addi %add3A_1667, %add3A_1668 : i32
      %dma_start3A_1670 = arith.constant 950 : i32
      %dma_start3A_1671 = arith.constant 0 : i32
      %dma_start3A_1672 = tpu.memref_slice %arg6[%dma_start3A_1670, %dma_start3A_1671] : memref<3200x32xf32, #tpu.memory_space<vmem>> -> memref<50x32xf32, #tpu.memory_space<vmem>>
      %dma_start3A_1673 = arith.constant 0 : i32
      %dma_start3A_1674 = arith.constant 0 : i32
      %dma_start3A_1675 = tpu.memref_slice %arg4[%add3A_1669, %dma_start3A_1673, %dma_start3A_1674] : memref<16384x50x32xf32, #tpu.memory_space<hbm>> -> memref<1x50x32xf32, #tpu.memory_space<hbm>>
      %dma_start3A_1676 = tpu.memref_squeeze %dma_start3A_1675 : memref<1x50x32xf32, #tpu.memory_space<hbm>> -> memref<50x32xf32, #tpu.memory_space<hbm>>
      %dma_start3A_1677 = arith.constant 0 : i32
      %dma_start3A_1678 = arith.constant 0 : i32
      %dma_start3A_1679 = tpu.memref_slice %arg4[%add3A_1669, %dma_start3A_1677, %dma_start3A_1678] : memref<16384x50x32xf32, #tpu.memory_space<hbm>> -> memref<1x50x32xf32, #tpu.memory_space<hbm>>
      %dma_start3A_1680 = tpu.memref_squeeze %dma_start3A_1679 : memref<1x50x32xf32, #tpu.memory_space<hbm>> -> memref<50x32xf32, #tpu.memory_space<hbm>>
      %dma_start3A_1681 = arith.constant 950 : i32
      %dma_start3A_1682 = arith.constant 0 : i32
      %dma_start3A_1683 = tpu.memref_slice %arg6[%dma_start3A_1681, %dma_start3A_1682] : memref<3200x32xf32, #tpu.memory_space<vmem>> -> memref<50x32xf32, #tpu.memory_space<vmem>>
      tpu.enqueue_dma source(%dma_start3A_1683 : memref<50x32xf32, #tpu.memory_space<vmem>>) target(%dma_start3A_1680 : memref<50x32xf32, #tpu.memory_space<hbm>>) target_semaphore(%arg8 : memref<!tpu.dma_semaphore, #tpu.memory_space<semaphore_mem>>)
      %dma_wait3A_1684 = arith.constant 1024 : i32
      %dma_wait3A_1685 = arith.constant 0 : i32
      %dma_wait3A_1686 = tpu.memref_slice %arg6[%dma_wait3A_1684, %dma_wait3A_1685] : memref<3200x32xf32, #tpu.memory_space<vmem>> -> memref<128x32xf32, #tpu.memory_space<vmem>>
      %dma_wait3A_1687 = arith.constant 0 : i32
      %dma_wait3A_1688 = tpu.memref_slice %arg5[%add3A_1014, %dma_wait3A_1687] : memref<200x128xi32, #tpu.memory_space<vmem>> -> memref<1x128xi32, #tpu.memory_space<vmem>>
      %dma_wait3A_1689 = tpu.memref_squeeze %dma_wait3A_1688 : memref<1x128xi32, #tpu.memory_space<vmem>> -> memref<128xi32, #tpu.memory_space<vmem>>
      %dma_wait3A_1690 = arith.constant 0 : i32
      %dma_wait3A_1691 = arith.constant 0 : i32
      %dma_wait3A_1692 = tpu.memref_slice %arg3[%dma_wait3A_1690, %dma_wait3A_1691] : memref<1000000x32xf32, #tpu.memory_space<hbm>> -> memref<1000000x32xf32, #tpu.memory_space<hbm>>
      tpu.wait_indirect_dma semaphore(%arg7 : memref<!tpu.dma_semaphore, #tpu.memory_space<semaphore_mem>>) src(%dma_wait3A_1692 : memref<1000000x32xf32, #tpu.memory_space<hbm>>) dst(%dma_wait3A_1686 : memref<128x32xf32, #tpu.memory_space<vmem>>)
      %mul3A_1693 = arith.constant 64 : i32
      %mul3A_1694 = arith.muli %scan3A_905, %mul3A_1693 : i32
      %add3A_1695 = arith.addi %mul3A_4, %mul3A_1694 : i32
      %add3A_1696 = arith.constant 20 : i32
      %add3A_1697 = arith.addi %add3A_1695, %add3A_1696 : i32
      %dma_start3A_1698 = arith.constant 1000 : i32
      %dma_start3A_1699 = arith.constant 0 : i32
      %dma_start3A_1700 = tpu.memref_slice %arg6[%dma_start3A_1698, %dma_start3A_1699] : memref<3200x32xf32, #tpu.memory_space<vmem>> -> memref<50x32xf32, #tpu.memory_space<vmem>>
      %dma_start3A_1701 = arith.constant 0 : i32
      %dma_start3A_1702 = arith.constant 0 : i32
      %dma_start3A_1703 = tpu.memref_slice %arg4[%add3A_1697, %dma_start3A_1701, %dma_start3A_1702] : memref<16384x50x32xf32, #tpu.memory_space<hbm>> -> memref<1x50x32xf32, #tpu.memory_space<hbm>>
      %dma_start3A_1704 = tpu.memref_squeeze %dma_start3A_1703 : memref<1x50x32xf32, #tpu.memory_space<hbm>> -> memref<50x32xf32, #tpu.memory_space<hbm>>
      %dma_start3A_1705 = arith.constant 0 : i32
      %dma_start3A_1706 = arith.constant 0 : i32
      %dma_start3A_1707 = tpu.memref_slice %arg4[%add3A_1697, %dma_start3A_1705, %dma_start3A_1706] : memref<16384x50x32xf32, #tpu.memory_space<hbm>> -> memref<1x50x32xf32, #tpu.memory_space<hbm>>
      %dma_start3A_1708 = tpu.memref_squeeze %dma_start3A_1707 : memref<1x50x32xf32, #tpu.memory_space<hbm>> -> memref<50x32xf32, #tpu.memory_space<hbm>>
      %dma_start3A_1709 = arith.constant 1000 : i32
      %dma_start3A_1710 = arith.constant 0 : i32
      %dma_start3A_1711 = tpu.memref_slice %arg6[%dma_start3A_1709, %dma_start3A_1710] : memref<3200x32xf32, #tpu.memory_space<vmem>> -> memref<50x32xf32, #tpu.memory_space<vmem>>
      tpu.enqueue_dma source(%dma_start3A_1711 : memref<50x32xf32, #tpu.memory_space<vmem>>) target(%dma_start3A_1708 : memref<50x32xf32, #tpu.memory_space<hbm>>) target_semaphore(%arg8 : memref<!tpu.dma_semaphore, #tpu.memory_space<semaphore_mem>>)
      %mul3A_1712 = arith.constant 64 : i32
      %mul3A_1713 = arith.muli %scan3A_905, %mul3A_1712 : i32
      %add3A_1714 = arith.addi %mul3A_4, %mul3A_1713 : i32
      %add3A_1715 = arith.constant 21 : i32
      %add3A_1716 = arith.addi %add3A_1714, %add3A_1715 : i32
      %dma_start3A_1717 = arith.constant 1050 : i32
      %dma_start3A_1718 = arith.constant 0 : i32
      %dma_start3A_1719 = tpu.memref_slice %arg6[%dma_start3A_1717, %dma_start3A_1718] : memref<3200x32xf32, #tpu.memory_space<vmem>> -> memref<50x32xf32, #tpu.memory_space<vmem>>
      %dma_start3A_1720 = arith.constant 0 : i32
      %dma_start3A_1721 = arith.constant 0 : i32
      %dma_start3A_1722 = tpu.memref_slice %arg4[%add3A_1716, %dma_start3A_1720, %dma_start3A_1721] : memref<16384x50x32xf32, #tpu.memory_space<hbm>> -> memref<1x50x32xf32, #tpu.memory_space<hbm>>
      %dma_start3A_1723 = tpu.memref_squeeze %dma_start3A_1722 : memref<1x50x32xf32, #tpu.memory_space<hbm>> -> memref<50x32xf32, #tpu.memory_space<hbm>>
      %dma_start3A_1724 = arith.constant 0 : i32
      %dma_start3A_1725 = arith.constant 0 : i32
      %dma_start3A_1726 = tpu.memref_slice %arg4[%add3A_1716, %dma_start3A_1724, %dma_start3A_1725] : memref<16384x50x32xf32, #tpu.memory_space<hbm>> -> memref<1x50x32xf32, #tpu.memory_space<hbm>>
      %dma_start3A_1727 = tpu.memref_squeeze %dma_start3A_1726 : memref<1x50x32xf32, #tpu.memory_space<hbm>> -> memref<50x32xf32, #tpu.memory_space<hbm>>
      %dma_start3A_1728 = arith.constant 1050 : i32
      %dma_start3A_1729 = arith.constant 0 : i32
      %dma_start3A_1730 = tpu.memref_slice %arg6[%dma_start3A_1728, %dma_start3A_1729] : memref<3200x32xf32, #tpu.memory_space<vmem>> -> memref<50x32xf32, #tpu.memory_space<vmem>>
      tpu.enqueue_dma source(%dma_start3A_1730 : memref<50x32xf32, #tpu.memory_space<vmem>>) target(%dma_start3A_1727 : memref<50x32xf32, #tpu.memory_space<hbm>>) target_semaphore(%arg8 : memref<!tpu.dma_semaphore, #tpu.memory_space<semaphore_mem>>)
      %mul3A_1731 = arith.constant 64 : i32
      %mul3A_1732 = arith.muli %scan3A_905, %mul3A_1731 : i32
      %add3A_1733 = arith.addi %mul3A_4, %mul3A_1732 : i32
      %add3A_1734 = arith.constant 22 : i32
      %add3A_1735 = arith.addi %add3A_1733, %add3A_1734 : i32
      %dma_start3A_1736 = arith.constant 1100 : i32
      %dma_start3A_1737 = arith.constant 0 : i32
      %dma_start3A_1738 = tpu.memref_slice %arg6[%dma_start3A_1736, %dma_start3A_1737] : memref<3200x32xf32, #tpu.memory_space<vmem>> -> memref<50x32xf32, #tpu.memory_space<vmem>>
      %dma_start3A_1739 = arith.constant 0 : i32
      %dma_start3A_1740 = arith.constant 0 : i32
      %dma_start3A_1741 = tpu.memref_slice %arg4[%add3A_1735, %dma_start3A_1739, %dma_start3A_1740] : memref<16384x50x32xf32, #tpu.memory_space<hbm>> -> memref<1x50x32xf32, #tpu.memory_space<hbm>>
      %dma_start3A_1742 = tpu.memref_squeeze %dma_start3A_1741 : memref<1x50x32xf32, #tpu.memory_space<hbm>> -> memref<50x32xf32, #tpu.memory_space<hbm>>
      %dma_start3A_1743 = arith.constant 0 : i32
      %dma_start3A_1744 = arith.constant 0 : i32
      %dma_start3A_1745 = tpu.memref_slice %arg4[%add3A_1735, %dma_start3A_1743, %dma_start3A_1744] : memref<16384x50x32xf32, #tpu.memory_space<hbm>> -> memref<1x50x32xf32, #tpu.memory_space<hbm>>
      %dma_start3A_1746 = tpu.memref_squeeze %dma_start3A_1745 : memref<1x50x32xf32, #tpu.memory_space<hbm>> -> memref<50x32xf32, #tpu.memory_space<hbm>>
      %dma_start3A_1747 = arith.constant 1100 : i32
      %dma_start3A_1748 = arith.constant 0 : i32
      %dma_start3A_1749 = tpu.memref_slice %arg6[%dma_start3A_1747, %dma_start3A_1748] : memref<3200x32xf32, #tpu.memory_space<vmem>> -> memref<50x32xf32, #tpu.memory_space<vmem>>
      tpu.enqueue_dma source(%dma_start3A_1749 : memref<50x32xf32, #tpu.memory_space<vmem>>) target(%dma_start3A_1746 : memref<50x32xf32, #tpu.memory_space<hbm>>) target_semaphore(%arg8 : memref<!tpu.dma_semaphore, #tpu.memory_space<semaphore_mem>>)
      %dma_wait3A_1750 = arith.constant 1152 : i32
      %dma_wait3A_1751 = arith.constant 0 : i32
      %dma_wait3A_1752 = tpu.memref_slice %arg6[%dma_wait3A_1750, %dma_wait3A_1751] : memref<3200x32xf32, #tpu.memory_space<vmem>> -> memref<128x32xf32, #tpu.memory_space<vmem>>
      %dma_wait3A_1753 = arith.constant 0 : i32
      %dma_wait3A_1754 = tpu.memref_slice %arg5[%add3A_1027, %dma_wait3A_1753] : memref<200x128xi32, #tpu.memory_space<vmem>> -> memref<1x128xi32, #tpu.memory_space<vmem>>
      %dma_wait3A_1755 = tpu.memref_squeeze %dma_wait3A_1754 : memref<1x128xi32, #tpu.memory_space<vmem>> -> memref<128xi32, #tpu.memory_space<vmem>>
      %dma_wait3A_1756 = arith.constant 0 : i32
      %dma_wait3A_1757 = arith.constant 0 : i32
      %dma_wait3A_1758 = tpu.memref_slice %arg3[%dma_wait3A_1756, %dma_wait3A_1757] : memref<1000000x32xf32, #tpu.memory_space<hbm>> -> memref<1000000x32xf32, #tpu.memory_space<hbm>>
      tpu.wait_indirect_dma semaphore(%arg7 : memref<!tpu.dma_semaphore, #tpu.memory_space<semaphore_mem>>) src(%dma_wait3A_1758 : memref<1000000x32xf32, #tpu.memory_space<hbm>>) dst(%dma_wait3A_1752 : memref<128x32xf32, #tpu.memory_space<vmem>>)
      %mul3A_1759 = arith.constant 64 : i32
      %mul3A_1760 = arith.muli %scan3A_905, %mul3A_1759 : i32
      %add3A_1761 = arith.addi %mul3A_4, %mul3A_1760 : i32
      %add3A_1762 = arith.constant 23 : i32
      %add3A_1763 = arith.addi %add3A_1761, %add3A_1762 : i32
      %dma_start3A_1764 = arith.constant 1150 : i32
      %dma_start3A_1765 = arith.constant 0 : i32
      %dma_start3A_1766 = tpu.memref_slice %arg6[%dma_start3A_1764, %dma_start3A_1765] : memref<3200x32xf32, #tpu.memory_space<vmem>> -> memref<50x32xf32, #tpu.memory_space<vmem>>
      %dma_start3A_1767 = arith.constant 0 : i32
      %dma_start3A_1768 = arith.constant 0 : i32
      %dma_start3A_1769 = tpu.memref_slice %arg4[%add3A_1763, %dma_start3A_1767, %dma_start3A_1768] : memref<16384x50x32xf32, #tpu.memory_space<hbm>> -> memref<1x50x32xf32, #tpu.memory_space<hbm>>
      %dma_start3A_1770 = tpu.memref_squeeze %dma_start3A_1769 : memref<1x50x32xf32, #tpu.memory_space<hbm>> -> memref<50x32xf32, #tpu.memory_space<hbm>>
      %dma_start3A_1771 = arith.constant 0 : i32
      %dma_start3A_1772 = arith.constant 0 : i32
      %dma_start3A_1773 = tpu.memref_slice %arg4[%add3A_1763, %dma_start3A_1771, %dma_start3A_1772] : memref<16384x50x32xf32, #tpu.memory_space<hbm>> -> memref<1x50x32xf32, #tpu.memory_space<hbm>>
      %dma_start3A_1774 = tpu.memref_squeeze %dma_start3A_1773 : memref<1x50x32xf32, #tpu.memory_space<hbm>> -> memref<50x32xf32, #tpu.memory_space<hbm>>
      %dma_start3A_1775 = arith.constant 1150 : i32
      %dma_start3A_1776 = arith.constant 0 : i32
      %dma_start3A_1777 = tpu.memref_slice %arg6[%dma_start3A_1775, %dma_start3A_1776] : memref<3200x32xf32, #tpu.memory_space<vmem>> -> memref<50x32xf32, #tpu.memory_space<vmem>>
      tpu.enqueue_dma source(%dma_start3A_1777 : memref<50x32xf32, #tpu.memory_space<vmem>>) target(%dma_start3A_1774 : memref<50x32xf32, #tpu.memory_space<hbm>>) target_semaphore(%arg8 : memref<!tpu.dma_semaphore, #tpu.memory_space<semaphore_mem>>)
      %mul3A_1778 = arith.constant 64 : i32
      %mul3A_1779 = arith.muli %scan3A_905, %mul3A_1778 : i32
      %add3A_1780 = arith.addi %mul3A_4, %mul3A_1779 : i32
      %add3A_1781 = arith.constant 24 : i32
      %add3A_1782 = arith.addi %add3A_1780, %add3A_1781 : i32
      %dma_start3A_1783 = arith.constant 1200 : i32
      %dma_start3A_1784 = arith.constant 0 : i32
      %dma_start3A_1785 = tpu.memref_slice %arg6[%dma_start3A_1783, %dma_start3A_1784] : memref<3200x32xf32, #tpu.memory_space<vmem>> -> memref<50x32xf32, #tpu.memory_space<vmem>>
      %dma_start3A_1786 = arith.constant 0 : i32
      %dma_start3A_1787 = arith.constant 0 : i32
      %dma_start3A_1788 = tpu.memref_slice %arg4[%add3A_1782, %dma_start3A_1786, %dma_start3A_1787] : memref<16384x50x32xf32, #tpu.memory_space<hbm>> -> memref<1x50x32xf32, #tpu.memory_space<hbm>>
      %dma_start3A_1789 = tpu.memref_squeeze %dma_start3A_1788 : memref<1x50x32xf32, #tpu.memory_space<hbm>> -> memref<50x32xf32, #tpu.memory_space<hbm>>
      %dma_start3A_1790 = arith.constant 0 : i32
      %dma_start3A_1791 = arith.constant 0 : i32
      %dma_start3A_1792 = tpu.memref_slice %arg4[%add3A_1782, %dma_start3A_1790, %dma_start3A_1791] : memref<16384x50x32xf32, #tpu.memory_space<hbm>> -> memref<1x50x32xf32, #tpu.memory_space<hbm>>
      %dma_start3A_1793 = tpu.memref_squeeze %dma_start3A_1792 : memref<1x50x32xf32, #tpu.memory_space<hbm>> -> memref<50x32xf32, #tpu.memory_space<hbm>>
      %dma_start3A_1794 = arith.constant 1200 : i32
      %dma_start3A_1795 = arith.constant 0 : i32
      %dma_start3A_1796 = tpu.memref_slice %arg6[%dma_start3A_1794, %dma_start3A_1795] : memref<3200x32xf32, #tpu.memory_space<vmem>> -> memref<50x32xf32, #tpu.memory_space<vmem>>
      tpu.enqueue_dma source(%dma_start3A_1796 : memref<50x32xf32, #tpu.memory_space<vmem>>) target(%dma_start3A_1793 : memref<50x32xf32, #tpu.memory_space<hbm>>) target_semaphore(%arg8 : memref<!tpu.dma_semaphore, #tpu.memory_space<semaphore_mem>>)
      %dma_wait3A_1797 = arith.constant 1280 : i32
      %dma_wait3A_1798 = arith.constant 0 : i32
      %dma_wait3A_1799 = tpu.memref_slice %arg6[%dma_wait3A_1797, %dma_wait3A_1798] : memref<3200x32xf32, #tpu.memory_space<vmem>> -> memref<128x32xf32, #tpu.memory_space<vmem>>
      %dma_wait3A_1800 = arith.constant 0 : i32
      %dma_wait3A_1801 = tpu.memref_slice %arg5[%add3A_1040, %dma_wait3A_1800] : memref<200x128xi32, #tpu.memory_space<vmem>> -> memref<1x128xi32, #tpu.memory_space<vmem>>
      %dma_wait3A_1802 = tpu.memref_squeeze %dma_wait3A_1801 : memref<1x128xi32, #tpu.memory_space<vmem>> -> memref<128xi32, #tpu.memory_space<vmem>>
      %dma_wait3A_1803 = arith.constant 0 : i32
      %dma_wait3A_1804 = arith.constant 0 : i32
      %dma_wait3A_1805 = tpu.memref_slice %arg3[%dma_wait3A_1803, %dma_wait3A_1804] : memref<1000000x32xf32, #tpu.memory_space<hbm>> -> memref<1000000x32xf32, #tpu.memory_space<hbm>>
      tpu.wait_indirect_dma semaphore(%arg7 : memref<!tpu.dma_semaphore, #tpu.memory_space<semaphore_mem>>) src(%dma_wait3A_1805 : memref<1000000x32xf32, #tpu.memory_space<hbm>>) dst(%dma_wait3A_1799 : memref<128x32xf32, #tpu.memory_space<vmem>>)
      %mul3A_1806 = arith.constant 64 : i32
      %mul3A_1807 = arith.muli %scan3A_905, %mul3A_1806 : i32
      %add3A_1808 = arith.addi %mul3A_4, %mul3A_1807 : i32
      %add3A_1809 = arith.constant 25 : i32
      %add3A_1810 = arith.addi %add3A_1808, %add3A_1809 : i32
      %dma_start3A_1811 = arith.constant 1250 : i32
      %dma_start3A_1812 = arith.constant 0 : i32
      %dma_start3A_1813 = tpu.memref_slice %arg6[%dma_start3A_1811, %dma_start3A_1812] : memref<3200x32xf32, #tpu.memory_space<vmem>> -> memref<50x32xf32, #tpu.memory_space<vmem>>
      %dma_start3A_1814 = arith.constant 0 : i32
      %dma_start3A_1815 = arith.constant 0 : i32
      %dma_start3A_1816 = tpu.memref_slice %arg4[%add3A_1810, %dma_start3A_1814, %dma_start3A_1815] : memref<16384x50x32xf32, #tpu.memory_space<hbm>> -> memref<1x50x32xf32, #tpu.memory_space<hbm>>
      %dma_start3A_1817 = tpu.memref_squeeze %dma_start3A_1816 : memref<1x50x32xf32, #tpu.memory_space<hbm>> -> memref<50x32xf32, #tpu.memory_space<hbm>>
      %dma_start3A_1818 = arith.constant 0 : i32
      %dma_start3A_1819 = arith.constant 0 : i32
      %dma_start3A_1820 = tpu.memref_slice %arg4[%add3A_1810, %dma_start3A_1818, %dma_start3A_1819] : memref<16384x50x32xf32, #tpu.memory_space<hbm>> -> memref<1x50x32xf32, #tpu.memory_space<hbm>>
      %dma_start3A_1821 = tpu.memref_squeeze %dma_start3A_1820 : memref<1x50x32xf32, #tpu.memory_space<hbm>> -> memref<50x32xf32, #tpu.memory_space<hbm>>
      %dma_start3A_1822 = arith.constant 1250 : i32
      %dma_start3A_1823 = arith.constant 0 : i32
      %dma_start3A_1824 = tpu.memref_slice %arg6[%dma_start3A_1822, %dma_start3A_1823] : memref<3200x32xf32, #tpu.memory_space<vmem>> -> memref<50x32xf32, #tpu.memory_space<vmem>>
      tpu.enqueue_dma source(%dma_start3A_1824 : memref<50x32xf32, #tpu.memory_space<vmem>>) target(%dma_start3A_1821 : memref<50x32xf32, #tpu.memory_space<hbm>>) target_semaphore(%arg8 : memref<!tpu.dma_semaphore, #tpu.memory_space<semaphore_mem>>)
      %mul3A_1825 = arith.constant 64 : i32
      %mul3A_1826 = arith.muli %scan3A_905, %mul3A_1825 : i32
      %add3A_1827 = arith.addi %mul3A_4, %mul3A_1826 : i32
      %add3A_1828 = arith.constant 26 : i32
      %add3A_1829 = arith.addi %add3A_1827, %add3A_1828 : i32
      %dma_start3A_1830 = arith.constant 1300 : i32
      %dma_start3A_1831 = arith.constant 0 : i32
      %dma_start3A_1832 = tpu.memref_slice %arg6[%dma_start3A_1830, %dma_start3A_1831] : memref<3200x32xf32, #tpu.memory_space<vmem>> -> memref<50x32xf32, #tpu.memory_space<vmem>>
      %dma_start3A_1833 = arith.constant 0 : i32
      %dma_start3A_1834 = arith.constant 0 : i32
      %dma_start3A_1835 = tpu.memref_slice %arg4[%add3A_1829, %dma_start3A_1833, %dma_start3A_1834] : memref<16384x50x32xf32, #tpu.memory_space<hbm>> -> memref<1x50x32xf32, #tpu.memory_space<hbm>>
      %dma_start3A_1836 = tpu.memref_squeeze %dma_start3A_1835 : memref<1x50x32xf32, #tpu.memory_space<hbm>> -> memref<50x32xf32, #tpu.memory_space<hbm>>
      %dma_start3A_1837 = arith.constant 0 : i32
      %dma_start3A_1838 = arith.constant 0 : i32
      %dma_start3A_1839 = tpu.memref_slice %arg4[%add3A_1829, %dma_start3A_1837, %dma_start3A_1838] : memref<16384x50x32xf32, #tpu.memory_space<hbm>> -> memref<1x50x32xf32, #tpu.memory_space<hbm>>
      %dma_start3A_1840 = tpu.memref_squeeze %dma_start3A_1839 : memref<1x50x32xf32, #tpu.memory_space<hbm>> -> memref<50x32xf32, #tpu.memory_space<hbm>>
      %dma_start3A_1841 = arith.constant 1300 : i32
      %dma_start3A_1842 = arith.constant 0 : i32
      %dma_start3A_1843 = tpu.memref_slice %arg6[%dma_start3A_1841, %dma_start3A_1842] : memref<3200x32xf32, #tpu.memory_space<vmem>> -> memref<50x32xf32, #tpu.memory_space<vmem>>
      tpu.enqueue_dma source(%dma_start3A_1843 : memref<50x32xf32, #tpu.memory_space<vmem>>) target(%dma_start3A_1840 : memref<50x32xf32, #tpu.memory_space<hbm>>) target_semaphore(%arg8 : memref<!tpu.dma_semaphore, #tpu.memory_space<semaphore_mem>>)
      %mul3A_1844 = arith.constant 64 : i32
      %mul3A_1845 = arith.muli %scan3A_905, %mul3A_1844 : i32
      %add3A_1846 = arith.addi %mul3A_4, %mul3A_1845 : i32
      %add3A_1847 = arith.constant 27 : i32
      %add3A_1848 = arith.addi %add3A_1846, %add3A_1847 : i32
      %dma_start3A_1849 = arith.constant 1350 : i32
      %dma_start3A_1850 = arith.constant 0 : i32
      %dma_start3A_1851 = tpu.memref_slice %arg6[%dma_start3A_1849, %dma_start3A_1850] : memref<3200x32xf32, #tpu.memory_space<vmem>> -> memref<50x32xf32, #tpu.memory_space<vmem>>
      %dma_start3A_1852 = arith.constant 0 : i32
      %dma_start3A_1853 = arith.constant 0 : i32
      %dma_start3A_1854 = tpu.memref_slice %arg4[%add3A_1848, %dma_start3A_1852, %dma_start3A_1853] : memref<16384x50x32xf32, #tpu.memory_space<hbm>> -> memref<1x50x32xf32, #tpu.memory_space<hbm>>
      %dma_start3A_1855 = tpu.memref_squeeze %dma_start3A_1854 : memref<1x50x32xf32, #tpu.memory_space<hbm>> -> memref<50x32xf32, #tpu.memory_space<hbm>>
      %dma_start3A_1856 = arith.constant 0 : i32
      %dma_start3A_1857 = arith.constant 0 : i32
      %dma_start3A_1858 = tpu.memref_slice %arg4[%add3A_1848, %dma_start3A_1856, %dma_start3A_1857] : memref<16384x50x32xf32, #tpu.memory_space<hbm>> -> memref<1x50x32xf32, #tpu.memory_space<hbm>>
      %dma_start3A_1859 = tpu.memref_squeeze %dma_start3A_1858 : memref<1x50x32xf32, #tpu.memory_space<hbm>> -> memref<50x32xf32, #tpu.memory_space<hbm>>
      %dma_start3A_1860 = arith.constant 1350 : i32
      %dma_start3A_1861 = arith.constant 0 : i32
      %dma_start3A_1862 = tpu.memref_slice %arg6[%dma_start3A_1860, %dma_start3A_1861] : memref<3200x32xf32, #tpu.memory_space<vmem>> -> memref<50x32xf32, #tpu.memory_space<vmem>>
      tpu.enqueue_dma source(%dma_start3A_1862 : memref<50x32xf32, #tpu.memory_space<vmem>>) target(%dma_start3A_1859 : memref<50x32xf32, #tpu.memory_space<hbm>>) target_semaphore(%arg8 : memref<!tpu.dma_semaphore, #tpu.memory_space<semaphore_mem>>)
      %dma_wait3A_1863 = arith.constant 1408 : i32
      %dma_wait3A_1864 = arith.constant 0 : i32
      %dma_wait3A_1865 = tpu.memref_slice %arg6[%dma_wait3A_1863, %dma_wait3A_1864] : memref<3200x32xf32, #tpu.memory_space<vmem>> -> memref<128x32xf32, #tpu.memory_space<vmem>>
      %dma_wait3A_1866 = arith.constant 0 : i32
      %dma_wait3A_1867 = tpu.memref_slice %arg5[%add3A_1053, %dma_wait3A_1866] : memref<200x128xi32, #tpu.memory_space<vmem>> -> memref<1x128xi32, #tpu.memory_space<vmem>>
      %dma_wait3A_1868 = tpu.memref_squeeze %dma_wait3A_1867 : memref<1x128xi32, #tpu.memory_space<vmem>> -> memref<128xi32, #tpu.memory_space<vmem>>
      %dma_wait3A_1869 = arith.constant 0 : i32
      %dma_wait3A_1870 = arith.constant 0 : i32
      %dma_wait3A_1871 = tpu.memref_slice %arg3[%dma_wait3A_1869, %dma_wait3A_1870] : memref<1000000x32xf32, #tpu.memory_space<hbm>> -> memref<1000000x32xf32, #tpu.memory_space<hbm>>
      tpu.wait_indirect_dma semaphore(%arg7 : memref<!tpu.dma_semaphore, #tpu.memory_space<semaphore_mem>>) src(%dma_wait3A_1871 : memref<1000000x32xf32, #tpu.memory_space<hbm>>) dst(%dma_wait3A_1865 : memref<128x32xf32, #tpu.memory_space<vmem>>)
      %mul3A_1872 = arith.constant 64 : i32
      %mul3A_1873 = arith.muli %scan3A_905, %mul3A_1872 : i32
      %add3A_1874 = arith.addi %mul3A_4, %mul3A_1873 : i32
      %add3A_1875 = arith.constant 28 : i32
      %add3A_1876 = arith.addi %add3A_1874, %add3A_1875 : i32
      %dma_start3A_1877 = arith.constant 1400 : i32
      %dma_start3A_1878 = arith.constant 0 : i32
      %dma_start3A_1879 = tpu.memref_slice %arg6[%dma_start3A_1877, %dma_start3A_1878] : memref<3200x32xf32, #tpu.memory_space<vmem>> -> memref<50x32xf32, #tpu.memory_space<vmem>>
      %dma_start3A_1880 = arith.constant 0 : i32
      %dma_start3A_1881 = arith.constant 0 : i32
      %dma_start3A_1882 = tpu.memref_slice %arg4[%add3A_1876, %dma_start3A_1880, %dma_start3A_1881] : memref<16384x50x32xf32, #tpu.memory_space<hbm>> -> memref<1x50x32xf32, #tpu.memory_space<hbm>>
      %dma_start3A_1883 = tpu.memref_squeeze %dma_start3A_1882 : memref<1x50x32xf32, #tpu.memory_space<hbm>> -> memref<50x32xf32, #tpu.memory_space<hbm>>
      %dma_start3A_1884 = arith.constant 0 : i32
      %dma_start3A_1885 = arith.constant 0 : i32
      %dma_start3A_1886 = tpu.memref_slice %arg4[%add3A_1876, %dma_start3A_1884, %dma_start3A_1885] : memref<16384x50x32xf32, #tpu.memory_space<hbm>> -> memref<1x50x32xf32, #tpu.memory_space<hbm>>
      %dma_start3A_1887 = tpu.memref_squeeze %dma_start3A_1886 : memref<1x50x32xf32, #tpu.memory_space<hbm>> -> memref<50x32xf32, #tpu.memory_space<hbm>>
      %dma_start3A_1888 = arith.constant 1400 : i32
      %dma_start3A_1889 = arith.constant 0 : i32
      %dma_start3A_1890 = tpu.memref_slice %arg6[%dma_start3A_1888, %dma_start3A_1889] : memref<3200x32xf32, #tpu.memory_space<vmem>> -> memref<50x32xf32, #tpu.memory_space<vmem>>
      tpu.enqueue_dma source(%dma_start3A_1890 : memref<50x32xf32, #tpu.memory_space<vmem>>) target(%dma_start3A_1887 : memref<50x32xf32, #tpu.memory_space<hbm>>) target_semaphore(%arg8 : memref<!tpu.dma_semaphore, #tpu.memory_space<semaphore_mem>>)
      %mul3A_1891 = arith.constant 64 : i32
      %mul3A_1892 = arith.muli %scan3A_905, %mul3A_1891 : i32
      %add3A_1893 = arith.addi %mul3A_4, %mul3A_1892 : i32
      %add3A_1894 = arith.constant 29 : i32
      %add3A_1895 = arith.addi %add3A_1893, %add3A_1894 : i32
      %dma_start3A_1896 = arith.constant 1450 : i32
      %dma_start3A_1897 = arith.constant 0 : i32
      %dma_start3A_1898 = tpu.memref_slice %arg6[%dma_start3A_1896, %dma_start3A_1897] : memref<3200x32xf32, #tpu.memory_space<vmem>> -> memref<50x32xf32, #tpu.memory_space<vmem>>
      %dma_start3A_1899 = arith.constant 0 : i32
      %dma_start3A_1900 = arith.constant 0 : i32
      %dma_start3A_1901 = tpu.memref_slice %arg4[%add3A_1895, %dma_start3A_1899, %dma_start3A_1900] : memref<16384x50x32xf32, #tpu.memory_space<hbm>> -> memref<1x50x32xf32, #tpu.memory_space<hbm>>
      %dma_start3A_1902 = tpu.memref_squeeze %dma_start3A_1901 : memref<1x50x32xf32, #tpu.memory_space<hbm>> -> memref<50x32xf32, #tpu.memory_space<hbm>>
      %dma_start3A_1903 = arith.constant 0 : i32
      %dma_start3A_1904 = arith.constant 0 : i32
      %dma_start3A_1905 = tpu.memref_slice %arg4[%add3A_1895, %dma_start3A_1903, %dma_start3A_1904] : memref<16384x50x32xf32, #tpu.memory_space<hbm>> -> memref<1x50x32xf32, #tpu.memory_space<hbm>>
      %dma_start3A_1906 = tpu.memref_squeeze %dma_start3A_1905 : memref<1x50x32xf32, #tpu.memory_space<hbm>> -> memref<50x32xf32, #tpu.memory_space<hbm>>
      %dma_start3A_1907 = arith.constant 1450 : i32
      %dma_start3A_1908 = arith.constant 0 : i32
      %dma_start3A_1909 = tpu.memref_slice %arg6[%dma_start3A_1907, %dma_start3A_1908] : memref<3200x32xf32, #tpu.memory_space<vmem>> -> memref<50x32xf32, #tpu.memory_space<vmem>>
      tpu.enqueue_dma source(%dma_start3A_1909 : memref<50x32xf32, #tpu.memory_space<vmem>>) target(%dma_start3A_1906 : memref<50x32xf32, #tpu.memory_space<hbm>>) target_semaphore(%arg8 : memref<!tpu.dma_semaphore, #tpu.memory_space<semaphore_mem>>)
      %dma_wait3A_1910 = arith.constant 1536 : i32
      %dma_wait3A_1911 = arith.constant 0 : i32
      %dma_wait3A_1912 = tpu.memref_slice %arg6[%dma_wait3A_1910, %dma_wait3A_1911] : memref<3200x32xf32, #tpu.memory_space<vmem>> -> memref<128x32xf32, #tpu.memory_space<vmem>>
      %dma_wait3A_1913 = arith.constant 0 : i32
      %dma_wait3A_1914 = tpu.memref_slice %arg5[%add3A_1066, %dma_wait3A_1913] : memref<200x128xi32, #tpu.memory_space<vmem>> -> memref<1x128xi32, #tpu.memory_space<vmem>>
      %dma_wait3A_1915 = tpu.memref_squeeze %dma_wait3A_1914 : memref<1x128xi32, #tpu.memory_space<vmem>> -> memref<128xi32, #tpu.memory_space<vmem>>
      %dma_wait3A_1916 = arith.constant 0 : i32
      %dma_wait3A_1917 = arith.constant 0 : i32
      %dma_wait3A_1918 = tpu.memref_slice %arg3[%dma_wait3A_1916, %dma_wait3A_1917] : memref<1000000x32xf32, #tpu.memory_space<hbm>> -> memref<1000000x32xf32, #tpu.memory_space<hbm>>
      tpu.wait_indirect_dma semaphore(%arg7 : memref<!tpu.dma_semaphore, #tpu.memory_space<semaphore_mem>>) src(%dma_wait3A_1918 : memref<1000000x32xf32, #tpu.memory_space<hbm>>) dst(%dma_wait3A_1912 : memref<128x32xf32, #tpu.memory_space<vmem>>)
      %mul3A_1919 = arith.constant 64 : i32
      %mul3A_1920 = arith.muli %scan3A_905, %mul3A_1919 : i32
      %add3A_1921 = arith.addi %mul3A_4, %mul3A_1920 : i32
      %add3A_1922 = arith.constant 30 : i32
      %add3A_1923 = arith.addi %add3A_1921, %add3A_1922 : i32
      %dma_start3A_1924 = arith.constant 1500 : i32
      %dma_start3A_1925 = arith.constant 0 : i32
      %dma_start3A_1926 = tpu.memref_slice %arg6[%dma_start3A_1924, %dma_start3A_1925] : memref<3200x32xf32, #tpu.memory_space<vmem>> -> memref<50x32xf32, #tpu.memory_space<vmem>>
      %dma_start3A_1927 = arith.constant 0 : i32
      %dma_start3A_1928 = arith.constant 0 : i32
      %dma_start3A_1929 = tpu.memref_slice %arg4[%add3A_1923, %dma_start3A_1927, %dma_start3A_1928] : memref<16384x50x32xf32, #tpu.memory_space<hbm>> -> memref<1x50x32xf32, #tpu.memory_space<hbm>>
      %dma_start3A_1930 = tpu.memref_squeeze %dma_start3A_1929 : memref<1x50x32xf32, #tpu.memory_space<hbm>> -> memref<50x32xf32, #tpu.memory_space<hbm>>
      %dma_start3A_1931 = arith.constant 0 : i32
      %dma_start3A_1932 = arith.constant 0 : i32
      %dma_start3A_1933 = tpu.memref_slice %arg4[%add3A_1923, %dma_start3A_1931, %dma_start3A_1932] : memref<16384x50x32xf32, #tpu.memory_space<hbm>> -> memref<1x50x32xf32, #tpu.memory_space<hbm>>
      %dma_start3A_1934 = tpu.memref_squeeze %dma_start3A_1933 : memref<1x50x32xf32, #tpu.memory_space<hbm>> -> memref<50x32xf32, #tpu.memory_space<hbm>>
      %dma_start3A_1935 = arith.constant 1500 : i32
      %dma_start3A_1936 = arith.constant 0 : i32
      %dma_start3A_1937 = tpu.memref_slice %arg6[%dma_start3A_1935, %dma_start3A_1936] : memref<3200x32xf32, #tpu.memory_space<vmem>> -> memref<50x32xf32, #tpu.memory_space<vmem>>
      tpu.enqueue_dma source(%dma_start3A_1937 : memref<50x32xf32, #tpu.memory_space<vmem>>) target(%dma_start3A_1934 : memref<50x32xf32, #tpu.memory_space<hbm>>) target_semaphore(%arg8 : memref<!tpu.dma_semaphore, #tpu.memory_space<semaphore_mem>>)
      %mul3A_1938 = arith.constant 64 : i32
      %mul3A_1939 = arith.muli %scan3A_905, %mul3A_1938 : i32
      %add3A_1940 = arith.addi %mul3A_4, %mul3A_1939 : i32
      %add3A_1941 = arith.constant 31 : i32
      %add3A_1942 = arith.addi %add3A_1940, %add3A_1941 : i32
      %dma_start3A_1943 = arith.constant 1550 : i32
      %dma_start3A_1944 = arith.constant 0 : i32
      %dma_start3A_1945 = tpu.memref_slice %arg6[%dma_start3A_1943, %dma_start3A_1944] : memref<3200x32xf32, #tpu.memory_space<vmem>> -> memref<50x32xf32, #tpu.memory_space<vmem>>
      %dma_start3A_1946 = arith.constant 0 : i32
      %dma_start3A_1947 = arith.constant 0 : i32
      %dma_start3A_1948 = tpu.memref_slice %arg4[%add3A_1942, %dma_start3A_1946, %dma_start3A_1947] : memref<16384x50x32xf32, #tpu.memory_space<hbm>> -> memref<1x50x32xf32, #tpu.memory_space<hbm>>
      %dma_start3A_1949 = tpu.memref_squeeze %dma_start3A_1948 : memref<1x50x32xf32, #tpu.memory_space<hbm>> -> memref<50x32xf32, #tpu.memory_space<hbm>>
      %dma_start3A_1950 = arith.constant 0 : i32
      %dma_start3A_1951 = arith.constant 0 : i32
      %dma_start3A_1952 = tpu.memref_slice %arg4[%add3A_1942, %dma_start3A_1950, %dma_start3A_1951] : memref<16384x50x32xf32, #tpu.memory_space<hbm>> -> memref<1x50x32xf32, #tpu.memory_space<hbm>>
      %dma_start3A_1953 = tpu.memref_squeeze %dma_start3A_1952 : memref<1x50x32xf32, #tpu.memory_space<hbm>> -> memref<50x32xf32, #tpu.memory_space<hbm>>
      %dma_start3A_1954 = arith.constant 1550 : i32
      %dma_start3A_1955 = arith.constant 0 : i32
      %dma_start3A_1956 = tpu.memref_slice %arg6[%dma_start3A_1954, %dma_start3A_1955] : memref<3200x32xf32, #tpu.memory_space<vmem>> -> memref<50x32xf32, #tpu.memory_space<vmem>>
      tpu.enqueue_dma source(%dma_start3A_1956 : memref<50x32xf32, #tpu.memory_space<vmem>>) target(%dma_start3A_1953 : memref<50x32xf32, #tpu.memory_space<hbm>>) target_semaphore(%arg8 : memref<!tpu.dma_semaphore, #tpu.memory_space<semaphore_mem>>)
      %mul3A_1957 = arith.constant 64 : i32
      %mul3A_1958 = arith.muli %scan3A_905, %mul3A_1957 : i32
      %add3A_1959 = arith.addi %mul3A_4, %mul3A_1958 : i32
      %add3A_1960 = arith.constant 32 : i32
      %add3A_1961 = arith.addi %add3A_1959, %add3A_1960 : i32
      %dma_start3A_1962 = arith.constant 1600 : i32
      %dma_start3A_1963 = arith.constant 0 : i32
      %dma_start3A_1964 = tpu.memref_slice %arg6[%dma_start3A_1962, %dma_start3A_1963] : memref<3200x32xf32, #tpu.memory_space<vmem>> -> memref<50x32xf32, #tpu.memory_space<vmem>>
      %dma_start3A_1965 = arith.constant 0 : i32
      %dma_start3A_1966 = arith.constant 0 : i32
      %dma_start3A_1967 = tpu.memref_slice %arg4[%add3A_1961, %dma_start3A_1965, %dma_start3A_1966] : memref<16384x50x32xf32, #tpu.memory_space<hbm>> -> memref<1x50x32xf32, #tpu.memory_space<hbm>>
      %dma_start3A_1968 = tpu.memref_squeeze %dma_start3A_1967 : memref<1x50x32xf32, #tpu.memory_space<hbm>> -> memref<50x32xf32, #tpu.memory_space<hbm>>
      %dma_start3A_1969 = arith.constant 0 : i32
      %dma_start3A_1970 = arith.constant 0 : i32
      %dma_start3A_1971 = tpu.memref_slice %arg4[%add3A_1961, %dma_start3A_1969, %dma_start3A_1970] : memref<16384x50x32xf32, #tpu.memory_space<hbm>> -> memref<1x50x32xf32, #tpu.memory_space<hbm>>
      %dma_start3A_1972 = tpu.memref_squeeze %dma_start3A_1971 : memref<1x50x32xf32, #tpu.memory_space<hbm>> -> memref<50x32xf32, #tpu.memory_space<hbm>>
      %dma_start3A_1973 = arith.constant 1600 : i32
      %dma_start3A_1974 = arith.constant 0 : i32
      %dma_start3A_1975 = tpu.memref_slice %arg6[%dma_start3A_1973, %dma_start3A_1974] : memref<3200x32xf32, #tpu.memory_space<vmem>> -> memref<50x32xf32, #tpu.memory_space<vmem>>
      tpu.enqueue_dma source(%dma_start3A_1975 : memref<50x32xf32, #tpu.memory_space<vmem>>) target(%dma_start3A_1972 : memref<50x32xf32, #tpu.memory_space<hbm>>) target_semaphore(%arg8 : memref<!tpu.dma_semaphore, #tpu.memory_space<semaphore_mem>>)
      %dma_wait3A_1976 = arith.constant 1664 : i32
      %dma_wait3A_1977 = arith.constant 0 : i32
      %dma_wait3A_1978 = tpu.memref_slice %arg6[%dma_wait3A_1976, %dma_wait3A_1977] : memref<3200x32xf32, #tpu.memory_space<vmem>> -> memref<128x32xf32, #tpu.memory_space<vmem>>
      %dma_wait3A_1979 = arith.constant 0 : i32
      %dma_wait3A_1980 = tpu.memref_slice %arg5[%add3A_1079, %dma_wait3A_1979] : memref<200x128xi32, #tpu.memory_space<vmem>> -> memref<1x128xi32, #tpu.memory_space<vmem>>
      %dma_wait3A_1981 = tpu.memref_squeeze %dma_wait3A_1980 : memref<1x128xi32, #tpu.memory_space<vmem>> -> memref<128xi32, #tpu.memory_space<vmem>>
      %dma_wait3A_1982 = arith.constant 0 : i32
      %dma_wait3A_1983 = arith.constant 0 : i32
      %dma_wait3A_1984 = tpu.memref_slice %arg3[%dma_wait3A_1982, %dma_wait3A_1983] : memref<1000000x32xf32, #tpu.memory_space<hbm>> -> memref<1000000x32xf32, #tpu.memory_space<hbm>>
      tpu.wait_indirect_dma semaphore(%arg7 : memref<!tpu.dma_semaphore, #tpu.memory_space<semaphore_mem>>) src(%dma_wait3A_1984 : memref<1000000x32xf32, #tpu.memory_space<hbm>>) dst(%dma_wait3A_1978 : memref<128x32xf32, #tpu.memory_space<vmem>>)
      %mul3A_1985 = arith.constant 64 : i32
      %mul3A_1986 = arith.muli %scan3A_905, %mul3A_1985 : i32
      %add3A_1987 = arith.addi %mul3A_4, %mul3A_1986 : i32
      %add3A_1988 = arith.constant 33 : i32
      %add3A_1989 = arith.addi %add3A_1987, %add3A_1988 : i32
      %dma_start3A_1990 = arith.constant 1650 : i32
      %dma_start3A_1991 = arith.constant 0 : i32
      %dma_start3A_1992 = tpu.memref_slice %arg6[%dma_start3A_1990, %dma_start3A_1991] : memref<3200x32xf32, #tpu.memory_space<vmem>> -> memref<50x32xf32, #tpu.memory_space<vmem>>
      %dma_start3A_1993 = arith.constant 0 : i32
      %dma_start3A_1994 = arith.constant 0 : i32
      %dma_start3A_1995 = tpu.memref_slice %arg4[%add3A_1989, %dma_start3A_1993, %dma_start3A_1994] : memref<16384x50x32xf32, #tpu.memory_space<hbm>> -> memref<1x50x32xf32, #tpu.memory_space<hbm>>
      %dma_start3A_1996 = tpu.memref_squeeze %dma_start3A_1995 : memref<1x50x32xf32, #tpu.memory_space<hbm>> -> memref<50x32xf32, #tpu.memory_space<hbm>>
      %dma_start3A_1997 = arith.constant 0 : i32
      %dma_start3A_1998 = arith.constant 0 : i32
      %dma_start3A_1999 = tpu.memref_slice %arg4[%add3A_1989, %dma_start3A_1997, %dma_start3A_1998] : memref<16384x50x32xf32, #tpu.memory_space<hbm>> -> memref<1x50x32xf32, #tpu.memory_space<hbm>>
      %dma_start3A_2000 = tpu.memref_squeeze %dma_start3A_1999 : memref<1x50x32xf32, #tpu.memory_space<hbm>> -> memref<50x32xf32, #tpu.memory_space<hbm>>
      %dma_start3A_2001 = arith.constant 1650 : i32
      %dma_start3A_2002 = arith.constant 0 : i32
      %dma_start3A_2003 = tpu.memref_slice %arg6[%dma_start3A_2001, %dma_start3A_2002] : memref<3200x32xf32, #tpu.memory_space<vmem>> -> memref<50x32xf32, #tpu.memory_space<vmem>>
      tpu.enqueue_dma source(%dma_start3A_2003 : memref<50x32xf32, #tpu.memory_space<vmem>>) target(%dma_start3A_2000 : memref<50x32xf32, #tpu.memory_space<hbm>>) target_semaphore(%arg8 : memref<!tpu.dma_semaphore, #tpu.memory_space<semaphore_mem>>)
      %mul3A_2004 = arith.constant 64 : i32
      %mul3A_2005 = arith.muli %scan3A_905, %mul3A_2004 : i32
      %add3A_2006 = arith.addi %mul3A_4, %mul3A_2005 : i32
      %add3A_2007 = arith.constant 34 : i32
      %add3A_2008 = arith.addi %add3A_2006, %add3A_2007 : i32
      %dma_start3A_2009 = arith.constant 1700 : i32
      %dma_start3A_2010 = arith.constant 0 : i32
      %dma_start3A_2011 = tpu.memref_slice %arg6[%dma_start3A_2009, %dma_start3A_2010] : memref<3200x32xf32, #tpu.memory_space<vmem>> -> memref<50x32xf32, #tpu.memory_space<vmem>>
      %dma_start3A_2012 = arith.constant 0 : i32
      %dma_start3A_2013 = arith.constant 0 : i32
      %dma_start3A_2014 = tpu.memref_slice %arg4[%add3A_2008, %dma_start3A_2012, %dma_start3A_2013] : memref<16384x50x32xf32, #tpu.memory_space<hbm>> -> memref<1x50x32xf32, #tpu.memory_space<hbm>>
      %dma_start3A_2015 = tpu.memref_squeeze %dma_start3A_2014 : memref<1x50x32xf32, #tpu.memory_space<hbm>> -> memref<50x32xf32, #tpu.memory_space<hbm>>
      %dma_start3A_2016 = arith.constant 0 : i32
      %dma_start3A_2017 = arith.constant 0 : i32
      %dma_start3A_2018 = tpu.memref_slice %arg4[%add3A_2008, %dma_start3A_2016, %dma_start3A_2017] : memref<16384x50x32xf32, #tpu.memory_space<hbm>> -> memref<1x50x32xf32, #tpu.memory_space<hbm>>
      %dma_start3A_2019 = tpu.memref_squeeze %dma_start3A_2018 : memref<1x50x32xf32, #tpu.memory_space<hbm>> -> memref<50x32xf32, #tpu.memory_space<hbm>>
      %dma_start3A_2020 = arith.constant 1700 : i32
      %dma_start3A_2021 = arith.constant 0 : i32
      %dma_start3A_2022 = tpu.memref_slice %arg6[%dma_start3A_2020, %dma_start3A_2021] : memref<3200x32xf32, #tpu.memory_space<vmem>> -> memref<50x32xf32, #tpu.memory_space<vmem>>
      tpu.enqueue_dma source(%dma_start3A_2022 : memref<50x32xf32, #tpu.memory_space<vmem>>) target(%dma_start3A_2019 : memref<50x32xf32, #tpu.memory_space<hbm>>) target_semaphore(%arg8 : memref<!tpu.dma_semaphore, #tpu.memory_space<semaphore_mem>>)
      %dma_wait3A_2023 = arith.constant 1792 : i32
      %dma_wait3A_2024 = arith.constant 0 : i32
      %dma_wait3A_2025 = tpu.memref_slice %arg6[%dma_wait3A_2023, %dma_wait3A_2024] : memref<3200x32xf32, #tpu.memory_space<vmem>> -> memref<128x32xf32, #tpu.memory_space<vmem>>
      %dma_wait3A_2026 = arith.constant 0 : i32
      %dma_wait3A_2027 = tpu.memref_slice %arg5[%add3A_1092, %dma_wait3A_2026] : memref<200x128xi32, #tpu.memory_space<vmem>> -> memref<1x128xi32, #tpu.memory_space<vmem>>
      %dma_wait3A_2028 = tpu.memref_squeeze %dma_wait3A_2027 : memref<1x128xi32, #tpu.memory_space<vmem>> -> memref<128xi32, #tpu.memory_space<vmem>>
      %dma_wait3A_2029 = arith.constant 0 : i32
      %dma_wait3A_2030 = arith.constant 0 : i32
      %dma_wait3A_2031 = tpu.memref_slice %arg3[%dma_wait3A_2029, %dma_wait3A_2030] : memref<1000000x32xf32, #tpu.memory_space<hbm>> -> memref<1000000x32xf32, #tpu.memory_space<hbm>>
      tpu.wait_indirect_dma semaphore(%arg7 : memref<!tpu.dma_semaphore, #tpu.memory_space<semaphore_mem>>) src(%dma_wait3A_2031 : memref<1000000x32xf32, #tpu.memory_space<hbm>>) dst(%dma_wait3A_2025 : memref<128x32xf32, #tpu.memory_space<vmem>>)
      %mul3A_2032 = arith.constant 64 : i32
      %mul3A_2033 = arith.muli %scan3A_905, %mul3A_2032 : i32
      %add3A_2034 = arith.addi %mul3A_4, %mul3A_2033 : i32
      %add3A_2035 = arith.constant 35 : i32
      %add3A_2036 = arith.addi %add3A_2034, %add3A_2035 : i32
      %dma_start3A_2037 = arith.constant 1750 : i32
      %dma_start3A_2038 = arith.constant 0 : i32
      %dma_start3A_2039 = tpu.memref_slice %arg6[%dma_start3A_2037, %dma_start3A_2038] : memref<3200x32xf32, #tpu.memory_space<vmem>> -> memref<50x32xf32, #tpu.memory_space<vmem>>
      %dma_start3A_2040 = arith.constant 0 : i32
      %dma_start3A_2041 = arith.constant 0 : i32
      %dma_start3A_2042 = tpu.memref_slice %arg4[%add3A_2036, %dma_start3A_2040, %dma_start3A_2041] : memref<16384x50x32xf32, #tpu.memory_space<hbm>> -> memref<1x50x32xf32, #tpu.memory_space<hbm>>
      %dma_start3A_2043 = tpu.memref_squeeze %dma_start3A_2042 : memref<1x50x32xf32, #tpu.memory_space<hbm>> -> memref<50x32xf32, #tpu.memory_space<hbm>>
      %dma_start3A_2044 = arith.constant 0 : i32
      %dma_start3A_2045 = arith.constant 0 : i32
      %dma_start3A_2046 = tpu.memref_slice %arg4[%add3A_2036, %dma_start3A_2044, %dma_start3A_2045] : memref<16384x50x32xf32, #tpu.memory_space<hbm>> -> memref<1x50x32xf32, #tpu.memory_space<hbm>>
      %dma_start3A_2047 = tpu.memref_squeeze %dma_start3A_2046 : memref<1x50x32xf32, #tpu.memory_space<hbm>> -> memref<50x32xf32, #tpu.memory_space<hbm>>
      %dma_start3A_2048 = arith.constant 1750 : i32
      %dma_start3A_2049 = arith.constant 0 : i32
      %dma_start3A_2050 = tpu.memref_slice %arg6[%dma_start3A_2048, %dma_start3A_2049] : memref<3200x32xf32, #tpu.memory_space<vmem>> -> memref<50x32xf32, #tpu.memory_space<vmem>>
      tpu.enqueue_dma source(%dma_start3A_2050 : memref<50x32xf32, #tpu.memory_space<vmem>>) target(%dma_start3A_2047 : memref<50x32xf32, #tpu.memory_space<hbm>>) target_semaphore(%arg8 : memref<!tpu.dma_semaphore, #tpu.memory_space<semaphore_mem>>)
      %mul3A_2051 = arith.constant 64 : i32
      %mul3A_2052 = arith.muli %scan3A_905, %mul3A_2051 : i32
      %add3A_2053 = arith.addi %mul3A_4, %mul3A_2052 : i32
      %add3A_2054 = arith.constant 36 : i32
      %add3A_2055 = arith.addi %add3A_2053, %add3A_2054 : i32
      %dma_start3A_2056 = arith.constant 1800 : i32
      %dma_start3A_2057 = arith.constant 0 : i32
      %dma_start3A_2058 = tpu.memref_slice %arg6[%dma_start3A_2056, %dma_start3A_2057] : memref<3200x32xf32, #tpu.memory_space<vmem>> -> memref<50x32xf32, #tpu.memory_space<vmem>>
      %dma_start3A_2059 = arith.constant 0 : i32
      %dma_start3A_2060 = arith.constant 0 : i32
      %dma_start3A_2061 = tpu.memref_slice %arg4[%add3A_2055, %dma_start3A_2059, %dma_start3A_2060] : memref<16384x50x32xf32, #tpu.memory_space<hbm>> -> memref<1x50x32xf32, #tpu.memory_space<hbm>>
      %dma_start3A_2062 = tpu.memref_squeeze %dma_start3A_2061 : memref<1x50x32xf32, #tpu.memory_space<hbm>> -> memref<50x32xf32, #tpu.memory_space<hbm>>
      %dma_start3A_2063 = arith.constant 0 : i32
      %dma_start3A_2064 = arith.constant 0 : i32
      %dma_start3A_2065 = tpu.memref_slice %arg4[%add3A_2055, %dma_start3A_2063, %dma_start3A_2064] : memref<16384x50x32xf32, #tpu.memory_space<hbm>> -> memref<1x50x32xf32, #tpu.memory_space<hbm>>
      %dma_start3A_2066 = tpu.memref_squeeze %dma_start3A_2065 : memref<1x50x32xf32, #tpu.memory_space<hbm>> -> memref<50x32xf32, #tpu.memory_space<hbm>>
      %dma_start3A_2067 = arith.constant 1800 : i32
      %dma_start3A_2068 = arith.constant 0 : i32
      %dma_start3A_2069 = tpu.memref_slice %arg6[%dma_start3A_2067, %dma_start3A_2068] : memref<3200x32xf32, #tpu.memory_space<vmem>> -> memref<50x32xf32, #tpu.memory_space<vmem>>
      tpu.enqueue_dma source(%dma_start3A_2069 : memref<50x32xf32, #tpu.memory_space<vmem>>) target(%dma_start3A_2066 : memref<50x32xf32, #tpu.memory_space<hbm>>) target_semaphore(%arg8 : memref<!tpu.dma_semaphore, #tpu.memory_space<semaphore_mem>>)
      %mul3A_2070 = arith.constant 64 : i32
      %mul3A_2071 = arith.muli %scan3A_905, %mul3A_2070 : i32
      %add3A_2072 = arith.addi %mul3A_4, %mul3A_2071 : i32
      %add3A_2073 = arith.constant 37 : i32
      %add3A_2074 = arith.addi %add3A_2072, %add3A_2073 : i32
      %dma_start3A_2075 = arith.constant 1850 : i32
      %dma_start3A_2076 = arith.constant 0 : i32
      %dma_start3A_2077 = tpu.memref_slice %arg6[%dma_start3A_2075, %dma_start3A_2076] : memref<3200x32xf32, #tpu.memory_space<vmem>> -> memref<50x32xf32, #tpu.memory_space<vmem>>
      %dma_start3A_2078 = arith.constant 0 : i32
      %dma_start3A_2079 = arith.constant 0 : i32
      %dma_start3A_2080 = tpu.memref_slice %arg4[%add3A_2074, %dma_start3A_2078, %dma_start3A_2079] : memref<16384x50x32xf32, #tpu.memory_space<hbm>> -> memref<1x50x32xf32, #tpu.memory_space<hbm>>
      %dma_start3A_2081 = tpu.memref_squeeze %dma_start3A_2080 : memref<1x50x32xf32, #tpu.memory_space<hbm>> -> memref<50x32xf32, #tpu.memory_space<hbm>>
      %dma_start3A_2082 = arith.constant 0 : i32
      %dma_start3A_2083 = arith.constant 0 : i32
      %dma_start3A_2084 = tpu.memref_slice %arg4[%add3A_2074, %dma_start3A_2082, %dma_start3A_2083] : memref<16384x50x32xf32, #tpu.memory_space<hbm>> -> memref<1x50x32xf32, #tpu.memory_space<hbm>>
      %dma_start3A_2085 = tpu.memref_squeeze %dma_start3A_2084 : memref<1x50x32xf32, #tpu.memory_space<hbm>> -> memref<50x32xf32, #tpu.memory_space<hbm>>
      %dma_start3A_2086 = arith.constant 1850 : i32
      %dma_start3A_2087 = arith.constant 0 : i32
      %dma_start3A_2088 = tpu.memref_slice %arg6[%dma_start3A_2086, %dma_start3A_2087] : memref<3200x32xf32, #tpu.memory_space<vmem>> -> memref<50x32xf32, #tpu.memory_space<vmem>>
      tpu.enqueue_dma source(%dma_start3A_2088 : memref<50x32xf32, #tpu.memory_space<vmem>>) target(%dma_start3A_2085 : memref<50x32xf32, #tpu.memory_space<hbm>>) target_semaphore(%arg8 : memref<!tpu.dma_semaphore, #tpu.memory_space<semaphore_mem>>)
      %dma_wait3A_2089 = arith.constant 1920 : i32
      %dma_wait3A_2090 = arith.constant 0 : i32
      %dma_wait3A_2091 = tpu.memref_slice %arg6[%dma_wait3A_2089, %dma_wait3A_2090] : memref<3200x32xf32, #tpu.memory_space<vmem>> -> memref<128x32xf32, #tpu.memory_space<vmem>>
      %dma_wait3A_2092 = arith.constant 0 : i32
      %dma_wait3A_2093 = tpu.memref_slice %arg5[%add3A_1105, %dma_wait3A_2092] : memref<200x128xi32, #tpu.memory_space<vmem>> -> memref<1x128xi32, #tpu.memory_space<vmem>>
      %dma_wait3A_2094 = tpu.memref_squeeze %dma_wait3A_2093 : memref<1x128xi32, #tpu.memory_space<vmem>> -> memref<128xi32, #tpu.memory_space<vmem>>
      %dma_wait3A_2095 = arith.constant 0 : i32
      %dma_wait3A_2096 = arith.constant 0 : i32
      %dma_wait3A_2097 = tpu.memref_slice %arg3[%dma_wait3A_2095, %dma_wait3A_2096] : memref<1000000x32xf32, #tpu.memory_space<hbm>> -> memref<1000000x32xf32, #tpu.memory_space<hbm>>
      tpu.wait_indirect_dma semaphore(%arg7 : memref<!tpu.dma_semaphore, #tpu.memory_space<semaphore_mem>>) src(%dma_wait3A_2097 : memref<1000000x32xf32, #tpu.memory_space<hbm>>) dst(%dma_wait3A_2091 : memref<128x32xf32, #tpu.memory_space<vmem>>)
      %mul3A_2098 = arith.constant 64 : i32
      %mul3A_2099 = arith.muli %scan3A_905, %mul3A_2098 : i32
      %add3A_2100 = arith.addi %mul3A_4, %mul3A_2099 : i32
      %add3A_2101 = arith.constant 38 : i32
      %add3A_2102 = arith.addi %add3A_2100, %add3A_2101 : i32
      %dma_start3A_2103 = arith.constant 1900 : i32
      %dma_start3A_2104 = arith.constant 0 : i32
      %dma_start3A_2105 = tpu.memref_slice %arg6[%dma_start3A_2103, %dma_start3A_2104] : memref<3200x32xf32, #tpu.memory_space<vmem>> -> memref<50x32xf32, #tpu.memory_space<vmem>>
      %dma_start3A_2106 = arith.constant 0 : i32
      %dma_start3A_2107 = arith.constant 0 : i32
      %dma_start3A_2108 = tpu.memref_slice %arg4[%add3A_2102, %dma_start3A_2106, %dma_start3A_2107] : memref<16384x50x32xf32, #tpu.memory_space<hbm>> -> memref<1x50x32xf32, #tpu.memory_space<hbm>>
      %dma_start3A_2109 = tpu.memref_squeeze %dma_start3A_2108 : memref<1x50x32xf32, #tpu.memory_space<hbm>> -> memref<50x32xf32, #tpu.memory_space<hbm>>
      %dma_start3A_2110 = arith.constant 0 : i32
      %dma_start3A_2111 = arith.constant 0 : i32
      %dma_start3A_2112 = tpu.memref_slice %arg4[%add3A_2102, %dma_start3A_2110, %dma_start3A_2111] : memref<16384x50x32xf32, #tpu.memory_space<hbm>> -> memref<1x50x32xf32, #tpu.memory_space<hbm>>
      %dma_start3A_2113 = tpu.memref_squeeze %dma_start3A_2112 : memref<1x50x32xf32, #tpu.memory_space<hbm>> -> memref<50x32xf32, #tpu.memory_space<hbm>>
      %dma_start3A_2114 = arith.constant 1900 : i32
      %dma_start3A_2115 = arith.constant 0 : i32
      %dma_start3A_2116 = tpu.memref_slice %arg6[%dma_start3A_2114, %dma_start3A_2115] : memref<3200x32xf32, #tpu.memory_space<vmem>> -> memref<50x32xf32, #tpu.memory_space<vmem>>
      tpu.enqueue_dma source(%dma_start3A_2116 : memref<50x32xf32, #tpu.memory_space<vmem>>) target(%dma_start3A_2113 : memref<50x32xf32, #tpu.memory_space<hbm>>) target_semaphore(%arg8 : memref<!tpu.dma_semaphore, #tpu.memory_space<semaphore_mem>>)
      %mul3A_2117 = arith.constant 64 : i32
      %mul3A_2118 = arith.muli %scan3A_905, %mul3A_2117 : i32
      %add3A_2119 = arith.addi %mul3A_4, %mul3A_2118 : i32
      %add3A_2120 = arith.constant 39 : i32
      %add3A_2121 = arith.addi %add3A_2119, %add3A_2120 : i32
      %dma_start3A_2122 = arith.constant 1950 : i32
      %dma_start3A_2123 = arith.constant 0 : i32
      %dma_start3A_2124 = tpu.memref_slice %arg6[%dma_start3A_2122, %dma_start3A_2123] : memref<3200x32xf32, #tpu.memory_space<vmem>> -> memref<50x32xf32, #tpu.memory_space<vmem>>
      %dma_start3A_2125 = arith.constant 0 : i32
      %dma_start3A_2126 = arith.constant 0 : i32
      %dma_start3A_2127 = tpu.memref_slice %arg4[%add3A_2121, %dma_start3A_2125, %dma_start3A_2126] : memref<16384x50x32xf32, #tpu.memory_space<hbm>> -> memref<1x50x32xf32, #tpu.memory_space<hbm>>
      %dma_start3A_2128 = tpu.memref_squeeze %dma_start3A_2127 : memref<1x50x32xf32, #tpu.memory_space<hbm>> -> memref<50x32xf32, #tpu.memory_space<hbm>>
      %dma_start3A_2129 = arith.constant 0 : i32
      %dma_start3A_2130 = arith.constant 0 : i32
      %dma_start3A_2131 = tpu.memref_slice %arg4[%add3A_2121, %dma_start3A_2129, %dma_start3A_2130] : memref<16384x50x32xf32, #tpu.memory_space<hbm>> -> memref<1x50x32xf32, #tpu.memory_space<hbm>>
      %dma_start3A_2132 = tpu.memref_squeeze %dma_start3A_2131 : memref<1x50x32xf32, #tpu.memory_space<hbm>> -> memref<50x32xf32, #tpu.memory_space<hbm>>
      %dma_start3A_2133 = arith.constant 1950 : i32
      %dma_start3A_2134 = arith.constant 0 : i32
      %dma_start3A_2135 = tpu.memref_slice %arg6[%dma_start3A_2133, %dma_start3A_2134] : memref<3200x32xf32, #tpu.memory_space<vmem>> -> memref<50x32xf32, #tpu.memory_space<vmem>>
      tpu.enqueue_dma source(%dma_start3A_2135 : memref<50x32xf32, #tpu.memory_space<vmem>>) target(%dma_start3A_2132 : memref<50x32xf32, #tpu.memory_space<hbm>>) target_semaphore(%arg8 : memref<!tpu.dma_semaphore, #tpu.memory_space<semaphore_mem>>)
      %dma_wait3A_2136 = arith.constant 2048 : i32
      %dma_wait3A_2137 = arith.constant 0 : i32
      %dma_wait3A_2138 = tpu.memref_slice %arg6[%dma_wait3A_2136, %dma_wait3A_2137] : memref<3200x32xf32, #tpu.memory_space<vmem>> -> memref<128x32xf32, #tpu.memory_space<vmem>>
      %dma_wait3A_2139 = arith.constant 0 : i32
      %dma_wait3A_2140 = tpu.memref_slice %arg5[%add3A_1118, %dma_wait3A_2139] : memref<200x128xi32, #tpu.memory_space<vmem>> -> memref<1x128xi32, #tpu.memory_space<vmem>>
      %dma_wait3A_2141 = tpu.memref_squeeze %dma_wait3A_2140 : memref<1x128xi32, #tpu.memory_space<vmem>> -> memref<128xi32, #tpu.memory_space<vmem>>
      %dma_wait3A_2142 = arith.constant 0 : i32
      %dma_wait3A_2143 = arith.constant 0 : i32
      %dma_wait3A_2144 = tpu.memref_slice %arg3[%dma_wait3A_2142, %dma_wait3A_2143] : memref<1000000x32xf32, #tpu.memory_space<hbm>> -> memref<1000000x32xf32, #tpu.memory_space<hbm>>
      tpu.wait_indirect_dma semaphore(%arg7 : memref<!tpu.dma_semaphore, #tpu.memory_space<semaphore_mem>>) src(%dma_wait3A_2144 : memref<1000000x32xf32, #tpu.memory_space<hbm>>) dst(%dma_wait3A_2138 : memref<128x32xf32, #tpu.memory_space<vmem>>)
      %mul3A_2145 = arith.constant 64 : i32
      %mul3A_2146 = arith.muli %scan3A_905, %mul3A_2145 : i32
      %add3A_2147 = arith.addi %mul3A_4, %mul3A_2146 : i32
      %add3A_2148 = arith.constant 40 : i32
      %add3A_2149 = arith.addi %add3A_2147, %add3A_2148 : i32
      %dma_start3A_2150 = arith.constant 2000 : i32
      %dma_start3A_2151 = arith.constant 0 : i32
      %dma_start3A_2152 = tpu.memref_slice %arg6[%dma_start3A_2150, %dma_start3A_2151] : memref<3200x32xf32, #tpu.memory_space<vmem>> -> memref<50x32xf32, #tpu.memory_space<vmem>>
      %dma_start3A_2153 = arith.constant 0 : i32
      %dma_start3A_2154 = arith.constant 0 : i32
      %dma_start3A_2155 = tpu.memref_slice %arg4[%add3A_2149, %dma_start3A_2153, %dma_start3A_2154] : memref<16384x50x32xf32, #tpu.memory_space<hbm>> -> memref<1x50x32xf32, #tpu.memory_space<hbm>>
      %dma_start3A_2156 = tpu.memref_squeeze %dma_start3A_2155 : memref<1x50x32xf32, #tpu.memory_space<hbm>> -> memref<50x32xf32, #tpu.memory_space<hbm>>
      %dma_start3A_2157 = arith.constant 0 : i32
      %dma_start3A_2158 = arith.constant 0 : i32
      %dma_start3A_2159 = tpu.memref_slice %arg4[%add3A_2149, %dma_start3A_2157, %dma_start3A_2158] : memref<16384x50x32xf32, #tpu.memory_space<hbm>> -> memref<1x50x32xf32, #tpu.memory_space<hbm>>
      %dma_start3A_2160 = tpu.memref_squeeze %dma_start3A_2159 : memref<1x50x32xf32, #tpu.memory_space<hbm>> -> memref<50x32xf32, #tpu.memory_space<hbm>>
      %dma_start3A_2161 = arith.constant 2000 : i32
      %dma_start3A_2162 = arith.constant 0 : i32
      %dma_start3A_2163 = tpu.memref_slice %arg6[%dma_start3A_2161, %dma_start3A_2162] : memref<3200x32xf32, #tpu.memory_space<vmem>> -> memref<50x32xf32, #tpu.memory_space<vmem>>
      tpu.enqueue_dma source(%dma_start3A_2163 : memref<50x32xf32, #tpu.memory_space<vmem>>) target(%dma_start3A_2160 : memref<50x32xf32, #tpu.memory_space<hbm>>) target_semaphore(%arg8 : memref<!tpu.dma_semaphore, #tpu.memory_space<semaphore_mem>>)
      %mul3A_2164 = arith.constant 64 : i32
      %mul3A_2165 = arith.muli %scan3A_905, %mul3A_2164 : i32
      %add3A_2166 = arith.addi %mul3A_4, %mul3A_2165 : i32
      %add3A_2167 = arith.constant 41 : i32
      %add3A_2168 = arith.addi %add3A_2166, %add3A_2167 : i32
      %dma_start3A_2169 = arith.constant 2050 : i32
      %dma_start3A_2170 = arith.constant 0 : i32
      %dma_start3A_2171 = tpu.memref_slice %arg6[%dma_start3A_2169, %dma_start3A_2170] : memref<3200x32xf32, #tpu.memory_space<vmem>> -> memref<50x32xf32, #tpu.memory_space<vmem>>
      %dma_start3A_2172 = arith.constant 0 : i32
      %dma_start3A_2173 = arith.constant 0 : i32
      %dma_start3A_2174 = tpu.memref_slice %arg4[%add3A_2168, %dma_start3A_2172, %dma_start3A_2173] : memref<16384x50x32xf32, #tpu.memory_space<hbm>> -> memref<1x50x32xf32, #tpu.memory_space<hbm>>
      %dma_start3A_2175 = tpu.memref_squeeze %dma_start3A_2174 : memref<1x50x32xf32, #tpu.memory_space<hbm>> -> memref<50x32xf32, #tpu.memory_space<hbm>>
      %dma_start3A_2176 = arith.constant 0 : i32
      %dma_start3A_2177 = arith.constant 0 : i32
      %dma_start3A_2178 = tpu.memref_slice %arg4[%add3A_2168, %dma_start3A_2176, %dma_start3A_2177] : memref<16384x50x32xf32, #tpu.memory_space<hbm>> -> memref<1x50x32xf32, #tpu.memory_space<hbm>>
      %dma_start3A_2179 = tpu.memref_squeeze %dma_start3A_2178 : memref<1x50x32xf32, #tpu.memory_space<hbm>> -> memref<50x32xf32, #tpu.memory_space<hbm>>
      %dma_start3A_2180 = arith.constant 2050 : i32
      %dma_start3A_2181 = arith.constant 0 : i32
      %dma_start3A_2182 = tpu.memref_slice %arg6[%dma_start3A_2180, %dma_start3A_2181] : memref<3200x32xf32, #tpu.memory_space<vmem>> -> memref<50x32xf32, #tpu.memory_space<vmem>>
      tpu.enqueue_dma source(%dma_start3A_2182 : memref<50x32xf32, #tpu.memory_space<vmem>>) target(%dma_start3A_2179 : memref<50x32xf32, #tpu.memory_space<hbm>>) target_semaphore(%arg8 : memref<!tpu.dma_semaphore, #tpu.memory_space<semaphore_mem>>)
      %mul3A_2183 = arith.constant 64 : i32
      %mul3A_2184 = arith.muli %scan3A_905, %mul3A_2183 : i32
      %add3A_2185 = arith.addi %mul3A_4, %mul3A_2184 : i32
      %add3A_2186 = arith.constant 42 : i32
      %add3A_2187 = arith.addi %add3A_2185, %add3A_2186 : i32
      %dma_start3A_2188 = arith.constant 2100 : i32
      %dma_start3A_2189 = arith.constant 0 : i32
      %dma_start3A_2190 = tpu.memref_slice %arg6[%dma_start3A_2188, %dma_start3A_2189] : memref<3200x32xf32, #tpu.memory_space<vmem>> -> memref<50x32xf32, #tpu.memory_space<vmem>>
      %dma_start3A_2191 = arith.constant 0 : i32
      %dma_start3A_2192 = arith.constant 0 : i32
      %dma_start3A_2193 = tpu.memref_slice %arg4[%add3A_2187, %dma_start3A_2191, %dma_start3A_2192] : memref<16384x50x32xf32, #tpu.memory_space<hbm>> -> memref<1x50x32xf32, #tpu.memory_space<hbm>>
      %dma_start3A_2194 = tpu.memref_squeeze %dma_start3A_2193 : memref<1x50x32xf32, #tpu.memory_space<hbm>> -> memref<50x32xf32, #tpu.memory_space<hbm>>
      %dma_start3A_2195 = arith.constant 0 : i32
      %dma_start3A_2196 = arith.constant 0 : i32
      %dma_start3A_2197 = tpu.memref_slice %arg4[%add3A_2187, %dma_start3A_2195, %dma_start3A_2196] : memref<16384x50x32xf32, #tpu.memory_space<hbm>> -> memref<1x50x32xf32, #tpu.memory_space<hbm>>
      %dma_start3A_2198 = tpu.memref_squeeze %dma_start3A_2197 : memref<1x50x32xf32, #tpu.memory_space<hbm>> -> memref<50x32xf32, #tpu.memory_space<hbm>>
      %dma_start3A_2199 = arith.constant 2100 : i32
      %dma_start3A_2200 = arith.constant 0 : i32
      %dma_start3A_2201 = tpu.memref_slice %arg6[%dma_start3A_2199, %dma_start3A_2200] : memref<3200x32xf32, #tpu.memory_space<vmem>> -> memref<50x32xf32, #tpu.memory_space<vmem>>
      tpu.enqueue_dma source(%dma_start3A_2201 : memref<50x32xf32, #tpu.memory_space<vmem>>) target(%dma_start3A_2198 : memref<50x32xf32, #tpu.memory_space<hbm>>) target_semaphore(%arg8 : memref<!tpu.dma_semaphore, #tpu.memory_space<semaphore_mem>>)
      %dma_wait3A_2202 = arith.constant 2176 : i32
      %dma_wait3A_2203 = arith.constant 0 : i32
      %dma_wait3A_2204 = tpu.memref_slice %arg6[%dma_wait3A_2202, %dma_wait3A_2203] : memref<3200x32xf32, #tpu.memory_space<vmem>> -> memref<128x32xf32, #tpu.memory_space<vmem>>
      %dma_wait3A_2205 = arith.constant 0 : i32
      %dma_wait3A_2206 = tpu.memref_slice %arg5[%add3A_1131, %dma_wait3A_2205] : memref<200x128xi32, #tpu.memory_space<vmem>> -> memref<1x128xi32, #tpu.memory_space<vmem>>
      %dma_wait3A_2207 = tpu.memref_squeeze %dma_wait3A_2206 : memref<1x128xi32, #tpu.memory_space<vmem>> -> memref<128xi32, #tpu.memory_space<vmem>>
      %dma_wait3A_2208 = arith.constant 0 : i32
      %dma_wait3A_2209 = arith.constant 0 : i32
      %dma_wait3A_2210 = tpu.memref_slice %arg3[%dma_wait3A_2208, %dma_wait3A_2209] : memref<1000000x32xf32, #tpu.memory_space<hbm>> -> memref<1000000x32xf32, #tpu.memory_space<hbm>>
      tpu.wait_indirect_dma semaphore(%arg7 : memref<!tpu.dma_semaphore, #tpu.memory_space<semaphore_mem>>) src(%dma_wait3A_2210 : memref<1000000x32xf32, #tpu.memory_space<hbm>>) dst(%dma_wait3A_2204 : memref<128x32xf32, #tpu.memory_space<vmem>>)
      %mul3A_2211 = arith.constant 64 : i32
      %mul3A_2212 = arith.muli %scan3A_905, %mul3A_2211 : i32
      %add3A_2213 = arith.addi %mul3A_4, %mul3A_2212 : i32
      %add3A_2214 = arith.constant 43 : i32
      %add3A_2215 = arith.addi %add3A_2213, %add3A_2214 : i32
      %dma_start3A_2216 = arith.constant 2150 : i32
      %dma_start3A_2217 = arith.constant 0 : i32
      %dma_start3A_2218 = tpu.memref_slice %arg6[%dma_start3A_2216, %dma_start3A_2217] : memref<3200x32xf32, #tpu.memory_space<vmem>> -> memref<50x32xf32, #tpu.memory_space<vmem>>
      %dma_start3A_2219 = arith.constant 0 : i32
      %dma_start3A_2220 = arith.constant 0 : i32
      %dma_start3A_2221 = tpu.memref_slice %arg4[%add3A_2215, %dma_start3A_2219, %dma_start3A_2220] : memref<16384x50x32xf32, #tpu.memory_space<hbm>> -> memref<1x50x32xf32, #tpu.memory_space<hbm>>
      %dma_start3A_2222 = tpu.memref_squeeze %dma_start3A_2221 : memref<1x50x32xf32, #tpu.memory_space<hbm>> -> memref<50x32xf32, #tpu.memory_space<hbm>>
      %dma_start3A_2223 = arith.constant 0 : i32
      %dma_start3A_2224 = arith.constant 0 : i32
      %dma_start3A_2225 = tpu.memref_slice %arg4[%add3A_2215, %dma_start3A_2223, %dma_start3A_2224] : memref<16384x50x32xf32, #tpu.memory_space<hbm>> -> memref<1x50x32xf32, #tpu.memory_space<hbm>>
      %dma_start3A_2226 = tpu.memref_squeeze %dma_start3A_2225 : memref<1x50x32xf32, #tpu.memory_space<hbm>> -> memref<50x32xf32, #tpu.memory_space<hbm>>
      %dma_start3A_2227 = arith.constant 2150 : i32
      %dma_start3A_2228 = arith.constant 0 : i32
      %dma_start3A_2229 = tpu.memref_slice %arg6[%dma_start3A_2227, %dma_start3A_2228] : memref<3200x32xf32, #tpu.memory_space<vmem>> -> memref<50x32xf32, #tpu.memory_space<vmem>>
      tpu.enqueue_dma source(%dma_start3A_2229 : memref<50x32xf32, #tpu.memory_space<vmem>>) target(%dma_start3A_2226 : memref<50x32xf32, #tpu.memory_space<hbm>>) target_semaphore(%arg8 : memref<!tpu.dma_semaphore, #tpu.memory_space<semaphore_mem>>)
      %mul3A_2230 = arith.constant 64 : i32
      %mul3A_2231 = arith.muli %scan3A_905, %mul3A_2230 : i32
      %add3A_2232 = arith.addi %mul3A_4, %mul3A_2231 : i32
      %add3A_2233 = arith.constant 44 : i32
      %add3A_2234 = arith.addi %add3A_2232, %add3A_2233 : i32
      %dma_start3A_2235 = arith.constant 2200 : i32
      %dma_start3A_2236 = arith.constant 0 : i32
      %dma_start3A_2237 = tpu.memref_slice %arg6[%dma_start3A_2235, %dma_start3A_2236] : memref<3200x32xf32, #tpu.memory_space<vmem>> -> memref<50x32xf32, #tpu.memory_space<vmem>>
      %dma_start3A_2238 = arith.constant 0 : i32
      %dma_start3A_2239 = arith.constant 0 : i32
      %dma_start3A_2240 = tpu.memref_slice %arg4[%add3A_2234, %dma_start3A_2238, %dma_start3A_2239] : memref<16384x50x32xf32, #tpu.memory_space<hbm>> -> memref<1x50x32xf32, #tpu.memory_space<hbm>>
      %dma_start3A_2241 = tpu.memref_squeeze %dma_start3A_2240 : memref<1x50x32xf32, #tpu.memory_space<hbm>> -> memref<50x32xf32, #tpu.memory_space<hbm>>
      %dma_start3A_2242 = arith.constant 0 : i32
      %dma_start3A_2243 = arith.constant 0 : i32
      %dma_start3A_2244 = tpu.memref_slice %arg4[%add3A_2234, %dma_start3A_2242, %dma_start3A_2243] : memref<16384x50x32xf32, #tpu.memory_space<hbm>> -> memref<1x50x32xf32, #tpu.memory_space<hbm>>
      %dma_start3A_2245 = tpu.memref_squeeze %dma_start3A_2244 : memref<1x50x32xf32, #tpu.memory_space<hbm>> -> memref<50x32xf32, #tpu.memory_space<hbm>>
      %dma_start3A_2246 = arith.constant 2200 : i32
      %dma_start3A_2247 = arith.constant 0 : i32
      %dma_start3A_2248 = tpu.memref_slice %arg6[%dma_start3A_2246, %dma_start3A_2247] : memref<3200x32xf32, #tpu.memory_space<vmem>> -> memref<50x32xf32, #tpu.memory_space<vmem>>
      tpu.enqueue_dma source(%dma_start3A_2248 : memref<50x32xf32, #tpu.memory_space<vmem>>) target(%dma_start3A_2245 : memref<50x32xf32, #tpu.memory_space<hbm>>) target_semaphore(%arg8 : memref<!tpu.dma_semaphore, #tpu.memory_space<semaphore_mem>>)
      %mul3A_2249 = arith.constant 64 : i32
      %mul3A_2250 = arith.muli %scan3A_905, %mul3A_2249 : i32
      %add3A_2251 = arith.addi %mul3A_4, %mul3A_2250 : i32
      %add3A_2252 = arith.constant 45 : i32
      %add3A_2253 = arith.addi %add3A_2251, %add3A_2252 : i32
      %dma_start3A_2254 = arith.constant 2250 : i32
      %dma_start3A_2255 = arith.constant 0 : i32
      %dma_start3A_2256 = tpu.memref_slice %arg6[%dma_start3A_2254, %dma_start3A_2255] : memref<3200x32xf32, #tpu.memory_space<vmem>> -> memref<50x32xf32, #tpu.memory_space<vmem>>
      %dma_start3A_2257 = arith.constant 0 : i32
      %dma_start3A_2258 = arith.constant 0 : i32
      %dma_start3A_2259 = tpu.memref_slice %arg4[%add3A_2253, %dma_start3A_2257, %dma_start3A_2258] : memref<16384x50x32xf32, #tpu.memory_space<hbm>> -> memref<1x50x32xf32, #tpu.memory_space<hbm>>
      %dma_start3A_2260 = tpu.memref_squeeze %dma_start3A_2259 : memref<1x50x32xf32, #tpu.memory_space<hbm>> -> memref<50x32xf32, #tpu.memory_space<hbm>>
      %dma_start3A_2261 = arith.constant 0 : i32
      %dma_start3A_2262 = arith.constant 0 : i32
      %dma_start3A_2263 = tpu.memref_slice %arg4[%add3A_2253, %dma_start3A_2261, %dma_start3A_2262] : memref<16384x50x32xf32, #tpu.memory_space<hbm>> -> memref<1x50x32xf32, #tpu.memory_space<hbm>>
      %dma_start3A_2264 = tpu.memref_squeeze %dma_start3A_2263 : memref<1x50x32xf32, #tpu.memory_space<hbm>> -> memref<50x32xf32, #tpu.memory_space<hbm>>
      %dma_start3A_2265 = arith.constant 2250 : i32
      %dma_start3A_2266 = arith.constant 0 : i32
      %dma_start3A_2267 = tpu.memref_slice %arg6[%dma_start3A_2265, %dma_start3A_2266] : memref<3200x32xf32, #tpu.memory_space<vmem>> -> memref<50x32xf32, #tpu.memory_space<vmem>>
      tpu.enqueue_dma source(%dma_start3A_2267 : memref<50x32xf32, #tpu.memory_space<vmem>>) target(%dma_start3A_2264 : memref<50x32xf32, #tpu.memory_space<hbm>>) target_semaphore(%arg8 : memref<!tpu.dma_semaphore, #tpu.memory_space<semaphore_mem>>)
      %dma_wait3A_2268 = arith.constant 2304 : i32
      %dma_wait3A_2269 = arith.constant 0 : i32
      %dma_wait3A_2270 = tpu.memref_slice %arg6[%dma_wait3A_2268, %dma_wait3A_2269] : memref<3200x32xf32, #tpu.memory_space<vmem>> -> memref<128x32xf32, #tpu.memory_space<vmem>>
      %dma_wait3A_2271 = arith.constant 0 : i32
      %dma_wait3A_2272 = tpu.memref_slice %arg5[%add3A_1144, %dma_wait3A_2271] : memref<200x128xi32, #tpu.memory_space<vmem>> -> memref<1x128xi32, #tpu.memory_space<vmem>>
      %dma_wait3A_2273 = tpu.memref_squeeze %dma_wait3A_2272 : memref<1x128xi32, #tpu.memory_space<vmem>> -> memref<128xi32, #tpu.memory_space<vmem>>
      %dma_wait3A_2274 = arith.constant 0 : i32
      %dma_wait3A_2275 = arith.constant 0 : i32
      %dma_wait3A_2276 = tpu.memref_slice %arg3[%dma_wait3A_2274, %dma_wait3A_2275] : memref<1000000x32xf32, #tpu.memory_space<hbm>> -> memref<1000000x32xf32, #tpu.memory_space<hbm>>
      tpu.wait_indirect_dma semaphore(%arg7 : memref<!tpu.dma_semaphore, #tpu.memory_space<semaphore_mem>>) src(%dma_wait3A_2276 : memref<1000000x32xf32, #tpu.memory_space<hbm>>) dst(%dma_wait3A_2270 : memref<128x32xf32, #tpu.memory_space<vmem>>)
      %mul3A_2277 = arith.constant 64 : i32
      %mul3A_2278 = arith.muli %scan3A_905, %mul3A_2277 : i32
      %add3A_2279 = arith.addi %mul3A_4, %mul3A_2278 : i32
      %add3A_2280 = arith.constant 46 : i32
      %add3A_2281 = arith.addi %add3A_2279, %add3A_2280 : i32
      %dma_start3A_2282 = arith.constant 2300 : i32
      %dma_start3A_2283 = arith.constant 0 : i32
      %dma_start3A_2284 = tpu.memref_slice %arg6[%dma_start3A_2282, %dma_start3A_2283] : memref<3200x32xf32, #tpu.memory_space<vmem>> -> memref<50x32xf32, #tpu.memory_space<vmem>>
      %dma_start3A_2285 = arith.constant 0 : i32
      %dma_start3A_2286 = arith.constant 0 : i32
      %dma_start3A_2287 = tpu.memref_slice %arg4[%add3A_2281, %dma_start3A_2285, %dma_start3A_2286] : memref<16384x50x32xf32, #tpu.memory_space<hbm>> -> memref<1x50x32xf32, #tpu.memory_space<hbm>>
      %dma_start3A_2288 = tpu.memref_squeeze %dma_start3A_2287 : memref<1x50x32xf32, #tpu.memory_space<hbm>> -> memref<50x32xf32, #tpu.memory_space<hbm>>
      %dma_start3A_2289 = arith.constant 0 : i32
      %dma_start3A_2290 = arith.constant 0 : i32
      %dma_start3A_2291 = tpu.memref_slice %arg4[%add3A_2281, %dma_start3A_2289, %dma_start3A_2290] : memref<16384x50x32xf32, #tpu.memory_space<hbm>> -> memref<1x50x32xf32, #tpu.memory_space<hbm>>
      %dma_start3A_2292 = tpu.memref_squeeze %dma_start3A_2291 : memref<1x50x32xf32, #tpu.memory_space<hbm>> -> memref<50x32xf32, #tpu.memory_space<hbm>>
      %dma_start3A_2293 = arith.constant 2300 : i32
      %dma_start3A_2294 = arith.constant 0 : i32
      %dma_start3A_2295 = tpu.memref_slice %arg6[%dma_start3A_2293, %dma_start3A_2294] : memref<3200x32xf32, #tpu.memory_space<vmem>> -> memref<50x32xf32, #tpu.memory_space<vmem>>
      tpu.enqueue_dma source(%dma_start3A_2295 : memref<50x32xf32, #tpu.memory_space<vmem>>) target(%dma_start3A_2292 : memref<50x32xf32, #tpu.memory_space<hbm>>) target_semaphore(%arg8 : memref<!tpu.dma_semaphore, #tpu.memory_space<semaphore_mem>>)
      %mul3A_2296 = arith.constant 64 : i32
      %mul3A_2297 = arith.muli %scan3A_905, %mul3A_2296 : i32
      %add3A_2298 = arith.addi %mul3A_4, %mul3A_2297 : i32
      %add3A_2299 = arith.constant 47 : i32
      %add3A_2300 = arith.addi %add3A_2298, %add3A_2299 : i32
      %dma_start3A_2301 = arith.constant 2350 : i32
      %dma_start3A_2302 = arith.constant 0 : i32
      %dma_start3A_2303 = tpu.memref_slice %arg6[%dma_start3A_2301, %dma_start3A_2302] : memref<3200x32xf32, #tpu.memory_space<vmem>> -> memref<50x32xf32, #tpu.memory_space<vmem>>
      %dma_start3A_2304 = arith.constant 0 : i32
      %dma_start3A_2305 = arith.constant 0 : i32
      %dma_start3A_2306 = tpu.memref_slice %arg4[%add3A_2300, %dma_start3A_2304, %dma_start3A_2305] : memref<16384x50x32xf32, #tpu.memory_space<hbm>> -> memref<1x50x32xf32, #tpu.memory_space<hbm>>
      %dma_start3A_2307 = tpu.memref_squeeze %dma_start3A_2306 : memref<1x50x32xf32, #tpu.memory_space<hbm>> -> memref<50x32xf32, #tpu.memory_space<hbm>>
      %dma_start3A_2308 = arith.constant 0 : i32
      %dma_start3A_2309 = arith.constant 0 : i32
      %dma_start3A_2310 = tpu.memref_slice %arg4[%add3A_2300, %dma_start3A_2308, %dma_start3A_2309] : memref<16384x50x32xf32, #tpu.memory_space<hbm>> -> memref<1x50x32xf32, #tpu.memory_space<hbm>>
      %dma_start3A_2311 = tpu.memref_squeeze %dma_start3A_2310 : memref<1x50x32xf32, #tpu.memory_space<hbm>> -> memref<50x32xf32, #tpu.memory_space<hbm>>
      %dma_start3A_2312 = arith.constant 2350 : i32
      %dma_start3A_2313 = arith.constant 0 : i32
      %dma_start3A_2314 = tpu.memref_slice %arg6[%dma_start3A_2312, %dma_start3A_2313] : memref<3200x32xf32, #tpu.memory_space<vmem>> -> memref<50x32xf32, #tpu.memory_space<vmem>>
      tpu.enqueue_dma source(%dma_start3A_2314 : memref<50x32xf32, #tpu.memory_space<vmem>>) target(%dma_start3A_2311 : memref<50x32xf32, #tpu.memory_space<hbm>>) target_semaphore(%arg8 : memref<!tpu.dma_semaphore, #tpu.memory_space<semaphore_mem>>)
      %dma_wait3A_2315 = arith.constant 2432 : i32
      %dma_wait3A_2316 = arith.constant 0 : i32
      %dma_wait3A_2317 = tpu.memref_slice %arg6[%dma_wait3A_2315, %dma_wait3A_2316] : memref<3200x32xf32, #tpu.memory_space<vmem>> -> memref<128x32xf32, #tpu.memory_space<vmem>>
      %dma_wait3A_2318 = arith.constant 0 : i32
      %dma_wait3A_2319 = tpu.memref_slice %arg5[%add3A_1157, %dma_wait3A_2318] : memref<200x128xi32, #tpu.memory_space<vmem>> -> memref<1x128xi32, #tpu.memory_space<vmem>>
      %dma_wait3A_2320 = tpu.memref_squeeze %dma_wait3A_2319 : memref<1x128xi32, #tpu.memory_space<vmem>> -> memref<128xi32, #tpu.memory_space<vmem>>
      %dma_wait3A_2321 = arith.constant 0 : i32
      %dma_wait3A_2322 = arith.constant 0 : i32
      %dma_wait3A_2323 = tpu.memref_slice %arg3[%dma_wait3A_2321, %dma_wait3A_2322] : memref<1000000x32xf32, #tpu.memory_space<hbm>> -> memref<1000000x32xf32, #tpu.memory_space<hbm>>
      tpu.wait_indirect_dma semaphore(%arg7 : memref<!tpu.dma_semaphore, #tpu.memory_space<semaphore_mem>>) src(%dma_wait3A_2323 : memref<1000000x32xf32, #tpu.memory_space<hbm>>) dst(%dma_wait3A_2317 : memref<128x32xf32, #tpu.memory_space<vmem>>)
      %mul3A_2324 = arith.constant 64 : i32
      %mul3A_2325 = arith.muli %scan3A_905, %mul3A_2324 : i32
      %add3A_2326 = arith.addi %mul3A_4, %mul3A_2325 : i32
      %add3A_2327 = arith.constant 48 : i32
      %add3A_2328 = arith.addi %add3A_2326, %add3A_2327 : i32
      %dma_start3A_2329 = arith.constant 2400 : i32
      %dma_start3A_2330 = arith.constant 0 : i32
      %dma_start3A_2331 = tpu.memref_slice %arg6[%dma_start3A_2329, %dma_start3A_2330] : memref<3200x32xf32, #tpu.memory_space<vmem>> -> memref<50x32xf32, #tpu.memory_space<vmem>>
      %dma_start3A_2332 = arith.constant 0 : i32
      %dma_start3A_2333 = arith.constant 0 : i32
      %dma_start3A_2334 = tpu.memref_slice %arg4[%add3A_2328, %dma_start3A_2332, %dma_start3A_2333] : memref<16384x50x32xf32, #tpu.memory_space<hbm>> -> memref<1x50x32xf32, #tpu.memory_space<hbm>>
      %dma_start3A_2335 = tpu.memref_squeeze %dma_start3A_2334 : memref<1x50x32xf32, #tpu.memory_space<hbm>> -> memref<50x32xf32, #tpu.memory_space<hbm>>
      %dma_start3A_2336 = arith.constant 0 : i32
      %dma_start3A_2337 = arith.constant 0 : i32
      %dma_start3A_2338 = tpu.memref_slice %arg4[%add3A_2328, %dma_start3A_2336, %dma_start3A_2337] : memref<16384x50x32xf32, #tpu.memory_space<hbm>> -> memref<1x50x32xf32, #tpu.memory_space<hbm>>
      %dma_start3A_2339 = tpu.memref_squeeze %dma_start3A_2338 : memref<1x50x32xf32, #tpu.memory_space<hbm>> -> memref<50x32xf32, #tpu.memory_space<hbm>>
      %dma_start3A_2340 = arith.constant 2400 : i32
      %dma_start3A_2341 = arith.constant 0 : i32
      %dma_start3A_2342 = tpu.memref_slice %arg6[%dma_start3A_2340, %dma_start3A_2341] : memref<3200x32xf32, #tpu.memory_space<vmem>> -> memref<50x32xf32, #tpu.memory_space<vmem>>
      tpu.enqueue_dma source(%dma_start3A_2342 : memref<50x32xf32, #tpu.memory_space<vmem>>) target(%dma_start3A_2339 : memref<50x32xf32, #tpu.memory_space<hbm>>) target_semaphore(%arg8 : memref<!tpu.dma_semaphore, #tpu.memory_space<semaphore_mem>>)
      %mul3A_2343 = arith.constant 64 : i32
      %mul3A_2344 = arith.muli %scan3A_905, %mul3A_2343 : i32
      %add3A_2345 = arith.addi %mul3A_4, %mul3A_2344 : i32
      %add3A_2346 = arith.constant 49 : i32
      %add3A_2347 = arith.addi %add3A_2345, %add3A_2346 : i32
      %dma_start3A_2348 = arith.constant 2450 : i32
      %dma_start3A_2349 = arith.constant 0 : i32
      %dma_start3A_2350 = tpu.memref_slice %arg6[%dma_start3A_2348, %dma_start3A_2349] : memref<3200x32xf32, #tpu.memory_space<vmem>> -> memref<50x32xf32, #tpu.memory_space<vmem>>
      %dma_start3A_2351 = arith.constant 0 : i32
      %dma_start3A_2352 = arith.constant 0 : i32
      %dma_start3A_2353 = tpu.memref_slice %arg4[%add3A_2347, %dma_start3A_2351, %dma_start3A_2352] : memref<16384x50x32xf32, #tpu.memory_space<hbm>> -> memref<1x50x32xf32, #tpu.memory_space<hbm>>
      %dma_start3A_2354 = tpu.memref_squeeze %dma_start3A_2353 : memref<1x50x32xf32, #tpu.memory_space<hbm>> -> memref<50x32xf32, #tpu.memory_space<hbm>>
      %dma_start3A_2355 = arith.constant 0 : i32
      %dma_start3A_2356 = arith.constant 0 : i32
      %dma_start3A_2357 = tpu.memref_slice %arg4[%add3A_2347, %dma_start3A_2355, %dma_start3A_2356] : memref<16384x50x32xf32, #tpu.memory_space<hbm>> -> memref<1x50x32xf32, #tpu.memory_space<hbm>>
      %dma_start3A_2358 = tpu.memref_squeeze %dma_start3A_2357 : memref<1x50x32xf32, #tpu.memory_space<hbm>> -> memref<50x32xf32, #tpu.memory_space<hbm>>
      %dma_start3A_2359 = arith.constant 2450 : i32
      %dma_start3A_2360 = arith.constant 0 : i32
      %dma_start3A_2361 = tpu.memref_slice %arg6[%dma_start3A_2359, %dma_start3A_2360] : memref<3200x32xf32, #tpu.memory_space<vmem>> -> memref<50x32xf32, #tpu.memory_space<vmem>>
      tpu.enqueue_dma source(%dma_start3A_2361 : memref<50x32xf32, #tpu.memory_space<vmem>>) target(%dma_start3A_2358 : memref<50x32xf32, #tpu.memory_space<hbm>>) target_semaphore(%arg8 : memref<!tpu.dma_semaphore, #tpu.memory_space<semaphore_mem>>)
      %mul3A_2362 = arith.constant 64 : i32
      %mul3A_2363 = arith.muli %scan3A_905, %mul3A_2362 : i32
      %add3A_2364 = arith.addi %mul3A_4, %mul3A_2363 : i32
      %add3A_2365 = arith.constant 50 : i32
      %add3A_2366 = arith.addi %add3A_2364, %add3A_2365 : i32
      %dma_start3A_2367 = arith.constant 2500 : i32
      %dma_start3A_2368 = arith.constant 0 : i32
      %dma_start3A_2369 = tpu.memref_slice %arg6[%dma_start3A_2367, %dma_start3A_2368] : memref<3200x32xf32, #tpu.memory_space<vmem>> -> memref<50x32xf32, #tpu.memory_space<vmem>>
      %dma_start3A_2370 = arith.constant 0 : i32
      %dma_start3A_2371 = arith.constant 0 : i32
      %dma_start3A_2372 = tpu.memref_slice %arg4[%add3A_2366, %dma_start3A_2370, %dma_start3A_2371] : memref<16384x50x32xf32, #tpu.memory_space<hbm>> -> memref<1x50x32xf32, #tpu.memory_space<hbm>>
      %dma_start3A_2373 = tpu.memref_squeeze %dma_start3A_2372 : memref<1x50x32xf32, #tpu.memory_space<hbm>> -> memref<50x32xf32, #tpu.memory_space<hbm>>
      %dma_start3A_2374 = arith.constant 0 : i32
      %dma_start3A_2375 = arith.constant 0 : i32
      %dma_start3A_2376 = tpu.memref_slice %arg4[%add3A_2366, %dma_start3A_2374, %dma_start3A_2375] : memref<16384x50x32xf32, #tpu.memory_space<hbm>> -> memref<1x50x32xf32, #tpu.memory_space<hbm>>
      %dma_start3A_2377 = tpu.memref_squeeze %dma_start3A_2376 : memref<1x50x32xf32, #tpu.memory_space<hbm>> -> memref<50x32xf32, #tpu.memory_space<hbm>>
      %dma_start3A_2378 = arith.constant 2500 : i32
      %dma_start3A_2379 = arith.constant 0 : i32
      %dma_start3A_2380 = tpu.memref_slice %arg6[%dma_start3A_2378, %dma_start3A_2379] : memref<3200x32xf32, #tpu.memory_space<vmem>> -> memref<50x32xf32, #tpu.memory_space<vmem>>
      tpu.enqueue_dma source(%dma_start3A_2380 : memref<50x32xf32, #tpu.memory_space<vmem>>) target(%dma_start3A_2377 : memref<50x32xf32, #tpu.memory_space<hbm>>) target_semaphore(%arg8 : memref<!tpu.dma_semaphore, #tpu.memory_space<semaphore_mem>>)
      %dma_wait3A_2381 = arith.constant 2560 : i32
      %dma_wait3A_2382 = arith.constant 0 : i32
      %dma_wait3A_2383 = tpu.memref_slice %arg6[%dma_wait3A_2381, %dma_wait3A_2382] : memref<3200x32xf32, #tpu.memory_space<vmem>> -> memref<128x32xf32, #tpu.memory_space<vmem>>
      %dma_wait3A_2384 = arith.constant 0 : i32
      %dma_wait3A_2385 = tpu.memref_slice %arg5[%add3A_1170, %dma_wait3A_2384] : memref<200x128xi32, #tpu.memory_space<vmem>> -> memref<1x128xi32, #tpu.memory_space<vmem>>
      %dma_wait3A_2386 = tpu.memref_squeeze %dma_wait3A_2385 : memref<1x128xi32, #tpu.memory_space<vmem>> -> memref<128xi32, #tpu.memory_space<vmem>>
      %dma_wait3A_2387 = arith.constant 0 : i32
      %dma_wait3A_2388 = arith.constant 0 : i32
      %dma_wait3A_2389 = tpu.memref_slice %arg3[%dma_wait3A_2387, %dma_wait3A_2388] : memref<1000000x32xf32, #tpu.memory_space<hbm>> -> memref<1000000x32xf32, #tpu.memory_space<hbm>>
      tpu.wait_indirect_dma semaphore(%arg7 : memref<!tpu.dma_semaphore, #tpu.memory_space<semaphore_mem>>) src(%dma_wait3A_2389 : memref<1000000x32xf32, #tpu.memory_space<hbm>>) dst(%dma_wait3A_2383 : memref<128x32xf32, #tpu.memory_space<vmem>>)
      %mul3A_2390 = arith.constant 64 : i32
      %mul3A_2391 = arith.muli %scan3A_905, %mul3A_2390 : i32
      %add3A_2392 = arith.addi %mul3A_4, %mul3A_2391 : i32
      %add3A_2393 = arith.constant 51 : i32
      %add3A_2394 = arith.addi %add3A_2392, %add3A_2393 : i32
      %dma_start3A_2395 = arith.constant 2550 : i32
      %dma_start3A_2396 = arith.constant 0 : i32
      %dma_start3A_2397 = tpu.memref_slice %arg6[%dma_start3A_2395, %dma_start3A_2396] : memref<3200x32xf32, #tpu.memory_space<vmem>> -> memref<50x32xf32, #tpu.memory_space<vmem>>
      %dma_start3A_2398 = arith.constant 0 : i32
      %dma_start3A_2399 = arith.constant 0 : i32
      %dma_start3A_2400 = tpu.memref_slice %arg4[%add3A_2394, %dma_start3A_2398, %dma_start3A_2399] : memref<16384x50x32xf32, #tpu.memory_space<hbm>> -> memref<1x50x32xf32, #tpu.memory_space<hbm>>
      %dma_start3A_2401 = tpu.memref_squeeze %dma_start3A_2400 : memref<1x50x32xf32, #tpu.memory_space<hbm>> -> memref<50x32xf32, #tpu.memory_space<hbm>>
      %dma_start3A_2402 = arith.constant 0 : i32
      %dma_start3A_2403 = arith.constant 0 : i32
      %dma_start3A_2404 = tpu.memref_slice %arg4[%add3A_2394, %dma_start3A_2402, %dma_start3A_2403] : memref<16384x50x32xf32, #tpu.memory_space<hbm>> -> memref<1x50x32xf32, #tpu.memory_space<hbm>>
      %dma_start3A_2405 = tpu.memref_squeeze %dma_start3A_2404 : memref<1x50x32xf32, #tpu.memory_space<hbm>> -> memref<50x32xf32, #tpu.memory_space<hbm>>
      %dma_start3A_2406 = arith.constant 2550 : i32
      %dma_start3A_2407 = arith.constant 0 : i32
      %dma_start3A_2408 = tpu.memref_slice %arg6[%dma_start3A_2406, %dma_start3A_2407] : memref<3200x32xf32, #tpu.memory_space<vmem>> -> memref<50x32xf32, #tpu.memory_space<vmem>>
      tpu.enqueue_dma source(%dma_start3A_2408 : memref<50x32xf32, #tpu.memory_space<vmem>>) target(%dma_start3A_2405 : memref<50x32xf32, #tpu.memory_space<hbm>>) target_semaphore(%arg8 : memref<!tpu.dma_semaphore, #tpu.memory_space<semaphore_mem>>)
      %mul3A_2409 = arith.constant 64 : i32
      %mul3A_2410 = arith.muli %scan3A_905, %mul3A_2409 : i32
      %add3A_2411 = arith.addi %mul3A_4, %mul3A_2410 : i32
      %add3A_2412 = arith.constant 52 : i32
      %add3A_2413 = arith.addi %add3A_2411, %add3A_2412 : i32
      %dma_start3A_2414 = arith.constant 2600 : i32
      %dma_start3A_2415 = arith.constant 0 : i32
      %dma_start3A_2416 = tpu.memref_slice %arg6[%dma_start3A_2414, %dma_start3A_2415] : memref<3200x32xf32, #tpu.memory_space<vmem>> -> memref<50x32xf32, #tpu.memory_space<vmem>>
      %dma_start3A_2417 = arith.constant 0 : i32
      %dma_start3A_2418 = arith.constant 0 : i32
      %dma_start3A_2419 = tpu.memref_slice %arg4[%add3A_2413, %dma_start3A_2417, %dma_start3A_2418] : memref<16384x50x32xf32, #tpu.memory_space<hbm>> -> memref<1x50x32xf32, #tpu.memory_space<hbm>>
      %dma_start3A_2420 = tpu.memref_squeeze %dma_start3A_2419 : memref<1x50x32xf32, #tpu.memory_space<hbm>> -> memref<50x32xf32, #tpu.memory_space<hbm>>
      %dma_start3A_2421 = arith.constant 0 : i32
      %dma_start3A_2422 = arith.constant 0 : i32
      %dma_start3A_2423 = tpu.memref_slice %arg4[%add3A_2413, %dma_start3A_2421, %dma_start3A_2422] : memref<16384x50x32xf32, #tpu.memory_space<hbm>> -> memref<1x50x32xf32, #tpu.memory_space<hbm>>
      %dma_start3A_2424 = tpu.memref_squeeze %dma_start3A_2423 : memref<1x50x32xf32, #tpu.memory_space<hbm>> -> memref<50x32xf32, #tpu.memory_space<hbm>>
      %dma_start3A_2425 = arith.constant 2600 : i32
      %dma_start3A_2426 = arith.constant 0 : i32
      %dma_start3A_2427 = tpu.memref_slice %arg6[%dma_start3A_2425, %dma_start3A_2426] : memref<3200x32xf32, #tpu.memory_space<vmem>> -> memref<50x32xf32, #tpu.memory_space<vmem>>
      tpu.enqueue_dma source(%dma_start3A_2427 : memref<50x32xf32, #tpu.memory_space<vmem>>) target(%dma_start3A_2424 : memref<50x32xf32, #tpu.memory_space<hbm>>) target_semaphore(%arg8 : memref<!tpu.dma_semaphore, #tpu.memory_space<semaphore_mem>>)
      %dma_wait3A_2428 = arith.constant 2688 : i32
      %dma_wait3A_2429 = arith.constant 0 : i32
      %dma_wait3A_2430 = tpu.memref_slice %arg6[%dma_wait3A_2428, %dma_wait3A_2429] : memref<3200x32xf32, #tpu.memory_space<vmem>> -> memref<128x32xf32, #tpu.memory_space<vmem>>
      %dma_wait3A_2431 = arith.constant 0 : i32
      %dma_wait3A_2432 = tpu.memref_slice %arg5[%add3A_1183, %dma_wait3A_2431] : memref<200x128xi32, #tpu.memory_space<vmem>> -> memref<1x128xi32, #tpu.memory_space<vmem>>
      %dma_wait3A_2433 = tpu.memref_squeeze %dma_wait3A_2432 : memref<1x128xi32, #tpu.memory_space<vmem>> -> memref<128xi32, #tpu.memory_space<vmem>>
      %dma_wait3A_2434 = arith.constant 0 : i32
      %dma_wait3A_2435 = arith.constant 0 : i32
      %dma_wait3A_2436 = tpu.memref_slice %arg3[%dma_wait3A_2434, %dma_wait3A_2435] : memref<1000000x32xf32, #tpu.memory_space<hbm>> -> memref<1000000x32xf32, #tpu.memory_space<hbm>>
      tpu.wait_indirect_dma semaphore(%arg7 : memref<!tpu.dma_semaphore, #tpu.memory_space<semaphore_mem>>) src(%dma_wait3A_2436 : memref<1000000x32xf32, #tpu.memory_space<hbm>>) dst(%dma_wait3A_2430 : memref<128x32xf32, #tpu.memory_space<vmem>>)
      %mul3A_2437 = arith.constant 64 : i32
      %mul3A_2438 = arith.muli %scan3A_905, %mul3A_2437 : i32
      %add3A_2439 = arith.addi %mul3A_4, %mul3A_2438 : i32
      %add3A_2440 = arith.constant 53 : i32
      %add3A_2441 = arith.addi %add3A_2439, %add3A_2440 : i32
      %dma_start3A_2442 = arith.constant 2650 : i32
      %dma_start3A_2443 = arith.constant 0 : i32
      %dma_start3A_2444 = tpu.memref_slice %arg6[%dma_start3A_2442, %dma_start3A_2443] : memref<3200x32xf32, #tpu.memory_space<vmem>> -> memref<50x32xf32, #tpu.memory_space<vmem>>
      %dma_start3A_2445 = arith.constant 0 : i32
      %dma_start3A_2446 = arith.constant 0 : i32
      %dma_start3A_2447 = tpu.memref_slice %arg4[%add3A_2441, %dma_start3A_2445, %dma_start3A_2446] : memref<16384x50x32xf32, #tpu.memory_space<hbm>> -> memref<1x50x32xf32, #tpu.memory_space<hbm>>
      %dma_start3A_2448 = tpu.memref_squeeze %dma_start3A_2447 : memref<1x50x32xf32, #tpu.memory_space<hbm>> -> memref<50x32xf32, #tpu.memory_space<hbm>>
      %dma_start3A_2449 = arith.constant 0 : i32
      %dma_start3A_2450 = arith.constant 0 : i32
      %dma_start3A_2451 = tpu.memref_slice %arg4[%add3A_2441, %dma_start3A_2449, %dma_start3A_2450] : memref<16384x50x32xf32, #tpu.memory_space<hbm>> -> memref<1x50x32xf32, #tpu.memory_space<hbm>>
      %dma_start3A_2452 = tpu.memref_squeeze %dma_start3A_2451 : memref<1x50x32xf32, #tpu.memory_space<hbm>> -> memref<50x32xf32, #tpu.memory_space<hbm>>
      %dma_start3A_2453 = arith.constant 2650 : i32
      %dma_start3A_2454 = arith.constant 0 : i32
      %dma_start3A_2455 = tpu.memref_slice %arg6[%dma_start3A_2453, %dma_start3A_2454] : memref<3200x32xf32, #tpu.memory_space<vmem>> -> memref<50x32xf32, #tpu.memory_space<vmem>>
      tpu.enqueue_dma source(%dma_start3A_2455 : memref<50x32xf32, #tpu.memory_space<vmem>>) target(%dma_start3A_2452 : memref<50x32xf32, #tpu.memory_space<hbm>>) target_semaphore(%arg8 : memref<!tpu.dma_semaphore, #tpu.memory_space<semaphore_mem>>)
      %mul3A_2456 = arith.constant 64 : i32
      %mul3A_2457 = arith.muli %scan3A_905, %mul3A_2456 : i32
      %add3A_2458 = arith.addi %mul3A_4, %mul3A_2457 : i32
      %add3A_2459 = arith.constant 54 : i32
      %add3A_2460 = arith.addi %add3A_2458, %add3A_2459 : i32
      %dma_start3A_2461 = arith.constant 2700 : i32
      %dma_start3A_2462 = arith.constant 0 : i32
      %dma_start3A_2463 = tpu.memref_slice %arg6[%dma_start3A_2461, %dma_start3A_2462] : memref<3200x32xf32, #tpu.memory_space<vmem>> -> memref<50x32xf32, #tpu.memory_space<vmem>>
      %dma_start3A_2464 = arith.constant 0 : i32
      %dma_start3A_2465 = arith.constant 0 : i32
      %dma_start3A_2466 = tpu.memref_slice %arg4[%add3A_2460, %dma_start3A_2464, %dma_start3A_2465] : memref<16384x50x32xf32, #tpu.memory_space<hbm>> -> memref<1x50x32xf32, #tpu.memory_space<hbm>>
      %dma_start3A_2467 = tpu.memref_squeeze %dma_start3A_2466 : memref<1x50x32xf32, #tpu.memory_space<hbm>> -> memref<50x32xf32, #tpu.memory_space<hbm>>
      %dma_start3A_2468 = arith.constant 0 : i32
      %dma_start3A_2469 = arith.constant 0 : i32
      %dma_start3A_2470 = tpu.memref_slice %arg4[%add3A_2460, %dma_start3A_2468, %dma_start3A_2469] : memref<16384x50x32xf32, #tpu.memory_space<hbm>> -> memref<1x50x32xf32, #tpu.memory_space<hbm>>
      %dma_start3A_2471 = tpu.memref_squeeze %dma_start3A_2470 : memref<1x50x32xf32, #tpu.memory_space<hbm>> -> memref<50x32xf32, #tpu.memory_space<hbm>>
      %dma_start3A_2472 = arith.constant 2700 : i32
      %dma_start3A_2473 = arith.constant 0 : i32
      %dma_start3A_2474 = tpu.memref_slice %arg6[%dma_start3A_2472, %dma_start3A_2473] : memref<3200x32xf32, #tpu.memory_space<vmem>> -> memref<50x32xf32, #tpu.memory_space<vmem>>
      tpu.enqueue_dma source(%dma_start3A_2474 : memref<50x32xf32, #tpu.memory_space<vmem>>) target(%dma_start3A_2471 : memref<50x32xf32, #tpu.memory_space<hbm>>) target_semaphore(%arg8 : memref<!tpu.dma_semaphore, #tpu.memory_space<semaphore_mem>>)
      %mul3A_2475 = arith.constant 64 : i32
      %mul3A_2476 = arith.muli %scan3A_905, %mul3A_2475 : i32
      %add3A_2477 = arith.addi %mul3A_4, %mul3A_2476 : i32
      %add3A_2478 = arith.constant 55 : i32
      %add3A_2479 = arith.addi %add3A_2477, %add3A_2478 : i32
      %dma_start3A_2480 = arith.constant 2750 : i32
      %dma_start3A_2481 = arith.constant 0 : i32
      %dma_start3A_2482 = tpu.memref_slice %arg6[%dma_start3A_2480, %dma_start3A_2481] : memref<3200x32xf32, #tpu.memory_space<vmem>> -> memref<50x32xf32, #tpu.memory_space<vmem>>
      %dma_start3A_2483 = arith.constant 0 : i32
      %dma_start3A_2484 = arith.constant 0 : i32
      %dma_start3A_2485 = tpu.memref_slice %arg4[%add3A_2479, %dma_start3A_2483, %dma_start3A_2484] : memref<16384x50x32xf32, #tpu.memory_space<hbm>> -> memref<1x50x32xf32, #tpu.memory_space<hbm>>
      %dma_start3A_2486 = tpu.memref_squeeze %dma_start3A_2485 : memref<1x50x32xf32, #tpu.memory_space<hbm>> -> memref<50x32xf32, #tpu.memory_space<hbm>>
      %dma_start3A_2487 = arith.constant 0 : i32
      %dma_start3A_2488 = arith.constant 0 : i32
      %dma_start3A_2489 = tpu.memref_slice %arg4[%add3A_2479, %dma_start3A_2487, %dma_start3A_2488] : memref<16384x50x32xf32, #tpu.memory_space<hbm>> -> memref<1x50x32xf32, #tpu.memory_space<hbm>>
      %dma_start3A_2490 = tpu.memref_squeeze %dma_start3A_2489 : memref<1x50x32xf32, #tpu.memory_space<hbm>> -> memref<50x32xf32, #tpu.memory_space<hbm>>
      %dma_start3A_2491 = arith.constant 2750 : i32
      %dma_start3A_2492 = arith.constant 0 : i32
      %dma_start3A_2493 = tpu.memref_slice %arg6[%dma_start3A_2491, %dma_start3A_2492] : memref<3200x32xf32, #tpu.memory_space<vmem>> -> memref<50x32xf32, #tpu.memory_space<vmem>>
      tpu.enqueue_dma source(%dma_start3A_2493 : memref<50x32xf32, #tpu.memory_space<vmem>>) target(%dma_start3A_2490 : memref<50x32xf32, #tpu.memory_space<hbm>>) target_semaphore(%arg8 : memref<!tpu.dma_semaphore, #tpu.memory_space<semaphore_mem>>)
      %dma_wait3A_2494 = arith.constant 2816 : i32
      %dma_wait3A_2495 = arith.constant 0 : i32
      %dma_wait3A_2496 = tpu.memref_slice %arg6[%dma_wait3A_2494, %dma_wait3A_2495] : memref<3200x32xf32, #tpu.memory_space<vmem>> -> memref<128x32xf32, #tpu.memory_space<vmem>>
      %dma_wait3A_2497 = arith.constant 0 : i32
      %dma_wait3A_2498 = tpu.memref_slice %arg5[%add3A_1196, %dma_wait3A_2497] : memref<200x128xi32, #tpu.memory_space<vmem>> -> memref<1x128xi32, #tpu.memory_space<vmem>>
      %dma_wait3A_2499 = tpu.memref_squeeze %dma_wait3A_2498 : memref<1x128xi32, #tpu.memory_space<vmem>> -> memref<128xi32, #tpu.memory_space<vmem>>
      %dma_wait3A_2500 = arith.constant 0 : i32
      %dma_wait3A_2501 = arith.constant 0 : i32
      %dma_wait3A_2502 = tpu.memref_slice %arg3[%dma_wait3A_2500, %dma_wait3A_2501] : memref<1000000x32xf32, #tpu.memory_space<hbm>> -> memref<1000000x32xf32, #tpu.memory_space<hbm>>
      tpu.wait_indirect_dma semaphore(%arg7 : memref<!tpu.dma_semaphore, #tpu.memory_space<semaphore_mem>>) src(%dma_wait3A_2502 : memref<1000000x32xf32, #tpu.memory_space<hbm>>) dst(%dma_wait3A_2496 : memref<128x32xf32, #tpu.memory_space<vmem>>)
      %mul3A_2503 = arith.constant 64 : i32
      %mul3A_2504 = arith.muli %scan3A_905, %mul3A_2503 : i32
      %add3A_2505 = arith.addi %mul3A_4, %mul3A_2504 : i32
      %add3A_2506 = arith.constant 56 : i32
      %add3A_2507 = arith.addi %add3A_2505, %add3A_2506 : i32
      %dma_start3A_2508 = arith.constant 2800 : i32
      %dma_start3A_2509 = arith.constant 0 : i32
      %dma_start3A_2510 = tpu.memref_slice %arg6[%dma_start3A_2508, %dma_start3A_2509] : memref<3200x32xf32, #tpu.memory_space<vmem>> -> memref<50x32xf32, #tpu.memory_space<vmem>>
      %dma_start3A_2511 = arith.constant 0 : i32
      %dma_start3A_2512 = arith.constant 0 : i32
      %dma_start3A_2513 = tpu.memref_slice %arg4[%add3A_2507, %dma_start3A_2511, %dma_start3A_2512] : memref<16384x50x32xf32, #tpu.memory_space<hbm>> -> memref<1x50x32xf32, #tpu.memory_space<hbm>>
      %dma_start3A_2514 = tpu.memref_squeeze %dma_start3A_2513 : memref<1x50x32xf32, #tpu.memory_space<hbm>> -> memref<50x32xf32, #tpu.memory_space<hbm>>
      %dma_start3A_2515 = arith.constant 0 : i32
      %dma_start3A_2516 = arith.constant 0 : i32
      %dma_start3A_2517 = tpu.memref_slice %arg4[%add3A_2507, %dma_start3A_2515, %dma_start3A_2516] : memref<16384x50x32xf32, #tpu.memory_space<hbm>> -> memref<1x50x32xf32, #tpu.memory_space<hbm>>
      %dma_start3A_2518 = tpu.memref_squeeze %dma_start3A_2517 : memref<1x50x32xf32, #tpu.memory_space<hbm>> -> memref<50x32xf32, #tpu.memory_space<hbm>>
      %dma_start3A_2519 = arith.constant 2800 : i32
      %dma_start3A_2520 = arith.constant 0 : i32
      %dma_start3A_2521 = tpu.memref_slice %arg6[%dma_start3A_2519, %dma_start3A_2520] : memref<3200x32xf32, #tpu.memory_space<vmem>> -> memref<50x32xf32, #tpu.memory_space<vmem>>
      tpu.enqueue_dma source(%dma_start3A_2521 : memref<50x32xf32, #tpu.memory_space<vmem>>) target(%dma_start3A_2518 : memref<50x32xf32, #tpu.memory_space<hbm>>) target_semaphore(%arg8 : memref<!tpu.dma_semaphore, #tpu.memory_space<semaphore_mem>>)
      %mul3A_2522 = arith.constant 64 : i32
      %mul3A_2523 = arith.muli %scan3A_905, %mul3A_2522 : i32
      %add3A_2524 = arith.addi %mul3A_4, %mul3A_2523 : i32
      %add3A_2525 = arith.constant 57 : i32
      %add3A_2526 = arith.addi %add3A_2524, %add3A_2525 : i32
      %dma_start3A_2527 = arith.constant 2850 : i32
      %dma_start3A_2528 = arith.constant 0 : i32
      %dma_start3A_2529 = tpu.memref_slice %arg6[%dma_start3A_2527, %dma_start3A_2528] : memref<3200x32xf32, #tpu.memory_space<vmem>> -> memref<50x32xf32, #tpu.memory_space<vmem>>
      %dma_start3A_2530 = arith.constant 0 : i32
      %dma_start3A_2531 = arith.constant 0 : i32
      %dma_start3A_2532 = tpu.memref_slice %arg4[%add3A_2526, %dma_start3A_2530, %dma_start3A_2531] : memref<16384x50x32xf32, #tpu.memory_space<hbm>> -> memref<1x50x32xf32, #tpu.memory_space<hbm>>
      %dma_start3A_2533 = tpu.memref_squeeze %dma_start3A_2532 : memref<1x50x32xf32, #tpu.memory_space<hbm>> -> memref<50x32xf32, #tpu.memory_space<hbm>>
      %dma_start3A_2534 = arith.constant 0 : i32
      %dma_start3A_2535 = arith.constant 0 : i32
      %dma_start3A_2536 = tpu.memref_slice %arg4[%add3A_2526, %dma_start3A_2534, %dma_start3A_2535] : memref<16384x50x32xf32, #tpu.memory_space<hbm>> -> memref<1x50x32xf32, #tpu.memory_space<hbm>>
      %dma_start3A_2537 = tpu.memref_squeeze %dma_start3A_2536 : memref<1x50x32xf32, #tpu.memory_space<hbm>> -> memref<50x32xf32, #tpu.memory_space<hbm>>
      %dma_start3A_2538 = arith.constant 2850 : i32
      %dma_start3A_2539 = arith.constant 0 : i32
      %dma_start3A_2540 = tpu.memref_slice %arg6[%dma_start3A_2538, %dma_start3A_2539] : memref<3200x32xf32, #tpu.memory_space<vmem>> -> memref<50x32xf32, #tpu.memory_space<vmem>>
      tpu.enqueue_dma source(%dma_start3A_2540 : memref<50x32xf32, #tpu.memory_space<vmem>>) target(%dma_start3A_2537 : memref<50x32xf32, #tpu.memory_space<hbm>>) target_semaphore(%arg8 : memref<!tpu.dma_semaphore, #tpu.memory_space<semaphore_mem>>)
      %dma_wait3A_2541 = arith.constant 2944 : i32
      %dma_wait3A_2542 = arith.constant 0 : i32
      %dma_wait3A_2543 = tpu.memref_slice %arg6[%dma_wait3A_2541, %dma_wait3A_2542] : memref<3200x32xf32, #tpu.memory_space<vmem>> -> memref<128x32xf32, #tpu.memory_space<vmem>>
      %dma_wait3A_2544 = arith.constant 0 : i32
      %dma_wait3A_2545 = tpu.memref_slice %arg5[%add3A_1209, %dma_wait3A_2544] : memref<200x128xi32, #tpu.memory_space<vmem>> -> memref<1x128xi32, #tpu.memory_space<vmem>>
      %dma_wait3A_2546 = tpu.memref_squeeze %dma_wait3A_2545 : memref<1x128xi32, #tpu.memory_space<vmem>> -> memref<128xi32, #tpu.memory_space<vmem>>
      %dma_wait3A_2547 = arith.constant 0 : i32
      %dma_wait3A_2548 = arith.constant 0 : i32
      %dma_wait3A_2549 = tpu.memref_slice %arg3[%dma_wait3A_2547, %dma_wait3A_2548] : memref<1000000x32xf32, #tpu.memory_space<hbm>> -> memref<1000000x32xf32, #tpu.memory_space<hbm>>
      tpu.wait_indirect_dma semaphore(%arg7 : memref<!tpu.dma_semaphore, #tpu.memory_space<semaphore_mem>>) src(%dma_wait3A_2549 : memref<1000000x32xf32, #tpu.memory_space<hbm>>) dst(%dma_wait3A_2543 : memref<128x32xf32, #tpu.memory_space<vmem>>)
      %mul3A_2550 = arith.constant 64 : i32
      %mul3A_2551 = arith.muli %scan3A_905, %mul3A_2550 : i32
      %add3A_2552 = arith.addi %mul3A_4, %mul3A_2551 : i32
      %add3A_2553 = arith.constant 58 : i32
      %add3A_2554 = arith.addi %add3A_2552, %add3A_2553 : i32
      %dma_start3A_2555 = arith.constant 2900 : i32
      %dma_start3A_2556 = arith.constant 0 : i32
      %dma_start3A_2557 = tpu.memref_slice %arg6[%dma_start3A_2555, %dma_start3A_2556] : memref<3200x32xf32, #tpu.memory_space<vmem>> -> memref<50x32xf32, #tpu.memory_space<vmem>>
      %dma_start3A_2558 = arith.constant 0 : i32
      %dma_start3A_2559 = arith.constant 0 : i32
      %dma_start3A_2560 = tpu.memref_slice %arg4[%add3A_2554, %dma_start3A_2558, %dma_start3A_2559] : memref<16384x50x32xf32, #tpu.memory_space<hbm>> -> memref<1x50x32xf32, #tpu.memory_space<hbm>>
      %dma_start3A_2561 = tpu.memref_squeeze %dma_start3A_2560 : memref<1x50x32xf32, #tpu.memory_space<hbm>> -> memref<50x32xf32, #tpu.memory_space<hbm>>
      %dma_start3A_2562 = arith.constant 0 : i32
      %dma_start3A_2563 = arith.constant 0 : i32
      %dma_start3A_2564 = tpu.memref_slice %arg4[%add3A_2554, %dma_start3A_2562, %dma_start3A_2563] : memref<16384x50x32xf32, #tpu.memory_space<hbm>> -> memref<1x50x32xf32, #tpu.memory_space<hbm>>
      %dma_start3A_2565 = tpu.memref_squeeze %dma_start3A_2564 : memref<1x50x32xf32, #tpu.memory_space<hbm>> -> memref<50x32xf32, #tpu.memory_space<hbm>>
      %dma_start3A_2566 = arith.constant 2900 : i32
      %dma_start3A_2567 = arith.constant 0 : i32
      %dma_start3A_2568 = tpu.memref_slice %arg6[%dma_start3A_2566, %dma_start3A_2567] : memref<3200x32xf32, #tpu.memory_space<vmem>> -> memref<50x32xf32, #tpu.memory_space<vmem>>
      tpu.enqueue_dma source(%dma_start3A_2568 : memref<50x32xf32, #tpu.memory_space<vmem>>) target(%dma_start3A_2565 : memref<50x32xf32, #tpu.memory_space<hbm>>) target_semaphore(%arg8 : memref<!tpu.dma_semaphore, #tpu.memory_space<semaphore_mem>>)
      %mul3A_2569 = arith.constant 64 : i32
      %mul3A_2570 = arith.muli %scan3A_905, %mul3A_2569 : i32
      %add3A_2571 = arith.addi %mul3A_4, %mul3A_2570 : i32
      %add3A_2572 = arith.constant 59 : i32
      %add3A_2573 = arith.addi %add3A_2571, %add3A_2572 : i32
      %dma_start3A_2574 = arith.constant 2950 : i32
      %dma_start3A_2575 = arith.constant 0 : i32
      %dma_start3A_2576 = tpu.memref_slice %arg6[%dma_start3A_2574, %dma_start3A_2575] : memref<3200x32xf32, #tpu.memory_space<vmem>> -> memref<50x32xf32, #tpu.memory_space<vmem>>
      %dma_start3A_2577 = arith.constant 0 : i32
      %dma_start3A_2578 = arith.constant 0 : i32
      %dma_start3A_2579 = tpu.memref_slice %arg4[%add3A_2573, %dma_start3A_2577, %dma_start3A_2578] : memref<16384x50x32xf32, #tpu.memory_space<hbm>> -> memref<1x50x32xf32, #tpu.memory_space<hbm>>
      %dma_start3A_2580 = tpu.memref_squeeze %dma_start3A_2579 : memref<1x50x32xf32, #tpu.memory_space<hbm>> -> memref<50x32xf32, #tpu.memory_space<hbm>>
      %dma_start3A_2581 = arith.constant 0 : i32
      %dma_start3A_2582 = arith.constant 0 : i32
      %dma_start3A_2583 = tpu.memref_slice %arg4[%add3A_2573, %dma_start3A_2581, %dma_start3A_2582] : memref<16384x50x32xf32, #tpu.memory_space<hbm>> -> memref<1x50x32xf32, #tpu.memory_space<hbm>>
      %dma_start3A_2584 = tpu.memref_squeeze %dma_start3A_2583 : memref<1x50x32xf32, #tpu.memory_space<hbm>> -> memref<50x32xf32, #tpu.memory_space<hbm>>
      %dma_start3A_2585 = arith.constant 2950 : i32
      %dma_start3A_2586 = arith.constant 0 : i32
      %dma_start3A_2587 = tpu.memref_slice %arg6[%dma_start3A_2585, %dma_start3A_2586] : memref<3200x32xf32, #tpu.memory_space<vmem>> -> memref<50x32xf32, #tpu.memory_space<vmem>>
      tpu.enqueue_dma source(%dma_start3A_2587 : memref<50x32xf32, #tpu.memory_space<vmem>>) target(%dma_start3A_2584 : memref<50x32xf32, #tpu.memory_space<hbm>>) target_semaphore(%arg8 : memref<!tpu.dma_semaphore, #tpu.memory_space<semaphore_mem>>)
      %mul3A_2588 = arith.constant 64 : i32
      %mul3A_2589 = arith.muli %scan3A_905, %mul3A_2588 : i32
      %add3A_2590 = arith.addi %mul3A_4, %mul3A_2589 : i32
      %add3A_2591 = arith.constant 60 : i32
      %add3A_2592 = arith.addi %add3A_2590, %add3A_2591 : i32
      %dma_start3A_2593 = arith.constant 3000 : i32
      %dma_start3A_2594 = arith.constant 0 : i32
      %dma_start3A_2595 = tpu.memref_slice %arg6[%dma_start3A_2593, %dma_start3A_2594] : memref<3200x32xf32, #tpu.memory_space<vmem>> -> memref<50x32xf32, #tpu.memory_space<vmem>>
      %dma_start3A_2596 = arith.constant 0 : i32
      %dma_start3A_2597 = arith.constant 0 : i32
      %dma_start3A_2598 = tpu.memref_slice %arg4[%add3A_2592, %dma_start3A_2596, %dma_start3A_2597] : memref<16384x50x32xf32, #tpu.memory_space<hbm>> -> memref<1x50x32xf32, #tpu.memory_space<hbm>>
      %dma_start3A_2599 = tpu.memref_squeeze %dma_start3A_2598 : memref<1x50x32xf32, #tpu.memory_space<hbm>> -> memref<50x32xf32, #tpu.memory_space<hbm>>
      %dma_start3A_2600 = arith.constant 0 : i32
      %dma_start3A_2601 = arith.constant 0 : i32
      %dma_start3A_2602 = tpu.memref_slice %arg4[%add3A_2592, %dma_start3A_2600, %dma_start3A_2601] : memref<16384x50x32xf32, #tpu.memory_space<hbm>> -> memref<1x50x32xf32, #tpu.memory_space<hbm>>
      %dma_start3A_2603 = tpu.memref_squeeze %dma_start3A_2602 : memref<1x50x32xf32, #tpu.memory_space<hbm>> -> memref<50x32xf32, #tpu.memory_space<hbm>>
      %dma_start3A_2604 = arith.constant 3000 : i32
      %dma_start3A_2605 = arith.constant 0 : i32
      %dma_start3A_2606 = tpu.memref_slice %arg6[%dma_start3A_2604, %dma_start3A_2605] : memref<3200x32xf32, #tpu.memory_space<vmem>> -> memref<50x32xf32, #tpu.memory_space<vmem>>
      tpu.enqueue_dma source(%dma_start3A_2606 : memref<50x32xf32, #tpu.memory_space<vmem>>) target(%dma_start3A_2603 : memref<50x32xf32, #tpu.memory_space<hbm>>) target_semaphore(%arg8 : memref<!tpu.dma_semaphore, #tpu.memory_space<semaphore_mem>>)
      %dma_wait3A_2607 = arith.constant 3072 : i32
      %dma_wait3A_2608 = arith.constant 0 : i32
      %dma_wait3A_2609 = tpu.memref_slice %arg6[%dma_wait3A_2607, %dma_wait3A_2608] : memref<3200x32xf32, #tpu.memory_space<vmem>> -> memref<128x32xf32, #tpu.memory_space<vmem>>
      %dma_wait3A_2610 = arith.constant 0 : i32
      %dma_wait3A_2611 = tpu.memref_slice %arg5[%add3A_1222, %dma_wait3A_2610] : memref<200x128xi32, #tpu.memory_space<vmem>> -> memref<1x128xi32, #tpu.memory_space<vmem>>
      %dma_wait3A_2612 = tpu.memref_squeeze %dma_wait3A_2611 : memref<1x128xi32, #tpu.memory_space<vmem>> -> memref<128xi32, #tpu.memory_space<vmem>>
      %dma_wait3A_2613 = arith.constant 0 : i32
      %dma_wait3A_2614 = arith.constant 0 : i32
      %dma_wait3A_2615 = tpu.memref_slice %arg3[%dma_wait3A_2613, %dma_wait3A_2614] : memref<1000000x32xf32, #tpu.memory_space<hbm>> -> memref<1000000x32xf32, #tpu.memory_space<hbm>>
      tpu.wait_indirect_dma semaphore(%arg7 : memref<!tpu.dma_semaphore, #tpu.memory_space<semaphore_mem>>) src(%dma_wait3A_2615 : memref<1000000x32xf32, #tpu.memory_space<hbm>>) dst(%dma_wait3A_2609 : memref<128x32xf32, #tpu.memory_space<vmem>>)
      %mul3A_2616 = arith.constant 64 : i32
      %mul3A_2617 = arith.muli %scan3A_905, %mul3A_2616 : i32
      %add3A_2618 = arith.addi %mul3A_4, %mul3A_2617 : i32
      %add3A_2619 = arith.constant 61 : i32
      %add3A_2620 = arith.addi %add3A_2618, %add3A_2619 : i32
      %dma_start3A_2621 = arith.constant 3050 : i32
      %dma_start3A_2622 = arith.constant 0 : i32
      %dma_start3A_2623 = tpu.memref_slice %arg6[%dma_start3A_2621, %dma_start3A_2622] : memref<3200x32xf32, #tpu.memory_space<vmem>> -> memref<50x32xf32, #tpu.memory_space<vmem>>
      %dma_start3A_2624 = arith.constant 0 : i32
      %dma_start3A_2625 = arith.constant 0 : i32
      %dma_start3A_2626 = tpu.memref_slice %arg4[%add3A_2620, %dma_start3A_2624, %dma_start3A_2625] : memref<16384x50x32xf32, #tpu.memory_space<hbm>> -> memref<1x50x32xf32, #tpu.memory_space<hbm>>
      %dma_start3A_2627 = tpu.memref_squeeze %dma_start3A_2626 : memref<1x50x32xf32, #tpu.memory_space<hbm>> -> memref<50x32xf32, #tpu.memory_space<hbm>>
      %dma_start3A_2628 = arith.constant 0 : i32
      %dma_start3A_2629 = arith.constant 0 : i32
      %dma_start3A_2630 = tpu.memref_slice %arg4[%add3A_2620, %dma_start3A_2628, %dma_start3A_2629] : memref<16384x50x32xf32, #tpu.memory_space<hbm>> -> memref<1x50x32xf32, #tpu.memory_space<hbm>>
      %dma_start3A_2631 = tpu.memref_squeeze %dma_start3A_2630 : memref<1x50x32xf32, #tpu.memory_space<hbm>> -> memref<50x32xf32, #tpu.memory_space<hbm>>
      %dma_start3A_2632 = arith.constant 3050 : i32
      %dma_start3A_2633 = arith.constant 0 : i32
      %dma_start3A_2634 = tpu.memref_slice %arg6[%dma_start3A_2632, %dma_start3A_2633] : memref<3200x32xf32, #tpu.memory_space<vmem>> -> memref<50x32xf32, #tpu.memory_space<vmem>>
      tpu.enqueue_dma source(%dma_start3A_2634 : memref<50x32xf32, #tpu.memory_space<vmem>>) target(%dma_start3A_2631 : memref<50x32xf32, #tpu.memory_space<hbm>>) target_semaphore(%arg8 : memref<!tpu.dma_semaphore, #tpu.memory_space<semaphore_mem>>)
      %mul3A_2635 = arith.constant 64 : i32
      %mul3A_2636 = arith.muli %scan3A_905, %mul3A_2635 : i32
      %add3A_2637 = arith.addi %mul3A_4, %mul3A_2636 : i32
      %add3A_2638 = arith.constant 62 : i32
      %add3A_2639 = arith.addi %add3A_2637, %add3A_2638 : i32
      %dma_start3A_2640 = arith.constant 3100 : i32
      %dma_start3A_2641 = arith.constant 0 : i32
      %dma_start3A_2642 = tpu.memref_slice %arg6[%dma_start3A_2640, %dma_start3A_2641] : memref<3200x32xf32, #tpu.memory_space<vmem>> -> memref<50x32xf32, #tpu.memory_space<vmem>>
      %dma_start3A_2643 = arith.constant 0 : i32
      %dma_start3A_2644 = arith.constant 0 : i32
      %dma_start3A_2645 = tpu.memref_slice %arg4[%add3A_2639, %dma_start3A_2643, %dma_start3A_2644] : memref<16384x50x32xf32, #tpu.memory_space<hbm>> -> memref<1x50x32xf32, #tpu.memory_space<hbm>>
      %dma_start3A_2646 = tpu.memref_squeeze %dma_start3A_2645 : memref<1x50x32xf32, #tpu.memory_space<hbm>> -> memref<50x32xf32, #tpu.memory_space<hbm>>
      %dma_start3A_2647 = arith.constant 0 : i32
      %dma_start3A_2648 = arith.constant 0 : i32
      %dma_start3A_2649 = tpu.memref_slice %arg4[%add3A_2639, %dma_start3A_2647, %dma_start3A_2648] : memref<16384x50x32xf32, #tpu.memory_space<hbm>> -> memref<1x50x32xf32, #tpu.memory_space<hbm>>
      %dma_start3A_2650 = tpu.memref_squeeze %dma_start3A_2649 : memref<1x50x32xf32, #tpu.memory_space<hbm>> -> memref<50x32xf32, #tpu.memory_space<hbm>>
      %dma_start3A_2651 = arith.constant 3100 : i32
      %dma_start3A_2652 = arith.constant 0 : i32
      %dma_start3A_2653 = tpu.memref_slice %arg6[%dma_start3A_2651, %dma_start3A_2652] : memref<3200x32xf32, #tpu.memory_space<vmem>> -> memref<50x32xf32, #tpu.memory_space<vmem>>
      tpu.enqueue_dma source(%dma_start3A_2653 : memref<50x32xf32, #tpu.memory_space<vmem>>) target(%dma_start3A_2650 : memref<50x32xf32, #tpu.memory_space<hbm>>) target_semaphore(%arg8 : memref<!tpu.dma_semaphore, #tpu.memory_space<semaphore_mem>>)
      %mul3A_2654 = arith.constant 64 : i32
      %mul3A_2655 = arith.muli %scan3A_905, %mul3A_2654 : i32
      %add3A_2656 = arith.addi %mul3A_4, %mul3A_2655 : i32
      %add3A_2657 = arith.constant 63 : i32
      %add3A_2658 = arith.addi %add3A_2656, %add3A_2657 : i32
      %dma_start3A_2659 = arith.constant 3150 : i32
      %dma_start3A_2660 = arith.constant 0 : i32
      %dma_start3A_2661 = tpu.memref_slice %arg6[%dma_start3A_2659, %dma_start3A_2660] : memref<3200x32xf32, #tpu.memory_space<vmem>> -> memref<50x32xf32, #tpu.memory_space<vmem>>
      %dma_start3A_2662 = arith.constant 0 : i32
      %dma_start3A_2663 = arith.constant 0 : i32
      %dma_start3A_2664 = tpu.memref_slice %arg4[%add3A_2658, %dma_start3A_2662, %dma_start3A_2663] : memref<16384x50x32xf32, #tpu.memory_space<hbm>> -> memref<1x50x32xf32, #tpu.memory_space<hbm>>
      %dma_start3A_2665 = tpu.memref_squeeze %dma_start3A_2664 : memref<1x50x32xf32, #tpu.memory_space<hbm>> -> memref<50x32xf32, #tpu.memory_space<hbm>>
      %dma_start3A_2666 = arith.constant 0 : i32
      %dma_start3A_2667 = arith.constant 0 : i32
      %dma_start3A_2668 = tpu.memref_slice %arg4[%add3A_2658, %dma_start3A_2666, %dma_start3A_2667] : memref<16384x50x32xf32, #tpu.memory_space<hbm>> -> memref<1x50x32xf32, #tpu.memory_space<hbm>>
      %dma_start3A_2669 = tpu.memref_squeeze %dma_start3A_2668 : memref<1x50x32xf32, #tpu.memory_space<hbm>> -> memref<50x32xf32, #tpu.memory_space<hbm>>
      %dma_start3A_2670 = arith.constant 3150 : i32
      %dma_start3A_2671 = arith.constant 0 : i32
      %dma_start3A_2672 = tpu.memref_slice %arg6[%dma_start3A_2670, %dma_start3A_2671] : memref<3200x32xf32, #tpu.memory_space<vmem>> -> memref<50x32xf32, #tpu.memory_space<vmem>>
      tpu.enqueue_dma source(%dma_start3A_2672 : memref<50x32xf32, #tpu.memory_space<vmem>>) target(%dma_start3A_2669 : memref<50x32xf32, #tpu.memory_space<hbm>>) target_semaphore(%arg8 : memref<!tpu.dma_semaphore, #tpu.memory_space<semaphore_mem>>)
    }
    %scan3A_9 = arith.constant 8 : i32
    %dma_wait3A = arith.constant 0 : i32
    %dma_wait3A_10 = arith.constant 0 : i32
    %dma_wait3A_11 = tpu.memref_slice %arg6[%dma_wait3A, %dma_wait3A_10] : memref<3200x32xf32, #tpu.memory_space<vmem>> -> memref<50x32xf32, #tpu.memory_space<vmem>>
    %dma_wait3A_12 = arith.constant 0 : i32
    %dma_wait3A_13 = arith.constant 0 : i32
    %dma_wait3A_14 = tpu.memref_slice %arg4[%mul3A_4, %dma_wait3A_12, %dma_wait3A_13] : memref<16384x50x32xf32, #tpu.memory_space<hbm>> -> memref<1x50x32xf32, #tpu.memory_space<hbm>>
    %dma_wait3A_15 = tpu.memref_squeeze %dma_wait3A_14 : memref<1x50x32xf32, #tpu.memory_space<hbm>> -> memref<50x32xf32, #tpu.memory_space<hbm>>
    %dma_wait3A_16 = arith.constant 0 : i32
    %dma_wait3A_17 = arith.constant 0 : i32
    %dma_wait3A_18 = tpu.memref_slice %arg4[%mul3A_4, %dma_wait3A_16, %dma_wait3A_17] : memref<16384x50x32xf32, #tpu.memory_space<hbm>> -> memref<1x50x32xf32, #tpu.memory_space<hbm>>
    %dma_wait3A_19 = tpu.memref_squeeze %dma_wait3A_18 : memref<1x50x32xf32, #tpu.memory_space<hbm>> -> memref<50x32xf32, #tpu.memory_space<hbm>>
    %dma_wait3A_20 = arith.constant 0 : i32
    %dma_wait3A_21 = arith.constant 0 : i32
    %dma_wait3A_22 = tpu.memref_slice %arg6[%dma_wait3A_20, %dma_wait3A_21] : memref<3200x32xf32, #tpu.memory_space<vmem>> -> memref<50x32xf32, #tpu.memory_space<vmem>>
    tpu.wait_dma2 semaphore(%arg8 : memref<!tpu.dma_semaphore, #tpu.memory_space<semaphore_mem>>) src(%dma_wait3A_22 : memref<50x32xf32, #tpu.memory_space<vmem>>) dst(%dma_wait3A_19 : memref<50x32xf32, #tpu.memory_space<hbm>>)
    %dma_wait3A_23 = arith.constant 0 : i32
    %dma_wait3A_24 = arith.constant 0 : i32
    %dma_wait3A_25 = tpu.memref_slice %arg6[%dma_wait3A_23, %dma_wait3A_24] : memref<3200x32xf32, #tpu.memory_space<vmem>> -> memref<50x32xf32, #tpu.memory_space<vmem>>
    %dma_wait3A_26 = arith.constant 0 : i32
    %dma_wait3A_27 = arith.constant 0 : i32
    %dma_wait3A_28 = tpu.memref_slice %arg4[%mul3A_4, %dma_wait3A_26, %dma_wait3A_27] : memref<16384x50x32xf32, #tpu.memory_space<hbm>> -> memref<1x50x32xf32, #tpu.memory_space<hbm>>
    %dma_wait3A_29 = tpu.memref_squeeze %dma_wait3A_28 : memref<1x50x32xf32, #tpu.memory_space<hbm>> -> memref<50x32xf32, #tpu.memory_space<hbm>>
    %dma_wait3A_30 = arith.constant 0 : i32
    %dma_wait3A_31 = arith.constant 0 : i32
    %dma_wait3A_32 = tpu.memref_slice %arg4[%mul3A_4, %dma_wait3A_30, %dma_wait3A_31] : memref<16384x50x32xf32, #tpu.memory_space<hbm>> -> memref<1x50x32xf32, #tpu.memory_space<hbm>>
    %dma_wait3A_33 = tpu.memref_squeeze %dma_wait3A_32 : memref<1x50x32xf32, #tpu.memory_space<hbm>> -> memref<50x32xf32, #tpu.memory_space<hbm>>
    %dma_wait3A_34 = arith.constant 0 : i32
    %dma_wait3A_35 = arith.constant 0 : i32
    %dma_wait3A_36 = tpu.memref_slice %arg6[%dma_wait3A_34, %dma_wait3A_35] : memref<3200x32xf32, #tpu.memory_space<vmem>> -> memref<50x32xf32, #tpu.memory_space<vmem>>
    tpu.wait_dma2 semaphore(%arg8 : memref<!tpu.dma_semaphore, #tpu.memory_space<semaphore_mem>>) src(%dma_wait3A_36 : memref<50x32xf32, #tpu.memory_space<vmem>>) dst(%dma_wait3A_33 : memref<50x32xf32, #tpu.memory_space<hbm>>)
    %dma_wait3A_37 = arith.constant 0 : i32
    %dma_wait3A_38 = arith.constant 0 : i32
    %dma_wait3A_39 = tpu.memref_slice %arg6[%dma_wait3A_37, %dma_wait3A_38] : memref<3200x32xf32, #tpu.memory_space<vmem>> -> memref<50x32xf32, #tpu.memory_space<vmem>>
    %dma_wait3A_40 = arith.constant 0 : i32
    %dma_wait3A_41 = arith.constant 0 : i32
    %dma_wait3A_42 = tpu.memref_slice %arg4[%mul3A_4, %dma_wait3A_40, %dma_wait3A_41] : memref<16384x50x32xf32, #tpu.memory_space<hbm>> -> memref<1x50x32xf32, #tpu.memory_space<hbm>>
    %dma_wait3A_43 = tpu.memref_squeeze %dma_wait3A_42 : memref<1x50x32xf32, #tpu.memory_space<hbm>> -> memref<50x32xf32, #tpu.memory_space<hbm>>
    %dma_wait3A_44 = arith.constant 0 : i32
    %dma_wait3A_45 = arith.constant 0 : i32
    %dma_wait3A_46 = tpu.memref_slice %arg4[%mul3A_4, %dma_wait3A_44, %dma_wait3A_45] : memref<16384x50x32xf32, #tpu.memory_space<hbm>> -> memref<1x50x32xf32, #tpu.memory_space<hbm>>
    %dma_wait3A_47 = tpu.memref_squeeze %dma_wait3A_46 : memref<1x50x32xf32, #tpu.memory_space<hbm>> -> memref<50x32xf32, #tpu.memory_space<hbm>>
    %dma_wait3A_48 = arith.constant 0 : i32
    %dma_wait3A_49 = arith.constant 0 : i32
    %dma_wait3A_50 = tpu.memref_slice %arg6[%dma_wait3A_48, %dma_wait3A_49] : memref<3200x32xf32, #tpu.memory_space<vmem>> -> memref<50x32xf32, #tpu.memory_space<vmem>>
    tpu.wait_dma2 semaphore(%arg8 : memref<!tpu.dma_semaphore, #tpu.memory_space<semaphore_mem>>) src(%dma_wait3A_50 : memref<50x32xf32, #tpu.memory_space<vmem>>) dst(%dma_wait3A_47 : memref<50x32xf32, #tpu.memory_space<hbm>>)
    %dma_wait3A_51 = arith.constant 0 : i32
    %dma_wait3A_52 = arith.constant 0 : i32
    %dma_wait3A_53 = tpu.memref_slice %arg6[%dma_wait3A_51, %dma_wait3A_52] : memref<3200x32xf32, #tpu.memory_space<vmem>> -> memref<50x32xf32, #tpu.memory_space<vmem>>
    %dma_wait3A_54 = arith.constant 0 : i32
    %dma_wait3A_55 = arith.constant 0 : i32
    %dma_wait3A_56 = tpu.memref_slice %arg4[%mul3A_4, %dma_wait3A_54, %dma_wait3A_55] : memref<16384x50x32xf32, #tpu.memory_space<hbm>> -> memref<1x50x32xf32, #tpu.memory_space<hbm>>
    %dma_wait3A_57 = tpu.memref_squeeze %dma_wait3A_56 : memref<1x50x32xf32, #tpu.memory_space<hbm>> -> memref<50x32xf32, #tpu.memory_space<hbm>>
    %dma_wait3A_58 = arith.constant 0 : i32
    %dma_wait3A_59 = arith.constant 0 : i32
    %dma_wait3A_60 = tpu.memref_slice %arg4[%mul3A_4, %dma_wait3A_58, %dma_wait3A_59] : memref<16384x50x32xf32, #tpu.memory_space<hbm>> -> memref<1x50x32xf32, #tpu.memory_space<hbm>>
    %dma_wait3A_61 = tpu.memref_squeeze %dma_wait3A_60 : memref<1x50x32xf32, #tpu.memory_space<hbm>> -> memref<50x32xf32, #tpu.memory_space<hbm>>
    %dma_wait3A_62 = arith.constant 0 : i32
    %dma_wait3A_63 = arith.constant 0 : i32
    %dma_wait3A_64 = tpu.memref_slice %arg6[%dma_wait3A_62, %dma_wait3A_63] : memref<3200x32xf32, #tpu.memory_space<vmem>> -> memref<50x32xf32, #tpu.memory_space<vmem>>
    tpu.wait_dma2 semaphore(%arg8 : memref<!tpu.dma_semaphore, #tpu.memory_space<semaphore_mem>>) src(%dma_wait3A_64 : memref<50x32xf32, #tpu.memory_space<vmem>>) dst(%dma_wait3A_61 : memref<50x32xf32, #tpu.memory_space<hbm>>)
    %dma_wait3A_65 = arith.constant 0 : i32
    %dma_wait3A_66 = arith.constant 0 : i32
    %dma_wait3A_67 = tpu.memref_slice %arg6[%dma_wait3A_65, %dma_wait3A_66] : memref<3200x32xf32, #tpu.memory_space<vmem>> -> memref<50x32xf32, #tpu.memory_space<vmem>>
    %dma_wait3A_68 = arith.constant 0 : i32
    %dma_wait3A_69 = arith.constant 0 : i32
    %dma_wait3A_70 = tpu.memref_slice %arg4[%mul3A_4, %dma_wait3A_68, %dma_wait3A_69] : memref<16384x50x32xf32, #tpu.memory_space<hbm>> -> memref<1x50x32xf32, #tpu.memory_space<hbm>>
    %dma_wait3A_71 = tpu.memref_squeeze %dma_wait3A_70 : memref<1x50x32xf32, #tpu.memory_space<hbm>> -> memref<50x32xf32, #tpu.memory_space<hbm>>
    %dma_wait3A_72 = arith.constant 0 : i32
    %dma_wait3A_73 = arith.constant 0 : i32
    %dma_wait3A_74 = tpu.memref_slice %arg4[%mul3A_4, %dma_wait3A_72, %dma_wait3A_73] : memref<16384x50x32xf32, #tpu.memory_space<hbm>> -> memref<1x50x32xf32, #tpu.memory_space<hbm>>
    %dma_wait3A_75 = tpu.memref_squeeze %dma_wait3A_74 : memref<1x50x32xf32, #tpu.memory_space<hbm>> -> memref<50x32xf32, #tpu.memory_space<hbm>>
    %dma_wait3A_76 = arith.constant 0 : i32
    %dma_wait3A_77 = arith.constant 0 : i32
    %dma_wait3A_78 = tpu.memref_slice %arg6[%dma_wait3A_76, %dma_wait3A_77] : memref<3200x32xf32, #tpu.memory_space<vmem>> -> memref<50x32xf32, #tpu.memory_space<vmem>>
    tpu.wait_dma2 semaphore(%arg8 : memref<!tpu.dma_semaphore, #tpu.memory_space<semaphore_mem>>) src(%dma_wait3A_78 : memref<50x32xf32, #tpu.memory_space<vmem>>) dst(%dma_wait3A_75 : memref<50x32xf32, #tpu.memory_space<hbm>>)
    %dma_wait3A_79 = arith.constant 0 : i32
    %dma_wait3A_80 = arith.constant 0 : i32
    %dma_wait3A_81 = tpu.memref_slice %arg6[%dma_wait3A_79, %dma_wait3A_80] : memref<3200x32xf32, #tpu.memory_space<vmem>> -> memref<50x32xf32, #tpu.memory_space<vmem>>
    %dma_wait3A_82 = arith.constant 0 : i32
    %dma_wait3A_83 = arith.constant 0 : i32
    %dma_wait3A_84 = tpu.memref_slice %arg4[%mul3A_4, %dma_wait3A_82, %dma_wait3A_83] : memref<16384x50x32xf32, #tpu.memory_space<hbm>> -> memref<1x50x32xf32, #tpu.memory_space<hbm>>
    %dma_wait3A_85 = tpu.memref_squeeze %dma_wait3A_84 : memref<1x50x32xf32, #tpu.memory_space<hbm>> -> memref<50x32xf32, #tpu.memory_space<hbm>>
    %dma_wait3A_86 = arith.constant 0 : i32
    %dma_wait3A_87 = arith.constant 0 : i32
    %dma_wait3A_88 = tpu.memref_slice %arg4[%mul3A_4, %dma_wait3A_86, %dma_wait3A_87] : memref<16384x50x32xf32, #tpu.memory_space<hbm>> -> memref<1x50x32xf32, #tpu.memory_space<hbm>>
    %dma_wait3A_89 = tpu.memref_squeeze %dma_wait3A_88 : memref<1x50x32xf32, #tpu.memory_space<hbm>> -> memref<50x32xf32, #tpu.memory_space<hbm>>
    %dma_wait3A_90 = arith.constant 0 : i32
    %dma_wait3A_91 = arith.constant 0 : i32
    %dma_wait3A_92 = tpu.memref_slice %arg6[%dma_wait3A_90, %dma_wait3A_91] : memref<3200x32xf32, #tpu.memory_space<vmem>> -> memref<50x32xf32, #tpu.memory_space<vmem>>
    tpu.wait_dma2 semaphore(%arg8 : memref<!tpu.dma_semaphore, #tpu.memory_space<semaphore_mem>>) src(%dma_wait3A_92 : memref<50x32xf32, #tpu.memory_space<vmem>>) dst(%dma_wait3A_89 : memref<50x32xf32, #tpu.memory_space<hbm>>)
    %dma_wait3A_93 = arith.constant 0 : i32
    %dma_wait3A_94 = arith.constant 0 : i32
    %dma_wait3A_95 = tpu.memref_slice %arg6[%dma_wait3A_93, %dma_wait3A_94] : memref<3200x32xf32, #tpu.memory_space<vmem>> -> memref<50x32xf32, #tpu.memory_space<vmem>>
    %dma_wait3A_96 = arith.constant 0 : i32
    %dma_wait3A_97 = arith.constant 0 : i32
    %dma_wait3A_98 = tpu.memref_slice %arg4[%mul3A_4, %dma_wait3A_96, %dma_wait3A_97] : memref<16384x50x32xf32, #tpu.memory_space<hbm>> -> memref<1x50x32xf32, #tpu.memory_space<hbm>>
    %dma_wait3A_99 = tpu.memref_squeeze %dma_wait3A_98 : memref<1x50x32xf32, #tpu.memory_space<hbm>> -> memref<50x32xf32, #tpu.memory_space<hbm>>
    %dma_wait3A_100 = arith.constant 0 : i32
    %dma_wait3A_101 = arith.constant 0 : i32
    %dma_wait3A_102 = tpu.memref_slice %arg4[%mul3A_4, %dma_wait3A_100, %dma_wait3A_101] : memref<16384x50x32xf32, #tpu.memory_space<hbm>> -> memref<1x50x32xf32, #tpu.memory_space<hbm>>
    %dma_wait3A_103 = tpu.memref_squeeze %dma_wait3A_102 : memref<1x50x32xf32, #tpu.memory_space<hbm>> -> memref<50x32xf32, #tpu.memory_space<hbm>>
    %dma_wait3A_104 = arith.constant 0 : i32
    %dma_wait3A_105 = arith.constant 0 : i32
    %dma_wait3A_106 = tpu.memref_slice %arg6[%dma_wait3A_104, %dma_wait3A_105] : memref<3200x32xf32, #tpu.memory_space<vmem>> -> memref<50x32xf32, #tpu.memory_space<vmem>>
    tpu.wait_dma2 semaphore(%arg8 : memref<!tpu.dma_semaphore, #tpu.memory_space<semaphore_mem>>) src(%dma_wait3A_106 : memref<50x32xf32, #tpu.memory_space<vmem>>) dst(%dma_wait3A_103 : memref<50x32xf32, #tpu.memory_space<hbm>>)
    %dma_wait3A_107 = arith.constant 0 : i32
    %dma_wait3A_108 = arith.constant 0 : i32
    %dma_wait3A_109 = tpu.memref_slice %arg6[%dma_wait3A_107, %dma_wait3A_108] : memref<3200x32xf32, #tpu.memory_space<vmem>> -> memref<50x32xf32, #tpu.memory_space<vmem>>
    %dma_wait3A_110 = arith.constant 0 : i32
    %dma_wait3A_111 = arith.constant 0 : i32
    %dma_wait3A_112 = tpu.memref_slice %arg4[%mul3A_4, %dma_wait3A_110, %dma_wait3A_111] : memref<16384x50x32xf32, #tpu.memory_space<hbm>> -> memref<1x50x32xf32, #tpu.memory_space<hbm>>
    %dma_wait3A_113 = tpu.memref_squeeze %dma_wait3A_112 : memref<1x50x32xf32, #tpu.memory_space<hbm>> -> memref<50x32xf32, #tpu.memory_space<hbm>>
    %dma_wait3A_114 = arith.constant 0 : i32
    %dma_wait3A_115 = arith.constant 0 : i32
    %dma_wait3A_116 = tpu.memref_slice %arg4[%mul3A_4, %dma_wait3A_114, %dma_wait3A_115] : memref<16384x50x32xf32, #tpu.memory_space<hbm>> -> memref<1x50x32xf32, #tpu.memory_space<hbm>>
    %dma_wait3A_117 = tpu.memref_squeeze %dma_wait3A_116 : memref<1x50x32xf32, #tpu.memory_space<hbm>> -> memref<50x32xf32, #tpu.memory_space<hbm>>
    %dma_wait3A_118 = arith.constant 0 : i32
    %dma_wait3A_119 = arith.constant 0 : i32
    %dma_wait3A_120 = tpu.memref_slice %arg6[%dma_wait3A_118, %dma_wait3A_119] : memref<3200x32xf32, #tpu.memory_space<vmem>> -> memref<50x32xf32, #tpu.memory_space<vmem>>
    tpu.wait_dma2 semaphore(%arg8 : memref<!tpu.dma_semaphore, #tpu.memory_space<semaphore_mem>>) src(%dma_wait3A_120 : memref<50x32xf32, #tpu.memory_space<vmem>>) dst(%dma_wait3A_117 : memref<50x32xf32, #tpu.memory_space<hbm>>)
    %dma_wait3A_121 = arith.constant 0 : i32
    %dma_wait3A_122 = arith.constant 0 : i32
    %dma_wait3A_123 = tpu.memref_slice %arg6[%dma_wait3A_121, %dma_wait3A_122] : memref<3200x32xf32, #tpu.memory_space<vmem>> -> memref<50x32xf32, #tpu.memory_space<vmem>>
    %dma_wait3A_124 = arith.constant 0 : i32
    %dma_wait3A_125 = arith.constant 0 : i32
    %dma_wait3A_126 = tpu.memref_slice %arg4[%mul3A_4, %dma_wait3A_124, %dma_wait3A_125] : memref<16384x50x32xf32, #tpu.memory_space<hbm>> -> memref<1x50x32xf32, #tpu.memory_space<hbm>>
    %dma_wait3A_127 = tpu.memref_squeeze %dma_wait3A_126 : memref<1x50x32xf32, #tpu.memory_space<hbm>> -> memref<50x32xf32, #tpu.memory_space<hbm>>
    %dma_wait3A_128 = arith.constant 0 : i32
    %dma_wait3A_129 = arith.constant 0 : i32
    %dma_wait3A_130 = tpu.memref_slice %arg4[%mul3A_4, %dma_wait3A_128, %dma_wait3A_129] : memref<16384x50x32xf32, #tpu.memory_space<hbm>> -> memref<1x50x32xf32, #tpu.memory_space<hbm>>
    %dma_wait3A_131 = tpu.memref_squeeze %dma_wait3A_130 : memref<1x50x32xf32, #tpu.memory_space<hbm>> -> memref<50x32xf32, #tpu.memory_space<hbm>>
    %dma_wait3A_132 = arith.constant 0 : i32
    %dma_wait3A_133 = arith.constant 0 : i32
    %dma_wait3A_134 = tpu.memref_slice %arg6[%dma_wait3A_132, %dma_wait3A_133] : memref<3200x32xf32, #tpu.memory_space<vmem>> -> memref<50x32xf32, #tpu.memory_space<vmem>>
    tpu.wait_dma2 semaphore(%arg8 : memref<!tpu.dma_semaphore, #tpu.memory_space<semaphore_mem>>) src(%dma_wait3A_134 : memref<50x32xf32, #tpu.memory_space<vmem>>) dst(%dma_wait3A_131 : memref<50x32xf32, #tpu.memory_space<hbm>>)
    %dma_wait3A_135 = arith.constant 0 : i32
    %dma_wait3A_136 = arith.constant 0 : i32
    %dma_wait3A_137 = tpu.memref_slice %arg6[%dma_wait3A_135, %dma_wait3A_136] : memref<3200x32xf32, #tpu.memory_space<vmem>> -> memref<50x32xf32, #tpu.memory_space<vmem>>
    %dma_wait3A_138 = arith.constant 0 : i32
    %dma_wait3A_139 = arith.constant 0 : i32
    %dma_wait3A_140 = tpu.memref_slice %arg4[%mul3A_4, %dma_wait3A_138, %dma_wait3A_139] : memref<16384x50x32xf32, #tpu.memory_space<hbm>> -> memref<1x50x32xf32, #tpu.memory_space<hbm>>
    %dma_wait3A_141 = tpu.memref_squeeze %dma_wait3A_140 : memref<1x50x32xf32, #tpu.memory_space<hbm>> -> memref<50x32xf32, #tpu.memory_space<hbm>>
    %dma_wait3A_142 = arith.constant 0 : i32
    %dma_wait3A_143 = arith.constant 0 : i32
    %dma_wait3A_144 = tpu.memref_slice %arg4[%mul3A_4, %dma_wait3A_142, %dma_wait3A_143] : memref<16384x50x32xf32, #tpu.memory_space<hbm>> -> memref<1x50x32xf32, #tpu.memory_space<hbm>>
    %dma_wait3A_145 = tpu.memref_squeeze %dma_wait3A_144 : memref<1x50x32xf32, #tpu.memory_space<hbm>> -> memref<50x32xf32, #tpu.memory_space<hbm>>
    %dma_wait3A_146 = arith.constant 0 : i32
    %dma_wait3A_147 = arith.constant 0 : i32
    %dma_wait3A_148 = tpu.memref_slice %arg6[%dma_wait3A_146, %dma_wait3A_147] : memref<3200x32xf32, #tpu.memory_space<vmem>> -> memref<50x32xf32, #tpu.memory_space<vmem>>
    tpu.wait_dma2 semaphore(%arg8 : memref<!tpu.dma_semaphore, #tpu.memory_space<semaphore_mem>>) src(%dma_wait3A_148 : memref<50x32xf32, #tpu.memory_space<vmem>>) dst(%dma_wait3A_145 : memref<50x32xf32, #tpu.memory_space<hbm>>)
    %dma_wait3A_149 = arith.constant 0 : i32
    %dma_wait3A_150 = arith.constant 0 : i32
    %dma_wait3A_151 = tpu.memref_slice %arg6[%dma_wait3A_149, %dma_wait3A_150] : memref<3200x32xf32, #tpu.memory_space<vmem>> -> memref<50x32xf32, #tpu.memory_space<vmem>>
    %dma_wait3A_152 = arith.constant 0 : i32
    %dma_wait3A_153 = arith.constant 0 : i32
    %dma_wait3A_154 = tpu.memref_slice %arg4[%mul3A_4, %dma_wait3A_152, %dma_wait3A_153] : memref<16384x50x32xf32, #tpu.memory_space<hbm>> -> memref<1x50x32xf32, #tpu.memory_space<hbm>>
    %dma_wait3A_155 = tpu.memref_squeeze %dma_wait3A_154 : memref<1x50x32xf32, #tpu.memory_space<hbm>> -> memref<50x32xf32, #tpu.memory_space<hbm>>
    %dma_wait3A_156 = arith.constant 0 : i32
    %dma_wait3A_157 = arith.constant 0 : i32
    %dma_wait3A_158 = tpu.memref_slice %arg4[%mul3A_4, %dma_wait3A_156, %dma_wait3A_157] : memref<16384x50x32xf32, #tpu.memory_space<hbm>> -> memref<1x50x32xf32, #tpu.memory_space<hbm>>
    %dma_wait3A_159 = tpu.memref_squeeze %dma_wait3A_158 : memref<1x50x32xf32, #tpu.memory_space<hbm>> -> memref<50x32xf32, #tpu.memory_space<hbm>>
    %dma_wait3A_160 = arith.constant 0 : i32
    %dma_wait3A_161 = arith.constant 0 : i32
    %dma_wait3A_162 = tpu.memref_slice %arg6[%dma_wait3A_160, %dma_wait3A_161] : memref<3200x32xf32, #tpu.memory_space<vmem>> -> memref<50x32xf32, #tpu.memory_space<vmem>>
    tpu.wait_dma2 semaphore(%arg8 : memref<!tpu.dma_semaphore, #tpu.memory_space<semaphore_mem>>) src(%dma_wait3A_162 : memref<50x32xf32, #tpu.memory_space<vmem>>) dst(%dma_wait3A_159 : memref<50x32xf32, #tpu.memory_space<hbm>>)
    %dma_wait3A_163 = arith.constant 0 : i32
    %dma_wait3A_164 = arith.constant 0 : i32
    %dma_wait3A_165 = tpu.memref_slice %arg6[%dma_wait3A_163, %dma_wait3A_164] : memref<3200x32xf32, #tpu.memory_space<vmem>> -> memref<50x32xf32, #tpu.memory_space<vmem>>
    %dma_wait3A_166 = arith.constant 0 : i32
    %dma_wait3A_167 = arith.constant 0 : i32
    %dma_wait3A_168 = tpu.memref_slice %arg4[%mul3A_4, %dma_wait3A_166, %dma_wait3A_167] : memref<16384x50x32xf32, #tpu.memory_space<hbm>> -> memref<1x50x32xf32, #tpu.memory_space<hbm>>
    %dma_wait3A_169 = tpu.memref_squeeze %dma_wait3A_168 : memref<1x50x32xf32, #tpu.memory_space<hbm>> -> memref<50x32xf32, #tpu.memory_space<hbm>>
    %dma_wait3A_170 = arith.constant 0 : i32
    %dma_wait3A_171 = arith.constant 0 : i32
    %dma_wait3A_172 = tpu.memref_slice %arg4[%mul3A_4, %dma_wait3A_170, %dma_wait3A_171] : memref<16384x50x32xf32, #tpu.memory_space<hbm>> -> memref<1x50x32xf32, #tpu.memory_space<hbm>>
    %dma_wait3A_173 = tpu.memref_squeeze %dma_wait3A_172 : memref<1x50x32xf32, #tpu.memory_space<hbm>> -> memref<50x32xf32, #tpu.memory_space<hbm>>
    %dma_wait3A_174 = arith.constant 0 : i32
    %dma_wait3A_175 = arith.constant 0 : i32
    %dma_wait3A_176 = tpu.memref_slice %arg6[%dma_wait3A_174, %dma_wait3A_175] : memref<3200x32xf32, #tpu.memory_space<vmem>> -> memref<50x32xf32, #tpu.memory_space<vmem>>
    tpu.wait_dma2 semaphore(%arg8 : memref<!tpu.dma_semaphore, #tpu.memory_space<semaphore_mem>>) src(%dma_wait3A_176 : memref<50x32xf32, #tpu.memory_space<vmem>>) dst(%dma_wait3A_173 : memref<50x32xf32, #tpu.memory_space<hbm>>)
    %dma_wait3A_177 = arith.constant 0 : i32
    %dma_wait3A_178 = arith.constant 0 : i32
    %dma_wait3A_179 = tpu.memref_slice %arg6[%dma_wait3A_177, %dma_wait3A_178] : memref<3200x32xf32, #tpu.memory_space<vmem>> -> memref<50x32xf32, #tpu.memory_space<vmem>>
    %dma_wait3A_180 = arith.constant 0 : i32
    %dma_wait3A_181 = arith.constant 0 : i32
    %dma_wait3A_182 = tpu.memref_slice %arg4[%mul3A_4, %dma_wait3A_180, %dma_wait3A_181] : memref<16384x50x32xf32, #tpu.memory_space<hbm>> -> memref<1x50x32xf32, #tpu.memory_space<hbm>>
    %dma_wait3A_183 = tpu.memref_squeeze %dma_wait3A_182 : memref<1x50x32xf32, #tpu.memory_space<hbm>> -> memref<50x32xf32, #tpu.memory_space<hbm>>
    %dma_wait3A_184 = arith.constant 0 : i32
    %dma_wait3A_185 = arith.constant 0 : i32
    %dma_wait3A_186 = tpu.memref_slice %arg4[%mul3A_4, %dma_wait3A_184, %dma_wait3A_185] : memref<16384x50x32xf32, #tpu.memory_space<hbm>> -> memref<1x50x32xf32, #tpu.memory_space<hbm>>
    %dma_wait3A_187 = tpu.memref_squeeze %dma_wait3A_186 : memref<1x50x32xf32, #tpu.memory_space<hbm>> -> memref<50x32xf32, #tpu.memory_space<hbm>>
    %dma_wait3A_188 = arith.constant 0 : i32
    %dma_wait3A_189 = arith.constant 0 : i32
    %dma_wait3A_190 = tpu.memref_slice %arg6[%dma_wait3A_188, %dma_wait3A_189] : memref<3200x32xf32, #tpu.memory_space<vmem>> -> memref<50x32xf32, #tpu.memory_space<vmem>>
    tpu.wait_dma2 semaphore(%arg8 : memref<!tpu.dma_semaphore, #tpu.memory_space<semaphore_mem>>) src(%dma_wait3A_190 : memref<50x32xf32, #tpu.memory_space<vmem>>) dst(%dma_wait3A_187 : memref<50x32xf32, #tpu.memory_space<hbm>>)
    %dma_wait3A_191 = arith.constant 0 : i32
    %dma_wait3A_192 = arith.constant 0 : i32
    %dma_wait3A_193 = tpu.memref_slice %arg6[%dma_wait3A_191, %dma_wait3A_192] : memref<3200x32xf32, #tpu.memory_space<vmem>> -> memref<50x32xf32, #tpu.memory_space<vmem>>
    %dma_wait3A_194 = arith.constant 0 : i32
    %dma_wait3A_195 = arith.constant 0 : i32
    %dma_wait3A_196 = tpu.memref_slice %arg4[%mul3A_4, %dma_wait3A_194, %dma_wait3A_195] : memref<16384x50x32xf32, #tpu.memory_space<hbm>> -> memref<1x50x32xf32, #tpu.memory_space<hbm>>
    %dma_wait3A_197 = tpu.memref_squeeze %dma_wait3A_196 : memref<1x50x32xf32, #tpu.memory_space<hbm>> -> memref<50x32xf32, #tpu.memory_space<hbm>>
    %dma_wait3A_198 = arith.constant 0 : i32
    %dma_wait3A_199 = arith.constant 0 : i32
    %dma_wait3A_200 = tpu.memref_slice %arg4[%mul3A_4, %dma_wait3A_198, %dma_wait3A_199] : memref<16384x50x32xf32, #tpu.memory_space<hbm>> -> memref<1x50x32xf32, #tpu.memory_space<hbm>>
    %dma_wait3A_201 = tpu.memref_squeeze %dma_wait3A_200 : memref<1x50x32xf32, #tpu.memory_space<hbm>> -> memref<50x32xf32, #tpu.memory_space<hbm>>
    %dma_wait3A_202 = arith.constant 0 : i32
    %dma_wait3A_203 = arith.constant 0 : i32
    %dma_wait3A_204 = tpu.memref_slice %arg6[%dma_wait3A_202, %dma_wait3A_203] : memref<3200x32xf32, #tpu.memory_space<vmem>> -> memref<50x32xf32, #tpu.memory_space<vmem>>
    tpu.wait_dma2 semaphore(%arg8 : memref<!tpu.dma_semaphore, #tpu.memory_space<semaphore_mem>>) src(%dma_wait3A_204 : memref<50x32xf32, #tpu.memory_space<vmem>>) dst(%dma_wait3A_201 : memref<50x32xf32, #tpu.memory_space<hbm>>)
    %dma_wait3A_205 = arith.constant 0 : i32
    %dma_wait3A_206 = arith.constant 0 : i32
    %dma_wait3A_207 = tpu.memref_slice %arg6[%dma_wait3A_205, %dma_wait3A_206] : memref<3200x32xf32, #tpu.memory_space<vmem>> -> memref<50x32xf32, #tpu.memory_space<vmem>>
    %dma_wait3A_208 = arith.constant 0 : i32
    %dma_wait3A_209 = arith.constant 0 : i32
    %dma_wait3A_210 = tpu.memref_slice %arg4[%mul3A_4, %dma_wait3A_208, %dma_wait3A_209] : memref<16384x50x32xf32, #tpu.memory_space<hbm>> -> memref<1x50x32xf32, #tpu.memory_space<hbm>>
    %dma_wait3A_211 = tpu.memref_squeeze %dma_wait3A_210 : memref<1x50x32xf32, #tpu.memory_space<hbm>> -> memref<50x32xf32, #tpu.memory_space<hbm>>
    %dma_wait3A_212 = arith.constant 0 : i32
    %dma_wait3A_213 = arith.constant 0 : i32
    %dma_wait3A_214 = tpu.memref_slice %arg4[%mul3A_4, %dma_wait3A_212, %dma_wait3A_213] : memref<16384x50x32xf32, #tpu.memory_space<hbm>> -> memref<1x50x32xf32, #tpu.memory_space<hbm>>
    %dma_wait3A_215 = tpu.memref_squeeze %dma_wait3A_214 : memref<1x50x32xf32, #tpu.memory_space<hbm>> -> memref<50x32xf32, #tpu.memory_space<hbm>>
    %dma_wait3A_216 = arith.constant 0 : i32
    %dma_wait3A_217 = arith.constant 0 : i32
    %dma_wait3A_218 = tpu.memref_slice %arg6[%dma_wait3A_216, %dma_wait3A_217] : memref<3200x32xf32, #tpu.memory_space<vmem>> -> memref<50x32xf32, #tpu.memory_space<vmem>>
    tpu.wait_dma2 semaphore(%arg8 : memref<!tpu.dma_semaphore, #tpu.memory_space<semaphore_mem>>) src(%dma_wait3A_218 : memref<50x32xf32, #tpu.memory_space<vmem>>) dst(%dma_wait3A_215 : memref<50x32xf32, #tpu.memory_space<hbm>>)
    %dma_wait3A_219 = arith.constant 0 : i32
    %dma_wait3A_220 = arith.constant 0 : i32
    %dma_wait3A_221 = tpu.memref_slice %arg6[%dma_wait3A_219, %dma_wait3A_220] : memref<3200x32xf32, #tpu.memory_space<vmem>> -> memref<50x32xf32, #tpu.memory_space<vmem>>
    %dma_wait3A_222 = arith.constant 0 : i32
    %dma_wait3A_223 = arith.constant 0 : i32
    %dma_wait3A_224 = tpu.memref_slice %arg4[%mul3A_4, %dma_wait3A_222, %dma_wait3A_223] : memref<16384x50x32xf32, #tpu.memory_space<hbm>> -> memref<1x50x32xf32, #tpu.memory_space<hbm>>
    %dma_wait3A_225 = tpu.memref_squeeze %dma_wait3A_224 : memref<1x50x32xf32, #tpu.memory_space<hbm>> -> memref<50x32xf32, #tpu.memory_space<hbm>>
    %dma_wait3A_226 = arith.constant 0 : i32
    %dma_wait3A_227 = arith.constant 0 : i32
    %dma_wait3A_228 = tpu.memref_slice %arg4[%mul3A_4, %dma_wait3A_226, %dma_wait3A_227] : memref<16384x50x32xf32, #tpu.memory_space<hbm>> -> memref<1x50x32xf32, #tpu.memory_space<hbm>>
    %dma_wait3A_229 = tpu.memref_squeeze %dma_wait3A_228 : memref<1x50x32xf32, #tpu.memory_space<hbm>> -> memref<50x32xf32, #tpu.memory_space<hbm>>
    %dma_wait3A_230 = arith.constant 0 : i32
    %dma_wait3A_231 = arith.constant 0 : i32
    %dma_wait3A_232 = tpu.memref_slice %arg6[%dma_wait3A_230, %dma_wait3A_231] : memref<3200x32xf32, #tpu.memory_space<vmem>> -> memref<50x32xf32, #tpu.memory_space<vmem>>
    tpu.wait_dma2 semaphore(%arg8 : memref<!tpu.dma_semaphore, #tpu.memory_space<semaphore_mem>>) src(%dma_wait3A_232 : memref<50x32xf32, #tpu.memory_space<vmem>>) dst(%dma_wait3A_229 : memref<50x32xf32, #tpu.memory_space<hbm>>)
    %dma_wait3A_233 = arith.constant 0 : i32
    %dma_wait3A_234 = arith.constant 0 : i32
    %dma_wait3A_235 = tpu.memref_slice %arg6[%dma_wait3A_233, %dma_wait3A_234] : memref<3200x32xf32, #tpu.memory_space<vmem>> -> memref<50x32xf32, #tpu.memory_space<vmem>>
    %dma_wait3A_236 = arith.constant 0 : i32
    %dma_wait3A_237 = arith.constant 0 : i32
    %dma_wait3A_238 = tpu.memref_slice %arg4[%mul3A_4, %dma_wait3A_236, %dma_wait3A_237] : memref<16384x50x32xf32, #tpu.memory_space<hbm>> -> memref<1x50x32xf32, #tpu.memory_space<hbm>>
    %dma_wait3A_239 = tpu.memref_squeeze %dma_wait3A_238 : memref<1x50x32xf32, #tpu.memory_space<hbm>> -> memref<50x32xf32, #tpu.memory_space<hbm>>
    %dma_wait3A_240 = arith.constant 0 : i32
    %dma_wait3A_241 = arith.constant 0 : i32
    %dma_wait3A_242 = tpu.memref_slice %arg4[%mul3A_4, %dma_wait3A_240, %dma_wait3A_241] : memref<16384x50x32xf32, #tpu.memory_space<hbm>> -> memref<1x50x32xf32, #tpu.memory_space<hbm>>
    %dma_wait3A_243 = tpu.memref_squeeze %dma_wait3A_242 : memref<1x50x32xf32, #tpu.memory_space<hbm>> -> memref<50x32xf32, #tpu.memory_space<hbm>>
    %dma_wait3A_244 = arith.constant 0 : i32
    %dma_wait3A_245 = arith.constant 0 : i32
    %dma_wait3A_246 = tpu.memref_slice %arg6[%dma_wait3A_244, %dma_wait3A_245] : memref<3200x32xf32, #tpu.memory_space<vmem>> -> memref<50x32xf32, #tpu.memory_space<vmem>>
    tpu.wait_dma2 semaphore(%arg8 : memref<!tpu.dma_semaphore, #tpu.memory_space<semaphore_mem>>) src(%dma_wait3A_246 : memref<50x32xf32, #tpu.memory_space<vmem>>) dst(%dma_wait3A_243 : memref<50x32xf32, #tpu.memory_space<hbm>>)
    %dma_wait3A_247 = arith.constant 0 : i32
    %dma_wait3A_248 = arith.constant 0 : i32
    %dma_wait3A_249 = tpu.memref_slice %arg6[%dma_wait3A_247, %dma_wait3A_248] : memref<3200x32xf32, #tpu.memory_space<vmem>> -> memref<50x32xf32, #tpu.memory_space<vmem>>
    %dma_wait3A_250 = arith.constant 0 : i32
    %dma_wait3A_251 = arith.constant 0 : i32
    %dma_wait3A_252 = tpu.memref_slice %arg4[%mul3A_4, %dma_wait3A_250, %dma_wait3A_251] : memref<16384x50x32xf32, #tpu.memory_space<hbm>> -> memref<1x50x32xf32, #tpu.memory_space<hbm>>
    %dma_wait3A_253 = tpu.memref_squeeze %dma_wait3A_252 : memref<1x50x32xf32, #tpu.memory_space<hbm>> -> memref<50x32xf32, #tpu.memory_space<hbm>>
    %dma_wait3A_254 = arith.constant 0 : i32
    %dma_wait3A_255 = arith.constant 0 : i32
    %dma_wait3A_256 = tpu.memref_slice %arg4[%mul3A_4, %dma_wait3A_254, %dma_wait3A_255] : memref<16384x50x32xf32, #tpu.memory_space<hbm>> -> memref<1x50x32xf32, #tpu.memory_space<hbm>>
    %dma_wait3A_257 = tpu.memref_squeeze %dma_wait3A_256 : memref<1x50x32xf32, #tpu.memory_space<hbm>> -> memref<50x32xf32, #tpu.memory_space<hbm>>
    %dma_wait3A_258 = arith.constant 0 : i32
    %dma_wait3A_259 = arith.constant 0 : i32
    %dma_wait3A_260 = tpu.memref_slice %arg6[%dma_wait3A_258, %dma_wait3A_259] : memref<3200x32xf32, #tpu.memory_space<vmem>> -> memref<50x32xf32, #tpu.memory_space<vmem>>
    tpu.wait_dma2 semaphore(%arg8 : memref<!tpu.dma_semaphore, #tpu.memory_space<semaphore_mem>>) src(%dma_wait3A_260 : memref<50x32xf32, #tpu.memory_space<vmem>>) dst(%dma_wait3A_257 : memref<50x32xf32, #tpu.memory_space<hbm>>)
    %dma_wait3A_261 = arith.constant 0 : i32
    %dma_wait3A_262 = arith.constant 0 : i32
    %dma_wait3A_263 = tpu.memref_slice %arg6[%dma_wait3A_261, %dma_wait3A_262] : memref<3200x32xf32, #tpu.memory_space<vmem>> -> memref<50x32xf32, #tpu.memory_space<vmem>>
    %dma_wait3A_264 = arith.constant 0 : i32
    %dma_wait3A_265 = arith.constant 0 : i32
    %dma_wait3A_266 = tpu.memref_slice %arg4[%mul3A_4, %dma_wait3A_264, %dma_wait3A_265] : memref<16384x50x32xf32, #tpu.memory_space<hbm>> -> memref<1x50x32xf32, #tpu.memory_space<hbm>>
    %dma_wait3A_267 = tpu.memref_squeeze %dma_wait3A_266 : memref<1x50x32xf32, #tpu.memory_space<hbm>> -> memref<50x32xf32, #tpu.memory_space<hbm>>
    %dma_wait3A_268 = arith.constant 0 : i32
    %dma_wait3A_269 = arith.constant 0 : i32
    %dma_wait3A_270 = tpu.memref_slice %arg4[%mul3A_4, %dma_wait3A_268, %dma_wait3A_269] : memref<16384x50x32xf32, #tpu.memory_space<hbm>> -> memref<1x50x32xf32, #tpu.memory_space<hbm>>
    %dma_wait3A_271 = tpu.memref_squeeze %dma_wait3A_270 : memref<1x50x32xf32, #tpu.memory_space<hbm>> -> memref<50x32xf32, #tpu.memory_space<hbm>>
    %dma_wait3A_272 = arith.constant 0 : i32
    %dma_wait3A_273 = arith.constant 0 : i32
    %dma_wait3A_274 = tpu.memref_slice %arg6[%dma_wait3A_272, %dma_wait3A_273] : memref<3200x32xf32, #tpu.memory_space<vmem>> -> memref<50x32xf32, #tpu.memory_space<vmem>>
    tpu.wait_dma2 semaphore(%arg8 : memref<!tpu.dma_semaphore, #tpu.memory_space<semaphore_mem>>) src(%dma_wait3A_274 : memref<50x32xf32, #tpu.memory_space<vmem>>) dst(%dma_wait3A_271 : memref<50x32xf32, #tpu.memory_space<hbm>>)
    %dma_wait3A_275 = arith.constant 0 : i32
    %dma_wait3A_276 = arith.constant 0 : i32
    %dma_wait3A_277 = tpu.memref_slice %arg6[%dma_wait3A_275, %dma_wait3A_276] : memref<3200x32xf32, #tpu.memory_space<vmem>> -> memref<50x32xf32, #tpu.memory_space<vmem>>
    %dma_wait3A_278 = arith.constant 0 : i32
    %dma_wait3A_279 = arith.constant 0 : i32
    %dma_wait3A_280 = tpu.memref_slice %arg4[%mul3A_4, %dma_wait3A_278, %dma_wait3A_279] : memref<16384x50x32xf32, #tpu.memory_space<hbm>> -> memref<1x50x32xf32, #tpu.memory_space<hbm>>
    %dma_wait3A_281 = tpu.memref_squeeze %dma_wait3A_280 : memref<1x50x32xf32, #tpu.memory_space<hbm>> -> memref<50x32xf32, #tpu.memory_space<hbm>>
    %dma_wait3A_282 = arith.constant 0 : i32
    %dma_wait3A_283 = arith.constant 0 : i32
    %dma_wait3A_284 = tpu.memref_slice %arg4[%mul3A_4, %dma_wait3A_282, %dma_wait3A_283] : memref<16384x50x32xf32, #tpu.memory_space<hbm>> -> memref<1x50x32xf32, #tpu.memory_space<hbm>>
    %dma_wait3A_285 = tpu.memref_squeeze %dma_wait3A_284 : memref<1x50x32xf32, #tpu.memory_space<hbm>> -> memref<50x32xf32, #tpu.memory_space<hbm>>
    %dma_wait3A_286 = arith.constant 0 : i32
    %dma_wait3A_287 = arith.constant 0 : i32
    %dma_wait3A_288 = tpu.memref_slice %arg6[%dma_wait3A_286, %dma_wait3A_287] : memref<3200x32xf32, #tpu.memory_space<vmem>> -> memref<50x32xf32, #tpu.memory_space<vmem>>
    tpu.wait_dma2 semaphore(%arg8 : memref<!tpu.dma_semaphore, #tpu.memory_space<semaphore_mem>>) src(%dma_wait3A_288 : memref<50x32xf32, #tpu.memory_space<vmem>>) dst(%dma_wait3A_285 : memref<50x32xf32, #tpu.memory_space<hbm>>)
    %dma_wait3A_289 = arith.constant 0 : i32
    %dma_wait3A_290 = arith.constant 0 : i32
    %dma_wait3A_291 = tpu.memref_slice %arg6[%dma_wait3A_289, %dma_wait3A_290] : memref<3200x32xf32, #tpu.memory_space<vmem>> -> memref<50x32xf32, #tpu.memory_space<vmem>>
    %dma_wait3A_292 = arith.constant 0 : i32
    %dma_wait3A_293 = arith.constant 0 : i32
    %dma_wait3A_294 = tpu.memref_slice %arg4[%mul3A_4, %dma_wait3A_292, %dma_wait3A_293] : memref<16384x50x32xf32, #tpu.memory_space<hbm>> -> memref<1x50x32xf32, #tpu.memory_space<hbm>>
    %dma_wait3A_295 = tpu.memref_squeeze %dma_wait3A_294 : memref<1x50x32xf32, #tpu.memory_space<hbm>> -> memref<50x32xf32, #tpu.memory_space<hbm>>
    %dma_wait3A_296 = arith.constant 0 : i32
    %dma_wait3A_297 = arith.constant 0 : i32
    %dma_wait3A_298 = tpu.memref_slice %arg4[%mul3A_4, %dma_wait3A_296, %dma_wait3A_297] : memref<16384x50x32xf32, #tpu.memory_space<hbm>> -> memref<1x50x32xf32, #tpu.memory_space<hbm>>
    %dma_wait3A_299 = tpu.memref_squeeze %dma_wait3A_298 : memref<1x50x32xf32, #tpu.memory_space<hbm>> -> memref<50x32xf32, #tpu.memory_space<hbm>>
    %dma_wait3A_300 = arith.constant 0 : i32
    %dma_wait3A_301 = arith.constant 0 : i32
    %dma_wait3A_302 = tpu.memref_slice %arg6[%dma_wait3A_300, %dma_wait3A_301] : memref<3200x32xf32, #tpu.memory_space<vmem>> -> memref<50x32xf32, #tpu.memory_space<vmem>>
    tpu.wait_dma2 semaphore(%arg8 : memref<!tpu.dma_semaphore, #tpu.memory_space<semaphore_mem>>) src(%dma_wait3A_302 : memref<50x32xf32, #tpu.memory_space<vmem>>) dst(%dma_wait3A_299 : memref<50x32xf32, #tpu.memory_space<hbm>>)
    %dma_wait3A_303 = arith.constant 0 : i32
    %dma_wait3A_304 = arith.constant 0 : i32
    %dma_wait3A_305 = tpu.memref_slice %arg6[%dma_wait3A_303, %dma_wait3A_304] : memref<3200x32xf32, #tpu.memory_space<vmem>> -> memref<50x32xf32, #tpu.memory_space<vmem>>
    %dma_wait3A_306 = arith.constant 0 : i32
    %dma_wait3A_307 = arith.constant 0 : i32
    %dma_wait3A_308 = tpu.memref_slice %arg4[%mul3A_4, %dma_wait3A_306, %dma_wait3A_307] : memref<16384x50x32xf32, #tpu.memory_space<hbm>> -> memref<1x50x32xf32, #tpu.memory_space<hbm>>
    %dma_wait3A_309 = tpu.memref_squeeze %dma_wait3A_308 : memref<1x50x32xf32, #tpu.memory_space<hbm>> -> memref<50x32xf32, #tpu.memory_space<hbm>>
    %dma_wait3A_310 = arith.constant 0 : i32
    %dma_wait3A_311 = arith.constant 0 : i32
    %dma_wait3A_312 = tpu.memref_slice %arg4[%mul3A_4, %dma_wait3A_310, %dma_wait3A_311] : memref<16384x50x32xf32, #tpu.memory_space<hbm>> -> memref<1x50x32xf32, #tpu.memory_space<hbm>>
    %dma_wait3A_313 = tpu.memref_squeeze %dma_wait3A_312 : memref<1x50x32xf32, #tpu.memory_space<hbm>> -> memref<50x32xf32, #tpu.memory_space<hbm>>
    %dma_wait3A_314 = arith.constant 0 : i32
    %dma_wait3A_315 = arith.constant 0 : i32
    %dma_wait3A_316 = tpu.memref_slice %arg6[%dma_wait3A_314, %dma_wait3A_315] : memref<3200x32xf32, #tpu.memory_space<vmem>> -> memref<50x32xf32, #tpu.memory_space<vmem>>
    tpu.wait_dma2 semaphore(%arg8 : memref<!tpu.dma_semaphore, #tpu.memory_space<semaphore_mem>>) src(%dma_wait3A_316 : memref<50x32xf32, #tpu.memory_space<vmem>>) dst(%dma_wait3A_313 : memref<50x32xf32, #tpu.memory_space<hbm>>)
    %dma_wait3A_317 = arith.constant 0 : i32
    %dma_wait3A_318 = arith.constant 0 : i32
    %dma_wait3A_319 = tpu.memref_slice %arg6[%dma_wait3A_317, %dma_wait3A_318] : memref<3200x32xf32, #tpu.memory_space<vmem>> -> memref<50x32xf32, #tpu.memory_space<vmem>>
    %dma_wait3A_320 = arith.constant 0 : i32
    %dma_wait3A_321 = arith.constant 0 : i32
    %dma_wait3A_322 = tpu.memref_slice %arg4[%mul3A_4, %dma_wait3A_320, %dma_wait3A_321] : memref<16384x50x32xf32, #tpu.memory_space<hbm>> -> memref<1x50x32xf32, #tpu.memory_space<hbm>>
    %dma_wait3A_323 = tpu.memref_squeeze %dma_wait3A_322 : memref<1x50x32xf32, #tpu.memory_space<hbm>> -> memref<50x32xf32, #tpu.memory_space<hbm>>
    %dma_wait3A_324 = arith.constant 0 : i32
    %dma_wait3A_325 = arith.constant 0 : i32
    %dma_wait3A_326 = tpu.memref_slice %arg4[%mul3A_4, %dma_wait3A_324, %dma_wait3A_325] : memref<16384x50x32xf32, #tpu.memory_space<hbm>> -> memref<1x50x32xf32, #tpu.memory_space<hbm>>
    %dma_wait3A_327 = tpu.memref_squeeze %dma_wait3A_326 : memref<1x50x32xf32, #tpu.memory_space<hbm>> -> memref<50x32xf32, #tpu.memory_space<hbm>>
    %dma_wait3A_328 = arith.constant 0 : i32
    %dma_wait3A_329 = arith.constant 0 : i32
    %dma_wait3A_330 = tpu.memref_slice %arg6[%dma_wait3A_328, %dma_wait3A_329] : memref<3200x32xf32, #tpu.memory_space<vmem>> -> memref<50x32xf32, #tpu.memory_space<vmem>>
    tpu.wait_dma2 semaphore(%arg8 : memref<!tpu.dma_semaphore, #tpu.memory_space<semaphore_mem>>) src(%dma_wait3A_330 : memref<50x32xf32, #tpu.memory_space<vmem>>) dst(%dma_wait3A_327 : memref<50x32xf32, #tpu.memory_space<hbm>>)
    %dma_wait3A_331 = arith.constant 0 : i32
    %dma_wait3A_332 = arith.constant 0 : i32
    %dma_wait3A_333 = tpu.memref_slice %arg6[%dma_wait3A_331, %dma_wait3A_332] : memref<3200x32xf32, #tpu.memory_space<vmem>> -> memref<50x32xf32, #tpu.memory_space<vmem>>
    %dma_wait3A_334 = arith.constant 0 : i32
    %dma_wait3A_335 = arith.constant 0 : i32
    %dma_wait3A_336 = tpu.memref_slice %arg4[%mul3A_4, %dma_wait3A_334, %dma_wait3A_335] : memref<16384x50x32xf32, #tpu.memory_space<hbm>> -> memref<1x50x32xf32, #tpu.memory_space<hbm>>
    %dma_wait3A_337 = tpu.memref_squeeze %dma_wait3A_336 : memref<1x50x32xf32, #tpu.memory_space<hbm>> -> memref<50x32xf32, #tpu.memory_space<hbm>>
    %dma_wait3A_338 = arith.constant 0 : i32
    %dma_wait3A_339 = arith.constant 0 : i32
    %dma_wait3A_340 = tpu.memref_slice %arg4[%mul3A_4, %dma_wait3A_338, %dma_wait3A_339] : memref<16384x50x32xf32, #tpu.memory_space<hbm>> -> memref<1x50x32xf32, #tpu.memory_space<hbm>>
    %dma_wait3A_341 = tpu.memref_squeeze %dma_wait3A_340 : memref<1x50x32xf32, #tpu.memory_space<hbm>> -> memref<50x32xf32, #tpu.memory_space<hbm>>
    %dma_wait3A_342 = arith.constant 0 : i32
    %dma_wait3A_343 = arith.constant 0 : i32
    %dma_wait3A_344 = tpu.memref_slice %arg6[%dma_wait3A_342, %dma_wait3A_343] : memref<3200x32xf32, #tpu.memory_space<vmem>> -> memref<50x32xf32, #tpu.memory_space<vmem>>
    tpu.wait_dma2 semaphore(%arg8 : memref<!tpu.dma_semaphore, #tpu.memory_space<semaphore_mem>>) src(%dma_wait3A_344 : memref<50x32xf32, #tpu.memory_space<vmem>>) dst(%dma_wait3A_341 : memref<50x32xf32, #tpu.memory_space<hbm>>)
    %dma_wait3A_345 = arith.constant 0 : i32
    %dma_wait3A_346 = arith.constant 0 : i32
    %dma_wait3A_347 = tpu.memref_slice %arg6[%dma_wait3A_345, %dma_wait3A_346] : memref<3200x32xf32, #tpu.memory_space<vmem>> -> memref<50x32xf32, #tpu.memory_space<vmem>>
    %dma_wait3A_348 = arith.constant 0 : i32
    %dma_wait3A_349 = arith.constant 0 : i32
    %dma_wait3A_350 = tpu.memref_slice %arg4[%mul3A_4, %dma_wait3A_348, %dma_wait3A_349] : memref<16384x50x32xf32, #tpu.memory_space<hbm>> -> memref<1x50x32xf32, #tpu.memory_space<hbm>>
    %dma_wait3A_351 = tpu.memref_squeeze %dma_wait3A_350 : memref<1x50x32xf32, #tpu.memory_space<hbm>> -> memref<50x32xf32, #tpu.memory_space<hbm>>
    %dma_wait3A_352 = arith.constant 0 : i32
    %dma_wait3A_353 = arith.constant 0 : i32
    %dma_wait3A_354 = tpu.memref_slice %arg4[%mul3A_4, %dma_wait3A_352, %dma_wait3A_353] : memref<16384x50x32xf32, #tpu.memory_space<hbm>> -> memref<1x50x32xf32, #tpu.memory_space<hbm>>
    %dma_wait3A_355 = tpu.memref_squeeze %dma_wait3A_354 : memref<1x50x32xf32, #tpu.memory_space<hbm>> -> memref<50x32xf32, #tpu.memory_space<hbm>>
    %dma_wait3A_356 = arith.constant 0 : i32
    %dma_wait3A_357 = arith.constant 0 : i32
    %dma_wait3A_358 = tpu.memref_slice %arg6[%dma_wait3A_356, %dma_wait3A_357] : memref<3200x32xf32, #tpu.memory_space<vmem>> -> memref<50x32xf32, #tpu.memory_space<vmem>>
    tpu.wait_dma2 semaphore(%arg8 : memref<!tpu.dma_semaphore, #tpu.memory_space<semaphore_mem>>) src(%dma_wait3A_358 : memref<50x32xf32, #tpu.memory_space<vmem>>) dst(%dma_wait3A_355 : memref<50x32xf32, #tpu.memory_space<hbm>>)
    %dma_wait3A_359 = arith.constant 0 : i32
    %dma_wait3A_360 = arith.constant 0 : i32
    %dma_wait3A_361 = tpu.memref_slice %arg6[%dma_wait3A_359, %dma_wait3A_360] : memref<3200x32xf32, #tpu.memory_space<vmem>> -> memref<50x32xf32, #tpu.memory_space<vmem>>
    %dma_wait3A_362 = arith.constant 0 : i32
    %dma_wait3A_363 = arith.constant 0 : i32
    %dma_wait3A_364 = tpu.memref_slice %arg4[%mul3A_4, %dma_wait3A_362, %dma_wait3A_363] : memref<16384x50x32xf32, #tpu.memory_space<hbm>> -> memref<1x50x32xf32, #tpu.memory_space<hbm>>
    %dma_wait3A_365 = tpu.memref_squeeze %dma_wait3A_364 : memref<1x50x32xf32, #tpu.memory_space<hbm>> -> memref<50x32xf32, #tpu.memory_space<hbm>>
    %dma_wait3A_366 = arith.constant 0 : i32
    %dma_wait3A_367 = arith.constant 0 : i32
    %dma_wait3A_368 = tpu.memref_slice %arg4[%mul3A_4, %dma_wait3A_366, %dma_wait3A_367] : memref<16384x50x32xf32, #tpu.memory_space<hbm>> -> memref<1x50x32xf32, #tpu.memory_space<hbm>>
    %dma_wait3A_369 = tpu.memref_squeeze %dma_wait3A_368 : memref<1x50x32xf32, #tpu.memory_space<hbm>> -> memref<50x32xf32, #tpu.memory_space<hbm>>
    %dma_wait3A_370 = arith.constant 0 : i32
    %dma_wait3A_371 = arith.constant 0 : i32
    %dma_wait3A_372 = tpu.memref_slice %arg6[%dma_wait3A_370, %dma_wait3A_371] : memref<3200x32xf32, #tpu.memory_space<vmem>> -> memref<50x32xf32, #tpu.memory_space<vmem>>
    tpu.wait_dma2 semaphore(%arg8 : memref<!tpu.dma_semaphore, #tpu.memory_space<semaphore_mem>>) src(%dma_wait3A_372 : memref<50x32xf32, #tpu.memory_space<vmem>>) dst(%dma_wait3A_369 : memref<50x32xf32, #tpu.memory_space<hbm>>)
    %dma_wait3A_373 = arith.constant 0 : i32
    %dma_wait3A_374 = arith.constant 0 : i32
    %dma_wait3A_375 = tpu.memref_slice %arg6[%dma_wait3A_373, %dma_wait3A_374] : memref<3200x32xf32, #tpu.memory_space<vmem>> -> memref<50x32xf32, #tpu.memory_space<vmem>>
    %dma_wait3A_376 = arith.constant 0 : i32
    %dma_wait3A_377 = arith.constant 0 : i32
    %dma_wait3A_378 = tpu.memref_slice %arg4[%mul3A_4, %dma_wait3A_376, %dma_wait3A_377] : memref<16384x50x32xf32, #tpu.memory_space<hbm>> -> memref<1x50x32xf32, #tpu.memory_space<hbm>>
    %dma_wait3A_379 = tpu.memref_squeeze %dma_wait3A_378 : memref<1x50x32xf32, #tpu.memory_space<hbm>> -> memref<50x32xf32, #tpu.memory_space<hbm>>
    %dma_wait3A_380 = arith.constant 0 : i32
    %dma_wait3A_381 = arith.constant 0 : i32
    %dma_wait3A_382 = tpu.memref_slice %arg4[%mul3A_4, %dma_wait3A_380, %dma_wait3A_381] : memref<16384x50x32xf32, #tpu.memory_space<hbm>> -> memref<1x50x32xf32, #tpu.memory_space<hbm>>
    %dma_wait3A_383 = tpu.memref_squeeze %dma_wait3A_382 : memref<1x50x32xf32, #tpu.memory_space<hbm>> -> memref<50x32xf32, #tpu.memory_space<hbm>>
    %dma_wait3A_384 = arith.constant 0 : i32
    %dma_wait3A_385 = arith.constant 0 : i32
    %dma_wait3A_386 = tpu.memref_slice %arg6[%dma_wait3A_384, %dma_wait3A_385] : memref<3200x32xf32, #tpu.memory_space<vmem>> -> memref<50x32xf32, #tpu.memory_space<vmem>>
    tpu.wait_dma2 semaphore(%arg8 : memref<!tpu.dma_semaphore, #tpu.memory_space<semaphore_mem>>) src(%dma_wait3A_386 : memref<50x32xf32, #tpu.memory_space<vmem>>) dst(%dma_wait3A_383 : memref<50x32xf32, #tpu.memory_space<hbm>>)
    %dma_wait3A_387 = arith.constant 0 : i32
    %dma_wait3A_388 = arith.constant 0 : i32
    %dma_wait3A_389 = tpu.memref_slice %arg6[%dma_wait3A_387, %dma_wait3A_388] : memref<3200x32xf32, #tpu.memory_space<vmem>> -> memref<50x32xf32, #tpu.memory_space<vmem>>
    %dma_wait3A_390 = arith.constant 0 : i32
    %dma_wait3A_391 = arith.constant 0 : i32
    %dma_wait3A_392 = tpu.memref_slice %arg4[%mul3A_4, %dma_wait3A_390, %dma_wait3A_391] : memref<16384x50x32xf32, #tpu.memory_space<hbm>> -> memref<1x50x32xf32, #tpu.memory_space<hbm>>
    %dma_wait3A_393 = tpu.memref_squeeze %dma_wait3A_392 : memref<1x50x32xf32, #tpu.memory_space<hbm>> -> memref<50x32xf32, #tpu.memory_space<hbm>>
    %dma_wait3A_394 = arith.constant 0 : i32
    %dma_wait3A_395 = arith.constant 0 : i32
    %dma_wait3A_396 = tpu.memref_slice %arg4[%mul3A_4, %dma_wait3A_394, %dma_wait3A_395] : memref<16384x50x32xf32, #tpu.memory_space<hbm>> -> memref<1x50x32xf32, #tpu.memory_space<hbm>>
    %dma_wait3A_397 = tpu.memref_squeeze %dma_wait3A_396 : memref<1x50x32xf32, #tpu.memory_space<hbm>> -> memref<50x32xf32, #tpu.memory_space<hbm>>
    %dma_wait3A_398 = arith.constant 0 : i32
    %dma_wait3A_399 = arith.constant 0 : i32
    %dma_wait3A_400 = tpu.memref_slice %arg6[%dma_wait3A_398, %dma_wait3A_399] : memref<3200x32xf32, #tpu.memory_space<vmem>> -> memref<50x32xf32, #tpu.memory_space<vmem>>
    tpu.wait_dma2 semaphore(%arg8 : memref<!tpu.dma_semaphore, #tpu.memory_space<semaphore_mem>>) src(%dma_wait3A_400 : memref<50x32xf32, #tpu.memory_space<vmem>>) dst(%dma_wait3A_397 : memref<50x32xf32, #tpu.memory_space<hbm>>)
    %dma_wait3A_401 = arith.constant 0 : i32
    %dma_wait3A_402 = arith.constant 0 : i32
    %dma_wait3A_403 = tpu.memref_slice %arg6[%dma_wait3A_401, %dma_wait3A_402] : memref<3200x32xf32, #tpu.memory_space<vmem>> -> memref<50x32xf32, #tpu.memory_space<vmem>>
    %dma_wait3A_404 = arith.constant 0 : i32
    %dma_wait3A_405 = arith.constant 0 : i32
    %dma_wait3A_406 = tpu.memref_slice %arg4[%mul3A_4, %dma_wait3A_404, %dma_wait3A_405] : memref<16384x50x32xf32, #tpu.memory_space<hbm>> -> memref<1x50x32xf32, #tpu.memory_space<hbm>>
    %dma_wait3A_407 = tpu.memref_squeeze %dma_wait3A_406 : memref<1x50x32xf32, #tpu.memory_space<hbm>> -> memref<50x32xf32, #tpu.memory_space<hbm>>
    %dma_wait3A_408 = arith.constant 0 : i32
    %dma_wait3A_409 = arith.constant 0 : i32
    %dma_wait3A_410 = tpu.memref_slice %arg4[%mul3A_4, %dma_wait3A_408, %dma_wait3A_409] : memref<16384x50x32xf32, #tpu.memory_space<hbm>> -> memref<1x50x32xf32, #tpu.memory_space<hbm>>
    %dma_wait3A_411 = tpu.memref_squeeze %dma_wait3A_410 : memref<1x50x32xf32, #tpu.memory_space<hbm>> -> memref<50x32xf32, #tpu.memory_space<hbm>>
    %dma_wait3A_412 = arith.constant 0 : i32
    %dma_wait3A_413 = arith.constant 0 : i32
    %dma_wait3A_414 = tpu.memref_slice %arg6[%dma_wait3A_412, %dma_wait3A_413] : memref<3200x32xf32, #tpu.memory_space<vmem>> -> memref<50x32xf32, #tpu.memory_space<vmem>>
    tpu.wait_dma2 semaphore(%arg8 : memref<!tpu.dma_semaphore, #tpu.memory_space<semaphore_mem>>) src(%dma_wait3A_414 : memref<50x32xf32, #tpu.memory_space<vmem>>) dst(%dma_wait3A_411 : memref<50x32xf32, #tpu.memory_space<hbm>>)
    %dma_wait3A_415 = arith.constant 0 : i32
    %dma_wait3A_416 = arith.constant 0 : i32
    %dma_wait3A_417 = tpu.memref_slice %arg6[%dma_wait3A_415, %dma_wait3A_416] : memref<3200x32xf32, #tpu.memory_space<vmem>> -> memref<50x32xf32, #tpu.memory_space<vmem>>
    %dma_wait3A_418 = arith.constant 0 : i32
    %dma_wait3A_419 = arith.constant 0 : i32
    %dma_wait3A_420 = tpu.memref_slice %arg4[%mul3A_4, %dma_wait3A_418, %dma_wait3A_419] : memref<16384x50x32xf32, #tpu.memory_space<hbm>> -> memref<1x50x32xf32, #tpu.memory_space<hbm>>
    %dma_wait3A_421 = tpu.memref_squeeze %dma_wait3A_420 : memref<1x50x32xf32, #tpu.memory_space<hbm>> -> memref<50x32xf32, #tpu.memory_space<hbm>>
    %dma_wait3A_422 = arith.constant 0 : i32
    %dma_wait3A_423 = arith.constant 0 : i32
    %dma_wait3A_424 = tpu.memref_slice %arg4[%mul3A_4, %dma_wait3A_422, %dma_wait3A_423] : memref<16384x50x32xf32, #tpu.memory_space<hbm>> -> memref<1x50x32xf32, #tpu.memory_space<hbm>>
    %dma_wait3A_425 = tpu.memref_squeeze %dma_wait3A_424 : memref<1x50x32xf32, #tpu.memory_space<hbm>> -> memref<50x32xf32, #tpu.memory_space<hbm>>
    %dma_wait3A_426 = arith.constant 0 : i32
    %dma_wait3A_427 = arith.constant 0 : i32
    %dma_wait3A_428 = tpu.memref_slice %arg6[%dma_wait3A_426, %dma_wait3A_427] : memref<3200x32xf32, #tpu.memory_space<vmem>> -> memref<50x32xf32, #tpu.memory_space<vmem>>
    tpu.wait_dma2 semaphore(%arg8 : memref<!tpu.dma_semaphore, #tpu.memory_space<semaphore_mem>>) src(%dma_wait3A_428 : memref<50x32xf32, #tpu.memory_space<vmem>>) dst(%dma_wait3A_425 : memref<50x32xf32, #tpu.memory_space<hbm>>)
    %dma_wait3A_429 = arith.constant 0 : i32
    %dma_wait3A_430 = arith.constant 0 : i32
    %dma_wait3A_431 = tpu.memref_slice %arg6[%dma_wait3A_429, %dma_wait3A_430] : memref<3200x32xf32, #tpu.memory_space<vmem>> -> memref<50x32xf32, #tpu.memory_space<vmem>>
    %dma_wait3A_432 = arith.constant 0 : i32
    %dma_wait3A_433 = arith.constant 0 : i32
    %dma_wait3A_434 = tpu.memref_slice %arg4[%mul3A_4, %dma_wait3A_432, %dma_wait3A_433] : memref<16384x50x32xf32, #tpu.memory_space<hbm>> -> memref<1x50x32xf32, #tpu.memory_space<hbm>>
    %dma_wait3A_435 = tpu.memref_squeeze %dma_wait3A_434 : memref<1x50x32xf32, #tpu.memory_space<hbm>> -> memref<50x32xf32, #tpu.memory_space<hbm>>
    %dma_wait3A_436 = arith.constant 0 : i32
    %dma_wait3A_437 = arith.constant 0 : i32
    %dma_wait3A_438 = tpu.memref_slice %arg4[%mul3A_4, %dma_wait3A_436, %dma_wait3A_437] : memref<16384x50x32xf32, #tpu.memory_space<hbm>> -> memref<1x50x32xf32, #tpu.memory_space<hbm>>
    %dma_wait3A_439 = tpu.memref_squeeze %dma_wait3A_438 : memref<1x50x32xf32, #tpu.memory_space<hbm>> -> memref<50x32xf32, #tpu.memory_space<hbm>>
    %dma_wait3A_440 = arith.constant 0 : i32
    %dma_wait3A_441 = arith.constant 0 : i32
    %dma_wait3A_442 = tpu.memref_slice %arg6[%dma_wait3A_440, %dma_wait3A_441] : memref<3200x32xf32, #tpu.memory_space<vmem>> -> memref<50x32xf32, #tpu.memory_space<vmem>>
    tpu.wait_dma2 semaphore(%arg8 : memref<!tpu.dma_semaphore, #tpu.memory_space<semaphore_mem>>) src(%dma_wait3A_442 : memref<50x32xf32, #tpu.memory_space<vmem>>) dst(%dma_wait3A_439 : memref<50x32xf32, #tpu.memory_space<hbm>>)
    %dma_wait3A_443 = arith.constant 0 : i32
    %dma_wait3A_444 = arith.constant 0 : i32
    %dma_wait3A_445 = tpu.memref_slice %arg6[%dma_wait3A_443, %dma_wait3A_444] : memref<3200x32xf32, #tpu.memory_space<vmem>> -> memref<50x32xf32, #tpu.memory_space<vmem>>
    %dma_wait3A_446 = arith.constant 0 : i32
    %dma_wait3A_447 = arith.constant 0 : i32
    %dma_wait3A_448 = tpu.memref_slice %arg4[%mul3A_4, %dma_wait3A_446, %dma_wait3A_447] : memref<16384x50x32xf32, #tpu.memory_space<hbm>> -> memref<1x50x32xf32, #tpu.memory_space<hbm>>
    %dma_wait3A_449 = tpu.memref_squeeze %dma_wait3A_448 : memref<1x50x32xf32, #tpu.memory_space<hbm>> -> memref<50x32xf32, #tpu.memory_space<hbm>>
    %dma_wait3A_450 = arith.constant 0 : i32
    %dma_wait3A_451 = arith.constant 0 : i32
    %dma_wait3A_452 = tpu.memref_slice %arg4[%mul3A_4, %dma_wait3A_450, %dma_wait3A_451] : memref<16384x50x32xf32, #tpu.memory_space<hbm>> -> memref<1x50x32xf32, #tpu.memory_space<hbm>>
    %dma_wait3A_453 = tpu.memref_squeeze %dma_wait3A_452 : memref<1x50x32xf32, #tpu.memory_space<hbm>> -> memref<50x32xf32, #tpu.memory_space<hbm>>
    %dma_wait3A_454 = arith.constant 0 : i32
    %dma_wait3A_455 = arith.constant 0 : i32
    %dma_wait3A_456 = tpu.memref_slice %arg6[%dma_wait3A_454, %dma_wait3A_455] : memref<3200x32xf32, #tpu.memory_space<vmem>> -> memref<50x32xf32, #tpu.memory_space<vmem>>
    tpu.wait_dma2 semaphore(%arg8 : memref<!tpu.dma_semaphore, #tpu.memory_space<semaphore_mem>>) src(%dma_wait3A_456 : memref<50x32xf32, #tpu.memory_space<vmem>>) dst(%dma_wait3A_453 : memref<50x32xf32, #tpu.memory_space<hbm>>)
    %dma_wait3A_457 = arith.constant 0 : i32
    %dma_wait3A_458 = arith.constant 0 : i32
    %dma_wait3A_459 = tpu.memref_slice %arg6[%dma_wait3A_457, %dma_wait3A_458] : memref<3200x32xf32, #tpu.memory_space<vmem>> -> memref<50x32xf32, #tpu.memory_space<vmem>>
    %dma_wait3A_460 = arith.constant 0 : i32
    %dma_wait3A_461 = arith.constant 0 : i32
    %dma_wait3A_462 = tpu.memref_slice %arg4[%mul3A_4, %dma_wait3A_460, %dma_wait3A_461] : memref<16384x50x32xf32, #tpu.memory_space<hbm>> -> memref<1x50x32xf32, #tpu.memory_space<hbm>>
    %dma_wait3A_463 = tpu.memref_squeeze %dma_wait3A_462 : memref<1x50x32xf32, #tpu.memory_space<hbm>> -> memref<50x32xf32, #tpu.memory_space<hbm>>
    %dma_wait3A_464 = arith.constant 0 : i32
    %dma_wait3A_465 = arith.constant 0 : i32
    %dma_wait3A_466 = tpu.memref_slice %arg4[%mul3A_4, %dma_wait3A_464, %dma_wait3A_465] : memref<16384x50x32xf32, #tpu.memory_space<hbm>> -> memref<1x50x32xf32, #tpu.memory_space<hbm>>
    %dma_wait3A_467 = tpu.memref_squeeze %dma_wait3A_466 : memref<1x50x32xf32, #tpu.memory_space<hbm>> -> memref<50x32xf32, #tpu.memory_space<hbm>>
    %dma_wait3A_468 = arith.constant 0 : i32
    %dma_wait3A_469 = arith.constant 0 : i32
    %dma_wait3A_470 = tpu.memref_slice %arg6[%dma_wait3A_468, %dma_wait3A_469] : memref<3200x32xf32, #tpu.memory_space<vmem>> -> memref<50x32xf32, #tpu.memory_space<vmem>>
    tpu.wait_dma2 semaphore(%arg8 : memref<!tpu.dma_semaphore, #tpu.memory_space<semaphore_mem>>) src(%dma_wait3A_470 : memref<50x32xf32, #tpu.memory_space<vmem>>) dst(%dma_wait3A_467 : memref<50x32xf32, #tpu.memory_space<hbm>>)
    %dma_wait3A_471 = arith.constant 0 : i32
    %dma_wait3A_472 = arith.constant 0 : i32
    %dma_wait3A_473 = tpu.memref_slice %arg6[%dma_wait3A_471, %dma_wait3A_472] : memref<3200x32xf32, #tpu.memory_space<vmem>> -> memref<50x32xf32, #tpu.memory_space<vmem>>
    %dma_wait3A_474 = arith.constant 0 : i32
    %dma_wait3A_475 = arith.constant 0 : i32
    %dma_wait3A_476 = tpu.memref_slice %arg4[%mul3A_4, %dma_wait3A_474, %dma_wait3A_475] : memref<16384x50x32xf32, #tpu.memory_space<hbm>> -> memref<1x50x32xf32, #tpu.memory_space<hbm>>
    %dma_wait3A_477 = tpu.memref_squeeze %dma_wait3A_476 : memref<1x50x32xf32, #tpu.memory_space<hbm>> -> memref<50x32xf32, #tpu.memory_space<hbm>>
    %dma_wait3A_478 = arith.constant 0 : i32
    %dma_wait3A_479 = arith.constant 0 : i32
    %dma_wait3A_480 = tpu.memref_slice %arg4[%mul3A_4, %dma_wait3A_478, %dma_wait3A_479] : memref<16384x50x32xf32, #tpu.memory_space<hbm>> -> memref<1x50x32xf32, #tpu.memory_space<hbm>>
    %dma_wait3A_481 = tpu.memref_squeeze %dma_wait3A_480 : memref<1x50x32xf32, #tpu.memory_space<hbm>> -> memref<50x32xf32, #tpu.memory_space<hbm>>
    %dma_wait3A_482 = arith.constant 0 : i32
    %dma_wait3A_483 = arith.constant 0 : i32
    %dma_wait3A_484 = tpu.memref_slice %arg6[%dma_wait3A_482, %dma_wait3A_483] : memref<3200x32xf32, #tpu.memory_space<vmem>> -> memref<50x32xf32, #tpu.memory_space<vmem>>
    tpu.wait_dma2 semaphore(%arg8 : memref<!tpu.dma_semaphore, #tpu.memory_space<semaphore_mem>>) src(%dma_wait3A_484 : memref<50x32xf32, #tpu.memory_space<vmem>>) dst(%dma_wait3A_481 : memref<50x32xf32, #tpu.memory_space<hbm>>)
    %dma_wait3A_485 = arith.constant 0 : i32
    %dma_wait3A_486 = arith.constant 0 : i32
    %dma_wait3A_487 = tpu.memref_slice %arg6[%dma_wait3A_485, %dma_wait3A_486] : memref<3200x32xf32, #tpu.memory_space<vmem>> -> memref<50x32xf32, #tpu.memory_space<vmem>>
    %dma_wait3A_488 = arith.constant 0 : i32
    %dma_wait3A_489 = arith.constant 0 : i32
    %dma_wait3A_490 = tpu.memref_slice %arg4[%mul3A_4, %dma_wait3A_488, %dma_wait3A_489] : memref<16384x50x32xf32, #tpu.memory_space<hbm>> -> memref<1x50x32xf32, #tpu.memory_space<hbm>>
    %dma_wait3A_491 = tpu.memref_squeeze %dma_wait3A_490 : memref<1x50x32xf32, #tpu.memory_space<hbm>> -> memref<50x32xf32, #tpu.memory_space<hbm>>
    %dma_wait3A_492 = arith.constant 0 : i32
    %dma_wait3A_493 = arith.constant 0 : i32
    %dma_wait3A_494 = tpu.memref_slice %arg4[%mul3A_4, %dma_wait3A_492, %dma_wait3A_493] : memref<16384x50x32xf32, #tpu.memory_space<hbm>> -> memref<1x50x32xf32, #tpu.memory_space<hbm>>
    %dma_wait3A_495 = tpu.memref_squeeze %dma_wait3A_494 : memref<1x50x32xf32, #tpu.memory_space<hbm>> -> memref<50x32xf32, #tpu.memory_space<hbm>>
    %dma_wait3A_496 = arith.constant 0 : i32
    %dma_wait3A_497 = arith.constant 0 : i32
    %dma_wait3A_498 = tpu.memref_slice %arg6[%dma_wait3A_496, %dma_wait3A_497] : memref<3200x32xf32, #tpu.memory_space<vmem>> -> memref<50x32xf32, #tpu.memory_space<vmem>>
    tpu.wait_dma2 semaphore(%arg8 : memref<!tpu.dma_semaphore, #tpu.memory_space<semaphore_mem>>) src(%dma_wait3A_498 : memref<50x32xf32, #tpu.memory_space<vmem>>) dst(%dma_wait3A_495 : memref<50x32xf32, #tpu.memory_space<hbm>>)
    %dma_wait3A_499 = arith.constant 0 : i32
    %dma_wait3A_500 = arith.constant 0 : i32
    %dma_wait3A_501 = tpu.memref_slice %arg6[%dma_wait3A_499, %dma_wait3A_500] : memref<3200x32xf32, #tpu.memory_space<vmem>> -> memref<50x32xf32, #tpu.memory_space<vmem>>
    %dma_wait3A_502 = arith.constant 0 : i32
    %dma_wait3A_503 = arith.constant 0 : i32
    %dma_wait3A_504 = tpu.memref_slice %arg4[%mul3A_4, %dma_wait3A_502, %dma_wait3A_503] : memref<16384x50x32xf32, #tpu.memory_space<hbm>> -> memref<1x50x32xf32, #tpu.memory_space<hbm>>
    %dma_wait3A_505 = tpu.memref_squeeze %dma_wait3A_504 : memref<1x50x32xf32, #tpu.memory_space<hbm>> -> memref<50x32xf32, #tpu.memory_space<hbm>>
    %dma_wait3A_506 = arith.constant 0 : i32
    %dma_wait3A_507 = arith.constant 0 : i32
    %dma_wait3A_508 = tpu.memref_slice %arg4[%mul3A_4, %dma_wait3A_506, %dma_wait3A_507] : memref<16384x50x32xf32, #tpu.memory_space<hbm>> -> memref<1x50x32xf32, #tpu.memory_space<hbm>>
    %dma_wait3A_509 = tpu.memref_squeeze %dma_wait3A_508 : memref<1x50x32xf32, #tpu.memory_space<hbm>> -> memref<50x32xf32, #tpu.memory_space<hbm>>
    %dma_wait3A_510 = arith.constant 0 : i32
    %dma_wait3A_511 = arith.constant 0 : i32
    %dma_wait3A_512 = tpu.memref_slice %arg6[%dma_wait3A_510, %dma_wait3A_511] : memref<3200x32xf32, #tpu.memory_space<vmem>> -> memref<50x32xf32, #tpu.memory_space<vmem>>
    tpu.wait_dma2 semaphore(%arg8 : memref<!tpu.dma_semaphore, #tpu.memory_space<semaphore_mem>>) src(%dma_wait3A_512 : memref<50x32xf32, #tpu.memory_space<vmem>>) dst(%dma_wait3A_509 : memref<50x32xf32, #tpu.memory_space<hbm>>)
    %dma_wait3A_513 = arith.constant 0 : i32
    %dma_wait3A_514 = arith.constant 0 : i32
    %dma_wait3A_515 = tpu.memref_slice %arg6[%dma_wait3A_513, %dma_wait3A_514] : memref<3200x32xf32, #tpu.memory_space<vmem>> -> memref<50x32xf32, #tpu.memory_space<vmem>>
    %dma_wait3A_516 = arith.constant 0 : i32
    %dma_wait3A_517 = arith.constant 0 : i32
    %dma_wait3A_518 = tpu.memref_slice %arg4[%mul3A_4, %dma_wait3A_516, %dma_wait3A_517] : memref<16384x50x32xf32, #tpu.memory_space<hbm>> -> memref<1x50x32xf32, #tpu.memory_space<hbm>>
    %dma_wait3A_519 = tpu.memref_squeeze %dma_wait3A_518 : memref<1x50x32xf32, #tpu.memory_space<hbm>> -> memref<50x32xf32, #tpu.memory_space<hbm>>
    %dma_wait3A_520 = arith.constant 0 : i32
    %dma_wait3A_521 = arith.constant 0 : i32
    %dma_wait3A_522 = tpu.memref_slice %arg4[%mul3A_4, %dma_wait3A_520, %dma_wait3A_521] : memref<16384x50x32xf32, #tpu.memory_space<hbm>> -> memref<1x50x32xf32, #tpu.memory_space<hbm>>
    %dma_wait3A_523 = tpu.memref_squeeze %dma_wait3A_522 : memref<1x50x32xf32, #tpu.memory_space<hbm>> -> memref<50x32xf32, #tpu.memory_space<hbm>>
    %dma_wait3A_524 = arith.constant 0 : i32
    %dma_wait3A_525 = arith.constant 0 : i32
    %dma_wait3A_526 = tpu.memref_slice %arg6[%dma_wait3A_524, %dma_wait3A_525] : memref<3200x32xf32, #tpu.memory_space<vmem>> -> memref<50x32xf32, #tpu.memory_space<vmem>>
    tpu.wait_dma2 semaphore(%arg8 : memref<!tpu.dma_semaphore, #tpu.memory_space<semaphore_mem>>) src(%dma_wait3A_526 : memref<50x32xf32, #tpu.memory_space<vmem>>) dst(%dma_wait3A_523 : memref<50x32xf32, #tpu.memory_space<hbm>>)
    %dma_wait3A_527 = arith.constant 0 : i32
    %dma_wait3A_528 = arith.constant 0 : i32
    %dma_wait3A_529 = tpu.memref_slice %arg6[%dma_wait3A_527, %dma_wait3A_528] : memref<3200x32xf32, #tpu.memory_space<vmem>> -> memref<50x32xf32, #tpu.memory_space<vmem>>
    %dma_wait3A_530 = arith.constant 0 : i32
    %dma_wait3A_531 = arith.constant 0 : i32
    %dma_wait3A_532 = tpu.memref_slice %arg4[%mul3A_4, %dma_wait3A_530, %dma_wait3A_531] : memref<16384x50x32xf32, #tpu.memory_space<hbm>> -> memref<1x50x32xf32, #tpu.memory_space<hbm>>
    %dma_wait3A_533 = tpu.memref_squeeze %dma_wait3A_532 : memref<1x50x32xf32, #tpu.memory_space<hbm>> -> memref<50x32xf32, #tpu.memory_space<hbm>>
    %dma_wait3A_534 = arith.constant 0 : i32
    %dma_wait3A_535 = arith.constant 0 : i32
    %dma_wait3A_536 = tpu.memref_slice %arg4[%mul3A_4, %dma_wait3A_534, %dma_wait3A_535] : memref<16384x50x32xf32, #tpu.memory_space<hbm>> -> memref<1x50x32xf32, #tpu.memory_space<hbm>>
    %dma_wait3A_537 = tpu.memref_squeeze %dma_wait3A_536 : memref<1x50x32xf32, #tpu.memory_space<hbm>> -> memref<50x32xf32, #tpu.memory_space<hbm>>
    %dma_wait3A_538 = arith.constant 0 : i32
    %dma_wait3A_539 = arith.constant 0 : i32
    %dma_wait3A_540 = tpu.memref_slice %arg6[%dma_wait3A_538, %dma_wait3A_539] : memref<3200x32xf32, #tpu.memory_space<vmem>> -> memref<50x32xf32, #tpu.memory_space<vmem>>
    tpu.wait_dma2 semaphore(%arg8 : memref<!tpu.dma_semaphore, #tpu.memory_space<semaphore_mem>>) src(%dma_wait3A_540 : memref<50x32xf32, #tpu.memory_space<vmem>>) dst(%dma_wait3A_537 : memref<50x32xf32, #tpu.memory_space<hbm>>)
    %dma_wait3A_541 = arith.constant 0 : i32
    %dma_wait3A_542 = arith.constant 0 : i32
    %dma_wait3A_543 = tpu.memref_slice %arg6[%dma_wait3A_541, %dma_wait3A_542] : memref<3200x32xf32, #tpu.memory_space<vmem>> -> memref<50x32xf32, #tpu.memory_space<vmem>>
    %dma_wait3A_544 = arith.constant 0 : i32
    %dma_wait3A_545 = arith.constant 0 : i32
    %dma_wait3A_546 = tpu.memref_slice %arg4[%mul3A_4, %dma_wait3A_544, %dma_wait3A_545] : memref<16384x50x32xf32, #tpu.memory_space<hbm>> -> memref<1x50x32xf32, #tpu.memory_space<hbm>>
    %dma_wait3A_547 = tpu.memref_squeeze %dma_wait3A_546 : memref<1x50x32xf32, #tpu.memory_space<hbm>> -> memref<50x32xf32, #tpu.memory_space<hbm>>
    %dma_wait3A_548 = arith.constant 0 : i32
    %dma_wait3A_549 = arith.constant 0 : i32
    %dma_wait3A_550 = tpu.memref_slice %arg4[%mul3A_4, %dma_wait3A_548, %dma_wait3A_549] : memref<16384x50x32xf32, #tpu.memory_space<hbm>> -> memref<1x50x32xf32, #tpu.memory_space<hbm>>
    %dma_wait3A_551 = tpu.memref_squeeze %dma_wait3A_550 : memref<1x50x32xf32, #tpu.memory_space<hbm>> -> memref<50x32xf32, #tpu.memory_space<hbm>>
    %dma_wait3A_552 = arith.constant 0 : i32
    %dma_wait3A_553 = arith.constant 0 : i32
    %dma_wait3A_554 = tpu.memref_slice %arg6[%dma_wait3A_552, %dma_wait3A_553] : memref<3200x32xf32, #tpu.memory_space<vmem>> -> memref<50x32xf32, #tpu.memory_space<vmem>>
    tpu.wait_dma2 semaphore(%arg8 : memref<!tpu.dma_semaphore, #tpu.memory_space<semaphore_mem>>) src(%dma_wait3A_554 : memref<50x32xf32, #tpu.memory_space<vmem>>) dst(%dma_wait3A_551 : memref<50x32xf32, #tpu.memory_space<hbm>>)
    %dma_wait3A_555 = arith.constant 0 : i32
    %dma_wait3A_556 = arith.constant 0 : i32
    %dma_wait3A_557 = tpu.memref_slice %arg6[%dma_wait3A_555, %dma_wait3A_556] : memref<3200x32xf32, #tpu.memory_space<vmem>> -> memref<50x32xf32, #tpu.memory_space<vmem>>
    %dma_wait3A_558 = arith.constant 0 : i32
    %dma_wait3A_559 = arith.constant 0 : i32
    %dma_wait3A_560 = tpu.memref_slice %arg4[%mul3A_4, %dma_wait3A_558, %dma_wait3A_559] : memref<16384x50x32xf32, #tpu.memory_space<hbm>> -> memref<1x50x32xf32, #tpu.memory_space<hbm>>
    %dma_wait3A_561 = tpu.memref_squeeze %dma_wait3A_560 : memref<1x50x32xf32, #tpu.memory_space<hbm>> -> memref<50x32xf32, #tpu.memory_space<hbm>>
    %dma_wait3A_562 = arith.constant 0 : i32
    %dma_wait3A_563 = arith.constant 0 : i32
    %dma_wait3A_564 = tpu.memref_slice %arg4[%mul3A_4, %dma_wait3A_562, %dma_wait3A_563] : memref<16384x50x32xf32, #tpu.memory_space<hbm>> -> memref<1x50x32xf32, #tpu.memory_space<hbm>>
    %dma_wait3A_565 = tpu.memref_squeeze %dma_wait3A_564 : memref<1x50x32xf32, #tpu.memory_space<hbm>> -> memref<50x32xf32, #tpu.memory_space<hbm>>
    %dma_wait3A_566 = arith.constant 0 : i32
    %dma_wait3A_567 = arith.constant 0 : i32
    %dma_wait3A_568 = tpu.memref_slice %arg6[%dma_wait3A_566, %dma_wait3A_567] : memref<3200x32xf32, #tpu.memory_space<vmem>> -> memref<50x32xf32, #tpu.memory_space<vmem>>
    tpu.wait_dma2 semaphore(%arg8 : memref<!tpu.dma_semaphore, #tpu.memory_space<semaphore_mem>>) src(%dma_wait3A_568 : memref<50x32xf32, #tpu.memory_space<vmem>>) dst(%dma_wait3A_565 : memref<50x32xf32, #tpu.memory_space<hbm>>)
    %dma_wait3A_569 = arith.constant 0 : i32
    %dma_wait3A_570 = arith.constant 0 : i32
    %dma_wait3A_571 = tpu.memref_slice %arg6[%dma_wait3A_569, %dma_wait3A_570] : memref<3200x32xf32, #tpu.memory_space<vmem>> -> memref<50x32xf32, #tpu.memory_space<vmem>>
    %dma_wait3A_572 = arith.constant 0 : i32
    %dma_wait3A_573 = arith.constant 0 : i32
    %dma_wait3A_574 = tpu.memref_slice %arg4[%mul3A_4, %dma_wait3A_572, %dma_wait3A_573] : memref<16384x50x32xf32, #tpu.memory_space<hbm>> -> memref<1x50x32xf32, #tpu.memory_space<hbm>>
    %dma_wait3A_575 = tpu.memref_squeeze %dma_wait3A_574 : memref<1x50x32xf32, #tpu.memory_space<hbm>> -> memref<50x32xf32, #tpu.memory_space<hbm>>
    %dma_wait3A_576 = arith.constant 0 : i32
    %dma_wait3A_577 = arith.constant 0 : i32
    %dma_wait3A_578 = tpu.memref_slice %arg4[%mul3A_4, %dma_wait3A_576, %dma_wait3A_577] : memref<16384x50x32xf32, #tpu.memory_space<hbm>> -> memref<1x50x32xf32, #tpu.memory_space<hbm>>
    %dma_wait3A_579 = tpu.memref_squeeze %dma_wait3A_578 : memref<1x50x32xf32, #tpu.memory_space<hbm>> -> memref<50x32xf32, #tpu.memory_space<hbm>>
    %dma_wait3A_580 = arith.constant 0 : i32
    %dma_wait3A_581 = arith.constant 0 : i32
    %dma_wait3A_582 = tpu.memref_slice %arg6[%dma_wait3A_580, %dma_wait3A_581] : memref<3200x32xf32, #tpu.memory_space<vmem>> -> memref<50x32xf32, #tpu.memory_space<vmem>>
    tpu.wait_dma2 semaphore(%arg8 : memref<!tpu.dma_semaphore, #tpu.memory_space<semaphore_mem>>) src(%dma_wait3A_582 : memref<50x32xf32, #tpu.memory_space<vmem>>) dst(%dma_wait3A_579 : memref<50x32xf32, #tpu.memory_space<hbm>>)
    %dma_wait3A_583 = arith.constant 0 : i32
    %dma_wait3A_584 = arith.constant 0 : i32
    %dma_wait3A_585 = tpu.memref_slice %arg6[%dma_wait3A_583, %dma_wait3A_584] : memref<3200x32xf32, #tpu.memory_space<vmem>> -> memref<50x32xf32, #tpu.memory_space<vmem>>
    %dma_wait3A_586 = arith.constant 0 : i32
    %dma_wait3A_587 = arith.constant 0 : i32
    %dma_wait3A_588 = tpu.memref_slice %arg4[%mul3A_4, %dma_wait3A_586, %dma_wait3A_587] : memref<16384x50x32xf32, #tpu.memory_space<hbm>> -> memref<1x50x32xf32, #tpu.memory_space<hbm>>
    %dma_wait3A_589 = tpu.memref_squeeze %dma_wait3A_588 : memref<1x50x32xf32, #tpu.memory_space<hbm>> -> memref<50x32xf32, #tpu.memory_space<hbm>>
    %dma_wait3A_590 = arith.constant 0 : i32
    %dma_wait3A_591 = arith.constant 0 : i32
    %dma_wait3A_592 = tpu.memref_slice %arg4[%mul3A_4, %dma_wait3A_590, %dma_wait3A_591] : memref<16384x50x32xf32, #tpu.memory_space<hbm>> -> memref<1x50x32xf32, #tpu.memory_space<hbm>>
    %dma_wait3A_593 = tpu.memref_squeeze %dma_wait3A_592 : memref<1x50x32xf32, #tpu.memory_space<hbm>> -> memref<50x32xf32, #tpu.memory_space<hbm>>
    %dma_wait3A_594 = arith.constant 0 : i32
    %dma_wait3A_595 = arith.constant 0 : i32
    %dma_wait3A_596 = tpu.memref_slice %arg6[%dma_wait3A_594, %dma_wait3A_595] : memref<3200x32xf32, #tpu.memory_space<vmem>> -> memref<50x32xf32, #tpu.memory_space<vmem>>
    tpu.wait_dma2 semaphore(%arg8 : memref<!tpu.dma_semaphore, #tpu.memory_space<semaphore_mem>>) src(%dma_wait3A_596 : memref<50x32xf32, #tpu.memory_space<vmem>>) dst(%dma_wait3A_593 : memref<50x32xf32, #tpu.memory_space<hbm>>)
    %dma_wait3A_597 = arith.constant 0 : i32
    %dma_wait3A_598 = arith.constant 0 : i32
    %dma_wait3A_599 = tpu.memref_slice %arg6[%dma_wait3A_597, %dma_wait3A_598] : memref<3200x32xf32, #tpu.memory_space<vmem>> -> memref<50x32xf32, #tpu.memory_space<vmem>>
    %dma_wait3A_600 = arith.constant 0 : i32
    %dma_wait3A_601 = arith.constant 0 : i32
    %dma_wait3A_602 = tpu.memref_slice %arg4[%mul3A_4, %dma_wait3A_600, %dma_wait3A_601] : memref<16384x50x32xf32, #tpu.memory_space<hbm>> -> memref<1x50x32xf32, #tpu.memory_space<hbm>>
    %dma_wait3A_603 = tpu.memref_squeeze %dma_wait3A_602 : memref<1x50x32xf32, #tpu.memory_space<hbm>> -> memref<50x32xf32, #tpu.memory_space<hbm>>
    %dma_wait3A_604 = arith.constant 0 : i32
    %dma_wait3A_605 = arith.constant 0 : i32
    %dma_wait3A_606 = tpu.memref_slice %arg4[%mul3A_4, %dma_wait3A_604, %dma_wait3A_605] : memref<16384x50x32xf32, #tpu.memory_space<hbm>> -> memref<1x50x32xf32, #tpu.memory_space<hbm>>
    %dma_wait3A_607 = tpu.memref_squeeze %dma_wait3A_606 : memref<1x50x32xf32, #tpu.memory_space<hbm>> -> memref<50x32xf32, #tpu.memory_space<hbm>>
    %dma_wait3A_608 = arith.constant 0 : i32
    %dma_wait3A_609 = arith.constant 0 : i32
    %dma_wait3A_610 = tpu.memref_slice %arg6[%dma_wait3A_608, %dma_wait3A_609] : memref<3200x32xf32, #tpu.memory_space<vmem>> -> memref<50x32xf32, #tpu.memory_space<vmem>>
    tpu.wait_dma2 semaphore(%arg8 : memref<!tpu.dma_semaphore, #tpu.memory_space<semaphore_mem>>) src(%dma_wait3A_610 : memref<50x32xf32, #tpu.memory_space<vmem>>) dst(%dma_wait3A_607 : memref<50x32xf32, #tpu.memory_space<hbm>>)
    %dma_wait3A_611 = arith.constant 0 : i32
    %dma_wait3A_612 = arith.constant 0 : i32
    %dma_wait3A_613 = tpu.memref_slice %arg6[%dma_wait3A_611, %dma_wait3A_612] : memref<3200x32xf32, #tpu.memory_space<vmem>> -> memref<50x32xf32, #tpu.memory_space<vmem>>
    %dma_wait3A_614 = arith.constant 0 : i32
    %dma_wait3A_615 = arith.constant 0 : i32
    %dma_wait3A_616 = tpu.memref_slice %arg4[%mul3A_4, %dma_wait3A_614, %dma_wait3A_615] : memref<16384x50x32xf32, #tpu.memory_space<hbm>> -> memref<1x50x32xf32, #tpu.memory_space<hbm>>
    %dma_wait3A_617 = tpu.memref_squeeze %dma_wait3A_616 : memref<1x50x32xf32, #tpu.memory_space<hbm>> -> memref<50x32xf32, #tpu.memory_space<hbm>>
    %dma_wait3A_618 = arith.constant 0 : i32
    %dma_wait3A_619 = arith.constant 0 : i32
    %dma_wait3A_620 = tpu.memref_slice %arg4[%mul3A_4, %dma_wait3A_618, %dma_wait3A_619] : memref<16384x50x32xf32, #tpu.memory_space<hbm>> -> memref<1x50x32xf32, #tpu.memory_space<hbm>>
    %dma_wait3A_621 = tpu.memref_squeeze %dma_wait3A_620 : memref<1x50x32xf32, #tpu.memory_space<hbm>> -> memref<50x32xf32, #tpu.memory_space<hbm>>
    %dma_wait3A_622 = arith.constant 0 : i32
    %dma_wait3A_623 = arith.constant 0 : i32
    %dma_wait3A_624 = tpu.memref_slice %arg6[%dma_wait3A_622, %dma_wait3A_623] : memref<3200x32xf32, #tpu.memory_space<vmem>> -> memref<50x32xf32, #tpu.memory_space<vmem>>
    tpu.wait_dma2 semaphore(%arg8 : memref<!tpu.dma_semaphore, #tpu.memory_space<semaphore_mem>>) src(%dma_wait3A_624 : memref<50x32xf32, #tpu.memory_space<vmem>>) dst(%dma_wait3A_621 : memref<50x32xf32, #tpu.memory_space<hbm>>)
    %dma_wait3A_625 = arith.constant 0 : i32
    %dma_wait3A_626 = arith.constant 0 : i32
    %dma_wait3A_627 = tpu.memref_slice %arg6[%dma_wait3A_625, %dma_wait3A_626] : memref<3200x32xf32, #tpu.memory_space<vmem>> -> memref<50x32xf32, #tpu.memory_space<vmem>>
    %dma_wait3A_628 = arith.constant 0 : i32
    %dma_wait3A_629 = arith.constant 0 : i32
    %dma_wait3A_630 = tpu.memref_slice %arg4[%mul3A_4, %dma_wait3A_628, %dma_wait3A_629] : memref<16384x50x32xf32, #tpu.memory_space<hbm>> -> memref<1x50x32xf32, #tpu.memory_space<hbm>>
    %dma_wait3A_631 = tpu.memref_squeeze %dma_wait3A_630 : memref<1x50x32xf32, #tpu.memory_space<hbm>> -> memref<50x32xf32, #tpu.memory_space<hbm>>
    %dma_wait3A_632 = arith.constant 0 : i32
    %dma_wait3A_633 = arith.constant 0 : i32
    %dma_wait3A_634 = tpu.memref_slice %arg4[%mul3A_4, %dma_wait3A_632, %dma_wait3A_633] : memref<16384x50x32xf32, #tpu.memory_space<hbm>> -> memref<1x50x32xf32, #tpu.memory_space<hbm>>
    %dma_wait3A_635 = tpu.memref_squeeze %dma_wait3A_634 : memref<1x50x32xf32, #tpu.memory_space<hbm>> -> memref<50x32xf32, #tpu.memory_space<hbm>>
    %dma_wait3A_636 = arith.constant 0 : i32
    %dma_wait3A_637 = arith.constant 0 : i32
    %dma_wait3A_638 = tpu.memref_slice %arg6[%dma_wait3A_636, %dma_wait3A_637] : memref<3200x32xf32, #tpu.memory_space<vmem>> -> memref<50x32xf32, #tpu.memory_space<vmem>>
    tpu.wait_dma2 semaphore(%arg8 : memref<!tpu.dma_semaphore, #tpu.memory_space<semaphore_mem>>) src(%dma_wait3A_638 : memref<50x32xf32, #tpu.memory_space<vmem>>) dst(%dma_wait3A_635 : memref<50x32xf32, #tpu.memory_space<hbm>>)
    %dma_wait3A_639 = arith.constant 0 : i32
    %dma_wait3A_640 = arith.constant 0 : i32
    %dma_wait3A_641 = tpu.memref_slice %arg6[%dma_wait3A_639, %dma_wait3A_640] : memref<3200x32xf32, #tpu.memory_space<vmem>> -> memref<50x32xf32, #tpu.memory_space<vmem>>
    %dma_wait3A_642 = arith.constant 0 : i32
    %dma_wait3A_643 = arith.constant 0 : i32
    %dma_wait3A_644 = tpu.memref_slice %arg4[%mul3A_4, %dma_wait3A_642, %dma_wait3A_643] : memref<16384x50x32xf32, #tpu.memory_space<hbm>> -> memref<1x50x32xf32, #tpu.memory_space<hbm>>
    %dma_wait3A_645 = tpu.memref_squeeze %dma_wait3A_644 : memref<1x50x32xf32, #tpu.memory_space<hbm>> -> memref<50x32xf32, #tpu.memory_space<hbm>>
    %dma_wait3A_646 = arith.constant 0 : i32
    %dma_wait3A_647 = arith.constant 0 : i32
    %dma_wait3A_648 = tpu.memref_slice %arg4[%mul3A_4, %dma_wait3A_646, %dma_wait3A_647] : memref<16384x50x32xf32, #tpu.memory_space<hbm>> -> memref<1x50x32xf32, #tpu.memory_space<hbm>>
    %dma_wait3A_649 = tpu.memref_squeeze %dma_wait3A_648 : memref<1x50x32xf32, #tpu.memory_space<hbm>> -> memref<50x32xf32, #tpu.memory_space<hbm>>
    %dma_wait3A_650 = arith.constant 0 : i32
    %dma_wait3A_651 = arith.constant 0 : i32
    %dma_wait3A_652 = tpu.memref_slice %arg6[%dma_wait3A_650, %dma_wait3A_651] : memref<3200x32xf32, #tpu.memory_space<vmem>> -> memref<50x32xf32, #tpu.memory_space<vmem>>
    tpu.wait_dma2 semaphore(%arg8 : memref<!tpu.dma_semaphore, #tpu.memory_space<semaphore_mem>>) src(%dma_wait3A_652 : memref<50x32xf32, #tpu.memory_space<vmem>>) dst(%dma_wait3A_649 : memref<50x32xf32, #tpu.memory_space<hbm>>)
    %dma_wait3A_653 = arith.constant 0 : i32
    %dma_wait3A_654 = arith.constant 0 : i32
    %dma_wait3A_655 = tpu.memref_slice %arg6[%dma_wait3A_653, %dma_wait3A_654] : memref<3200x32xf32, #tpu.memory_space<vmem>> -> memref<50x32xf32, #tpu.memory_space<vmem>>
    %dma_wait3A_656 = arith.constant 0 : i32
    %dma_wait3A_657 = arith.constant 0 : i32
    %dma_wait3A_658 = tpu.memref_slice %arg4[%mul3A_4, %dma_wait3A_656, %dma_wait3A_657] : memref<16384x50x32xf32, #tpu.memory_space<hbm>> -> memref<1x50x32xf32, #tpu.memory_space<hbm>>
    %dma_wait3A_659 = tpu.memref_squeeze %dma_wait3A_658 : memref<1x50x32xf32, #tpu.memory_space<hbm>> -> memref<50x32xf32, #tpu.memory_space<hbm>>
    %dma_wait3A_660 = arith.constant 0 : i32
    %dma_wait3A_661 = arith.constant 0 : i32
    %dma_wait3A_662 = tpu.memref_slice %arg4[%mul3A_4, %dma_wait3A_660, %dma_wait3A_661] : memref<16384x50x32xf32, #tpu.memory_space<hbm>> -> memref<1x50x32xf32, #tpu.memory_space<hbm>>
    %dma_wait3A_663 = tpu.memref_squeeze %dma_wait3A_662 : memref<1x50x32xf32, #tpu.memory_space<hbm>> -> memref<50x32xf32, #tpu.memory_space<hbm>>
    %dma_wait3A_664 = arith.constant 0 : i32
    %dma_wait3A_665 = arith.constant 0 : i32
    %dma_wait3A_666 = tpu.memref_slice %arg6[%dma_wait3A_664, %dma_wait3A_665] : memref<3200x32xf32, #tpu.memory_space<vmem>> -> memref<50x32xf32, #tpu.memory_space<vmem>>
    tpu.wait_dma2 semaphore(%arg8 : memref<!tpu.dma_semaphore, #tpu.memory_space<semaphore_mem>>) src(%dma_wait3A_666 : memref<50x32xf32, #tpu.memory_space<vmem>>) dst(%dma_wait3A_663 : memref<50x32xf32, #tpu.memory_space<hbm>>)
    %dma_wait3A_667 = arith.constant 0 : i32
    %dma_wait3A_668 = arith.constant 0 : i32
    %dma_wait3A_669 = tpu.memref_slice %arg6[%dma_wait3A_667, %dma_wait3A_668] : memref<3200x32xf32, #tpu.memory_space<vmem>> -> memref<50x32xf32, #tpu.memory_space<vmem>>
    %dma_wait3A_670 = arith.constant 0 : i32
    %dma_wait3A_671 = arith.constant 0 : i32
    %dma_wait3A_672 = tpu.memref_slice %arg4[%mul3A_4, %dma_wait3A_670, %dma_wait3A_671] : memref<16384x50x32xf32, #tpu.memory_space<hbm>> -> memref<1x50x32xf32, #tpu.memory_space<hbm>>
    %dma_wait3A_673 = tpu.memref_squeeze %dma_wait3A_672 : memref<1x50x32xf32, #tpu.memory_space<hbm>> -> memref<50x32xf32, #tpu.memory_space<hbm>>
    %dma_wait3A_674 = arith.constant 0 : i32
    %dma_wait3A_675 = arith.constant 0 : i32
    %dma_wait3A_676 = tpu.memref_slice %arg4[%mul3A_4, %dma_wait3A_674, %dma_wait3A_675] : memref<16384x50x32xf32, #tpu.memory_space<hbm>> -> memref<1x50x32xf32, #tpu.memory_space<hbm>>
    %dma_wait3A_677 = tpu.memref_squeeze %dma_wait3A_676 : memref<1x50x32xf32, #tpu.memory_space<hbm>> -> memref<50x32xf32, #tpu.memory_space<hbm>>
    %dma_wait3A_678 = arith.constant 0 : i32
    %dma_wait3A_679 = arith.constant 0 : i32
    %dma_wait3A_680 = tpu.memref_slice %arg6[%dma_wait3A_678, %dma_wait3A_679] : memref<3200x32xf32, #tpu.memory_space<vmem>> -> memref<50x32xf32, #tpu.memory_space<vmem>>
    tpu.wait_dma2 semaphore(%arg8 : memref<!tpu.dma_semaphore, #tpu.memory_space<semaphore_mem>>) src(%dma_wait3A_680 : memref<50x32xf32, #tpu.memory_space<vmem>>) dst(%dma_wait3A_677 : memref<50x32xf32, #tpu.memory_space<hbm>>)
    %dma_wait3A_681 = arith.constant 0 : i32
    %dma_wait3A_682 = arith.constant 0 : i32
    %dma_wait3A_683 = tpu.memref_slice %arg6[%dma_wait3A_681, %dma_wait3A_682] : memref<3200x32xf32, #tpu.memory_space<vmem>> -> memref<50x32xf32, #tpu.memory_space<vmem>>
    %dma_wait3A_684 = arith.constant 0 : i32
    %dma_wait3A_685 = arith.constant 0 : i32
    %dma_wait3A_686 = tpu.memref_slice %arg4[%mul3A_4, %dma_wait3A_684, %dma_wait3A_685] : memref<16384x50x32xf32, #tpu.memory_space<hbm>> -> memref<1x50x32xf32, #tpu.memory_space<hbm>>
    %dma_wait3A_687 = tpu.memref_squeeze %dma_wait3A_686 : memref<1x50x32xf32, #tpu.memory_space<hbm>> -> memref<50x32xf32, #tpu.memory_space<hbm>>
    %dma_wait3A_688 = arith.constant 0 : i32
    %dma_wait3A_689 = arith.constant 0 : i32
    %dma_wait3A_690 = tpu.memref_slice %arg4[%mul3A_4, %dma_wait3A_688, %dma_wait3A_689] : memref<16384x50x32xf32, #tpu.memory_space<hbm>> -> memref<1x50x32xf32, #tpu.memory_space<hbm>>
    %dma_wait3A_691 = tpu.memref_squeeze %dma_wait3A_690 : memref<1x50x32xf32, #tpu.memory_space<hbm>> -> memref<50x32xf32, #tpu.memory_space<hbm>>
    %dma_wait3A_692 = arith.constant 0 : i32
    %dma_wait3A_693 = arith.constant 0 : i32
    %dma_wait3A_694 = tpu.memref_slice %arg6[%dma_wait3A_692, %dma_wait3A_693] : memref<3200x32xf32, #tpu.memory_space<vmem>> -> memref<50x32xf32, #tpu.memory_space<vmem>>
    tpu.wait_dma2 semaphore(%arg8 : memref<!tpu.dma_semaphore, #tpu.memory_space<semaphore_mem>>) src(%dma_wait3A_694 : memref<50x32xf32, #tpu.memory_space<vmem>>) dst(%dma_wait3A_691 : memref<50x32xf32, #tpu.memory_space<hbm>>)
    %dma_wait3A_695 = arith.constant 0 : i32
    %dma_wait3A_696 = arith.constant 0 : i32
    %dma_wait3A_697 = tpu.memref_slice %arg6[%dma_wait3A_695, %dma_wait3A_696] : memref<3200x32xf32, #tpu.memory_space<vmem>> -> memref<50x32xf32, #tpu.memory_space<vmem>>
    %dma_wait3A_698 = arith.constant 0 : i32
    %dma_wait3A_699 = arith.constant 0 : i32
    %dma_wait3A_700 = tpu.memref_slice %arg4[%mul3A_4, %dma_wait3A_698, %dma_wait3A_699] : memref<16384x50x32xf32, #tpu.memory_space<hbm>> -> memref<1x50x32xf32, #tpu.memory_space<hbm>>
    %dma_wait3A_701 = tpu.memref_squeeze %dma_wait3A_700 : memref<1x50x32xf32, #tpu.memory_space<hbm>> -> memref<50x32xf32, #tpu.memory_space<hbm>>
    %dma_wait3A_702 = arith.constant 0 : i32
    %dma_wait3A_703 = arith.constant 0 : i32
    %dma_wait3A_704 = tpu.memref_slice %arg4[%mul3A_4, %dma_wait3A_702, %dma_wait3A_703] : memref<16384x50x32xf32, #tpu.memory_space<hbm>> -> memref<1x50x32xf32, #tpu.memory_space<hbm>>
    %dma_wait3A_705 = tpu.memref_squeeze %dma_wait3A_704 : memref<1x50x32xf32, #tpu.memory_space<hbm>> -> memref<50x32xf32, #tpu.memory_space<hbm>>
    %dma_wait3A_706 = arith.constant 0 : i32
    %dma_wait3A_707 = arith.constant 0 : i32
    %dma_wait3A_708 = tpu.memref_slice %arg6[%dma_wait3A_706, %dma_wait3A_707] : memref<3200x32xf32, #tpu.memory_space<vmem>> -> memref<50x32xf32, #tpu.memory_space<vmem>>
    tpu.wait_dma2 semaphore(%arg8 : memref<!tpu.dma_semaphore, #tpu.memory_space<semaphore_mem>>) src(%dma_wait3A_708 : memref<50x32xf32, #tpu.memory_space<vmem>>) dst(%dma_wait3A_705 : memref<50x32xf32, #tpu.memory_space<hbm>>)
    %dma_wait3A_709 = arith.constant 0 : i32
    %dma_wait3A_710 = arith.constant 0 : i32
    %dma_wait3A_711 = tpu.memref_slice %arg6[%dma_wait3A_709, %dma_wait3A_710] : memref<3200x32xf32, #tpu.memory_space<vmem>> -> memref<50x32xf32, #tpu.memory_space<vmem>>
    %dma_wait3A_712 = arith.constant 0 : i32
    %dma_wait3A_713 = arith.constant 0 : i32
    %dma_wait3A_714 = tpu.memref_slice %arg4[%mul3A_4, %dma_wait3A_712, %dma_wait3A_713] : memref<16384x50x32xf32, #tpu.memory_space<hbm>> -> memref<1x50x32xf32, #tpu.memory_space<hbm>>
    %dma_wait3A_715 = tpu.memref_squeeze %dma_wait3A_714 : memref<1x50x32xf32, #tpu.memory_space<hbm>> -> memref<50x32xf32, #tpu.memory_space<hbm>>
    %dma_wait3A_716 = arith.constant 0 : i32
    %dma_wait3A_717 = arith.constant 0 : i32
    %dma_wait3A_718 = tpu.memref_slice %arg4[%mul3A_4, %dma_wait3A_716, %dma_wait3A_717] : memref<16384x50x32xf32, #tpu.memory_space<hbm>> -> memref<1x50x32xf32, #tpu.memory_space<hbm>>
    %dma_wait3A_719 = tpu.memref_squeeze %dma_wait3A_718 : memref<1x50x32xf32, #tpu.memory_space<hbm>> -> memref<50x32xf32, #tpu.memory_space<hbm>>
    %dma_wait3A_720 = arith.constant 0 : i32
    %dma_wait3A_721 = arith.constant 0 : i32
    %dma_wait3A_722 = tpu.memref_slice %arg6[%dma_wait3A_720, %dma_wait3A_721] : memref<3200x32xf32, #tpu.memory_space<vmem>> -> memref<50x32xf32, #tpu.memory_space<vmem>>
    tpu.wait_dma2 semaphore(%arg8 : memref<!tpu.dma_semaphore, #tpu.memory_space<semaphore_mem>>) src(%dma_wait3A_722 : memref<50x32xf32, #tpu.memory_space<vmem>>) dst(%dma_wait3A_719 : memref<50x32xf32, #tpu.memory_space<hbm>>)
    %dma_wait3A_723 = arith.constant 0 : i32
    %dma_wait3A_724 = arith.constant 0 : i32
    %dma_wait3A_725 = tpu.memref_slice %arg6[%dma_wait3A_723, %dma_wait3A_724] : memref<3200x32xf32, #tpu.memory_space<vmem>> -> memref<50x32xf32, #tpu.memory_space<vmem>>
    %dma_wait3A_726 = arith.constant 0 : i32
    %dma_wait3A_727 = arith.constant 0 : i32
    %dma_wait3A_728 = tpu.memref_slice %arg4[%mul3A_4, %dma_wait3A_726, %dma_wait3A_727] : memref<16384x50x32xf32, #tpu.memory_space<hbm>> -> memref<1x50x32xf32, #tpu.memory_space<hbm>>
    %dma_wait3A_729 = tpu.memref_squeeze %dma_wait3A_728 : memref<1x50x32xf32, #tpu.memory_space<hbm>> -> memref<50x32xf32, #tpu.memory_space<hbm>>
    %dma_wait3A_730 = arith.constant 0 : i32
    %dma_wait3A_731 = arith.constant 0 : i32
    %dma_wait3A_732 = tpu.memref_slice %arg4[%mul3A_4, %dma_wait3A_730, %dma_wait3A_731] : memref<16384x50x32xf32, #tpu.memory_space<hbm>> -> memref<1x50x32xf32, #tpu.memory_space<hbm>>
    %dma_wait3A_733 = tpu.memref_squeeze %dma_wait3A_732 : memref<1x50x32xf32, #tpu.memory_space<hbm>> -> memref<50x32xf32, #tpu.memory_space<hbm>>
    %dma_wait3A_734 = arith.constant 0 : i32
    %dma_wait3A_735 = arith.constant 0 : i32
    %dma_wait3A_736 = tpu.memref_slice %arg6[%dma_wait3A_734, %dma_wait3A_735] : memref<3200x32xf32, #tpu.memory_space<vmem>> -> memref<50x32xf32, #tpu.memory_space<vmem>>
    tpu.wait_dma2 semaphore(%arg8 : memref<!tpu.dma_semaphore, #tpu.memory_space<semaphore_mem>>) src(%dma_wait3A_736 : memref<50x32xf32, #tpu.memory_space<vmem>>) dst(%dma_wait3A_733 : memref<50x32xf32, #tpu.memory_space<hbm>>)
    %dma_wait3A_737 = arith.constant 0 : i32
    %dma_wait3A_738 = arith.constant 0 : i32
    %dma_wait3A_739 = tpu.memref_slice %arg6[%dma_wait3A_737, %dma_wait3A_738] : memref<3200x32xf32, #tpu.memory_space<vmem>> -> memref<50x32xf32, #tpu.memory_space<vmem>>
    %dma_wait3A_740 = arith.constant 0 : i32
    %dma_wait3A_741 = arith.constant 0 : i32
    %dma_wait3A_742 = tpu.memref_slice %arg4[%mul3A_4, %dma_wait3A_740, %dma_wait3A_741] : memref<16384x50x32xf32, #tpu.memory_space<hbm>> -> memref<1x50x32xf32, #tpu.memory_space<hbm>>
    %dma_wait3A_743 = tpu.memref_squeeze %dma_wait3A_742 : memref<1x50x32xf32, #tpu.memory_space<hbm>> -> memref<50x32xf32, #tpu.memory_space<hbm>>
    %dma_wait3A_744 = arith.constant 0 : i32
    %dma_wait3A_745 = arith.constant 0 : i32
    %dma_wait3A_746 = tpu.memref_slice %arg4[%mul3A_4, %dma_wait3A_744, %dma_wait3A_745] : memref<16384x50x32xf32, #tpu.memory_space<hbm>> -> memref<1x50x32xf32, #tpu.memory_space<hbm>>
    %dma_wait3A_747 = tpu.memref_squeeze %dma_wait3A_746 : memref<1x50x32xf32, #tpu.memory_space<hbm>> -> memref<50x32xf32, #tpu.memory_space<hbm>>
    %dma_wait3A_748 = arith.constant 0 : i32
    %dma_wait3A_749 = arith.constant 0 : i32
    %dma_wait3A_750 = tpu.memref_slice %arg6[%dma_wait3A_748, %dma_wait3A_749] : memref<3200x32xf32, #tpu.memory_space<vmem>> -> memref<50x32xf32, #tpu.memory_space<vmem>>
    tpu.wait_dma2 semaphore(%arg8 : memref<!tpu.dma_semaphore, #tpu.memory_space<semaphore_mem>>) src(%dma_wait3A_750 : memref<50x32xf32, #tpu.memory_space<vmem>>) dst(%dma_wait3A_747 : memref<50x32xf32, #tpu.memory_space<hbm>>)
    %dma_wait3A_751 = arith.constant 0 : i32
    %dma_wait3A_752 = arith.constant 0 : i32
    %dma_wait3A_753 = tpu.memref_slice %arg6[%dma_wait3A_751, %dma_wait3A_752] : memref<3200x32xf32, #tpu.memory_space<vmem>> -> memref<50x32xf32, #tpu.memory_space<vmem>>
    %dma_wait3A_754 = arith.constant 0 : i32
    %dma_wait3A_755 = arith.constant 0 : i32
    %dma_wait3A_756 = tpu.memref_slice %arg4[%mul3A_4, %dma_wait3A_754, %dma_wait3A_755] : memref<16384x50x32xf32, #tpu.memory_space<hbm>> -> memref<1x50x32xf32, #tpu.memory_space<hbm>>
    %dma_wait3A_757 = tpu.memref_squeeze %dma_wait3A_756 : memref<1x50x32xf32, #tpu.memory_space<hbm>> -> memref<50x32xf32, #tpu.memory_space<hbm>>
    %dma_wait3A_758 = arith.constant 0 : i32
    %dma_wait3A_759 = arith.constant 0 : i32
    %dma_wait3A_760 = tpu.memref_slice %arg4[%mul3A_4, %dma_wait3A_758, %dma_wait3A_759] : memref<16384x50x32xf32, #tpu.memory_space<hbm>> -> memref<1x50x32xf32, #tpu.memory_space<hbm>>
    %dma_wait3A_761 = tpu.memref_squeeze %dma_wait3A_760 : memref<1x50x32xf32, #tpu.memory_space<hbm>> -> memref<50x32xf32, #tpu.memory_space<hbm>>
    %dma_wait3A_762 = arith.constant 0 : i32
    %dma_wait3A_763 = arith.constant 0 : i32
    %dma_wait3A_764 = tpu.memref_slice %arg6[%dma_wait3A_762, %dma_wait3A_763] : memref<3200x32xf32, #tpu.memory_space<vmem>> -> memref<50x32xf32, #tpu.memory_space<vmem>>
    tpu.wait_dma2 semaphore(%arg8 : memref<!tpu.dma_semaphore, #tpu.memory_space<semaphore_mem>>) src(%dma_wait3A_764 : memref<50x32xf32, #tpu.memory_space<vmem>>) dst(%dma_wait3A_761 : memref<50x32xf32, #tpu.memory_space<hbm>>)
    %dma_wait3A_765 = arith.constant 0 : i32
    %dma_wait3A_766 = arith.constant 0 : i32
    %dma_wait3A_767 = tpu.memref_slice %arg6[%dma_wait3A_765, %dma_wait3A_766] : memref<3200x32xf32, #tpu.memory_space<vmem>> -> memref<50x32xf32, #tpu.memory_space<vmem>>
    %dma_wait3A_768 = arith.constant 0 : i32
    %dma_wait3A_769 = arith.constant 0 : i32
    %dma_wait3A_770 = tpu.memref_slice %arg4[%mul3A_4, %dma_wait3A_768, %dma_wait3A_769] : memref<16384x50x32xf32, #tpu.memory_space<hbm>> -> memref<1x50x32xf32, #tpu.memory_space<hbm>>
    %dma_wait3A_771 = tpu.memref_squeeze %dma_wait3A_770 : memref<1x50x32xf32, #tpu.memory_space<hbm>> -> memref<50x32xf32, #tpu.memory_space<hbm>>
    %dma_wait3A_772 = arith.constant 0 : i32
    %dma_wait3A_773 = arith.constant 0 : i32
    %dma_wait3A_774 = tpu.memref_slice %arg4[%mul3A_4, %dma_wait3A_772, %dma_wait3A_773] : memref<16384x50x32xf32, #tpu.memory_space<hbm>> -> memref<1x50x32xf32, #tpu.memory_space<hbm>>
    %dma_wait3A_775 = tpu.memref_squeeze %dma_wait3A_774 : memref<1x50x32xf32, #tpu.memory_space<hbm>> -> memref<50x32xf32, #tpu.memory_space<hbm>>
    %dma_wait3A_776 = arith.constant 0 : i32
    %dma_wait3A_777 = arith.constant 0 : i32
    %dma_wait3A_778 = tpu.memref_slice %arg6[%dma_wait3A_776, %dma_wait3A_777] : memref<3200x32xf32, #tpu.memory_space<vmem>> -> memref<50x32xf32, #tpu.memory_space<vmem>>
    tpu.wait_dma2 semaphore(%arg8 : memref<!tpu.dma_semaphore, #tpu.memory_space<semaphore_mem>>) src(%dma_wait3A_778 : memref<50x32xf32, #tpu.memory_space<vmem>>) dst(%dma_wait3A_775 : memref<50x32xf32, #tpu.memory_space<hbm>>)
    %dma_wait3A_779 = arith.constant 0 : i32
    %dma_wait3A_780 = arith.constant 0 : i32
    %dma_wait3A_781 = tpu.memref_slice %arg6[%dma_wait3A_779, %dma_wait3A_780] : memref<3200x32xf32, #tpu.memory_space<vmem>> -> memref<50x32xf32, #tpu.memory_space<vmem>>
    %dma_wait3A_782 = arith.constant 0 : i32
    %dma_wait3A_783 = arith.constant 0 : i32
    %dma_wait3A_784 = tpu.memref_slice %arg4[%mul3A_4, %dma_wait3A_782, %dma_wait3A_783] : memref<16384x50x32xf32, #tpu.memory_space<hbm>> -> memref<1x50x32xf32, #tpu.memory_space<hbm>>
    %dma_wait3A_785 = tpu.memref_squeeze %dma_wait3A_784 : memref<1x50x32xf32, #tpu.memory_space<hbm>> -> memref<50x32xf32, #tpu.memory_space<hbm>>
    %dma_wait3A_786 = arith.constant 0 : i32
    %dma_wait3A_787 = arith.constant 0 : i32
    %dma_wait3A_788 = tpu.memref_slice %arg4[%mul3A_4, %dma_wait3A_786, %dma_wait3A_787] : memref<16384x50x32xf32, #tpu.memory_space<hbm>> -> memref<1x50x32xf32, #tpu.memory_space<hbm>>
    %dma_wait3A_789 = tpu.memref_squeeze %dma_wait3A_788 : memref<1x50x32xf32, #tpu.memory_space<hbm>> -> memref<50x32xf32, #tpu.memory_space<hbm>>
    %dma_wait3A_790 = arith.constant 0 : i32
    %dma_wait3A_791 = arith.constant 0 : i32
    %dma_wait3A_792 = tpu.memref_slice %arg6[%dma_wait3A_790, %dma_wait3A_791] : memref<3200x32xf32, #tpu.memory_space<vmem>> -> memref<50x32xf32, #tpu.memory_space<vmem>>
    tpu.wait_dma2 semaphore(%arg8 : memref<!tpu.dma_semaphore, #tpu.memory_space<semaphore_mem>>) src(%dma_wait3A_792 : memref<50x32xf32, #tpu.memory_space<vmem>>) dst(%dma_wait3A_789 : memref<50x32xf32, #tpu.memory_space<hbm>>)
    %dma_wait3A_793 = arith.constant 0 : i32
    %dma_wait3A_794 = arith.constant 0 : i32
    %dma_wait3A_795 = tpu.memref_slice %arg6[%dma_wait3A_793, %dma_wait3A_794] : memref<3200x32xf32, #tpu.memory_space<vmem>> -> memref<50x32xf32, #tpu.memory_space<vmem>>
    %dma_wait3A_796 = arith.constant 0 : i32
    %dma_wait3A_797 = arith.constant 0 : i32
    %dma_wait3A_798 = tpu.memref_slice %arg4[%mul3A_4, %dma_wait3A_796, %dma_wait3A_797] : memref<16384x50x32xf32, #tpu.memory_space<hbm>> -> memref<1x50x32xf32, #tpu.memory_space<hbm>>
    %dma_wait3A_799 = tpu.memref_squeeze %dma_wait3A_798 : memref<1x50x32xf32, #tpu.memory_space<hbm>> -> memref<50x32xf32, #tpu.memory_space<hbm>>
    %dma_wait3A_800 = arith.constant 0 : i32
    %dma_wait3A_801 = arith.constant 0 : i32
    %dma_wait3A_802 = tpu.memref_slice %arg4[%mul3A_4, %dma_wait3A_800, %dma_wait3A_801] : memref<16384x50x32xf32, #tpu.memory_space<hbm>> -> memref<1x50x32xf32, #tpu.memory_space<hbm>>
    %dma_wait3A_803 = tpu.memref_squeeze %dma_wait3A_802 : memref<1x50x32xf32, #tpu.memory_space<hbm>> -> memref<50x32xf32, #tpu.memory_space<hbm>>
    %dma_wait3A_804 = arith.constant 0 : i32
    %dma_wait3A_805 = arith.constant 0 : i32
    %dma_wait3A_806 = tpu.memref_slice %arg6[%dma_wait3A_804, %dma_wait3A_805] : memref<3200x32xf32, #tpu.memory_space<vmem>> -> memref<50x32xf32, #tpu.memory_space<vmem>>
    tpu.wait_dma2 semaphore(%arg8 : memref<!tpu.dma_semaphore, #tpu.memory_space<semaphore_mem>>) src(%dma_wait3A_806 : memref<50x32xf32, #tpu.memory_space<vmem>>) dst(%dma_wait3A_803 : memref<50x32xf32, #tpu.memory_space<hbm>>)
    %dma_wait3A_807 = arith.constant 0 : i32
    %dma_wait3A_808 = arith.constant 0 : i32
    %dma_wait3A_809 = tpu.memref_slice %arg6[%dma_wait3A_807, %dma_wait3A_808] : memref<3200x32xf32, #tpu.memory_space<vmem>> -> memref<50x32xf32, #tpu.memory_space<vmem>>
    %dma_wait3A_810 = arith.constant 0 : i32
    %dma_wait3A_811 = arith.constant 0 : i32
    %dma_wait3A_812 = tpu.memref_slice %arg4[%mul3A_4, %dma_wait3A_810, %dma_wait3A_811] : memref<16384x50x32xf32, #tpu.memory_space<hbm>> -> memref<1x50x32xf32, #tpu.memory_space<hbm>>
    %dma_wait3A_813 = tpu.memref_squeeze %dma_wait3A_812 : memref<1x50x32xf32, #tpu.memory_space<hbm>> -> memref<50x32xf32, #tpu.memory_space<hbm>>
    %dma_wait3A_814 = arith.constant 0 : i32
    %dma_wait3A_815 = arith.constant 0 : i32
    %dma_wait3A_816 = tpu.memref_slice %arg4[%mul3A_4, %dma_wait3A_814, %dma_wait3A_815] : memref<16384x50x32xf32, #tpu.memory_space<hbm>> -> memref<1x50x32xf32, #tpu.memory_space<hbm>>
    %dma_wait3A_817 = tpu.memref_squeeze %dma_wait3A_816 : memref<1x50x32xf32, #tpu.memory_space<hbm>> -> memref<50x32xf32, #tpu.memory_space<hbm>>
    %dma_wait3A_818 = arith.constant 0 : i32
    %dma_wait3A_819 = arith.constant 0 : i32
    %dma_wait3A_820 = tpu.memref_slice %arg6[%dma_wait3A_818, %dma_wait3A_819] : memref<3200x32xf32, #tpu.memory_space<vmem>> -> memref<50x32xf32, #tpu.memory_space<vmem>>
    tpu.wait_dma2 semaphore(%arg8 : memref<!tpu.dma_semaphore, #tpu.memory_space<semaphore_mem>>) src(%dma_wait3A_820 : memref<50x32xf32, #tpu.memory_space<vmem>>) dst(%dma_wait3A_817 : memref<50x32xf32, #tpu.memory_space<hbm>>)
    %dma_wait3A_821 = arith.constant 0 : i32
    %dma_wait3A_822 = arith.constant 0 : i32
    %dma_wait3A_823 = tpu.memref_slice %arg6[%dma_wait3A_821, %dma_wait3A_822] : memref<3200x32xf32, #tpu.memory_space<vmem>> -> memref<50x32xf32, #tpu.memory_space<vmem>>
    %dma_wait3A_824 = arith.constant 0 : i32
    %dma_wait3A_825 = arith.constant 0 : i32
    %dma_wait3A_826 = tpu.memref_slice %arg4[%mul3A_4, %dma_wait3A_824, %dma_wait3A_825] : memref<16384x50x32xf32, #tpu.memory_space<hbm>> -> memref<1x50x32xf32, #tpu.memory_space<hbm>>
    %dma_wait3A_827 = tpu.memref_squeeze %dma_wait3A_826 : memref<1x50x32xf32, #tpu.memory_space<hbm>> -> memref<50x32xf32, #tpu.memory_space<hbm>>
    %dma_wait3A_828 = arith.constant 0 : i32
    %dma_wait3A_829 = arith.constant 0 : i32
    %dma_wait3A_830 = tpu.memref_slice %arg4[%mul3A_4, %dma_wait3A_828, %dma_wait3A_829] : memref<16384x50x32xf32, #tpu.memory_space<hbm>> -> memref<1x50x32xf32, #tpu.memory_space<hbm>>
    %dma_wait3A_831 = tpu.memref_squeeze %dma_wait3A_830 : memref<1x50x32xf32, #tpu.memory_space<hbm>> -> memref<50x32xf32, #tpu.memory_space<hbm>>
    %dma_wait3A_832 = arith.constant 0 : i32
    %dma_wait3A_833 = arith.constant 0 : i32
    %dma_wait3A_834 = tpu.memref_slice %arg6[%dma_wait3A_832, %dma_wait3A_833] : memref<3200x32xf32, #tpu.memory_space<vmem>> -> memref<50x32xf32, #tpu.memory_space<vmem>>
    tpu.wait_dma2 semaphore(%arg8 : memref<!tpu.dma_semaphore, #tpu.memory_space<semaphore_mem>>) src(%dma_wait3A_834 : memref<50x32xf32, #tpu.memory_space<vmem>>) dst(%dma_wait3A_831 : memref<50x32xf32, #tpu.memory_space<hbm>>)
    %dma_wait3A_835 = arith.constant 0 : i32
    %dma_wait3A_836 = arith.constant 0 : i32
    %dma_wait3A_837 = tpu.memref_slice %arg6[%dma_wait3A_835, %dma_wait3A_836] : memref<3200x32xf32, #tpu.memory_space<vmem>> -> memref<50x32xf32, #tpu.memory_space<vmem>>
    %dma_wait3A_838 = arith.constant 0 : i32
    %dma_wait3A_839 = arith.constant 0 : i32
    %dma_wait3A_840 = tpu.memref_slice %arg4[%mul3A_4, %dma_wait3A_838, %dma_wait3A_839] : memref<16384x50x32xf32, #tpu.memory_space<hbm>> -> memref<1x50x32xf32, #tpu.memory_space<hbm>>
    %dma_wait3A_841 = tpu.memref_squeeze %dma_wait3A_840 : memref<1x50x32xf32, #tpu.memory_space<hbm>> -> memref<50x32xf32, #tpu.memory_space<hbm>>
    %dma_wait3A_842 = arith.constant 0 : i32
    %dma_wait3A_843 = arith.constant 0 : i32
    %dma_wait3A_844 = tpu.memref_slice %arg4[%mul3A_4, %dma_wait3A_842, %dma_wait3A_843] : memref<16384x50x32xf32, #tpu.memory_space<hbm>> -> memref<1x50x32xf32, #tpu.memory_space<hbm>>
    %dma_wait3A_845 = tpu.memref_squeeze %dma_wait3A_844 : memref<1x50x32xf32, #tpu.memory_space<hbm>> -> memref<50x32xf32, #tpu.memory_space<hbm>>
    %dma_wait3A_846 = arith.constant 0 : i32
    %dma_wait3A_847 = arith.constant 0 : i32
    %dma_wait3A_848 = tpu.memref_slice %arg6[%dma_wait3A_846, %dma_wait3A_847] : memref<3200x32xf32, #tpu.memory_space<vmem>> -> memref<50x32xf32, #tpu.memory_space<vmem>>
    tpu.wait_dma2 semaphore(%arg8 : memref<!tpu.dma_semaphore, #tpu.memory_space<semaphore_mem>>) src(%dma_wait3A_848 : memref<50x32xf32, #tpu.memory_space<vmem>>) dst(%dma_wait3A_845 : memref<50x32xf32, #tpu.memory_space<hbm>>)
    %dma_wait3A_849 = arith.constant 0 : i32
    %dma_wait3A_850 = arith.constant 0 : i32
    %dma_wait3A_851 = tpu.memref_slice %arg6[%dma_wait3A_849, %dma_wait3A_850] : memref<3200x32xf32, #tpu.memory_space<vmem>> -> memref<50x32xf32, #tpu.memory_space<vmem>>
    %dma_wait3A_852 = arith.constant 0 : i32
    %dma_wait3A_853 = arith.constant 0 : i32
    %dma_wait3A_854 = tpu.memref_slice %arg4[%mul3A_4, %dma_wait3A_852, %dma_wait3A_853] : memref<16384x50x32xf32, #tpu.memory_space<hbm>> -> memref<1x50x32xf32, #tpu.memory_space<hbm>>
    %dma_wait3A_855 = tpu.memref_squeeze %dma_wait3A_854 : memref<1x50x32xf32, #tpu.memory_space<hbm>> -> memref<50x32xf32, #tpu.memory_space<hbm>>
    %dma_wait3A_856 = arith.constant 0 : i32
    %dma_wait3A_857 = arith.constant 0 : i32
    %dma_wait3A_858 = tpu.memref_slice %arg4[%mul3A_4, %dma_wait3A_856, %dma_wait3A_857] : memref<16384x50x32xf32, #tpu.memory_space<hbm>> -> memref<1x50x32xf32, #tpu.memory_space<hbm>>
    %dma_wait3A_859 = tpu.memref_squeeze %dma_wait3A_858 : memref<1x50x32xf32, #tpu.memory_space<hbm>> -> memref<50x32xf32, #tpu.memory_space<hbm>>
    %dma_wait3A_860 = arith.constant 0 : i32
    %dma_wait3A_861 = arith.constant 0 : i32
    %dma_wait3A_862 = tpu.memref_slice %arg6[%dma_wait3A_860, %dma_wait3A_861] : memref<3200x32xf32, #tpu.memory_space<vmem>> -> memref<50x32xf32, #tpu.memory_space<vmem>>
    tpu.wait_dma2 semaphore(%arg8 : memref<!tpu.dma_semaphore, #tpu.memory_space<semaphore_mem>>) src(%dma_wait3A_862 : memref<50x32xf32, #tpu.memory_space<vmem>>) dst(%dma_wait3A_859 : memref<50x32xf32, #tpu.memory_space<hbm>>)
    %dma_wait3A_863 = arith.constant 0 : i32
    %dma_wait3A_864 = arith.constant 0 : i32
    %dma_wait3A_865 = tpu.memref_slice %arg6[%dma_wait3A_863, %dma_wait3A_864] : memref<3200x32xf32, #tpu.memory_space<vmem>> -> memref<50x32xf32, #tpu.memory_space<vmem>>
    %dma_wait3A_866 = arith.constant 0 : i32
    %dma_wait3A_867 = arith.constant 0 : i32
    %dma_wait3A_868 = tpu.memref_slice %arg4[%mul3A_4, %dma_wait3A_866, %dma_wait3A_867] : memref<16384x50x32xf32, #tpu.memory_space<hbm>> -> memref<1x50x32xf32, #tpu.memory_space<hbm>>
    %dma_wait3A_869 = tpu.memref_squeeze %dma_wait3A_868 : memref<1x50x32xf32, #tpu.memory_space<hbm>> -> memref<50x32xf32, #tpu.memory_space<hbm>>
    %dma_wait3A_870 = arith.constant 0 : i32
    %dma_wait3A_871 = arith.constant 0 : i32
    %dma_wait3A_872 = tpu.memref_slice %arg4[%mul3A_4, %dma_wait3A_870, %dma_wait3A_871] : memref<16384x50x32xf32, #tpu.memory_space<hbm>> -> memref<1x50x32xf32, #tpu.memory_space<hbm>>
    %dma_wait3A_873 = tpu.memref_squeeze %dma_wait3A_872 : memref<1x50x32xf32, #tpu.memory_space<hbm>> -> memref<50x32xf32, #tpu.memory_space<hbm>>
    %dma_wait3A_874 = arith.constant 0 : i32
    %dma_wait3A_875 = arith.constant 0 : i32
    %dma_wait3A_876 = tpu.memref_slice %arg6[%dma_wait3A_874, %dma_wait3A_875] : memref<3200x32xf32, #tpu.memory_space<vmem>> -> memref<50x32xf32, #tpu.memory_space<vmem>>
    tpu.wait_dma2 semaphore(%arg8 : memref<!tpu.dma_semaphore, #tpu.memory_space<semaphore_mem>>) src(%dma_wait3A_876 : memref<50x32xf32, #tpu.memory_space<vmem>>) dst(%dma_wait3A_873 : memref<50x32xf32, #tpu.memory_space<hbm>>)
    %dma_wait3A_877 = arith.constant 0 : i32
    %dma_wait3A_878 = arith.constant 0 : i32
    %dma_wait3A_879 = tpu.memref_slice %arg6[%dma_wait3A_877, %dma_wait3A_878] : memref<3200x32xf32, #tpu.memory_space<vmem>> -> memref<50x32xf32, #tpu.memory_space<vmem>>
    %dma_wait3A_880 = arith.constant 0 : i32
    %dma_wait3A_881 = arith.constant 0 : i32
    %dma_wait3A_882 = tpu.memref_slice %arg4[%mul3A_4, %dma_wait3A_880, %dma_wait3A_881] : memref<16384x50x32xf32, #tpu.memory_space<hbm>> -> memref<1x50x32xf32, #tpu.memory_space<hbm>>
    %dma_wait3A_883 = tpu.memref_squeeze %dma_wait3A_882 : memref<1x50x32xf32, #tpu.memory_space<hbm>> -> memref<50x32xf32, #tpu.memory_space<hbm>>
    %dma_wait3A_884 = arith.constant 0 : i32
    %dma_wait3A_885 = arith.constant 0 : i32
    %dma_wait3A_886 = tpu.memref_slice %arg4[%mul3A_4, %dma_wait3A_884, %dma_wait3A_885] : memref<16384x50x32xf32, #tpu.memory_space<hbm>> -> memref<1x50x32xf32, #tpu.memory_space<hbm>>
    %dma_wait3A_887 = tpu.memref_squeeze %dma_wait3A_886 : memref<1x50x32xf32, #tpu.memory_space<hbm>> -> memref<50x32xf32, #tpu.memory_space<hbm>>
    %dma_wait3A_888 = arith.constant 0 : i32
    %dma_wait3A_889 = arith.constant 0 : i32
    %dma_wait3A_890 = tpu.memref_slice %arg6[%dma_wait3A_888, %dma_wait3A_889] : memref<3200x32xf32, #tpu.memory_space<vmem>> -> memref<50x32xf32, #tpu.memory_space<vmem>>
    tpu.wait_dma2 semaphore(%arg8 : memref<!tpu.dma_semaphore, #tpu.memory_space<semaphore_mem>>) src(%dma_wait3A_890 : memref<50x32xf32, #tpu.memory_space<vmem>>) dst(%dma_wait3A_887 : memref<50x32xf32, #tpu.memory_space<hbm>>)
    %dma_wait3A_891 = arith.constant 0 : i32
    %dma_wait3A_892 = arith.constant 0 : i32
    %dma_wait3A_893 = tpu.memref_slice %arg6[%dma_wait3A_891, %dma_wait3A_892] : memref<3200x32xf32, #tpu.memory_space<vmem>> -> memref<50x32xf32, #tpu.memory_space<vmem>>
    %dma_wait3A_894 = arith.constant 0 : i32
    %dma_wait3A_895 = arith.constant 0 : i32
    %dma_wait3A_896 = tpu.memref_slice %arg4[%mul3A_4, %dma_wait3A_894, %dma_wait3A_895] : memref<16384x50x32xf32, #tpu.memory_space<hbm>> -> memref<1x50x32xf32, #tpu.memory_space<hbm>>
    %dma_wait3A_897 = tpu.memref_squeeze %dma_wait3A_896 : memref<1x50x32xf32, #tpu.memory_space<hbm>> -> memref<50x32xf32, #tpu.memory_space<hbm>>
    %dma_wait3A_898 = arith.constant 0 : i32
    %dma_wait3A_899 = arith.constant 0 : i32
    %dma_wait3A_900 = tpu.memref_slice %arg4[%mul3A_4, %dma_wait3A_898, %dma_wait3A_899] : memref<16384x50x32xf32, #tpu.memory_space<hbm>> -> memref<1x50x32xf32, #tpu.memory_space<hbm>>
    %dma_wait3A_901 = tpu.memref_squeeze %dma_wait3A_900 : memref<1x50x32xf32, #tpu.memory_space<hbm>> -> memref<50x32xf32, #tpu.memory_space<hbm>>
    %dma_wait3A_902 = arith.constant 0 : i32
    %dma_wait3A_903 = arith.constant 0 : i32
    %dma_wait3A_904 = tpu.memref_slice %arg6[%dma_wait3A_902, %dma_wait3A_903] : memref<3200x32xf32, #tpu.memory_space<vmem>> -> memref<50x32xf32, #tpu.memory_space<vmem>>
    tpu.wait_dma2 semaphore(%arg8 : memref<!tpu.dma_semaphore, #tpu.memory_space<semaphore_mem>>) src(%dma_wait3A_904 : memref<50x32xf32, #tpu.memory_space<vmem>>) dst(%dma_wait3A_901 : memref<50x32xf32, #tpu.memory_space<hbm>>)
    return
  }
}

</mosaic_0001>

<sc_bundles>
// kernel: kernel.3.cloned.1.call-start
scs
__scs_entry_jumppad:
0x0: {  	(pc) =	sbr.rel $0x88, $3  }
0x1: {  	(tag) =	ssettag $0x0;
	lr =	simm.s32 $0x1  }
0x2: {  	[smem:$0x3F9F] =	sst lr;
	_ =	strace $0xD0000000  }
0x3: {  	_ = 	snop  }
0x4: {  	_ = 	snop  }
0x5: {  	_ = 	snop  }
0x6: {  	_ = 	snop  }
0x7: {  	_ = 	snop  }
__scs_overlays_trampoline_lowered:
0x8: {  	[smem:$0x3FAE] =	sst s0  }
0x9: {  	[smem:$0x3FAF] =	sst s1  }
0xa: {  	[smem:$0x3FB0] =	sst s2  }
0xb: {  	[smem:$0x3FB1] =	sst s3  }
0xc: {  	[smem:$0x3FB2] =	sst s4  }
0xd: {  	[smem:$0x3FB3] =	sst s5  }
0xe: {  	[smem:$0x3FB4] =	sst s6  }
0xf: {  	[smem:$0x3FB5] =	sst s7  }
0x10: {  	[smem:$0x3FB6] =	sst s8  }
0x11: {  	[smem:$0x3FB7] =	sst s9;
	s0 =	simm.s32 @!p0 $0x0  }
0x12: {  	s1 =	sld [smem:$0x3F9D];
	s0 =	simm.s32 @p0 $0x1  }
0x13: {  	[smem:$0x3FB8] =	sst s0;
	s0 =	simm.s32 @!p1 $0x0  }
0x14: {  	s2 =	sld [smem:$0x3F9C];
	s0 =	simm.s32 @p1 $0x1  }
0x15: {  	[smem:$0x3FB9] =	sst s0;
	s0 =	simm.s32 @!p2 $0x0  }
0x16: {  	s3 =	sld [smem:$0x3FDB];
	s0 =	simm.s32 @p2 $0x1  }
0x17: {  	s4 =	simm.s32 $0x1BF5;
	[smem:$0x3FBB] =	sst s0  }
0x18: {  	s0 =	sld [smem:$0x3F9E];
	_ =	swait.ge [sflag:s4], $0x0  }
0x19: {  	s7 =	sld [smem:$0x3F9F]  }
0x1a: {  	s8 =	sadd.s32 $0xFFFFE003, lr  }
0x1b: {  	s9 =	sadd.s32 $0xFFFFFEF7, lr;
	s5 =	simm.s32 $0xFFFFFFFF;
	p2 =	slt.u32 s8, $0xFFFFF086  }
0x1c: {  	p1 =	slt.u32 s9, $0xF7A;
	s5 =	simm.s32 @!p2 $0x0  }
0x1d: {  	s5 =	simm.s32 @p1 $0x1;
	p0 =	seq.s32 s7, s2  }
0x1e: {  	s7 =	smul.u32 @!p0 $0xF7A, s2;
	p2 =	seq.s32 @!p0 s5, $0x0  }
0x1f: {  	s9 =	smul.u32 $0xF7A, s1;
	s8 =	simm.s32 @!p0 $0x1BF5;
	p2 =	por !p2, p0  }
0x20: {  	[sflag:s8] =	ssyncset.s32 @!p0 $0xFFFFF086;
	s6 =	sadd.s32 @!p0 s3, s7;
	s7 =	simm.s32 @!p0 $0x108  }
0x21: {  	s3 =	sadd.s32 s3, s9;
	s6 =	sadd.s32 @!p0 $0x88, s6;
	s7 =	simm.s32 @p2 $0x1082  }
0x22: {  	[simem:s7], [sflag:s8] =	dma.local @!p0 [hbm:s6], $0xF7A  }
0x23: {  	s9 =	sor.u32 $0xD0000000, s2;
	s6 =	simm.s32 $0x108;
	_ =	swait.ge @!p0 [sflag:s8], $0x0  }
0x24: {  	s3 =	sadd.s32 $0x88, s3;
	s6 =	simm.s32 @!p1 $0x1082;
	[sflag:s4] =	ssyncset.s32 $0xFFFFF086  }
0x25: {  	[simem:s6], [sflag:s4] =	dma.local [hbm:s3], $0xF7A  }
0x26: {  	[smem:$0x3F9F] =	sst s1;
	(tag) =	ssettag s2;
	_ =	strace s9  }
0x27: {  	s1 =	sld [smem:$0x3FAF]  }
0x28: {  	s2 =	sld [smem:$0x3FB0]  }
0x29: {  	s4 =	sld [smem:$0x3FB2]  }
0x2a: {  	p0 =	seq.s32 s5, $0x0;
	s5 =	sld [smem:$0x3FB3]  }
0x2b: {  	s6 =	sld [smem:$0x3FB4]  }
0x2c: {  	s7 =	sld [smem:$0x3FB5]  }
0x2d: {  	s3 =	simm.s32 $0x108;
	s8 =	sld [smem:$0x3FB6]  }
0x2e: {  	s3 =	simm.s32 @!p0 $0x1082;
	s9 =	sld [smem:$0x3FB7]  }
0x2f: {  	lr =	sadd.s32 s0, s3;
	s0 =	sld [smem:$0x3FAE]  }
0x30: {  	s3 =	sld [smem:$0x3FB1]  }
0x31: {  	[smem:$0x3FBA] =	sst s10  }
0x32: {  	s10 =	sld [smem:$0x3FB8];
	_ =	sdelay $0x3  }
0x33: {  	p0 =	seq.s32 s10, $0x1;
	s10 =	sld [smem:$0x3FBA];
	_ =	sdelay $0x3  }
0x34: {  	[smem:$0x3FBA] =	sst s10  }
0x35: {  	s10 =	sld [smem:$0x3FB9];
	_ =	sdelay $0x3  }
0x36: {  	p1 =	seq.s32 s10, $0x1;
	s10 =	sld [smem:$0x3FBA];
	_ =	sdelay $0x3  }
0x37: {  	[smem:$0x3FBA] =	sst s10  }
0x38: {  	s10 =	sld [smem:$0x3FBB]  }
0x39: {  	_ = 	snop;
	(pc) =	sbr.ind lr, $3  }
0x3a: {  	_ = 	snop  }
0x3b: {  	_ = 	snop  }
0x3c: {  	p2 =	seq.s32 s10, $0x1;
	s10 =	sld [smem:$0x3FBA]  }
0x3d: {  	_ =	shalt  }
0x3e: {  	_ =	shalt  }
0x3f: {  	_ =	shalt  }
0x40: {  	_ =	shalt  }
0x41: {  	_ =	shalt  }
0x42: {  	_ =	shalt  }
0x43: {  	_ =	shalt  }
0x44: {  	_ =	shalt  }
0x45: {  	_ =	shalt  }
0x46: {  	_ =	shalt  }
0x47: {  	_ =	shalt  }
0x48: {  	_ =	shalt  }
0x49: {  	_ =	shalt  }
0x4a: {  	_ =	shalt  }
0x4b: {  	_ =	shalt  }
0x4c: {  	_ =	shalt  }
0x4d: {  	_ =	shalt  }
0x4e: {  	_ =	shalt  }
0x4f: {  	_ =	shalt  }
0x50: {  	_ =	shalt  }
0x51: {  	_ =	shalt  }
0x52: {  	_ =	shalt  }
0x53: {  	_ =	shalt  }
0x54: {  	_ =	shalt  }
0x55: {  	_ =	shalt  }
0x56: {  	_ =	shalt  }
0x57: {  	_ =	shalt  }
0x58: {  	_ =	shalt  }
0x59: {  	_ =	shalt  }
0x5a: {  	_ =	shalt  }
0x5b: {  	_ =	shalt  }
0x5c: {  	_ =	shalt  }
0x5d: {  	_ =	shalt  }
0x5e: {  	_ =	shalt  }
0x5f: {  	_ =	shalt  }
0x60: {  	_ =	shalt  }
0x61: {  	_ =	shalt  }
0x62: {  	_ =	shalt  }
0x63: {  	_ =	shalt  }
0x64: {  	_ =	shalt  }
0x65: {  	_ =	shalt  }
0x66: {  	_ =	shalt  }
0x67: {  	_ =	shalt  }
0x68: {  	_ =	shalt  }
0x69: {  	_ =	shalt  }
0x6a: {  	_ =	shalt  }
0x6b: {  	_ =	shalt  }
0x6c: {  	_ =	shalt  }
0x6d: {  	_ =	shalt  }
0x6e: {  	_ =	shalt  }
0x6f: {  	_ =	shalt  }
0x70: {  	_ =	shalt  }
0x71: {  	_ =	shalt  }
0x72: {  	_ =	shalt  }
0x73: {  	_ =	shalt  }
0x74: {  	_ =	shalt  }
0x75: {  	_ =	shalt  }
0x76: {  	_ =	shalt  }
0x77: {  	_ =	shalt  }
0x78: {  	_ =	shalt  }
0x79: {  	_ =	shalt  }
0x7a: {  	_ =	shalt  }
0x7b: {  	_ =	shalt  }
0x7c: {  	_ =	shalt  }
0x7d: {  	_ =	shalt  }
0x7e: {  	_ =	shalt  }
0x7f: {  	_ =	shalt  }
0x80: {  	_ =	shalt  }
0x81: {  	_ =	shalt  }
0x82: {  	_ =	shalt  }
0x83: {  	_ =	shalt  }
0x84: {  	_ =	shalt  }
0x85: {  	_ =	shalt  }
0x86: {  	_ =	shalt  }
0x87: {  	_ =	shalt  }
.Lfunc_end0:
.L_simem_size_0:
called_computation.1_lowered:
.L_overlay_start_0:
0x88: {  	s2 =	sld [smem:$0x3FD9]  }
0x89: {  	s3 =	sld [smem:$0x3FFE];
	_ =	sdelay $0x1  }
0x8a: {  	s1 =	srdreg.scid  }
0x8b: {  	s0 =	sand.u32 $0x1, s1  }
0x8c: {  	s17 =	sshll.u32 s0, $0xA;
	s2 =	sadd.s32 s3, s2  }
0x8d: {  	s2 =	sadd.s32 s2, s17  }
0x8e: {  	[smem:$0x3FC6] =	sst s2  }
0x8f: {  	_ = 	snop  }
0x90: {  	s2 =	sld [smem:$0x3FD0];
	(tm) =	ssettm $0x1  }
0x91: {  	s18 =	sld [smem:$0x3FFB];
	_ =	sdelay $0x3  }
0x92: {  	_ =	strace s18  }
0x93: {  	s3 =	sld [smem:$0x3FFC];
	_ =	sdelay $0x3  }
0x94: {  	_ =	strace s3  }
0x95: {  	s3 =	sld [smem:$0x3FFD];
	_ =	sdelay $0x3  }
0x96: {  	_ =	strace s3  }
0x97: {  	_ =	strace $0x8FFFFFFF  }
0x98: {  	s19 =	sld [smem:$0x3FDB];
	_ =	sdelay $0x1  }
0x99: {  	s4 =	simm.s32 $_scs_section_size  }
0x9a: {  	s5 =	simm.s32 $_size__tile_overlayer_lowered;
	s6 =	simm.s32 $_tile_overlayer_lowered  }
0x9b: {  	s22 =	simm.s32 $0x1BFF;
	s21 =	sshll.u32 s6, $0x1;
	s3 =	sadd.s32 s4, s19  }
0x9c: {  	s7 =	simm.s32 $0x0;
	s20 =	sshll.u32 s5, $0x1;
	s5 =	sadd.s32 s21, s3  }
0x9d: {  	[timem:s7], [sflag:s22] =	dma.local [hbm:s5], s20  }
0x9e: {  	_ =	swait.ge [sflag:s22], s20  }
0x9f: {  	s4 =	ssub.s32 $0x0, s20;
	[sflag:s22] =	ssyncset.done $0x0  }
0xa0: {  	[sflag:s22] =	ssyncadd.s32 s4;
	_ =	sdelay $0x1  }
0xa1: {  	s23 =	simm.s32 $0x1B8B  }
0xa2: {  	_ =	swait.ge [sflag:s23], $0x1  }
0xa3: {  	[sflag:s23] =	ssyncset.done $0x0  }
0xa4: {  	s25 =	simm.s32 $0x1B8E;
	s24 =	sld [smem:$0x3FFE];
	[sflag:s23] =	ssyncadd.s32 $0xFFFFFFFF  }
0xa5: {  	s26 =	simm.s32 $execute0_lowered;
	[smem:$0x3FD2] =	sst s25  }
0xa6: {  	s5 =	sshll.u32 s26, $0x1;
	_ =	strace $0x80000046;
	[dreg:$0x1] =	wrdreg $0xFFFFFFFF  }
0xa7: {  	s28 =	simm.s32 $_size_execute0_lowered;
	s3 =	sadd.s32 s3, s5;
	[dreg:$0x0] =	wrdreg $0x0  }
0xa8: {  	s5 =	sshll.u32 s28, $0x1;
	[dreg:$0x2] =	wrdreg s3  }
0xa9: {  	[dreg:$0x3] =	wrdreg s5  }
0xaa: {  	[dreg:$0x4] =	wrdreg $0xC0  }
0xab: {  	_ =	task [dreg:s7], $0x5FFFF  }
0xac: {  	[dreg:$0x1] =	wrdreg $0xFFFFFFFF  }
0xad: {  	[dreg:$0x0] =	wrdreg $0x60  }
0xae: {  	[dreg:$0x2] =	wrdreg s24  }
0xaf: {  	[dreg:$0x3] =	wrdreg s2  }
0xb0: {  	[dreg:$0x4] =	wrdreg $0x9  }
0xb1: {  	_ =	task.clear_ibuf [dreg:s7], $0x5FFFF;
	_ =	strace $0x90000046  }
0xb2: {  	s29 =	simm.s32 $0x9;
	_ =	strace $0x80000048  }
0xb3: {  	_ =	swait.ge [sflag:s29], $0x1  }
0xb4: {  	[sflag:s29] =	ssyncadd.s32 $0xFFFFFFFF  }
0xb5: {  	_ =	strace $0x90000048  }
0xb6: {  	_ =	sfence  }
0xb7: {  	s30 =	sld [smem:$0x0];
	_ =	sdelay $0x2  }
0xb8: {  	s31 =	sshll.u32 s1, $0xD;
	s1 =	sshrl.u32 s1, $0x2  }
0xb9: {  	s3 =	sand.u32 $0x4000, s31;
	s1 =	sadd.s32 s1, s30  }
0xba: {  	s0 =	sor.u32 s3, s0;
	s1 =	sshll.u32 s1, $0x11  }
0xbb: {  	s0 =	sor.u32 s1, s0  }
0xbc: {  	s0 =	sadd.s32 $0x8F2B, s0  }
0xbd: {  	[sflag:s0] =	ssyncadd.remote.s32 $0x1  }
0xbe: {  	_ =	sfence.sel $0xFFFF  }
0xbf: {  	[dreg:$0x0] =	wrdreg $0xFFFFFFFF;
	(pc) =	sbr.abs _section_cstart, $3  }
0xc0: {  	[dreg:$0x1] =	wrdreg $0xFFFFFFFF  }
0xc1: {  	_ =	task.clear_ibuf [dreg:s7], $0x2FFFF;
	_ =	strace $0x9FFFFFFF  }
0xc2: {  	(tm) =	ssettm $0x7FFFFFFF  }
0xc3: {  	_ =	shalt  }
tec
execute0_lowered:
.L_overlay_start_1:
0x0: {  	(tag) =	ssettag $0x1  }
0x1: {  	s0 =	srdreg.scid;
	s9 =	stileid.u32  }
0x2: {  	s3 =	rddreg [dreg:$0x1];
	s2 =	sand.u32 $0x1, s0;
	s6 =	smul.u32 $0x190000, s9  }
0x3: {  	s1 =	simm.s32 $0x0;
	s4 =	sshll.u32 s9, $0x1;
	s5 =	smul.u32 $0xC8000, s2  }
0x4: {  	[smem:$0x7FF] =	sst s1;
	s9 =	smul.u32 $0x32000, s9;
	s7 =	ssub.s32 $0x2, s2  }
0x5: {  	s4 =	sor.u32 s2, s4;
	s8 =	sshrl.u32 s7, $0x1;
	s6 =	sadd.s32 s5, s6  }
0x6: {  	s4 =	smul.u32 $0xC80, s4;
	s5 =	ssub.s32 s7, s8;
	s0 =	sadd.s32 $0x189C0, s6  }
0x7: {  	s10 =	sadd.s32 $0x18380, s6;
	s11 =	sadd.s32 $0x17D40, s6;
	s14 =	sadd.s32 $0x17700, s6  }
0x8: {  	s15 =	sadd.s32 $0x170C0, s6;
	s16 =	sadd.s32 $0x16A80, s6;
	s19 =	sadd.s32 $0x16440, s6  }
0x9: {  	s20 =	sadd.s32 $0x15E00, s6;
	s21 =	sadd.s32 $0x157C0, s6;
	s24 =	sadd.s32 $0x15180, s6  }
0xa: {  	s25 =	sadd.s32 $0x14B40, s6;
	s26 =	sadd.s32 $0x14500, s6;
	s8 =	sadd.s32 $0x10040, s6  }
0xb: {  	s5 =	smax.u32 s5, $0x1;
	s0 =	sshrl.u32 s0, $0x3;
	s7 =	sshrl.u32 s10, $0x3  }
0xc: {  	s13 =	sshrl.u32 s11, $0x3;
	s18 =	sshrl.u32 s16, $0x3;
	s0 =	sadd.s32 s0, s3  }
0xd: {  	s23 =	sshrl.u32 s21, $0x3;
	s12 =	sadd.s32 s7, s3;
	[dreg:$0x3] =	wrdreg s0  }
0xe: {  	s11 =	sshrl.u32 s26, $0x3;
	s7 =	sshrl.u32 s15, $0x3;
	[dreg:$0x4] =	wrdreg s12  }
0xf: {  	s0 =	sadd.s32 s13, s3;
	s17 =	sadd.s32 s7, s3;
	s7 =	sshrl.u32 s20, $0x3  }
0x10: {  	s12 =	sadd.s32 $0x13EC0, s6;
	s13 =	sadd.s32 $0x13880, s6;
	[dreg:$0x5] =	wrdreg s0  }
0x11: {  	s0 =	sshrl.u32 s14, $0x3;
	[dreg:$0x7] =	wrdreg s17;
	s22 =	sadd.s32 s7, s3  }
0x12: {  	s7 =	sshrl.u32 s25, $0x3;
	s14 =	sadd.s32 $0x13240, s6;
	s17 =	sadd.s32 $0x12C00, s6  }
0x13: {  	s0 =	sadd.s32 s0, s3;
	[dreg:$0xa] =	wrdreg s22;
	s10 =	sadd.s32 s7, s3  }
0x14: {  	s7 =	sshrl.u32 s13, $0x3;
	s16 =	sshrl.u32 s14, $0x3;
	s22 =	sadd.s32 $0x11940, s6  }
0x15: {  	s13 =	sadd.s32 $0xF3C0, s6;
	s14 =	sadd.s32 $0xED80, s6;
	[dreg:$0x6] =	wrdreg s0  }
0x16: {  	s0 =	sadd.s32 s18, s3;
	[dreg:$0xd] =	wrdreg s10;
	s15 =	sadd.s32 s7, s3  }
0x17: {  	s18 =	sadd.s32 $0x125C0, s6;
	s10 =	sadd.s32 $0xFA00, s6;
	[dreg:$0x8] =	wrdreg s0  }
0x18: {  	s0 =	sshrl.u32 s19, $0x3;
	[dreg:$0x10] =	wrdreg s15;
	s7 =	sshrl.u32 s18, $0x3  }
0x19: {  	s19 =	sadd.s32 $0x11F80, s6;
	s15 =	sadd.s32 $0xE740, s6;
	s0 =	sadd.s32 s0, s3  }
0x1a: {  	s18 =	sadd.s32 $0xE100, s6;
	s20 =	sadd.s32 s7, s3;
	[dreg:$0x9] =	wrdreg s0  }
0x1b: {  	s21 =	sshrl.u32 s19, $0x3;
	s0 =	sadd.s32 s23, s3;
	[dreg:$0x13] =	wrdreg s20  }
0x1c: {  	s19 =	sadd.s32 $0xDAC0, s6;
	[dreg:$0xb] =	wrdreg s0;
	s0 =	sshrl.u32 s24, $0x3  }
0x1d: {  	s23 =	sadd.s32 $0x11300, s6;
	s20 =	sadd.s32 $0xD480, s6;
	s0 =	sadd.s32 s0, s3  }
0x1e: {  	s7 =	sshrl.u32 s23, $0x3;
	[dreg:$0xc] =	wrdreg s0;
	s0 =	sadd.s32 s11, s3  }
0x1f: {  	s24 =	sadd.s32 $0x10CC0, s6;
	[dreg:$0xe] =	wrdreg s0;
	s0 =	sshrl.u32 s12, $0x3  }
0x20: {  	s23 =	sadd.s32 $0xCE40, s6;
	s25 =	sadd.s32 s7, s3;
	s0 =	sadd.s32 s0, s3  }
0x21: {  	s26 =	sshrl.u32 s24, $0x3;
	[dreg:$0xf] =	wrdreg s0;
	s0 =	sadd.s32 s16, s3  }
0x22: {  	s7 =	sadd.s32 $0x10680, s6;
	[dreg:$0x11] =	wrdreg s0;
	s0 =	sshrl.u32 s17, $0x3  }
0x23: {  	s24 =	sadd.s32 $0xC800, s6;
	[dreg:$0x16] =	wrdreg s25;
	s0 =	sadd.s32 s0, s3  }
0x24: {  	s25 =	sadd.s32 $0xC1C0, s6;
	[dreg:$0x12] =	wrdreg s0;
	s0 =	sadd.s32 s21, s3  }
0x25: {  	s12 =	sshrl.u32 s10, $0x3;
	[dreg:$0x14] =	wrdreg s0;
	s0 =	sshrl.u32 s22, $0x3  }
0x26: {  	s10 =	sadd.s32 $0xB540, s6;
	s17 =	sshrl.u32 s15, $0x3;
	s0 =	sadd.s32 s0, s3  }
0x27: {  	s15 =	sadd.s32 $0xA280, s6;
	[dreg:$0x15] =	wrdreg s0;
	s0 =	sadd.s32 s26, s3  }
0x28: {  	s22 =	sshrl.u32 s20, $0x3;
	[dreg:$0x17] =	wrdreg s0;
	s0 =	sshrl.u32 s7, $0x3  }
0x29: {  	s20 =	sadd.s32 $0x8FC0, s6;
	s7 =	sshrl.u32 s8, $0x3;
	s0 =	sadd.s32 s0, s3  }
0x2a: {  	s8 =	sadd.s32 $0xBB80, s6;
	s11 =	sadd.s32 s7, s3;
	[dreg:$0x18] =	wrdreg s0  }
0x2b: {  	s7 =	sshrl.u32 s14, $0x3;
	s14 =	sadd.s32 $0xA8C0, s6;
	[dreg:$0x19] =	wrdreg s11  }
0x2c: {  	s0 =	sadd.s32 s12, s3;
	s16 =	sadd.s32 s7, s3;
	s7 =	sshrl.u32 s19, $0x3  }
0x2d: {  	s11 =	sadd.s32 $0xAF00, s6;
	s19 =	sadd.s32 $0x9600, s6;
	[dreg:$0x1a] =	wrdreg s0  }
0x2e: {  	s0 =	sshrl.u32 s13, $0x3;
	[dreg:$0x1c] =	wrdreg s16;
	s21 =	sadd.s32 s7, s3  }
0x2f: {  	s7 =	sshrl.u32 s24, $0x3;
	s13 =	sshrl.u32 s11, $0x3;
	s16 =	sadd.s32 $0x9C40, s6  }
0x30: {  	s24 =	sadd.s32 $0x8340, s6;
	s0 =	sadd.s32 s0, s3;
	[dreg:$0x1f] =	wrdreg s21  }
0x31: {  	s11 =	sor.u32 $0x6A40, s6;
	[dreg:$0x1b] =	wrdreg s0;
	s0 =	sadd.s32 s17, s3  }
0x32: {  	s26 =	sadd.s32 s7, s3;
	[dreg:$0x1d] =	wrdreg s0;
	s0 =	sshrl.u32 s18, $0x3  }
0x33: {  	s7 =	sshrl.u32 s25, $0x3;
	[smem:$0x7F2] =	sst s26;
	s0 =	sadd.s32 s0, s3  }
0x34: {  	s21 =	sadd.s32 $0x8980, s6;
	[dreg:$0x1e] =	wrdreg s0;
	s0 =	sadd.s32 s22, s3  }
0x35: {  	s25 =	sor.u32 $0x7D00, s6;
	[smem:$0x7F0] =	sst s0;
	s0 =	sshrl.u32 s23, $0x3  }
0x36: {  	s26 =	sor.u32 $0x76C0, s6;
	s18 =	sshrl.u32 s16, $0x3;
	s0 =	sadd.s32 s0, s3  }
0x37: {  	s23 =	sshrl.u32 s21, $0x3;
	s21 =	sor.u32 $0x5780, s6;
	[smem:$0x7F1] =	sst s0  }
0x38: {  	s0 =	sadd.s32 s7, s3;
	s7 =	sshrl.u32 s10, $0x3;
	s10 =	sor.u32 $0x7080, s6  }
0x39: {  	[smem:$0x7F3] =	sst s0;
	s0 =	sshrl.u32 s8, $0x3;
	s12 =	sadd.s32 s7, s3  }
0x3a: {  	s7 =	sshrl.u32 s15, $0x3;
	s8 =	sshrl.u32 s26, $0x3;
	s26 =	sor.u32 $0x3E80, s6  }
0x3b: {  	s0 =	sadd.s32 s0, s3;
	[smem:$0x7F5] =	sst s12;
	s17 =	sadd.s32 s7, s3  }
0x3c: {  	s7 =	sshrl.u32 s20, $0x3;
	s16 =	sadd.s32 s8, s3;
	s12 =	sor.u32 $0x6400, s6  }
0x3d: {  	s20 =	sor.u32 $0x5DC0, s6;
	s8 =	sshrl.u32 s26, $0x3;
	[smem:$0x7F4] =	sst s0  }
0x3e: {  	s0 =	sadd.s32 s13, s3;
	[smem:$0x7F8] =	sst s17;
	s22 =	sadd.s32 s7, s3  }
0x3f: {  	s13 =	sadd.s32 s23, s3;
	s7 =	sshrl.u32 s25, $0x3;
	[smem:$0x7F6] =	sst s0  }
0x40: {  	s25 =	sor.u32 $0x44C0, s6;
	s0 =	sshrl.u32 s14, $0x3;
	[smem:$0x7FB] =	sst s22  }
0x41: {  	s15 =	sadd.s32 s7, s3;
	s7 =	sshrl.u32 s11, $0x3;
	s22 =	sor.u32 $0x5140, s6  }
0x42: {  	s11 =	sor.u32 $0x3200, s6;
	s0 =	sadd.s32 s0, s3;
	s23 =	sshrl.u32 s22, $0x3  }
0x43: {  	[smem:$0x7F7] =	sst s0;
	s0 =	sadd.s32 s18, s3;
	s18 =	sadd.s32 s7, s3  }
0x44: {  	s7 =	sshrl.u32 s21, $0x3;
	s22 =	sadd.s32 s23, s3;
	[smem:$0x7F9] =	sst s0  }
0x45: {  	s0 =	sshrl.u32 s19, $0x3;
	s19 =	sshrl.u32 s12, $0x3;
	s21 =	sadd.s32 s7, s3  }
0x46: {  	s7 =	sshrl.u32 s25, $0x3;
	s25 =	sadd.s32 s8, s3;
	s12 =	sor.u32 $0x2BC0, s6  }
0x47: {  	s0 =	sadd.s32 s0, s3;
	s19 =	sadd.s32 s19, s3;
	s8 =	sshrl.u32 s12, $0x3  }
0x48: {  	s12 =	sor.u32 $0x1900, s6;
	[smem:$0x7FA] =	sst s0;
	s0 =	sshrl.u32 s24, $0x3  }
0x49: {  	s24 =	sor.u32 $0x4B00, s6;
	s14 =	sadd.s32 s0, s3;
	s0 =	sshrl.u32 s10, $0x3  }
0x4a: {  	s29 =	sadd.s32 s8, s3;
	s17 =	sadd.s32 s0, s3;
	s0 =	sshrl.u32 s20, $0x3  }
0x4b: {  	s8 =	sshrl.u32 s12, $0x3;
	s10 =	sor.u32 $0x3840, s6;
	s20 =	sadd.s32 s0, s3  }
0x4c: {  	s0 =	sshrl.u32 s24, $0x3;
	s24 =	sadd.s32 s7, s3;
	s7 =	sshrl.u32 s11, $0x3  }
0x4d: {  	s11 =	sor.u32 $0x1F40, s6;
	s23 =	sadd.s32 s0, s3;
	s0 =	sshrl.u32 s10, $0x3  }
0x4e: {  	s28 =	sadd.s32 s7, s3;
	s10 =	sor.u32 $0x2580, s6;
	s7 =	sshrl.u32 s11, $0x3  }
0x4f: {  	s6 =	sor.u32 $0x12C0, s6;
	s11 =	rddreg [dreg:$0x0];
	_ =	strace $0x80000047  }
0x50: {  	[smem:$0x7FD] =	sst s5;
	s5 =	simm.s32 $0x80;
	s26 =	sadd.s32 s0, s3  }
0x51: {  	s0 =	sshrl.u32 s10, $0x3;
	s31 =	sadd.s32 s7, s3;
	s10 =	smul.u32 $0x19000, s2  }
.Ltmp0:
0x52: {  	s6 =	sshrl.u32 s6, $0x3;
	s12 =	sadd.s32 s4, s11;
	(pc) =	sbr.rel .LBB2_1-.Ltmp0, $4  }
0x53: {  	s4 =	sadd.s32 $0xF42E00, s11;
	s7 =	simm.s32 $0x1;
	s30 =	sadd.s32 s0, s3  }
0x54: {  	s0 =	sadd.s32 s8, s3;
	s2 =	sadd.s32 s6, s3;
	s3 =	sadd.s32 s9, s3  }
0x55: {  	s6 =	sadd.s32 $0xA00, s12;
	s8 =	simm.s32 $0x2;
	s3 =	sadd.s32 s10, s3  }
0x56: {  	[smem:$0x7FC] =	sst s6;
	s6 =	simm.s32 $0x6400;
	s10 =	simm.s32 $0x0  }
.LBB2_5:
0x57: {  	_ =	swait.ge [sflag:s8], $0x640  }
0x58: {  	[sflag:s8] =	ssyncset.done $0x0  }
0x59: {  	[sflag:s8] =	ssyncadd.s32 $0xFFFFF9C0  }
0x5a: {  	_ =	swait.ge [sflag:s8], $0x640  }
0x5b: {  	[sflag:s8] =	ssyncset.done $0x0  }
0x5c: {  	[sflag:s8] =	ssyncadd.s32 $0xFFFFF9C0  }
0x5d: {  	_ =	swait.ge [sflag:s8], $0x640  }
0x5e: {  	[sflag:s8] =	ssyncset.done $0x0  }
0x5f: {  	[sflag:s8] =	ssyncadd.s32 $0xFFFFF9C0  }
0x60: {  	_ =	swait.ge [sflag:s8], $0x640  }
0x61: {  	[sflag:s8] =	ssyncset.done $0x0  }
0x62: {  	[sflag:s8] =	ssyncadd.s32 $0xFFFFF9C0  }
0x63: {  	_ =	swait.ge [sflag:s8], $0x640  }
0x64: {  	[sflag:s8] =	ssyncset.done $0x0  }
0x65: {  	[sflag:s8] =	ssyncadd.s32 $0xFFFFF9C0  }
0x66: {  	_ =	swait.ge [sflag:s8], $0x640  }
0x67: {  	[sflag:s8] =	ssyncset.done $0x0  }
0x68: {  	[sflag:s8] =	ssyncadd.s32 $0xFFFFF9C0  }
0x69: {  	_ =	swait.ge [sflag:s8], $0x640  }
0x6a: {  	[sflag:s8] =	ssyncset.done $0x0  }
0x6b: {  	[sflag:s8] =	ssyncadd.s32 $0xFFFFF9C0  }
0x6c: {  	_ =	swait.ge [sflag:s8], $0x640  }
0x6d: {  	[sflag:s8] =	ssyncset.done $0x0  }
0x6e: {  	[sflag:s8] =	ssyncadd.s32 $0xFFFFF9C0  }
0x6f: {  	_ =	swait.ge [sflag:s8], $0x640  }
0x70: {  	[sflag:s8] =	ssyncset.done $0x0  }
0x71: {  	[sflag:s8] =	ssyncadd.s32 $0xFFFFF9C0  }
0x72: {  	_ =	swait.ge [sflag:s8], $0x640  }
0x73: {  	[sflag:s8] =	ssyncset.done $0x0  }
0x74: {  	[sflag:s8] =	ssyncadd.s32 $0xFFFFF9C0  }
0x75: {  	_ =	swait.ge [sflag:s8], $0x640  }
0x76: {  	[sflag:s8] =	ssyncset.done $0x0  }
0x77: {  	[sflag:s8] =	ssyncadd.s32 $0xFFFFF9C0  }
0x78: {  	_ =	swait.ge [sflag:s8], $0x640  }
0x79: {  	[sflag:s8] =	ssyncset.done $0x0  }
0x7a: {  	[sflag:s8] =	ssyncadd.s32 $0xFFFFF9C0  }
0x7b: {  	_ =	swait.ge [sflag:s8], $0x640  }
0x7c: {  	[sflag:s8] =	ssyncset.done $0x0  }
0x7d: {  	[sflag:s8] =	ssyncadd.s32 $0xFFFFF9C0  }
0x7e: {  	_ =	swait.ge [sflag:s8], $0x640  }
0x7f: {  	[sflag:s8] =	ssyncset.done $0x0  }
0x80: {  	[sflag:s8] =	ssyncadd.s32 $0xFFFFF9C0  }
0x81: {  	_ =	swait.ge [sflag:s8], $0x640  }
0x82: {  	[sflag:s8] =	ssyncset.done $0x0  }
0x83: {  	[sflag:s8] =	ssyncadd.s32 $0xFFFFF9C0  }
0x84: {  	_ =	swait.ge [sflag:s8], $0x640  }
0x85: {  	[sflag:s8] =	ssyncset.done $0x0  }
0x86: {  	[sflag:s8] =	ssyncadd.s32 $0xFFFFF9C0  }
0x87: {  	_ =	swait.ge [sflag:s8], $0x640  }
0x88: {  	[sflag:s8] =	ssyncset.done $0x0  }
0x89: {  	[sflag:s8] =	ssyncadd.s32 $0xFFFFF9C0  }
0x8a: {  	_ =	swait.ge [sflag:s8], $0x640  }
0x8b: {  	[sflag:s8] =	ssyncset.done $0x0  }
0x8c: {  	[sflag:s8] =	ssyncadd.s32 $0xFFFFF9C0  }
0x8d: {  	_ =	swait.ge [sflag:s8], $0x640  }
0x8e: {  	[sflag:s8] =	ssyncset.done $0x0  }
0x8f: {  	[sflag:s8] =	ssyncadd.s32 $0xFFFFF9C0  }
0x90: {  	_ =	swait.ge [sflag:s8], $0x640  }
0x91: {  	[sflag:s8] =	ssyncset.done $0x0  }
0x92: {  	[sflag:s8] =	ssyncadd.s32 $0xFFFFF9C0  }
0x93: {  	_ =	swait.ge [sflag:s8], $0x640  }
0x94: {  	[sflag:s8] =	ssyncset.done $0x0  }
0x95: {  	[sflag:s8] =	ssyncadd.s32 $0xFFFFF9C0  }
0x96: {  	_ =	swait.ge [sflag:s8], $0x640  }
0x97: {  	[sflag:s8] =	ssyncset.done $0x0  }
0x98: {  	[sflag:s8] =	ssyncadd.s32 $0xFFFFF9C0  }
0x99: {  	_ =	swait.ge [sflag:s8], $0x640  }
0x9a: {  	[sflag:s8] =	ssyncset.done $0x0  }
0x9b: {  	[sflag:s8] =	ssyncadd.s32 $0xFFFFF9C0  }
0x9c: {  	_ =	swait.ge [sflag:s8], $0x640  }
0x9d: {  	[sflag:s8] =	ssyncset.done $0x0  }
0x9e: {  	[sflag:s8] =	ssyncadd.s32 $0xFFFFF9C0  }
0x9f: {  	_ =	swait.ge [sflag:s8], $0x640  }
0xa0: {  	[sflag:s8] =	ssyncset.done $0x0  }
0xa1: {  	[sflag:s8] =	ssyncadd.s32 $0xFFFFF9C0  }
0xa2: {  	_ =	swait.ge [sflag:s8], $0x640  }
0xa3: {  	[sflag:s8] =	ssyncset.done $0x0  }
0xa4: {  	[sflag:s8] =	ssyncadd.s32 $0xFFFFF9C0  }
0xa5: {  	_ =	swait.ge [sflag:s8], $0x640  }
0xa6: {  	[sflag:s8] =	ssyncset.done $0x0  }
0xa7: {  	[sflag:s8] =	ssyncadd.s32 $0xFFFFF9C0  }
0xa8: {  	_ =	swait.ge [sflag:s8], $0x640  }
0xa9: {  	[sflag:s8] =	ssyncset.done $0x0  }
0xaa: {  	[sflag:s8] =	ssyncadd.s32 $0xFFFFF9C0  }
0xab: {  	_ =	swait.ge [sflag:s8], $0x640  }
0xac: {  	[sflag:s8] =	ssyncset.done $0x0  }
0xad: {  	[sflag:s8] =	ssyncadd.s32 $0xFFFFF9C0  }
0xae: {  	_ =	swait.ge [sflag:s8], $0x640  }
0xaf: {  	[sflag:s8] =	ssyncset.done $0x0  }
0xb0: {  	[sflag:s8] =	ssyncadd.s32 $0xFFFFF9C0  }
0xb1: {  	_ =	swait.ge [sflag:s8], $0x640  }
0xb2: {  	[sflag:s8] =	ssyncset.done $0x0  }
0xb3: {  	[sflag:s8] =	ssyncadd.s32 $0xFFFFF9C0  }
0xb4: {  	_ =	swait.ge [sflag:s8], $0x640  }
0xb5: {  	[sflag:s8] =	ssyncset.done $0x0  }
0xb6: {  	[sflag:s8] =	ssyncadd.s32 $0xFFFFF9C0  }
0xb7: {  	_ =	swait.ge [sflag:s8], $0x640  }
0xb8: {  	[sflag:s8] =	ssyncset.done $0x0  }
0xb9: {  	[sflag:s8] =	ssyncadd.s32 $0xFFFFF9C0  }
0xba: {  	_ =	swait.ge [sflag:s8], $0x640  }
0xbb: {  	[sflag:s8] =	ssyncset.done $0x0  }
0xbc: {  	[sflag:s8] =	ssyncadd.s32 $0xFFFFF9C0  }
0xbd: {  	_ =	swait.ge [sflag:s8], $0x640  }
0xbe: {  	[sflag:s8] =	ssyncset.done $0x0  }
0xbf: {  	[sflag:s8] =	ssyncadd.s32 $0xFFFFF9C0  }
0xc0: {  	_ =	swait.ge [sflag:s8], $0x640  }
0xc1: {  	[sflag:s8] =	ssyncset.done $0x0  }
0xc2: {  	[sflag:s8] =	ssyncadd.s32 $0xFFFFF9C0  }
0xc3: {  	_ =	swait.ge [sflag:s8], $0x640  }
0xc4: {  	[sflag:s8] =	ssyncset.done $0x0  }
0xc5: {  	[sflag:s8] =	ssyncadd.s32 $0xFFFFF9C0  }
0xc6: {  	_ =	swait.ge [sflag:s8], $0x640  }
0xc7: {  	[sflag:s8] =	ssyncset.done $0x0  }
0xc8: {  	[sflag:s8] =	ssyncadd.s32 $0xFFFFF9C0  }
0xc9: {  	_ =	swait.ge [sflag:s8], $0x640  }
0xca: {  	[sflag:s8] =	ssyncset.done $0x0  }
0xcb: {  	[sflag:s8] =	ssyncadd.s32 $0xFFFFF9C0  }
0xcc: {  	_ =	swait.ge [sflag:s8], $0x640  }
0xcd: {  	[sflag:s8] =	ssyncset.done $0x0  }
0xce: {  	[sflag:s8] =	ssyncadd.s32 $0xFFFFF9C0  }
0xcf: {  	_ =	swait.ge [sflag:s8], $0x640  }
0xd0: {  	[sflag:s8] =	ssyncset.done $0x0  }
0xd1: {  	[sflag:s8] =	ssyncadd.s32 $0xFFFFF9C0  }
0xd2: {  	_ =	swait.ge [sflag:s8], $0x640  }
0xd3: {  	[sflag:s8] =	ssyncset.done $0x0  }
0xd4: {  	[sflag:s8] =	ssyncadd.s32 $0xFFFFF9C0  }
0xd5: {  	_ =	swait.ge [sflag:s8], $0x640  }
0xd6: {  	[sflag:s8] =	ssyncset.done $0x0  }
0xd7: {  	[sflag:s8] =	ssyncadd.s32 $0xFFFFF9C0  }
0xd8: {  	_ =	swait.ge [sflag:s8], $0x640  }
0xd9: {  	[sflag:s8] =	ssyncset.done $0x0  }
0xda: {  	[sflag:s8] =	ssyncadd.s32 $0xFFFFF9C0  }
0xdb: {  	_ =	swait.ge [sflag:s8], $0x640  }
0xdc: {  	[sflag:s8] =	ssyncset.done $0x0  }
0xdd: {  	[sflag:s8] =	ssyncadd.s32 $0xFFFFF9C0  }
0xde: {  	_ =	swait.ge [sflag:s8], $0x640  }
0xdf: {  	[sflag:s8] =	ssyncset.done $0x0  }
0xe0: {  	[sflag:s8] =	ssyncadd.s32 $0xFFFFF9C0  }
0xe1: {  	_ =	swait.ge [sflag:s8], $0x640  }
0xe2: {  	[sflag:s8] =	ssyncset.done $0x0  }
0xe3: {  	[sflag:s8] =	ssyncadd.s32 $0xFFFFF9C0  }
0xe4: {  	_ =	swait.ge [sflag:s8], $0x640  }
0xe5: {  	[sflag:s8] =	ssyncset.done $0x0  }
0xe6: {  	[sflag:s8] =	ssyncadd.s32 $0xFFFFF9C0  }
0xe7: {  	_ =	swait.ge [sflag:s8], $0x640  }
0xe8: {  	[sflag:s8] =	ssyncset.done $0x0  }
0xe9: {  	[sflag:s8] =	ssyncadd.s32 $0xFFFFF9C0  }
0xea: {  	_ =	swait.ge [sflag:s8], $0x640  }
0xeb: {  	[sflag:s8] =	ssyncset.done $0x0  }
0xec: {  	[sflag:s8] =	ssyncadd.s32 $0xFFFFF9C0  }
0xed: {  	_ =	swait.ge [sflag:s8], $0x640  }
0xee: {  	[sflag:s8] =	ssyncset.done $0x0  }
0xef: {  	[sflag:s8] =	ssyncadd.s32 $0xFFFFF9C0  }
0xf0: {  	_ =	swait.ge [sflag:s8], $0x640  }
0xf1: {  	[sflag:s8] =	ssyncset.done $0x0  }
0xf2: {  	[sflag:s8] =	ssyncadd.s32 $0xFFFFF9C0  }
0xf3: {  	_ =	swait.ge [sflag:s8], $0x640  }
0xf4: {  	[sflag:s8] =	ssyncset.done $0x0  }
0xf5: {  	[sflag:s8] =	ssyncadd.s32 $0xFFFFF9C0  }
0xf6: {  	_ =	swait.ge [sflag:s8], $0x640  }
0xf7: {  	[sflag:s8] =	ssyncset.done $0x0  }
0xf8: {  	[sflag:s8] =	ssyncadd.s32 $0xFFFFF9C0  }
0xf9: {  	_ =	swait.ge [sflag:s8], $0x640  }
0xfa: {  	[sflag:s8] =	ssyncset.done $0x0  }
0xfb: {  	[sflag:s8] =	ssyncadd.s32 $0xFFFFF9C0  }
0xfc: {  	_ =	swait.ge [sflag:s8], $0x640  }
0xfd: {  	[sflag:s8] =	ssyncset.done $0x0  }
0xfe: {  	[sflag:s8] =	ssyncadd.s32 $0xFFFFF9C0  }
0xff: {  	_ =	swait.ge [sflag:s8], $0x640  }
0x100: {  	[sflag:s8] =	ssyncset.done $0x0  }
0x101: {  	[sflag:s8] =	ssyncadd.s32 $0xFFFFF9C0  }
0x102: {  	_ =	swait.ge [sflag:s8], $0x640  }
0x103: {  	[sflag:s8] =	ssyncset.done $0x0  }
0x104: {  	[sflag:s8] =	ssyncadd.s32 $0xFFFFF9C0  }
0x105: {  	_ =	swait.ge [sflag:s8], $0x640  }
0x106: {  	[sflag:s8] =	ssyncset.done $0x0  }
0x107: {  	[sflag:s8] =	ssyncadd.s32 $0xFFFFF9C0  }
0x108: {  	_ =	swait.ge [sflag:s8], $0x640  }
0x109: {  	[sflag:s8] =	ssyncset.done $0x0  }
0x10a: {  	[sflag:s8] =	ssyncadd.s32 $0xFFFFF9C0  }
0x10b: {  	_ =	swait.ge [sflag:s8], $0x640  }
0x10c: {  	[sflag:s8] =	ssyncset.done $0x0  }
0x10d: {  	[sflag:s8] =	ssyncadd.s32 $0xFFFFF9C0  }
0x10e: {  	_ =	swait.ge [sflag:s8], $0x640  }
0x10f: {  	[sflag:s8] =	ssyncset.done $0x0  }
0x110: {  	[sflag:s8] =	ssyncadd.s32 $0xFFFFF9C0  }
0x111: {  	_ =	swait.ge [sflag:s8], $0x640  }
0x112: {  	[sflag:s8] =	ssyncset.done $0x0  }
0x113: {  	[sflag:s8] =	ssyncadd.s32 $0xFFFFF9C0  }
0x114: {  	_ =	swait.ge [sflag:s8], $0x640  }
0x115: {  	s10 =	sld [smem:$0x7EF]  }
0x116: {  	s9 =	sld [smem:$0x7FD];
	_ =	sdelay $0x1  }
0x117: {  	s10 =	sadd.s32 $0x1, s10  }
0x118: {  	p0 =	sne.s32 s10, s9  }
.Ltmp1:
0x119: {  	_ = 	snop;
	(pc) =	sbr.rel @!p0 .LBB2_6-.Ltmp1, $3  }
0x11a: {  	_ =	sdelay $0x1  }
0x11b: {  	[sflag:s8] =	ssyncset.done $0x0  }
0x11c: {  	[sflag:s8] =	ssyncadd.s32 $0xFFFFF9C0  }
.LBB2_1:
0x11d: {  	s9 =	sld [smem:$0x7FC];
	_ =	sdelay $0x1  }
.Ltmp2:
0x11e: {  	[smem:$0x7EF] =	sst s10;
	s12 =	simm.s32 $0x3;
	(pc) =	sbr.rel .LBB2_2-.Ltmp2, $4  }
0x11f: {  	[tilespmem:s1], [sflag:$0x3] =	stream.linear.gather [hbm4b:s9+s1], $0x6400, $0x38;
	[tilespmem:$0x1F400] =	vst v63  }
0x120: {  	_ =	swait.ge [sflag:s12], $0x6400  }
0x121: {  	[sflag:s12] =	ssyncset.done $0x0  }
0x122: {  	s9 =	simm.s32 $0x0;
	[sflag:s12] =	ssyncadd.s32 $0xFFFF9C00  }
.LBB2_4:
0x123: {  	s10 =	sshra.s32 s9, $0x2  }
0x124: {  	[tilespmem:s6], [sflag:$0x1] =	stream.indirect.gather [hbm4b:s4+s5], $0x20, s10, s5, $0xb8;
	[tilespmem:$0x1F400] =	vst v63  }
0x125: {  	s12 =	simm.s32 $0x7400;
	s11 =	sadd.s32 $0x80, s10  }
0x126: {  	[tilespmem:s12], [sflag:$0x1] =	stream.indirect.gather [hbm4b:s4+s5], $0x20, s11, s5, $0xb8;
	[tilespmem:$0x1F400] =	vst v63  }
0x127: {  	s11 =	sadd.s32 $0x100, s10;
	s12 =	simm.s32 $0x8400  }
0x128: {  	[tilespmem:s12], [sflag:$0x1] =	stream.indirect.gather [hbm4b:s4+s5], $0x20, s11, s5, $0xb8;
	[tilespmem:$0x1F400] =	vst v63  }
0x129: {  	s11 =	sadd.s32 $0x180, s10;
	s12 =	simm.s32 $0x9400  }
0x12a: {  	[tilespmem:s12], [sflag:$0x1] =	stream.indirect.gather [hbm4b:s4+s5], $0x20, s11, s5, $0xb8;
	[tilespmem:$0x1F400] =	vst v63  }
0x12b: {  	s11 =	sadd.s32 $0x200, s10;
	s12 =	simm.s32 $0xA400  }
0x12c: {  	[tilespmem:s12], [sflag:$0x1] =	stream.indirect.gather [hbm4b:s4+s5], $0x20, s11, s5, $0xb8;
	[tilespmem:$0x1F400] =	vst v63  }
0x12d: {  	s11 =	sadd.s32 $0x280, s10;
	s12 =	simm.s32 $0xB400  }
0x12e: {  	[tilespmem:s12], [sflag:$0x1] =	stream.indirect.gather [hbm4b:s4+s5], $0x20, s11, s5, $0xb8;
	[tilespmem:$0x1F400] =	vst v63  }
0x12f: {  	s11 =	sadd.s32 $0x300, s10;
	s12 =	simm.s32 $0xC400  }
0x130: {  	[tilespmem:s12], [sflag:$0x1] =	stream.indirect.gather [hbm4b:s4+s5], $0x20, s11, s5, $0xb8;
	[tilespmem:$0x1F400] =	vst v63  }
0x131: {  	s11 =	sadd.s32 $0x380, s10;
	s12 =	simm.s32 $0xD400  }
0x132: {  	[tilespmem:s12], [sflag:$0x1] =	stream.indirect.gather [hbm4b:s4+s5], $0x20, s11, s5, $0xb8;
	[tilespmem:$0x1F400] =	vst v63  }
0x133: {  	s11 =	sadd.s32 $0x400, s10;
	s12 =	simm.s32 $0xE400  }
0x134: {  	[tilespmem:s12], [sflag:$0x1] =	stream.indirect.gather [hbm4b:s4+s5], $0x20, s11, s5, $0xb8;
	[tilespmem:$0x1F400] =	vst v63  }
0x135: {  	s11 =	sadd.s32 $0x480, s10;
	s12 =	simm.s32 $0xF400  }
0x136: {  	[tilespmem:s12], [sflag:$0x1] =	stream.indirect.gather [hbm4b:s4+s5], $0x20, s11, s5, $0xb8;
	[tilespmem:$0x1F400] =	vst v63  }
0x137: {  	s11 =	sadd.s32 $0x500, s10;
	s12 =	simm.s32 $0x10400  }
0x138: {  	[tilespmem:s12], [sflag:$0x1] =	stream.indirect.gather [hbm4b:s4+s5], $0x20, s11, s5, $0xb8;
	[tilespmem:$0x1F400] =	vst v63  }
0x139: {  	s11 =	sadd.s32 $0x580, s10;
	s12 =	simm.s32 $0x11400  }
0x13a: {  	[tilespmem:s12], [sflag:$0x1] =	stream.indirect.gather [hbm4b:s4+s5], $0x20, s11, s5, $0xb8;
	[tilespmem:$0x1F400] =	vst v63  }
0x13b: {  	s11 =	sadd.s32 $0x600, s10;
	s12 =	simm.s32 $0x12400  }
0x13c: {  	[tilespmem:s12], [sflag:$0x1] =	stream.indirect.gather [hbm4b:s4+s5], $0x20, s11, s5, $0xb8;
	[tilespmem:$0x1F400] =	vst v63  }
0x13d: {  	s11 =	sadd.s32 $0x680, s10;
	s12 =	simm.s32 $0x13400  }
0x13e: {  	[tilespmem:s12], [sflag:$0x1] =	stream.indirect.gather [hbm4b:s4+s5], $0x20, s11, s5, $0xb8;
	[tilespmem:$0x1F400] =	vst v63  }
0x13f: {  	s11 =	sadd.s32 $0x700, s10;
	s12 =	simm.s32 $0x14400  }
0x140: {  	[tilespmem:s12], [sflag:$0x1] =	stream.indirect.gather [hbm4b:s4+s5], $0x20, s11, s5, $0xb8;
	[tilespmem:$0x1F400] =	vst v63  }
0x141: {  	s11 =	sadd.s32 $0x780, s10;
	s12 =	simm.s32 $0x15400  }
0x142: {  	[tilespmem:s12], [sflag:$0x1] =	stream.indirect.gather [hbm4b:s4+s5], $0x20, s11, s5, $0xb8;
	[tilespmem:$0x1F400] =	vst v63  }
0x143: {  	s11 =	sadd.s32 $0x800, s10;
	s12 =	simm.s32 $0x16400  }
0x144: {  	[tilespmem:s12], [sflag:$0x1] =	stream.indirect.gather [hbm4b:s4+s5], $0x20, s11, s5, $0xb8;
	[tilespmem:$0x1F400] =	vst v63  }
0x145: {  	s11 =	sadd.s32 $0x880, s10;
	s12 =	simm.s32 $0x17400  }
0x146: {  	[tilespmem:s12], [sflag:$0x1] =	stream.indirect.gather [hbm4b:s4+s5], $0x20, s11, s5, $0xb8;
	[tilespmem:$0x1F400] =	vst v63  }
0x147: {  	s11 =	sadd.s32 $0x900, s10;
	s12 =	simm.s32 $0x18400  }
0x148: {  	[tilespmem:s12], [sflag:$0x1] =	stream.indirect.gather [hbm4b:s4+s5], $0x20, s11, s5, $0xb8;
	[tilespmem:$0x1F400] =	vst v63  }
0x149: {  	s11 =	sadd.s32 $0x980, s10;
	s12 =	simm.s32 $0x19400  }
0x14a: {  	[tilespmem:s12], [sflag:$0x1] =	stream.indirect.gather [hbm4b:s4+s5], $0x20, s11, s5, $0xb8;
	[tilespmem:$0x1F400] =	vst v63  }
0x14b: {  	s11 =	sadd.s32 $0xA00, s10;
	s12 =	simm.s32 $0x1A400  }
0x14c: {  	[tilespmem:s12], [sflag:$0x1] =	stream.indirect.gather [hbm4b:s4+s5], $0x20, s11, s5, $0xb8;
	[tilespmem:$0x1F400] =	vst v63  }
0x14d: {  	s11 =	sadd.s32 $0xA80, s10;
	s12 =	simm.s32 $0x1B400  }
0x14e: {  	[tilespmem:s12], [sflag:$0x1] =	stream.indirect.gather [hbm4b:s4+s5], $0x20, s11, s5, $0xb8;
	[tilespmem:$0x1F400] =	vst v63  }
0x14f: {  	s11 =	sadd.s32 $0xB00, s10;
	s12 =	simm.s32 $0x1C400  }
0x150: {  	[tilespmem:s12], [sflag:$0x1] =	stream.indirect.gather [hbm4b:s4+s5], $0x20, s11, s5, $0xb8;
	[tilespmem:$0x1F400] =	vst v63  }
0x151: {  	s11 =	sadd.s32 $0xB80, s10;
	s12 =	simm.s32 $0x1D400  }
0x152: {  	[tilespmem:s12], [sflag:$0x1] =	stream.indirect.gather [hbm4b:s4+s5], $0x20, s11, s5, $0xb8;
	[tilespmem:$0x1F400] =	vst v63  }
0x153: {  	s10 =	sadd.s32 $0xC00, s10;
	s12 =	simm.s32 $0x1E400  }
0x154: {  	[tilespmem:s12], [sflag:$0x1] =	stream.indirect.gather [hbm4b:s4+s5], $0x20, s10, s5, $0xb8;
	[tilespmem:$0x1F400] =	vst v63  }
0x155: {  	_ =	swait.ge [sflag:s7], $0x1000  }
0x156: {  	[sflag:s7] =	ssyncset.done $0x0  }
0x157: {  	s10 =	sadd.s32 s9, s3;
	[sflag:s7] =	ssyncadd.s32 $0xFFFFF000  }
0x158: {  	[hbm4b:s10+s1] =	stream.linear.scatter [tilespmem:s6], [sflag:$0x2], $0x640, $0x38;
	[tilespmem:$0x1F400] =	vst v63  }
0x159: {  	s12 =	simm.s32 $0x6A40;
	s11 =	sadd.s32 $0xC8, s10  }
0x15a: {  	[hbm4b:s11+s1] =	stream.linear.scatter [tilespmem:s12], [sflag:$0x2], $0x640, $0x38;
	[tilespmem:$0x1F400] =	vst v63  }
0x15b: {  	_ =	swait.ge [sflag:s7], $0x1000  }
0x15c: {  	[sflag:s7] =	ssyncset.done $0x0  }
0x15d: {  	s10 =	sadd.s32 $0x190, s10;
	s12 =	simm.s32 $0x7080;
	[sflag:s7] =	ssyncadd.s32 $0xFFFFF000  }
0x15e: {  	[hbm4b:s10+s1] =	stream.linear.scatter [tilespmem:s12], [sflag:$0x2], $0x640, $0x38;
	[tilespmem:$0x1F400] =	vst v63  }
0x15f: {  	s11 =	sadd.s32 s9, s2;
	s12 =	simm.s32 $0x76C0  }
0x160: {  	[hbm4b:s11+s1] =	stream.linear.scatter [tilespmem:s12], [sflag:$0x2], $0x640, $0x38;
	[tilespmem:$0x1F400] =	vst v63  }
0x161: {  	s11 =	sadd.s32 s9, s0;
	s12 =	simm.s32 $0x7D00  }
0x162: {  	[hbm4b:s11+s1] =	stream.linear.scatter [tilespmem:s12], [sflag:$0x2], $0x640, $0x38;
	[tilespmem:$0x1F400] =	vst v63  }
0x163: {  	_ =	swait.ge [sflag:s7], $0x1000  }
0x164: {  	[sflag:s7] =	ssyncset.done $0x0  }
0x165: {  	s11 =	sadd.s32 s9, s31;
	s12 =	simm.s32 $0x8340;
	[sflag:s7] =	ssyncadd.s32 $0xFFFFF000  }
0x166: {  	[hbm4b:s11+s1] =	stream.linear.scatter [tilespmem:s12], [sflag:$0x2], $0x640, $0x38;
	[tilespmem:$0x1F400] =	vst v63  }
0x167: {  	s11 =	sadd.s32 s9, s30;
	s12 =	simm.s32 $0x8980  }
0x168: {  	[hbm4b:s11+s1] =	stream.linear.scatter [tilespmem:s12], [sflag:$0x2], $0x640, $0x38;
	[tilespmem:$0x1F400] =	vst v63  }
0x169: {  	_ =	swait.ge [sflag:s7], $0x1000  }
0x16a: {  	[sflag:s7] =	ssyncset.done $0x0  }
0x16b: {  	s11 =	sadd.s32 s9, s29;
	s12 =	simm.s32 $0x8FC0;
	[sflag:s7] =	ssyncadd.s32 $0xFFFFF000  }
0x16c: {  	[hbm4b:s11+s1] =	stream.linear.scatter [tilespmem:s12], [sflag:$0x2], $0x640, $0x38;
	[tilespmem:$0x1F400] =	vst v63  }
0x16d: {  	s11 =	sadd.s32 s9, s28;
	s12 =	simm.s32 $0x9600  }
0x16e: {  	[hbm4b:s11+s1] =	stream.linear.scatter [tilespmem:s12], [sflag:$0x2], $0x640, $0x38;
	[tilespmem:$0x1F400] =	vst v63  }
0x16f: {  	s11 =	sadd.s32 s9, s26;
	s12 =	simm.s32 $0x9C40  }
0x170: {  	[hbm4b:s11+s1] =	stream.linear.scatter [tilespmem:s12], [sflag:$0x2], $0x640, $0x38;
	[tilespmem:$0x1F400] =	vst v63  }
0x171: {  	_ =	swait.ge [sflag:s7], $0x1000  }
0x172: {  	[sflag:s7] =	ssyncset.done $0x0  }
0x173: {  	s11 =	sadd.s32 s9, s25;
	s12 =	simm.s32 $0xA280;
	[sflag:s7] =	ssyncadd.s32 $0xFFFFF000  }
0x174: {  	[hbm4b:s11+s1] =	stream.linear.scatter [tilespmem:s12], [sflag:$0x2], $0x640, $0x38;
	[tilespmem:$0x1F400] =	vst v63  }
0x175: {  	s11 =	sadd.s32 s9, s24;
	s12 =	simm.s32 $0xA8C0  }
0x176: {  	[hbm4b:s11+s1] =	stream.linear.scatter [tilespmem:s12], [sflag:$0x2], $0x640, $0x38;
	[tilespmem:$0x1F400] =	vst v63  }
0x177: {  	_ =	swait.ge [sflag:s7], $0x1000  }
0x178: {  	[sflag:s7] =	ssyncset.done $0x0  }
0x179: {  	s11 =	sadd.s32 s9, s23;
	s12 =	simm.s32 $0xAF00;
	[sflag:s7] =	ssyncadd.s32 $0xFFFFF000  }
0x17a: {  	[hbm4b:s11+s1] =	stream.linear.scatter [tilespmem:s12], [sflag:$0x2], $0x640, $0x38;
	[tilespmem:$0x1F400] =	vst v63  }
0x17b: {  	s11 =	sadd.s32 s9, s22;
	s12 =	simm.s32 $0xB540  }
0x17c: {  	[hbm4b:s11+s1] =	stream.linear.scatter [tilespmem:s12], [sflag:$0x2], $0x640, $0x38;
	[tilespmem:$0x1F400] =	vst v63  }
0x17d: {  	s11 =	sadd.s32 s9, s21;
	s12 =	simm.s32 $0xBB80  }
0x17e: {  	[hbm4b:s11+s1] =	stream.linear.scatter [tilespmem:s12], [sflag:$0x2], $0x640, $0x38;
	[tilespmem:$0x1F400] =	vst v63  }
0x17f: {  	_ =	swait.ge [sflag:s7], $0x1000  }
0x180: {  	[sflag:s7] =	ssyncset.done $0x0  }
0x181: {  	s11 =	sadd.s32 s9, s20;
	s12 =	simm.s32 $0xC1C0;
	[sflag:s7] =	ssyncadd.s32 $0xFFFFF000  }
0x182: {  	[hbm4b:s11+s1] =	stream.linear.scatter [tilespmem:s12], [sflag:$0x2], $0x640, $0x38;
	[tilespmem:$0x1F400] =	vst v63  }
0x183: {  	s11 =	sadd.s32 s9, s19;
	s12 =	simm.s32 $0xC800  }
0x184: {  	[hbm4b:s11+s1] =	stream.linear.scatter [tilespmem:s12], [sflag:$0x2], $0x640, $0x38;
	[tilespmem:$0x1F400] =	vst v63  }
0x185: {  	_ =	swait.ge [sflag:s7], $0x1000  }
0x186: {  	[sflag:s7] =	ssyncset.done $0x0  }
0x187: {  	s11 =	sadd.s32 s9, s18;
	s12 =	simm.s32 $0xCE40;
	[sflag:s7] =	ssyncadd.s32 $0xFFFFF000  }
0x188: {  	[hbm4b:s11+s1] =	stream.linear.scatter [tilespmem:s12], [sflag:$0x2], $0x640, $0x38;
	[tilespmem:$0x1F400] =	vst v63  }
0x189: {  	s11 =	sadd.s32 s9, s17;
	s12 =	simm.s32 $0xD480  }
0x18a: {  	[hbm4b:s11+s1] =	stream.linear.scatter [tilespmem:s12], [sflag:$0x2], $0x640, $0x38;
	[tilespmem:$0x1F400] =	vst v63  }
0x18b: {  	s11 =	sadd.s32 s9, s16;
	s12 =	simm.s32 $0xDAC0  }
0x18c: {  	[hbm4b:s11+s1] =	stream.linear.scatter [tilespmem:s12], [sflag:$0x2], $0x640, $0x38;
	[tilespmem:$0x1F400] =	vst v63  }
0x18d: {  	_ =	swait.ge [sflag:s7], $0x1000  }
0x18e: {  	[sflag:s7] =	ssyncset.done $0x0  }
0x18f: {  	s11 =	sadd.s32 s9, s15;
	s12 =	simm.s32 $0xE100;
	[sflag:s7] =	ssyncadd.s32 $0xFFFFF000  }
0x190: {  	[hbm4b:s11+s1] =	stream.linear.scatter [tilespmem:s12], [sflag:$0x2], $0x640, $0x38;
	[tilespmem:$0x1F400] =	vst v63  }
0x191: {  	s11 =	sadd.s32 s9, s14;
	s12 =	simm.s32 $0xE740  }
0x192: {  	[hbm4b:s11+s1] =	stream.linear.scatter [tilespmem:s12], [sflag:$0x2], $0x640, $0x38;
	[tilespmem:$0x1F400] =	vst v63  }
0x193: {  	s11 =	sadd.s32 s9, s13;
	s12 =	simm.s32 $0xED80  }
0x194: {  	[hbm4b:s11+s1] =	stream.linear.scatter [tilespmem:s12], [sflag:$0x2], $0x640, $0x38;
	[tilespmem:$0x1F400] =	vst v63  }
0x195: {  	_ =	swait.ge [sflag:s7], $0x1000  }
0x196: {  	s11 =	sld [smem:$0x7FB];
	_ =	sdelay $0x2  }
0x197: {  	[sflag:s7] =	ssyncset.done $0x0;
	s10 =	sadd.s32 s9, s11;
	s11 =	sld [smem:$0x7FA]  }
0x198: {  	s12 =	simm.s32 $0xF3C0;
	[sflag:s7] =	ssyncadd.s32 $0xFFFFF000  }
0x199: {  	[hbm4b:s10+s1] =	stream.linear.scatter [tilespmem:s12], [sflag:$0x2], $0x640, $0x38;
	[tilespmem:$0x1F400] =	vst v63  }
0x19a: {  	s12 =	simm.s32 $0xFA00;
	s10 =	sadd.s32 s9, s11  }
0x19b: {  	[hbm4b:s10+s1] =	stream.linear.scatter [tilespmem:s12], [sflag:$0x2], $0x640, $0x38;
	[tilespmem:$0x1F400] =	vst v63  }
0x19c: {  	_ =	swait.ge [sflag:s7], $0x1000  }
0x19d: {  	s11 =	sld [smem:$0x7F9];
	_ =	sdelay $0x2  }
0x19e: {  	[sflag:s7] =	ssyncset.done $0x0;
	s10 =	sadd.s32 s9, s11;
	s11 =	sld [smem:$0x7F8]  }
0x19f: {  	s12 =	simm.s32 $0x10040;
	[sflag:s7] =	ssyncadd.s32 $0xFFFFF000  }
0x1a0: {  	[hbm4b:s10+s1] =	stream.linear.scatter [tilespmem:s12], [sflag:$0x2], $0x640, $0x38;
	[tilespmem:$0x1F400] =	vst v63  }
0x1a1: {  	s10 =	sadd.s32 s9, s11;
	s11 =	sld [smem:$0x7F7]  }
0x1a2: {  	s12 =	simm.s32 $0x10680  }
0x1a3: {  	[hbm4b:s10+s1] =	stream.linear.scatter [tilespmem:s12], [sflag:$0x2], $0x640, $0x38;
	[tilespmem:$0x1F400] =	vst v63  }
0x1a4: {  	s12 =	simm.s32 $0x10CC0;
	s10 =	sadd.s32 s9, s11  }
0x1a5: {  	[hbm4b:s10+s1] =	stream.linear.scatter [tilespmem:s12], [sflag:$0x2], $0x640, $0x38;
	[tilespmem:$0x1F400] =	vst v63  }
0x1a6: {  	_ =	swait.ge [sflag:s7], $0x1000  }
0x1a7: {  	s11 =	sld [smem:$0x7F6];
	_ =	sdelay $0x2  }
0x1a8: {  	[sflag:s7] =	ssyncset.done $0x0;
	s10 =	sadd.s32 s9, s11;
	s11 =	sld [smem:$0x7F5]  }
0x1a9: {  	s12 =	simm.s32 $0x11300;
	[sflag:s7] =	ssyncadd.s32 $0xFFFFF000  }
0x1aa: {  	[hbm4b:s10+s1] =	stream.linear.scatter [tilespmem:s12], [sflag:$0x2], $0x640, $0x38;
	[tilespmem:$0x1F400] =	vst v63  }
0x1ab: {  	s12 =	simm.s32 $0x11940;
	s10 =	sadd.s32 s9, s11  }
0x1ac: {  	[hbm4b:s10+s1] =	stream.linear.scatter [tilespmem:s12], [sflag:$0x2], $0x640, $0x38;
	[tilespmem:$0x1F400] =	vst v63  }
0x1ad: {  	_ =	swait.ge [sflag:s7], $0x1000  }
0x1ae: {  	s11 =	sld [smem:$0x7F4];
	_ =	sdelay $0x2  }
0x1af: {  	[sflag:s7] =	ssyncset.done $0x0;
	s10 =	sadd.s32 s9, s11;
	s11 =	sld [smem:$0x7F3]  }
0x1b0: {  	s12 =	simm.s32 $0x11F80;
	[sflag:s7] =	ssyncadd.s32 $0xFFFFF000  }
0x1b1: {  	[hbm4b:s10+s1] =	stream.linear.scatter [tilespmem:s12], [sflag:$0x2], $0x640, $0x38;
	[tilespmem:$0x1F400] =	vst v63  }
0x1b2: {  	s10 =	sadd.s32 s9, s11;
	s11 =	sld [smem:$0x7F2]  }
0x1b3: {  	s12 =	simm.s32 $0x125C0  }
0x1b4: {  	[hbm4b:s10+s1] =	stream.linear.scatter [tilespmem:s12], [sflag:$0x2], $0x640, $0x38;
	[tilespmem:$0x1F400] =	vst v63  }
0x1b5: {  	s12 =	simm.s32 $0x12C00;
	s10 =	sadd.s32 s9, s11  }
0x1b6: {  	[hbm4b:s10+s1] =	stream.linear.scatter [tilespmem:s12], [sflag:$0x2], $0x640, $0x38;
	[tilespmem:$0x1F400] =	vst v63  }
0x1b7: {  	_ =	swait.ge [sflag:s7], $0x1000  }
0x1b8: {  	s11 =	sld [smem:$0x7F1];
	_ =	sdelay $0x2  }
0x1b9: {  	[sflag:s7] =	ssyncset.done $0x0;
	s10 =	sadd.s32 s9, s11;
	s11 =	sld [smem:$0x7F0]  }
0x1ba: {  	s12 =	simm.s32 $0x13240;
	[sflag:s7] =	ssyncadd.s32 $0xFFFFF000  }
0x1bb: {  	[hbm4b:s10+s1] =	stream.linear.scatter [tilespmem:s12], [sflag:$0x2], $0x640, $0x38;
	[tilespmem:$0x1F400] =	vst v63  }
0x1bc: {  	s12 =	simm.s32 $0x13880;
	s10 =	sadd.s32 s9, s11  }
0x1bd: {  	[hbm4b:s10+s1] =	stream.linear.scatter [tilespmem:s12], [sflag:$0x2], $0x640, $0x38;
	[tilespmem:$0x1F400] =	vst v63  }
0x1be: {  	_ =	swait.ge [sflag:s7], $0x1000  }
0x1bf: {  	s12 =	simm.s32 $0x13EC0;
	[sflag:s7] =	ssyncset.done $0x0;
	s11 =	rddreg [dreg:$0x1f]  }
0x1c0: {  	[sflag:s7] =	ssyncadd.s32 $0xFFFFF000;
	s10 =	sadd.s32 s9, s11;
	s11 =	rddreg [dreg:$0x1e]  }
0x1c1: {  	[hbm4b:s10+s1] =	stream.linear.scatter [tilespmem:s12], [sflag:$0x2], $0x640, $0x38;
	[tilespmem:$0x1F400] =	vst v63  }
0x1c2: {  	s10 =	sadd.s32 s9, s11;
	s12 =	simm.s32 $0x14500;
	s11 =	rddreg [dreg:$0x1d]  }
0x1c3: {  	[hbm4b:s10+s1] =	stream.linear.scatter [tilespmem:s12], [sflag:$0x2], $0x640, $0x38;
	[tilespmem:$0x1F400] =	vst v63  }
0x1c4: {  	s10 =	sadd.s32 s9, s11;
	s12 =	simm.s32 $0x14B40  }
0x1c5: {  	[hbm4b:s10+s1] =	stream.linear.scatter [tilespmem:s12], [sflag:$0x2], $0x640, $0x38;
	[tilespmem:$0x1F400] =	vst v63  }
0x1c6: {  	_ =	swait.ge [sflag:s7], $0x1000  }
0x1c7: {  	s12 =	simm.s32 $0x15180;
	[sflag:s7] =	ssyncset.done $0x0;
	s11 =	rddreg [dreg:$0x1c]  }
0x1c8: {  	[sflag:s7] =	ssyncadd.s32 $0xFFFFF000;
	s10 =	sadd.s32 s9, s11;
	s11 =	rddreg [dreg:$0x1b]  }
0x1c9: {  	[hbm4b:s10+s1] =	stream.linear.scatter [tilespmem:s12], [sflag:$0x2], $0x640, $0x38;
	[tilespmem:$0x1F400] =	vst v63  }
0x1ca: {  	s10 =	sadd.s32 s9, s11;
	s12 =	simm.s32 $0x157C0  }
0x1cb: {  	[hbm4b:s10+s1] =	stream.linear.scatter [tilespmem:s12], [sflag:$0x2], $0x640, $0x38;
	[tilespmem:$0x1F400] =	vst v63  }
0x1cc: {  	_ =	swait.ge [sflag:s7], $0x1000  }
0x1cd: {  	s12 =	simm.s32 $0x15E00;
	[sflag:s7] =	ssyncset.done $0x0;
	s11 =	rddreg [dreg:$0x1a]  }
0x1ce: {  	[sflag:s7] =	ssyncadd.s32 $0xFFFFF000;
	s10 =	sadd.s32 s9, s11;
	s11 =	rddreg [dreg:$0x19]  }
0x1cf: {  	[hbm4b:s10+s1] =	stream.linear.scatter [tilespmem:s12], [sflag:$0x2], $0x640, $0x38;
	[tilespmem:$0x1F400] =	vst v63  }
0x1d0: {  	s10 =	sadd.s32 s9, s11;
	s12 =	simm.s32 $0x16440;
	s11 =	rddreg [dreg:$0x18]  }
0x1d1: {  	[hbm4b:s10+s1] =	stream.linear.scatter [tilespmem:s12], [sflag:$0x2], $0x640, $0x38;
	[tilespmem:$0x1F400] =	vst v63  }
0x1d2: {  	s10 =	sadd.s32 s9, s11;
	s12 =	simm.s32 $0x16A80  }
0x1d3: {  	[hbm4b:s10+s1] =	stream.linear.scatter [tilespmem:s12], [sflag:$0x2], $0x640, $0x38;
	[tilespmem:$0x1F400] =	vst v63  }
0x1d4: {  	_ =	swait.ge [sflag:s7], $0x1000  }
0x1d5: {  	s12 =	simm.s32 $0x170C0;
	[sflag:s7] =	ssyncset.done $0x0;
	s11 =	rddreg [dreg:$0x17]  }
0x1d6: {  	[sflag:s7] =	ssyncadd.s32 $0xFFFFF000;
	s10 =	sadd.s32 s9, s11;
	s11 =	rddreg [dreg:$0x16]  }
0x1d7: {  	[hbm4b:s10+s1] =	stream.linear.scatter [tilespmem:s12], [sflag:$0x2], $0x640, $0x38;
	[tilespmem:$0x1F400] =	vst v63  }
0x1d8: {  	s10 =	sadd.s32 s9, s11;
	s12 =	simm.s32 $0x17700;
	s11 =	rddreg [dreg:$0x15]  }
0x1d9: {  	[hbm4b:s10+s1] =	stream.linear.scatter [tilespmem:s12], [sflag:$0x2], $0x640, $0x38;
	[tilespmem:$0x1F400] =	vst v63  }
0x1da: {  	s10 =	sadd.s32 s9, s11;
	s12 =	simm.s32 $0x17D40  }
0x1db: {  	[hbm4b:s10+s1] =	stream.linear.scatter [tilespmem:s12], [sflag:$0x2], $0x640, $0x38;
	[tilespmem:$0x1F400] =	vst v63  }
0x1dc: {  	_ =	swait.ge [sflag:s7], $0x1000  }
0x1dd: {  	s12 =	simm.s32 $0x18380;
	[sflag:s7] =	ssyncset.done $0x0;
	s11 =	rddreg [dreg:$0x14]  }
0x1de: {  	[sflag:s7] =	ssyncadd.s32 $0xFFFFF000;
	s10 =	sadd.s32 s9, s11;
	s11 =	rddreg [dreg:$0x13]  }
0x1df: {  	[hbm4b:s10+s1] =	stream.linear.scatter [tilespmem:s12], [sflag:$0x2], $0x640, $0x38;
	[tilespmem:$0x1F400] =	vst v63  }
0x1e0: {  	s10 =	sadd.s32 s9, s11;
	s12 =	simm.s32 $0x189C0  }
0x1e1: {  	[hbm4b:s10+s1] =	stream.linear.scatter [tilespmem:s12], [sflag:$0x2], $0x640, $0x38;
	[tilespmem:$0x1F400] =	vst v63  }
0x1e2: {  	_ =	swait.ge [sflag:s7], $0x1000  }
0x1e3: {  	s12 =	simm.s32 $0x19000;
	[sflag:s7] =	ssyncset.done $0x0;
	s11 =	rddreg [dreg:$0x12]  }
0x1e4: {  	[sflag:s7] =	ssyncadd.s32 $0xFFFFF000;
	s10 =	sadd.s32 s9, s11;
	s11 =	rddreg [dreg:$0x11]  }
0x1e5: {  	[hbm4b:s10+s1] =	stream.linear.scatter [tilespmem:s12], [sflag:$0x2], $0x640, $0x38;
	[tilespmem:$0x1F400] =	vst v63  }
0x1e6: {  	s10 =	sadd.s32 s9, s11;
	s12 =	simm.s32 $0x19640;
	s11 =	rddreg [dreg:$0x10]  }
0x1e7: {  	[hbm4b:s10+s1] =	stream.linear.scatter [tilespmem:s12], [sflag:$0x2], $0x640, $0x38;
	[tilespmem:$0x1F400] =	vst v63  }
0x1e8: {  	s10 =	sadd.s32 s9, s11;
	s12 =	simm.s32 $0x19C80  }
0x1e9: {  	[hbm4b:s10+s1] =	stream.linear.scatter [tilespmem:s12], [sflag:$0x2], $0x640, $0x38;
	[tilespmem:$0x1F400] =	vst v63  }
0x1ea: {  	_ =	swait.ge [sflag:s7], $0x1000  }
0x1eb: {  	s12 =	simm.s32 $0x1A2C0;
	[sflag:s7] =	ssyncset.done $0x0;
	s11 =	rddreg [dreg:$0xf]  }
0x1ec: {  	[sflag:s7] =	ssyncadd.s32 $0xFFFFF000;
	s10 =	sadd.s32 s9, s11;
	s11 =	rddreg [dreg:$0xe]  }
0x1ed: {  	[hbm4b:s10+s1] =	stream.linear.scatter [tilespmem:s12], [sflag:$0x2], $0x640, $0x38;
	[tilespmem:$0x1F400] =	vst v63  }
0x1ee: {  	s10 =	sadd.s32 s9, s11;
	s12 =	simm.s32 $0x1A900  }
0x1ef: {  	[hbm4b:s10+s1] =	stream.linear.scatter [tilespmem:s12], [sflag:$0x2], $0x640, $0x38;
	[tilespmem:$0x1F400] =	vst v63  }
0x1f0: {  	_ =	swait.ge [sflag:s7], $0x1000  }
0x1f1: {  	s12 =	simm.s32 $0x1AF40;
	[sflag:s7] =	ssyncset.done $0x0;
	s11 =	rddreg [dreg:$0xd]  }
0x1f2: {  	[sflag:s7] =	ssyncadd.s32 $0xFFFFF000;
	s10 =	sadd.s32 s9, s11;
	s11 =	rddreg [dreg:$0xc]  }
0x1f3: {  	[hbm4b:s10+s1] =	stream.linear.scatter [tilespmem:s12], [sflag:$0x2], $0x640, $0x38;
	[tilespmem:$0x1F400] =	vst v63  }
0x1f4: {  	s10 =	sadd.s32 s9, s11;
	s12 =	simm.s32 $0x1B580;
	s11 =	rddreg [dreg:$0xb]  }
0x1f5: {  	[hbm4b:s10+s1] =	stream.linear.scatter [tilespmem:s12], [sflag:$0x2], $0x640, $0x38;
	[tilespmem:$0x1F400] =	vst v63  }
0x1f6: {  	s10 =	sadd.s32 s9, s11;
	s12 =	simm.s32 $0x1BBC0  }
0x1f7: {  	[hbm4b:s10+s1] =	stream.linear.scatter [tilespmem:s12], [sflag:$0x2], $0x640, $0x38;
	[tilespmem:$0x1F400] =	vst v63  }
0x1f8: {  	_ =	swait.ge [sflag:s7], $0x1000  }
0x1f9: {  	s12 =	simm.s32 $0x1C200;
	[sflag:s7] =	ssyncset.done $0x0;
	s11 =	rddreg [dreg:$0xa]  }
0x1fa: {  	[sflag:s7] =	ssyncadd.s32 $0xFFFFF000;
	s10 =	sadd.s32 s9, s11;
	s11 =	rddreg [dreg:$0x9]  }
0x1fb: {  	[hbm4b:s10+s1] =	stream.linear.scatter [tilespmem:s12], [sflag:$0x2], $0x640, $0x38;
	[tilespmem:$0x1F400] =	vst v63  }
0x1fc: {  	s10 =	sadd.s32 s9, s11;
	s12 =	simm.s32 $0x1C840  }
0x1fd: {  	[hbm4b:s10+s1] =	stream.linear.scatter [tilespmem:s12], [sflag:$0x2], $0x640, $0x38;
	[tilespmem:$0x1F400] =	vst v63  }
0x1fe: {  	_ =	swait.ge [sflag:s7], $0x1000  }
0x1ff: {  	s12 =	simm.s32 $0x1CE80;
	[sflag:s7] =	ssyncset.done $0x0;
	s11 =	rddreg [dreg:$0x8]  }
0x200: {  	[sflag:s7] =	ssyncadd.s32 $0xFFFFF000;
	s10 =	sadd.s32 s9, s11;
	s11 =	rddreg [dreg:$0x7]  }
0x201: {  	[hbm4b:s10+s1] =	stream.linear.scatter [tilespmem:s12], [sflag:$0x2], $0x640, $0x38;
	[tilespmem:$0x1F400] =	vst v63  }
0x202: {  	s10 =	sadd.s32 s9, s11;
	s12 =	simm.s32 $0x1D4C0;
	s11 =	rddreg [dreg:$0x6]  }
0x203: {  	[hbm4b:s10+s1] =	stream.linear.scatter [tilespmem:s12], [sflag:$0x2], $0x640, $0x38;
	[tilespmem:$0x1F400] =	vst v63  }
0x204: {  	s10 =	sadd.s32 s9, s11;
	s12 =	simm.s32 $0x1DB00  }
0x205: {  	[hbm4b:s10+s1] =	stream.linear.scatter [tilespmem:s12], [sflag:$0x2], $0x640, $0x38;
	[tilespmem:$0x1F400] =	vst v63  }
0x206: {  	_ =	swait.ge [sflag:s7], $0x1000  }
0x207: {  	s12 =	simm.s32 $0x1E140;
	[sflag:s7] =	ssyncset.done $0x0;
	s11 =	rddreg [dreg:$0x5]  }
0x208: {  	[sflag:s7] =	ssyncadd.s32 $0xFFFFF000;
	s10 =	sadd.s32 s9, s11;
	s11 =	rddreg [dreg:$0x4]  }
0x209: {  	[hbm4b:s10+s1] =	stream.linear.scatter [tilespmem:s12], [sflag:$0x2], $0x640, $0x38;
	[tilespmem:$0x1F400] =	vst v63  }
0x20a: {  	s10 =	sadd.s32 s9, s11;
	s12 =	simm.s32 $0x1E780;
	s11 =	rddreg [dreg:$0x3]  }
0x20b: {  	[hbm4b:s10+s1] =	stream.linear.scatter [tilespmem:s12], [sflag:$0x2], $0x640, $0x38;
	[tilespmem:$0x1F400] =	vst v63  }
0x20c: {  	s10 =	sadd.s32 s9, s11;
	s9 =	sadd.s32 $0x3200, s9  }
0x20d: {  	p0 =	sne.s32 s9, $0x19000  }
.Ltmp3:
0x20e: {  	_ = 	snop;
	(pc) =	sbr.rel @!p0 .LBB2_5-.Ltmp3, $3  }
0x20f: {  	_ =	sdelay $0x1  }
0x210: {  	s12 =	simm.s32 $0x1EDC0  }
0x211: {  	[hbm4b:s10+s1] =	stream.linear.scatter [tilespmem:s12], [sflag:$0x2], $0x640, $0x38;
	[tilespmem:$0x1F400] =	vst v63  }
.LBB2_2:
0x212: {  	p0 =	seq.s32 s9, $0x0  }
.Ltmp4:
0x213: {  	_ = 	snop;
	(pc) =	sbr.rel @p0 .LBB2_4-.Ltmp4, $1  }
0x214: {  	_ =	sdelay $0x3  }
0x215: {  	_ =	swait.ge [sflag:s8], $0x640  }
0x216: {  	[sflag:s8] =	ssyncset.done $0x0  }
0x217: {  	[sflag:s8] =	ssyncadd.s32 $0xFFFFF9C0  }
0x218: {  	_ =	swait.ge [sflag:s8], $0x640  }
0x219: {  	[sflag:s8] =	ssyncset.done $0x0  }
0x21a: {  	[sflag:s8] =	ssyncadd.s32 $0xFFFFF9C0  }
0x21b: {  	_ =	swait.ge [sflag:s8], $0x640  }
0x21c: {  	[sflag:s8] =	ssyncset.done $0x0  }
0x21d: {  	[sflag:s8] =	ssyncadd.s32 $0xFFFFF9C0  }
0x21e: {  	_ =	swait.ge [sflag:s8], $0x640  }
0x21f: {  	[sflag:s8] =	ssyncset.done $0x0  }
0x220: {  	[sflag:s8] =	ssyncadd.s32 $0xFFFFF9C0  }
0x221: {  	_ =	swait.ge [sflag:s8], $0x640  }
0x222: {  	[sflag:s8] =	ssyncset.done $0x0  }
0x223: {  	[sflag:s8] =	ssyncadd.s32 $0xFFFFF9C0  }
0x224: {  	_ =	swait.ge [sflag:s8], $0x640  }
0x225: {  	[sflag:s8] =	ssyncset.done $0x0  }
0x226: {  	[sflag:s8] =	ssyncadd.s32 $0xFFFFF9C0  }
0x227: {  	_ =	swait.ge [sflag:s8], $0x640  }
0x228: {  	[sflag:s8] =	ssyncset.done $0x0  }
0x229: {  	[sflag:s8] =	ssyncadd.s32 $0xFFFFF9C0  }
0x22a: {  	_ =	swait.ge [sflag:s8], $0x640  }
0x22b: {  	[sflag:s8] =	ssyncset.done $0x0  }
0x22c: {  	[sflag:s8] =	ssyncadd.s32 $0xFFFFF9C0  }
0x22d: {  	_ =	swait.ge [sflag:s8], $0x640  }
0x22e: {  	[sflag:s8] =	ssyncset.done $0x0  }
0x22f: {  	[sflag:s8] =	ssyncadd.s32 $0xFFFFF9C0  }
0x230: {  	_ =	swait.ge [sflag:s8], $0x640  }
0x231: {  	[sflag:s8] =	ssyncset.done $0x0  }
0x232: {  	[sflag:s8] =	ssyncadd.s32 $0xFFFFF9C0  }
0x233: {  	_ =	swait.ge [sflag:s8], $0x640  }
0x234: {  	[sflag:s8] =	ssyncset.done $0x0  }
0x235: {  	[sflag:s8] =	ssyncadd.s32 $0xFFFFF9C0  }
0x236: {  	_ =	swait.ge [sflag:s8], $0x640  }
0x237: {  	[sflag:s8] =	ssyncset.done $0x0  }
0x238: {  	[sflag:s8] =	ssyncadd.s32 $0xFFFFF9C0  }
0x239: {  	_ =	swait.ge [sflag:s8], $0x640  }
0x23a: {  	[sflag:s8] =	ssyncset.done $0x0  }
0x23b: {  	[sflag:s8] =	ssyncadd.s32 $0xFFFFF9C0  }
0x23c: {  	_ =	swait.ge [sflag:s8], $0x640  }
0x23d: {  	[sflag:s8] =	ssyncset.done $0x0  }
0x23e: {  	[sflag:s8] =	ssyncadd.s32 $0xFFFFF9C0  }
0x23f: {  	_ =	swait.ge [sflag:s8], $0x640  }
0x240: {  	[sflag:s8] =	ssyncset.done $0x0  }
0x241: {  	[sflag:s8] =	ssyncadd.s32 $0xFFFFF9C0  }
0x242: {  	_ =	swait.ge [sflag:s8], $0x640  }
0x243: {  	[sflag:s8] =	ssyncset.done $0x0  }
0x244: {  	[sflag:s8] =	ssyncadd.s32 $0xFFFFF9C0  }
0x245: {  	_ =	swait.ge [sflag:s8], $0x640  }
0x246: {  	[sflag:s8] =	ssyncset.done $0x0  }
0x247: {  	[sflag:s8] =	ssyncadd.s32 $0xFFFFF9C0  }
0x248: {  	_ =	swait.ge [sflag:s8], $0x640  }
0x249: {  	[sflag:s8] =	ssyncset.done $0x0  }
0x24a: {  	[sflag:s8] =	ssyncadd.s32 $0xFFFFF9C0  }
0x24b: {  	_ =	swait.ge [sflag:s8], $0x640  }
0x24c: {  	[sflag:s8] =	ssyncset.done $0x0  }
0x24d: {  	[sflag:s8] =	ssyncadd.s32 $0xFFFFF9C0  }
0x24e: {  	_ =	swait.ge [sflag:s8], $0x640  }
0x24f: {  	[sflag:s8] =	ssyncset.done $0x0  }
0x250: {  	[sflag:s8] =	ssyncadd.s32 $0xFFFFF9C0  }
0x251: {  	_ =	swait.ge [sflag:s8], $0x640  }
0x252: {  	[sflag:s8] =	ssyncset.done $0x0  }
0x253: {  	[sflag:s8] =	ssyncadd.s32 $0xFFFFF9C0  }
0x254: {  	_ =	swait.ge [sflag:s8], $0x640  }
0x255: {  	[sflag:s8] =	ssyncset.done $0x0  }
0x256: {  	[sflag:s8] =	ssyncadd.s32 $0xFFFFF9C0  }
0x257: {  	_ =	swait.ge [sflag:s8], $0x640  }
0x258: {  	[sflag:s8] =	ssyncset.done $0x0  }
0x259: {  	[sflag:s8] =	ssyncadd.s32 $0xFFFFF9C0  }
0x25a: {  	_ =	swait.ge [sflag:s8], $0x640  }
0x25b: {  	[sflag:s8] =	ssyncset.done $0x0  }
0x25c: {  	[sflag:s8] =	ssyncadd.s32 $0xFFFFF9C0  }
0x25d: {  	_ =	swait.ge [sflag:s8], $0x640  }
0x25e: {  	[sflag:s8] =	ssyncset.done $0x0  }
0x25f: {  	[sflag:s8] =	ssyncadd.s32 $0xFFFFF9C0  }
0x260: {  	_ =	swait.ge [sflag:s8], $0x640  }
0x261: {  	[sflag:s8] =	ssyncset.done $0x0  }
0x262: {  	[sflag:s8] =	ssyncadd.s32 $0xFFFFF9C0  }
0x263: {  	_ =	swait.ge [sflag:s8], $0x640  }
0x264: {  	[sflag:s8] =	ssyncset.done $0x0  }
0x265: {  	[sflag:s8] =	ssyncadd.s32 $0xFFFFF9C0  }
0x266: {  	_ =	swait.ge [sflag:s8], $0x640  }
0x267: {  	[sflag:s8] =	ssyncset.done $0x0  }
0x268: {  	[sflag:s8] =	ssyncadd.s32 $0xFFFFF9C0  }
0x269: {  	_ =	swait.ge [sflag:s8], $0x640  }
0x26a: {  	[sflag:s8] =	ssyncset.done $0x0  }
0x26b: {  	[sflag:s8] =	ssyncadd.s32 $0xFFFFF9C0  }
0x26c: {  	_ =	swait.ge [sflag:s8], $0x640  }
0x26d: {  	[sflag:s8] =	ssyncset.done $0x0  }
0x26e: {  	[sflag:s8] =	ssyncadd.s32 $0xFFFFF9C0  }
0x26f: {  	_ =	swait.ge [sflag:s8], $0x640  }
0x270: {  	[sflag:s8] =	ssyncset.done $0x0  }
0x271: {  	[sflag:s8] =	ssyncadd.s32 $0xFFFFF9C0  }
0x272: {  	_ =	swait.ge [sflag:s8], $0x640  }
0x273: {  	[sflag:s8] =	ssyncset.done $0x0  }
0x274: {  	[sflag:s8] =	ssyncadd.s32 $0xFFFFF9C0  }
0x275: {  	_ =	swait.ge [sflag:s8], $0x640  }
0x276: {  	[sflag:s8] =	ssyncset.done $0x0  }
0x277: {  	[sflag:s8] =	ssyncadd.s32 $0xFFFFF9C0  }
0x278: {  	_ =	swait.ge [sflag:s8], $0x640  }
0x279: {  	[sflag:s8] =	ssyncset.done $0x0  }
0x27a: {  	[sflag:s8] =	ssyncadd.s32 $0xFFFFF9C0  }
0x27b: {  	_ =	swait.ge [sflag:s8], $0x640  }
0x27c: {  	[sflag:s8] =	ssyncset.done $0x0  }
0x27d: {  	[sflag:s8] =	ssyncadd.s32 $0xFFFFF9C0  }
0x27e: {  	_ =	swait.ge [sflag:s8], $0x640  }
0x27f: {  	[sflag:s8] =	ssyncset.done $0x0  }
0x280: {  	[sflag:s8] =	ssyncadd.s32 $0xFFFFF9C0  }
0x281: {  	_ =	swait.ge [sflag:s8], $0x640  }
0x282: {  	[sflag:s8] =	ssyncset.done $0x0  }
0x283: {  	[sflag:s8] =	ssyncadd.s32 $0xFFFFF9C0  }
0x284: {  	_ =	swait.ge [sflag:s8], $0x640  }
0x285: {  	[sflag:s8] =	ssyncset.done $0x0  }
0x286: {  	[sflag:s8] =	ssyncadd.s32 $0xFFFFF9C0  }
0x287: {  	_ =	swait.ge [sflag:s8], $0x640  }
0x288: {  	[sflag:s8] =	ssyncset.done $0x0  }
0x289: {  	[sflag:s8] =	ssyncadd.s32 $0xFFFFF9C0  }
0x28a: {  	_ =	swait.ge [sflag:s8], $0x640  }
0x28b: {  	[sflag:s8] =	ssyncset.done $0x0  }
0x28c: {  	[sflag:s8] =	ssyncadd.s32 $0xFFFFF9C0  }
0x28d: {  	_ =	swait.ge [sflag:s8], $0x640  }
0x28e: {  	[sflag:s8] =	ssyncset.done $0x0  }
0x28f: {  	[sflag:s8] =	ssyncadd.s32 $0xFFFFF9C0  }
0x290: {  	_ =	swait.ge [sflag:s8], $0x640  }
0x291: {  	[sflag:s8] =	ssyncset.done $0x0  }
0x292: {  	[sflag:s8] =	ssyncadd.s32 $0xFFFFF9C0  }
0x293: {  	_ =	swait.ge [sflag:s8], $0x640  }
0x294: {  	[sflag:s8] =	ssyncset.done $0x0  }
0x295: {  	[sflag:s8] =	ssyncadd.s32 $0xFFFFF9C0  }
0x296: {  	_ =	swait.ge [sflag:s8], $0x640  }
0x297: {  	[sflag:s8] =	ssyncset.done $0x0  }
0x298: {  	[sflag:s8] =	ssyncadd.s32 $0xFFFFF9C0  }
0x299: {  	_ =	swait.ge [sflag:s8], $0x640  }
0x29a: {  	[sflag:s8] =	ssyncset.done $0x0  }
0x29b: {  	[sflag:s8] =	ssyncadd.s32 $0xFFFFF9C0  }
0x29c: {  	_ =	swait.ge [sflag:s8], $0x640  }
0x29d: {  	[sflag:s8] =	ssyncset.done $0x0  }
0x29e: {  	[sflag:s8] =	ssyncadd.s32 $0xFFFFF9C0  }
0x29f: {  	_ =	swait.ge [sflag:s8], $0x640  }
0x2a0: {  	[sflag:s8] =	ssyncset.done $0x0  }
0x2a1: {  	[sflag:s8] =	ssyncadd.s32 $0xFFFFF9C0  }
0x2a2: {  	_ =	swait.ge [sflag:s8], $0x640  }
0x2a3: {  	[sflag:s8] =	ssyncset.done $0x0  }
0x2a4: {  	[sflag:s8] =	ssyncadd.s32 $0xFFFFF9C0  }
0x2a5: {  	_ =	swait.ge [sflag:s8], $0x640  }
0x2a6: {  	[sflag:s8] =	ssyncset.done $0x0  }
0x2a7: {  	[sflag:s8] =	ssyncadd.s32 $0xFFFFF9C0  }
0x2a8: {  	_ =	swait.ge [sflag:s8], $0x640  }
0x2a9: {  	[sflag:s8] =	ssyncset.done $0x0  }
0x2aa: {  	[sflag:s8] =	ssyncadd.s32 $0xFFFFF9C0  }
0x2ab: {  	_ =	swait.ge [sflag:s8], $0x640  }
0x2ac: {  	[sflag:s8] =	ssyncset.done $0x0  }
0x2ad: {  	[sflag:s8] =	ssyncadd.s32 $0xFFFFF9C0  }
0x2ae: {  	_ =	swait.ge [sflag:s8], $0x640  }
0x2af: {  	[sflag:s8] =	ssyncset.done $0x0  }
0x2b0: {  	[sflag:s8] =	ssyncadd.s32 $0xFFFFF9C0  }
0x2b1: {  	_ =	swait.ge [sflag:s8], $0x640  }
0x2b2: {  	[sflag:s8] =	ssyncset.done $0x0  }
0x2b3: {  	[sflag:s8] =	ssyncadd.s32 $0xFFFFF9C0  }
0x2b4: {  	_ =	swait.ge [sflag:s8], $0x640  }
0x2b5: {  	[sflag:s8] =	ssyncset.done $0x0  }
0x2b6: {  	[sflag:s8] =	ssyncadd.s32 $0xFFFFF9C0  }
0x2b7: {  	_ =	swait.ge [sflag:s8], $0x640  }
0x2b8: {  	[sflag:s8] =	ssyncset.done $0x0  }
0x2b9: {  	[sflag:s8] =	ssyncadd.s32 $0xFFFFF9C0  }
0x2ba: {  	_ =	swait.ge [sflag:s8], $0x640  }
0x2bb: {  	[sflag:s8] =	ssyncset.done $0x0  }
0x2bc: {  	[sflag:s8] =	ssyncadd.s32 $0xFFFFF9C0  }
0x2bd: {  	_ =	swait.ge [sflag:s8], $0x640  }
0x2be: {  	[sflag:s8] =	ssyncset.done $0x0  }
0x2bf: {  	[sflag:s8] =	ssyncadd.s32 $0xFFFFF9C0  }
0x2c0: {  	_ =	swait.ge [sflag:s8], $0x640  }
0x2c1: {  	[sflag:s8] =	ssyncset.done $0x0  }
0x2c2: {  	[sflag:s8] =	ssyncadd.s32 $0xFFFFF9C0  }
0x2c3: {  	_ =	swait.ge [sflag:s8], $0x640  }
0x2c4: {  	[sflag:s8] =	ssyncset.done $0x0  }
0x2c5: {  	[sflag:s8] =	ssyncadd.s32 $0xFFFFF9C0  }
0x2c6: {  	_ =	swait.ge [sflag:s8], $0x640  }
0x2c7: {  	[sflag:s8] =	ssyncset.done $0x0  }
0x2c8: {  	[sflag:s8] =	ssyncadd.s32 $0xFFFFF9C0  }
0x2c9: {  	_ =	swait.ge [sflag:s8], $0x640  }
0x2ca: {  	[sflag:s8] =	ssyncset.done $0x0  }
0x2cb: {  	[sflag:s8] =	ssyncadd.s32 $0xFFFFF9C0  }
0x2cc: {  	_ =	swait.ge [sflag:s8], $0x640  }
0x2cd: {  	[sflag:s8] =	ssyncset.done $0x0  }
0x2ce: {  	[sflag:s8] =	ssyncadd.s32 $0xFFFFF9C0  }
0x2cf: {  	_ =	swait.ge [sflag:s8], $0x640  }
.Ltmp5:
0x2d0: {  	[sflag:s8] =	ssyncset.done $0x0;
	(pc) =	sbr.rel .LBB2_4-.Ltmp5, $4  }
0x2d1: {  	[sflag:s8] =	ssyncadd.s32 $0xFFFFF9C0  }
0x2d2: {  	_ =	swait.ge [sflag:s8], $0x640  }
0x2d3: {  	[sflag:s8] =	ssyncset.done $0x0  }
0x2d4: {  	[sflag:s8] =	ssyncadd.s32 $0xFFFFF9C0  }
.LBB2_6:
0x2d5: {  	_ =	sfence.sel $0x180000  }
0x2d6: {  	[bflag:$0x0] =	sbarrier.arrive $0xFFFF  }
0x2d7: {  	_ =	strace $0x90000047  }
0x2d8: {  	s0 =	stileid.u32;
	[bflag:$0x2] =	sbarrier.arrive $0xFFFF  }
0x2d9: {  	p0 =	sne.s32 s0, $0x0;
	s0 =	rddreg [dreg:$0x2]  }
0x2da: {  	s0 =	sadd.s32 @!p0 $0x100000, s0  }
0x2db: {  	[sflag:s0] =	ssyncadd.tile.s32 @!p0 $0x1;
	_ =	shalt  }
.Lfunc_end2:
_tile_overlayer_lowered:
.L_overlay_start_2:
0x2dc: {  	(tag) =	ssettag $0x2  }
0x2dd: {  	s0 =	rddreg [dreg:$0x0];
	s2 =	stileid.u32  }
0x2de: {  	s1 =	rddreg [dreg:$0x1];
	p0 =	sne.s32 s2, $0x0  }
0x2df: {  	s3 =	rddreg [dreg:$0x2];
	[bflag:$0x3] =	sbarrier.arrive $0xFFFF;
	s2 =	simm.s32 @!p0 $0x1C03  }
0x2e0: {  	[timem:s3], [sflag:s2] =	dma.local @!p0 [hbm:s0], s1  }
0x2e1: {  	s0 =	simm.s32 @!p0 $0x3  }
0x2e2: {  	_ =	swait.ge @!p0 [sflag:s0], s1  }
0x2e3: {  	s1 =	ssub.s32 @!p0 $0x0, s1;
	[sflag:s0] =	ssyncset.done @!p0 $0x0  }
0x2e4: {  	[sflag:s0] =	ssyncadd.s32 @!p0 s1  }
0x2e5: {  	[bflag:$0x3] =	sbarrier.arrive $0xFFFF  }
0x2e6: {  	_ =	shalt  }

// kernel: sparse-core-data-format-call.cloned.1.call-start
scs
called_computation_lowered:
.L_overlay_start_0:
0x0: {  	s2 =	sld [smem:$0x3FD9]  }
0x1: {  	s3 =	sld [smem:$0x3FFE];
	_ =	sdelay $0x1  }
0x2: {  	s1 =	srdreg.scid  }
0x3: {  	s0 =	sand.u32 $0x1, s1  }
0x4: {  	s18 =	sshll.u32 s0, $0xA;
	s2 =	sadd.s32 s3, s2  }
0x5: {  	s2 =	sadd.s32 s2, s18  }
0x6: {  	[smem:$0x3FC6] =	sst s2  }
0x7: {  	_ = 	snop  }
0x8: {  	s2 =	sld [smem:$0x3FD0];
	(tm) =	ssettm $0x1  }
0x9: {  	s19 =	sld [smem:$0x3FFB];
	_ =	sdelay $0x3  }
0xa: {  	_ =	strace s19  }
0xb: {  	s3 =	sld [smem:$0x3FFC];
	_ =	sdelay $0x3  }
0xc: {  	_ =	strace s3  }
0xd: {  	s3 =	sld [smem:$0x3FFD];
	_ =	sdelay $0x3  }
0xe: {  	_ =	strace s3  }
0xf: {  	_ =	strace $0x8FFFFFFF  }
0x10: {  	s20 =	sld [smem:$0x3FDB];
	_ =	sdelay $0x1  }
0x11: {  	s4 =	simm.s32 $_scs_section_size  }
0x12: {  	s5 =	simm.s32 $_size__tile_overlayer_lowered;
	s6 =	simm.s32 $_tile_overlayer_lowered  }
0x13: {  	s23 =	simm.s32 $0x1BFF;
	s22 =	sshll.u32 s6, $0x1;
	s3 =	sadd.s32 s4, s20  }
0x14: {  	s7 =	simm.s32 $0x0;
	s21 =	sshll.u32 s5, $0x1;
	s5 =	sadd.s32 s22, s3  }
0x15: {  	[timem:s7], [sflag:s23] =	dma.local [hbm:s5], s21  }
0x16: {  	_ =	swait.ge [sflag:s23], s21  }
0x17: {  	s4 =	ssub.s32 $0x0, s21;
	[sflag:s23] =	ssyncset.done $0x0  }
0x18: {  	[sflag:s23] =	ssyncadd.s32 s4;
	_ =	sdelay $0x1  }
0x19: {  	s24 =	simm.s32 $0x1B8B  }
0x1a: {  	_ =	swait.ge [sflag:s24], $0x1  }
0x1b: {  	[sflag:s24] =	ssyncset.done $0x0  }
0x1c: {  	s26 =	simm.s32 $0x1B8E;
	s25 =	sld [smem:$0x3FFE];
	[sflag:s24] =	ssyncadd.s32 $0xFFFFFFFF  }
0x1d: {  	s27 =	simm.s32 $execute0_lowered;
	[smem:$0x3FD2] =	sst s26  }
0x1e: {  	s5 =	sshll.u32 s27, $0x1;
	_ =	strace $0x80000049;
	[dreg:$0x1] =	wrdreg $0xFFFFFFFF  }
0x1f: {  	s28 =	simm.s32 $_size_execute0_lowered;
	s3 =	sadd.s32 s3, s5;
	[dreg:$0x0] =	wrdreg $0x0  }
0x20: {  	s5 =	sshll.u32 s28, $0x1;
	[dreg:$0x2] =	wrdreg s3  }
0x21: {  	[dreg:$0x3] =	wrdreg s5  }
0x22: {  	[dreg:$0x4] =	wrdreg $0xC0  }
0x23: {  	_ =	task [dreg:s7], $0x5FFFF  }
0x24: {  	[dreg:$0x1] =	wrdreg $0xFFFFFFFF  }
0x25: {  	[dreg:$0x0] =	wrdreg $0x60  }
0x26: {  	[dreg:$0x2] =	wrdreg s25  }
0x27: {  	[dreg:$0x3] =	wrdreg s2  }
0x28: {  	[dreg:$0x4] =	wrdreg $0x9  }
0x29: {  	_ =	task.clear_ibuf [dreg:s7], $0x5FFFF;
	_ =	strace $0x90000049  }
0x2a: {  	s29 =	simm.s32 $0x9;
	_ =	strace $0x8000004B  }
0x2b: {  	_ =	swait.ge [sflag:s29], $0x1  }
0x2c: {  	[sflag:s29] =	ssyncadd.s32 $0xFFFFFFFF  }
0x2d: {  	_ =	strace $0x9000004B  }
0x2e: {  	_ =	sfence  }
0x2f: {  	s30 =	sld [smem:$0x0];
	_ =	sdelay $0x2  }
0x30: {  	s31 =	sshll.u32 s1, $0xD;
	s1 =	sshrl.u32 s1, $0x2  }
0x31: {  	s3 =	sand.u32 $0x4000, s31;
	s1 =	sadd.s32 s1, s30  }
0x32: {  	s0 =	sor.u32 s3, s0;
	s1 =	sshll.u32 s1, $0x11  }
0x33: {  	s0 =	sor.u32 s1, s0  }
0x34: {  	s0 =	sadd.s32 $0x8F2B, s0  }
0x35: {  	[sflag:s0] =	ssyncadd.remote.s32 $0x1  }
0x36: {  	_ =	sfence.sel $0xFFFF  }
0x37: {  	[dreg:$0x0] =	wrdreg $0xFFFFFFFF;
	(pc) =	sbr.abs _section_cstart, $3  }
0x38: {  	[dreg:$0x1] =	wrdreg $0xFFFFFFFF  }
0x39: {  	_ =	task.clear_ibuf [dreg:s7], $0x2FFFF;
	_ =	strace $0x9FFFFFFF  }
0x3a: {  	(tm) =	ssettm $0x7FFFFFFF  }
0x3b: {  	_ =	shalt  }
tec
execute0_lowered:
.L_overlay_start_1:
0x0: {  	(tag) =	ssettag $0x1  }
0x1: {  	s0 =	srdreg.scid  }
0x2: {  	s1 =	sshll.u32 s0, $0x4  }
0x3: {  	s0 =	stileid.u32;
	s1 =	sand.u32 $0x10, s1  }
0x4: {  	s1 =	sor.u32 s0, s1  }
0x5: {  	s6 =	rddreg [dreg:$0x0];
	s4 =	simm.s32 $0x1;
	s2 =	sshll.u32 s1, $0x7  }
0x6: {  	s7 =	simm.s32 $0x2;
	s12 =	simm.s32 $0x0;
	s1 =	ssub.s32 $0x4000, s2  }
0x7: {  	s8 =	simm.s32 $0x20000;
	s13 =	simm.s32 $0x0;
	s3 =	sand.u32 $0xF80, s1  }
0x8: {  	s9 =	simm.s32 $0x0;
	s5 =	sshrl.u32 s1, $0xC;
	p0 =	sne.s32 s3, $0x0  }
.Ltmp0:
0x9: {  	s1 =	rddreg [dreg:$0x2];
	s4 =	simm.s32 @!p0 $0x0;
	(pc) =	sbr.rel .LBB1_1-.Ltmp0, $4  }
0xa: {  	s11 =	simm.s32 $0x0;
	s3 =	rddreg [dreg:$0x1];
	s5 =	sadd.s32 s4, s5  }
0xb: {  	_ =	strace $0x8000004A;
	s4 =	simm.s32 $0x1;
	s5 =	smul.u32 $0x32, s5  }
0xc: {  	s6 =	sadd.s32 $0xA00, s6;
	s10 =	smov.u32 s2;
	[sflag:s4] =	ssyncpa.u1 $0x0  }
0xd: {  	p0 =	por $0x0, $0x0;
	[sflag:s7] =	ssyncpa.u1 $0x0;
	s7 =	sor.u32 $0x1, s5  }
.LBB1_4:
0xe: {  	s16 =	sshll.u32 s13, $0x3;
	s17 =	sand.u32 $0x78, s13  }
0xf: {  	s30 =	sand.u32 $0xF800, s13;
	s12 =	sshll.u32 s12, $0x10;
	s16 =	sand.u32 $0x3C00, s16  }
0x10: {  	s31 =	sand.u32 $0x7, s13;
	s16 =	sor.u32 s17, s16;
	s17 =	sadd.s32 s3, s30  }
0x11: {  	s13 =	sshll.u32 s31, $0x12;
	s16 =	sshrl.u32 s16, $0x3;
	s12 =	sadd.s32 s12, s17  }
0x12: {  	[tilespmem:s15+$0x0 ss:$0x81] =	vst.msk $0xffff, v0;
	s13 =	sor.u32 $0x400, s13;
	s12 =	sadd.s32 s16, s12  }
0x13: {  	[hbm4b:s12+s13] =	stream.strided.scatter [tilespmem:s14], [sflag:$0x2], $0x1000, s8, s13, $0x20;
	[tilespmem:$0x4040] =	vst v63  }
.LBB1_5:
0x14: {  	s14 =	sadd.s32 $0x1, s9  }
0x15: {  	s12 =	sadd.s32 $0x1000, s10;
	s16 =	smov.u32 s10;
	p2 =	sgt.s32 s14, $0x31  }
0x16: {  	s16 =	smov.u32 @p2 s12  }
0x17: {  	s14 =	simm.s32 @p2 $0x0;
	p2 =	sgt.s32 s16, $0x3FFF  }
0x18: {  	s16 =	smov.u32 @p2 s2;
	p2 =	sne.s32 s11, s7  }
.Ltmp1:
0x19: {  	p1 =	slt.u32 s11, $0x2;
	(pc) =	sbr.rel @!p2 .LBB1_6-.Ltmp1, $4  }
0x1a: {  	s15 =	simm.s32 @!p1 $0x2  }
0x1b: {  	s13 =	smov.u32 s10;
	p0 =	por !p0, !p0;
	_ =	swait.ge @!p1 [sflag:s15], $0x1000  }
0x1c: {  	s12 =	smov.u32 s9;
	[sflag:s15] =	ssyncset.done @!p1 $0x0;
	s9 =	smov.u32 s14  }
0x1d: {  	s11 =	sadd.s32 $0x1, s11;
	[sflag:s15] =	ssyncadd.s32 @!p1 $0xFFFFF000;
	s10 =	smov.u32 s16  }
.LBB1_1:
0x1e: {  	p1 =	sge.u32 s11, s5  }
0x1f: {  	s14 =	sand.u32 @!p1 $0x1FFFFFF, s9  }
0x20: {  	s15 =	smulhi.u32 @!p1 $0x4924925, s14;
	_ =	sdelay $0x1  }
0x21: {  	s15 =	smul.u32 @!p1 $0x38, s15  }
0x22: {  	s16 =	sxor.u32 @!p1 $0xFFFFFFFF, s11;
	s17 =	smul.u32 @!p1 $0x380, s10  }
0x23: {  	s31 =	sadd.s32 $0xFFFFFFFF, s11;
	s16 =	sshll.u32 @!p1 s16, $0xC;
	s14 =	ssub.s32 @!p1 s14, s15  }
0x24: {  	s15 =	sand.u32 @!p1 $0x1000, s16;
	s16 =	sadd.s32 @!p1 s6, s17;
	s14 =	sshll.u32 @!p1 s14, $0x4  }
0x25: {  	s17 =	simm.s32 @!p1 $0x1C00;
	s14 =	sadd.s32 @!p1 s14, s16;
	s16 =	simm.s32 @!p1 $0x20  }
0x26: {  	[tilespmem:s15], [sflag:$0x1] =	stream.strided.gather @!p1 [hbm4b:s14+s16], $0x1000, s17, s16, $0x38;
	[tilespmem:$0x4040] =	vst v63  }
0x27: {  	p1 =	sge.u32 s31, s5  }
.Ltmp2:
0x28: {  	_ = 	snop;
	(pc) =	sbr.rel @p1 .LBB1_5-.Ltmp2, $1  }
0x29: {  	_ =	sdelay $0x3  }
0x2a: {  	s14 =	simm.s32 $0x1  }
0x2b: {  	_ =	swait.ge [sflag:s4], $0x1000;
	s14 =	simm.s32 @!p0 $0x0  }
0x2c: {  	[sflag:s4] =	ssyncset.done $0x0;
	s15 =	sshll.u32 s14, $0xC  }
0x2d: {  	[sflag:s4] =	ssyncadd.s32 $0xFFFFF000;
	s18 =	sor.u32 $0x10, s15  }
0x2e: {  	s14 =	smul.u32 $0x4080, s14;
	v1 =	vld [tilespmem:s18+$0x0]  }
0x2f: {  	s30 =	sand.u32 $0x1, s11;
	v0 =	vld [tilespmem:s18+$0xFFFFFFF0]  }
0x30: {  	s15 =	smul.u32 $0x4080, s30;
	s14 =	sshrl.u32 s14, $0x2  }
0x31: {  	s16 =	sor.u32 $0x2000, s14  }
0x32: {  	s31 =	sshrl.u32 s15, $0x2;
	s15 =	sadd.s32 $0x0, s16  }
0x33: {  	s17 =	simm.s32 $0x4;
	s18 =	sadd.s32 $0x20, s18;
	s14 =	sor.u32 $0x2000, s31;
	[tilespmem:s15+$0x810 ss:$0x81] =	vst.msk $0xffff, v1  }
.LBB1_3:
0x34: {  	v1 =	vld [tilespmem:s18+$0x0];
	p1 =	sne.s32 s17, $0x1FC;
	[tilespmem:s15+$0x0 ss:$0x81] =	vst.msk $0xffff, v0;
	s15 =	smov.u32 s17;
	s17 =	sadd.s32 $0x4, s17  }
.Ltmp3:
0x35: {  	v0 =	vld [tilespmem:s18+$0xFFFFFFF0];
	(pc) =	sbr.rel @p1 .LBB1_3-.Ltmp3, $4  }
0x36: {  	_ = 	snop  }
0x37: {  	s15 =	sshra.s32 s15, $0x2  }
0x38: {  	s15 =	sadd.s32 s15, s16  }
0x39: {  	s18 =	sadd.s32 $0x20, s18;
	[tilespmem:s15+$0x810 ss:$0x81] =	vst.msk $0xffff, v1  }
.Ltmp4:
0x3a: {  	_ = 	snop;
	(pc) =	sbr.rel .LBB1_4-.Ltmp4, $1  }
0x3b: {  	_ =	sdelay $0x3  }
.LBB1_6:
0x3c: {  	_ =	sfence.sel $0x180000  }
0x3d: {  	s2 =	simm.s32 $0x1;
	[bflag:$0x0] =	sbarrier.arrive $0xFFFF  }
0x3e: {  	s31 =	simm.s32 $0x2;
	[sflag:s2] =	ssyncpa.u1 $0x1  }
0x3f: {  	[sflag:s31] =	ssyncpa.u1 $0x1  }
0x40: {  	p0 =	sne.s32 s0, $0x0;
	_ =	strace $0x9000004A  }
0x41: {  	s0 =	sadd.s32 @!p0 $0x100000, s1;
	[bflag:$0x2] =	sbarrier.arrive $0xFFFF  }
0x42: {  	[sflag:s0] =	ssyncadd.tile.s32 @!p0 $0x1;
	_ =	shalt  }
.Lfunc_end1:
_tile_overlayer_lowered:
.L_overlay_start_2:
0x43: {  	(tag) =	ssettag $0x2  }
0x44: {  	s0 =	rddreg [dreg:$0x0];
	s2 =	stileid.u32  }
0x45: {  	s1 =	rddreg [dreg:$0x1];
	p0 =	sne.s32 s2, $0x0  }
0x46: {  	s3 =	rddreg [dreg:$0x2];
	[bflag:$0x3] =	sbarrier.arrive $0xFFFF;
	s2 =	simm.s32 @!p0 $0x1C01  }
0x47: {  	[timem:s3], [sflag:s2] =	dma.local @!p0 [hbm:s0], s1  }
0x48: {  	s0 =	simm.s32 @!p0 $0x1  }
0x49: {  	_ =	swait.ge @!p0 [sflag:s0], s1  }
0x4a: {  	s1 =	ssub.s32 @!p0 $0x0, s1;
	[sflag:s0] =	ssyncset.done @!p0 $0x0  }
0x4b: {  	[sflag:s0] =	ssyncadd.s32 @!p0 s1  }
0x4c: {  	[bflag:$0x3] =	sbarrier.arrive $0xFFFF  }
0x4d: {  	_ =	shalt  }

</sc_bundles>
